<compile_context>
chip_gen: v7x
topology: tpu7x:2x2x1
jax: 0.10.2.dev20260603
libtpu: 0.0.44.dev20260713+nightly
codegen_flags: <defaults>
</compile_context>

<pallas_src>
import functools

import jax
import jax.numpy as jnp
from jax import lax
from jax.experimental import pallas as pl
from jax.experimental.pallas import tpu as pltpu
from jax.experimental.pallas import tpu_sc as plsc

N = 10000
E = 320000
D = 128
ALPHA = 0.9

NC = 2
NS = 16
NW = NC * NS
EPT = E // NW
CHUNK = 80
NCHUNK = EPT // CHUNK
NB = 8
NGROUP = -(-NCHUNK // NB)
RPN = N // NS
PD = 10240
RPD = PD // NS
DEGW = 8
DEG_DEPTH = 4
F1 = 32
F2 = 16
R = 2000
GRID = N // R

_BN3 = 1.0 / (1.0 + 1e-3) ** 0.5
_BN5 = 1.0 / (1.0 + 1e-5) ** 0.5
_QEXP = (ALPHA + 1.0) / 2.0



def _mesh():
    return plsc.VectorSubcoreMesh(core_axis_name="c", subcore_axis_name="s",
                                  num_cores=NC, num_subcores=NS)


def _build_sc_deg():
    @functools.partial(
        pl.kernel,
        out_type=jax.ShapeDtypeStruct((NC, PD, DEGW), jnp.float32),
        mesh=_mesh(),
        compiler_params=pltpu.CompilerParams(use_tc_tiling_on_sc=False),
        scratch_types=[
            pltpu.VMEM((EPT,), jnp.int32),
            pltpu.VMEM((CHUNK, DEGW), jnp.float32),
            pltpu.VMEM_SHARED((PD, DEGW), jnp.float32),
            pltpu.SemaphoreType.DMA,
        ],
    )
    def deg(ei_hbm, ones_hbm, zeros_hbm, out_hbm, didx, ones_v, acc, ssem):
        c = lax.axis_index("c")
        s = lax.axis_index("s")
        wid = s * NC + c
        pltpu.sync_copy(ones_hbm, ones_v)
        pltpu.sync_copy(ei_hbm.at[1, pl.ds(wid * EPT, EPT)], didx)
        pltpu.sync_copy(zeros_hbm.at[pl.ds(s * RPD, RPD)], acc.at[pl.ds(s * RPD, RPD)])
        plsc.subcore_barrier()

        def body(i, carry):
            idx = didx.at[pl.ds(i * CHUNK, CHUNK)]

            @pl.when(i >= DEG_DEPTH)
            def _():
                pltpu.make_async_copy(ones_v, acc.at[idx], ssem).wait()
            pltpu.async_copy(ones_v, acc.at[idx], ssem, add=True)
            return carry

        lax.fori_loop(0, NCHUNK, body, 0)

        def drain(i, carry):
            pltpu.make_async_copy(ones_v, acc.at[didx.at[pl.ds(0, CHUNK)]], ssem).wait()
            return carry

        lax.fori_loop(0, DEG_DEPTH, drain, 0)
        plsc.subcore_barrier()
        pltpu.sync_copy(acc.at[pl.ds(s * RPD, RPD)], out_hbm.at[c, pl.ds(s * RPD, RPD)])

    return deg


def _build_sc_prop(F):
    @functools.partial(
        pl.kernel,
        out_type=jax.ShapeDtypeStruct((NC, N, F), jnp.float32),
        mesh=_mesh(),
        compiler_params=pltpu.CompilerParams(use_tc_tiling_on_sc=False),
        scratch_types=[
            pltpu.VMEM((EPT,), jnp.int32),
            pltpu.VMEM((EPT,), jnp.int32),
            pltpu.VMEM((NB, CHUNK, F), jnp.float32),
            pltpu.VMEM_SHARED((N, F), jnp.float32),
            pltpu.SemaphoreType.DMA((NB,)),
            pltpu.SemaphoreType.DMA((NB,)),
        ],
    )
    def prop(ei_hbm, h_hbm, zeros_hbm, out_hbm, sidx, didx, rows, acc, gsem, ssem):
        c = lax.axis_index("c")
        s = lax.axis_index("s")
        wid = s * NC + c
        pltpu.sync_copy(ei_hbm.at[0, pl.ds(wid * EPT, EPT)], sidx)
        pltpu.sync_copy(ei_hbm.at[1, pl.ds(wid * EPT, EPT)], didx)
        pltpu.sync_copy(zeros_hbm.at[pl.ds(s * RPN, RPN)], acc.at[pl.ds(s * RPN, RPN)])
        plsc.subcore_barrier()

        def gth(i, b):
            return pltpu.make_async_copy(
                h_hbm.at[sidx.at[pl.ds(i * CHUNK, CHUNK)]], rows.at[b], gsem.at[b])

        def sct(i, b):
            return pltpu.make_async_copy(
                rows.at[b], acc.at[didx.at[pl.ds(i * CHUNK, CHUNK)]], ssem.at[b])

        for b in range(NB):
            gth(b, b).start()

        def group(g, carry):
            i0 = g * NB
            for b in range(NB):
                i = i0 + b

                @pl.when(i < NCHUNK)
                def _():
                    gth(i, b).wait()
                    pltpu.async_copy(rows.at[b],
                                     acc.at[didx.at[pl.ds(i * CHUNK, CHUNK)]],
                                     ssem.at[b], add=True)
            for b in range(NB):
                i = i0 + b
                i2 = i + NB

                @pl.when(i < NCHUNK)
                def _():
                    sct(i, b).wait()

                @pl.when(i2 < NCHUNK)
                def _():
                    gth(i2, b).start()
            return carry

        lax.fori_loop(0, NGROUP, group, 0)
        plsc.subcore_barrier()
        pltpu.sync_copy(acc.at[pl.ds(s * RPN, RPN)], out_hbm.at[c, pl.ds(s * RPN, RPN)])

    return prop


_SC_CACHE = {}


def _sc_deg(ei, ones8, z8):
    if 'deg' not in _SC_CACHE:
        _SC_CACHE['deg'] = _build_sc_deg()
    return _SC_CACHE['deg'](ei, ones8, z8)


def _sc_prop1(ei, h, zeros):
    if F1 not in _SC_CACHE:
        _SC_CACHE[F1] = _build_sc_prop(F1)
    return _SC_CACHE[F1](ei, h, zeros)


def _sc_prop2(ei, h, zeros):
    if F2 not in _SC_CACHE:
        _SC_CACHE[F2] = _build_sc_prop(F2)
    return _SC_CACHE[F2](ei, h, zeros)



def _elu(v):
    return jnp.where(v > 0, v, jnp.exp(jnp.minimum(v, 0.0)) - 1.0)


def _dinv_block(degp):
    deg = degp[0, :, 0:1] + degp[1, :, 0:1] + 1.0
    return lax.rsqrt(deg)


def _enc_body(x_ref, e0W, e0b, e0g, e0z, e1W, e1b, e1g, e1z, fx_ref):
    h = jnp.dot(x_ref[...], e0W[...], preferred_element_type=jnp.float32) + e0b[...]
    h = _elu(h * (e0g[...] * _BN3) + e0z[...])
    h = jnp.dot(h, e1W[...], preferred_element_type=jnp.float32) + e1b[...]
    fx_ref[...] = _elu(h * (e1g[...] * _BN3) + e1z[...])


def _scale_body(fx_ref, degp_ref, fxp_ref):
    dinv = _dinv_block(degp_ref[...])
    fxp_ref[...] = jnp.concatenate(
        [fx_ref[...] * dinv, jnp.zeros((R, F1 - 20), jnp.float32)], axis=1)


def _mid_body(p_ref, fxp_ref, degp_ref, cW, cb, cg, cz, Wml, h2p_ref):
    dinv = _dinv_block(degp_ref[...])
    p = p_ref[...]
    t = (p[0] + p[1] + fxp_ref[...]) * dinv
    s1 = jnp.dot(t, cW[...], preferred_element_type=jnp.float32) + cb[...]
    cc = jnp.maximum(s1 * (cg[...] * _BN5) + cz[...], 0.0)
    h2p_ref[...] = jnp.dot(cc, Wml[...], preferred_element_type=jnp.float32) * dinv


def _fin_body(r_ref, h2p_ref, degp_ref, mlb, fx_ref, d0W, d0b, d0g, d0z,
              d1W, d1b, cl, mu_ref, lv_ref, z_ref, de_ref, q_ref):
    dinv = _dinv_block(degp_ref[...])
    r = r_ref[...]
    m = (r[0] + r[1] + h2p_ref[...]) * dinv + mlb[...]
    mu_ref[...] = m[:, :8]
    lv_ref[...] = m[:, 8:]
    z = jnp.concatenate([fx_ref[...], m[:, :8]], axis=1)
    z_ref[...] = z
    dd = jnp.dot(z, d0W[...], preferred_element_type=jnp.float32) + d0b[...]
    dd = _elu(dd * (d0g[...] * _BN3) + d0z[...])
    de_ref[...] = jnp.dot(dd, d1W[...], preferred_element_type=jnp.float32) + d1b[...]
    clv = cl[...]
    zn = jnp.sum(z * z, axis=1, keepdims=True)
    cross = lax.dot_general(z, clv, (((1,), (1,)), ((), ())),
                            preferred_element_type=jnp.float32)
    cn = lax.dot_general(jnp.ones((1, 28), jnp.float32), clv * clv,
                         (((1,), (1,)), ((), ())),
                         preferred_element_type=jnp.float32)
    dist2 = zn - 2.0 * cross + cn
    t = 1.0 / (1.0 + dist2 / ALPHA)
    q = jnp.exp(_QEXP * jnp.log(t))
    colid = lax.broadcasted_iota(jnp.int32, (R, 16), 1)
    q = jnp.where(colid < 15, q, 0.0)
    q = q / jnp.sum(q, axis=1, keepdims=True)
    q_ref[...] = q[:, :15]


def _full(shape):
    nd = len(shape)
    return pl.BlockSpec(shape, lambda i, nd=nd: (0,) * nd)


def _rows(w):
    return pl.BlockSpec((R, w), lambda i: (i, 0))


_DEGP_SPEC = pl.BlockSpec((NC, R, DEGW), lambda i: (0, i, 0))


_TC_PARAMS = pltpu.CompilerParams(dimension_semantics=("parallel",))


def _make_tc_encoder(interpret=False):
    return pl.pallas_call(
        _enc_body,
        grid=(GRID,),
        in_specs=[
            _rows(D),
            _full((D, 32)), _full((1, 32)), _full((1, 32)), _full((1, 32)),
            _full((32, 20)), _full((1, 20)), _full((1, 20)), _full((1, 20)),
        ],
        out_specs=[_rows(20)],
        out_shape=[jax.ShapeDtypeStruct((N, 20), jnp.float32)],
        compiler_params=_TC_PARAMS,
        interpret=interpret,
    )


def _make_tc_scale(interpret=False):
    return pl.pallas_call(
        _scale_body,
        grid=(GRID,),
        in_specs=[_rows(20), _DEGP_SPEC],
        out_specs=[_rows(F1)],
        out_shape=[jax.ShapeDtypeStruct((N, F1), jnp.float32)],
        compiler_params=_TC_PARAMS,
        interpret=interpret,
    )


def _make_tc_mid(interpret=False):
    return pl.pallas_call(
        _mid_body,
        grid=(GRID,),
        in_specs=[
            pl.BlockSpec((NC, R, F1), lambda i: (0, i, 0)),
            _rows(F1), _DEGP_SPEC,
            _full((F1, 64)), _full((1, 64)), _full((1, 64)), _full((1, 64)),
            _full((64, 16)),
        ],
        out_specs=[_rows(16)],
        out_shape=[jax.ShapeDtypeStruct((N, 16), jnp.float32)],
        compiler_params=_TC_PARAMS,
        interpret=interpret,
    )


def _make_tc_final(interpret=False):
    return pl.pallas_call(
        _fin_body,
        grid=(GRID,),
        in_specs=[
            pl.BlockSpec((NC, R, F2), lambda i: (0, i, 0)),
            _rows(F2), _DEGP_SPEC,
            _full((1, 16)), _rows(20),
            _full((28, 32)), _full((1, 32)), _full((1, 32)), _full((1, 32)),
            _full((32, D)), _full((1, D)), _full((16, 28)),
        ],
        out_specs=[_rows(8), _rows(8), _rows(28), _rows(D), _rows(15)],
        out_shape=[jax.ShapeDtypeStruct((N, 8), jnp.float32),
                   jax.ShapeDtypeStruct((N, 8), jnp.float32),
                   jax.ShapeDtypeStruct((N, 28), jnp.float32),
                   jax.ShapeDtypeStruct((N, D), jnp.float32),
                   jax.ShapeDtypeStruct((N, 15), jnp.float32)],
        compiler_params=_TC_PARAMS,
        interpret=interpret,
    )


_tc_encoder = _make_tc_encoder()
_tc_scale = _make_tc_scale()
_tc_mid = _make_tc_mid()
_tc_final = _make_tc_final()



@jax.jit
def _run(x, edge_index, params):
    p = params
    row = lambda a: a[None, :]

    ones8 = jnp.ones((CHUNK, DEGW), jnp.float32)
    z8 = jnp.zeros((PD, DEGW), jnp.float32)
    zf1 = jnp.zeros((N, F1), jnp.float32)
    zf2 = jnp.zeros((N, F2), jnp.float32)

    degp = _sc_deg(edge_index, ones8, z8)

    fx, = _tc_encoder(
        x,
        p['enc0_W'], row(p['enc0_b']), row(p['enc0_g']), row(p['enc0_beta']),
        p['enc1_W'], row(p['enc1_b']), row(p['enc1_g']), row(p['enc1_beta']))
    fxp, = _tc_scale(fx, degp)

    p1 = _sc_prop1(edge_index, fxp, zf1)

    cW = jnp.pad(p['conv_W'], ((0, F1 - 20), (0, 0)))
    Wml = jnp.concatenate([p['mean_W'], p['lv_W']], axis=1)
    h2p, = _tc_mid(p1, fxp, degp,
                   cW, row(p['conv_b']), row(p['convbn_g']), row(p['convbn_beta']),
                   Wml)

    p2 = _sc_prop2(edge_index, h2p, zf2)

    mlb = row(jnp.concatenate([p['mean_b'], p['lv_b']]))
    clp = jnp.pad(p['cluster'], ((0, 1), (0, 0)))
    mu, logvar, z, de, q = _tc_final(
        p2, h2p, degp, mlb, fx,
        p['dec0_W'], row(p['dec0_b']), row(p['dec0_g']), row(p['dec0_beta']),
        p['dec1_W'], row(p['dec1_b']), clp)

    return z, mu, logvar, de, q, fx, mu


def kernel(x, edge_index, params):
    return _run(x, edge_index, params)

# --- scband reference (transcript-rebuilt; emitter-appended) ---
"""Pipeline reference for scband-deep-st-model-77103252897901 (READ-ONLY COPY).

The authoritative reference and input builder live on the scoring server;
editing this copy changes nothing except your own understanding.
"""

import jax, jax.numpy as jnp
import numpy as np

N = 10000
E = 320000
D = 128
ALPHA = 0.9


def _bn(x, g, b, eps):
    # eval-mode BatchNorm1d with running_mean=0, running_var=1
    return x / jnp.sqrt(1.0 + eps) * g + b


def _gcn(x, edge_index, W, b):
    # GCNConv with add_self_loops=True, symmetric normalization
    n = x.shape[0]
    h = x @ W
    loop = jnp.arange(n, dtype=edge_index.dtype)
    src = jnp.concatenate([edge_index[0], loop])
    dst = jnp.concatenate([edge_index[1], loop])
    deg = jnp.zeros((n,), dtype=h.dtype).at[dst].add(1.0)
    dinv = jnp.where(deg > 0, deg ** -0.5, 0.0)
    norm = dinv[src] * dinv[dst]
    msg = h[src] * norm[:, None]
    out = jnp.zeros((n, W.shape[1]), dtype=h.dtype).at[dst].add(msg)
    return out + b


def _init_params(key):
    ks = jax.random.split(key, 8)
    p = {}
    p['enc0_W'] = jax.random.normal(ks[0], (D, 32), dtype=jnp.float32) * 0.05
    p['enc0_b'] = jnp.zeros((32,), jnp.float32)
    p['enc0_g'] = jnp.ones((32,), jnp.float32)
    p['enc0_beta'] = jnp.zeros((32,), jnp.float32)
    p['enc1_W'] = jax.random.normal(ks[1], (32, 20), dtype=jnp.float32) * 0.05
    p['enc1_b'] = jnp.zeros((20,), jnp.float32)
    p['enc1_g'] = jnp.ones((20,), jnp.float32)
    p['enc1_beta'] = jnp.zeros((20,), jnp.float32)
    p['conv_W'] = jax.random.normal(ks[2], (20, 64), dtype=jnp.float32) * 0.05
    p['conv_b'] = jnp.zeros((64,), jnp.float32)
    p['convbn_g'] = jnp.ones((64,), jnp.float32)
    p['convbn_beta'] = jnp.zeros((64,), jnp.float32)
    p['mean_W'] = jax.random.normal(ks[3], (64, 8), dtype=jnp.float32) * 0.05
    p['mean_b'] = jnp.zeros((8,), jnp.float32)
    p['lv_W'] = jax.random.normal(ks[4], (64, 8), dtype=jnp.float32) * 0.05
    p['lv_b'] = jnp.zeros((8,), jnp.float32)
    p['dec0_W'] = jax.random.normal(ks[5], (28, 32), dtype=jnp.float32) * 0.05
    p['dec0_b'] = jnp.zeros((32,), jnp.float32)
    p['dec0_g'] = jnp.ones((32,), jnp.float32)
    p['dec0_beta'] = jnp.zeros((32,), jnp.float32)
    p['dec1_W'] = jax.random.normal(ks[6], (32, D), dtype=jnp.float32) * 0.05
    p['dec1_b'] = jnp.zeros((D,), jnp.float32)
    p['cluster'] = jax.random.normal(ks[7], (15, 28), dtype=jnp.float32) * 0.05
    return p


def setup_inputs(seed: int = 0) -> dict:
    key = jax.random.key(seed)
    k1, k2, k3 = jax.random.split(key, 3)
    x = jax.random.normal(k1, (N, D), dtype=jnp.float32)
    edge_index = jax.random.randint(k2, (2, E), 0, N, dtype=jnp.int32)
    params = _init_params(k3)
    return {'x': x, 'edge_index': edge_index, 'params': params}


def reference(x, edge_index, params):
    p = params
    # encoder (eval mode: dropout off, BN uses running stats)
    h = _bn(x @ p['enc0_W'] + p['enc0_b'], p['enc0_g'], p['enc0_beta'], 1e-3)
    h = jax.nn.elu(h)
    h = _bn(h @ p['enc1_W'] + p['enc1_b'], p['enc1_g'], p['enc1_beta'], 1e-3)
    feat_x = jax.nn.elu(h)
    # GCN encoder
    c = _gcn(feat_x, edge_index, p['conv_W'], p['conv_b'])
    c = jax.nn.relu(_bn(c, p['convbn_g'], p['convbn_beta'], 1e-5))
    mu = _gcn(c, edge_index, p['mean_W'], p['mean_b'])
    logvar = _gcn(c, edge_index, p['lv_W'], p['lv_b'])
    gnn_z = mu  # reparameterize returns mu in eval mode
    z = jnp.concatenate([feat_x, gnn_z], axis=1)
    # decoder
    d = _bn(z @ p['dec0_W'] + p['dec0_b'], p['dec0_g'], p['dec0_beta'], 1e-3)
    d = jax.nn.elu(d)
    de_feat = d @ p['dec1_W'] + p['dec1_b']
    # DEC soft assignment q
    q = 1.0 / (1.0 + jnp.sum((z[:, None, :] - p['cluster'][None, :, :]) ** 2, axis=2) / ALPHA)
    q = q ** ((ALPHA + 1.0) / 2.0)
    q = q / jnp.sum(q, axis=1, keepdims=True)
    return z, mu, logvar, de_feat, q, feat_x, gnn_z

if __name__ == "__main__":
    import jax
    _d = setup_inputs()
    print(jax.jit(kernel)(*tuple(_d.values())))

</pallas_src>

<mosaic_0001>
#map = affine_map<(d0, d1) -> (0, 0)>
#map1 = affine_map<(d0, d1) -> (0, 0, 0)>
module attributes {stable_mosaic.version = 14 : i64} {
  func.func @deg(%arg0: i32, %arg1: i32, %arg2: memref<2x320000xi32, #tpu.memory_space<hbm>>, %arg3: memref<80x8xf32, #tpu.memory_space<hbm>>, %arg4: memref<10240x8xf32, #tpu.memory_space<hbm>>, %arg5: memref<2x10240x8xf32, #tpu.memory_space<hbm>>, %arg6: memref<10000xi32, #tpu.memory_space<vmem>>, %arg7: memref<80x8xf32, #tpu.memory_space<vmem>>, %arg8: memref<10240x8xf32, #tpu.memory_space<vmem_shared>>, %arg9: memref<!tpu.dma_semaphore, #tpu.memory_space<semaphore_mem>>) attributes {dimension_semantics = [#tpu.dimension_semantics<core_parallel>, #tpu.dimension_semantics<subcore_parallel>], iteration_bounds = array<i64: 2, 16>, scalar_prefetch = 0 : i64, scratch_operands = 4 : i64, tpu.core_type = #tpu.core_type<sc_vector_subcore>, window_params = [{transform_indices = #map}, {transform_indices = #map}, {transform_indices = #map}, {transform_indices = #map1}]} {
    %mul3A = arith.constant 2 : i32
    %mul3A_0 = arith.muli %arg1, %mul3A : i32
    %add3A = arith.addi %mul3A_0, %arg0 : i32
    "tpu.region"() ({
      %run_scoped3A_23 = tpu.sem_alloc : memref<!tpu.dma_semaphore, #tpu.memory_space<semaphore_mem>>
      tpu.enqueue_dma source(%arg3 : memref<80x8xf32, #tpu.memory_space<hbm>>) target(%arg7 : memref<80x8xf32, #tpu.memory_space<vmem>>) target_semaphore(%run_scoped3A_23 : memref<!tpu.dma_semaphore, #tpu.memory_space<semaphore_mem>>)
      tpu.wait_dma2 semaphore(%run_scoped3A_23 : memref<!tpu.dma_semaphore, #tpu.memory_space<semaphore_mem>>) src(%arg3 : memref<80x8xf32, #tpu.memory_space<hbm>>) dst(%arg7 : memref<80x8xf32, #tpu.memory_space<vmem>>)
      tpu.yield
    }) : () -> ()
    %mul3A_1 = arith.constant 10000 : i32
    %mul3A_2 = arith.muli %add3A, %mul3A_1 : i32
    %run_scoped3A = arith.constant 1 : i32
    "tpu.region"() ({
      %run_scoped3A_23 = tpu.sem_alloc : memref<!tpu.dma_semaphore, #tpu.memory_space<semaphore_mem>>
      %dma_start3A = tpu.memref_slice %arg2[%run_scoped3A, %mul3A_2] : memref<2x320000xi32, #tpu.memory_space<hbm>> -> memref<1x10000xi32, #tpu.memory_space<hbm>>
      %dma_start3A_24 = tpu.memref_squeeze %dma_start3A : memref<1x10000xi32, #tpu.memory_space<hbm>> -> memref<10000xi32, #tpu.memory_space<hbm>>
      %dma_start3A_25 = tpu.memref_slice %arg2[%run_scoped3A, %mul3A_2] : memref<2x320000xi32, #tpu.memory_space<hbm>> -> memref<1x10000xi32, #tpu.memory_space<hbm>>
      %dma_start3A_26 = tpu.memref_squeeze %dma_start3A_25 : memref<1x10000xi32, #tpu.memory_space<hbm>> -> memref<10000xi32, #tpu.memory_space<hbm>>
      tpu.enqueue_dma source(%dma_start3A_26 : memref<10000xi32, #tpu.memory_space<hbm>>) target(%arg6 : memref<10000xi32, #tpu.memory_space<vmem>>) target_semaphore(%run_scoped3A_23 : memref<!tpu.dma_semaphore, #tpu.memory_space<semaphore_mem>>)
      %dma_wait3A = tpu.memref_slice %arg2[%run_scoped3A, %mul3A_2] : memref<2x320000xi32, #tpu.memory_space<hbm>> -> memref<1x10000xi32, #tpu.memory_space<hbm>>
      %dma_wait3A_27 = tpu.memref_squeeze %dma_wait3A : memref<1x10000xi32, #tpu.memory_space<hbm>> -> memref<10000xi32, #tpu.memory_space<hbm>>
      %dma_wait3A_28 = tpu.memref_slice %arg2[%run_scoped3A, %mul3A_2] : memref<2x320000xi32, #tpu.memory_space<hbm>> -> memref<1x10000xi32, #tpu.memory_space<hbm>>
      %dma_wait3A_29 = tpu.memref_squeeze %dma_wait3A_28 : memref<1x10000xi32, #tpu.memory_space<hbm>> -> memref<10000xi32, #tpu.memory_space<hbm>>
      tpu.wait_dma2 semaphore(%run_scoped3A_23 : memref<!tpu.dma_semaphore, #tpu.memory_space<semaphore_mem>>) src(%dma_wait3A_29 : memref<10000xi32, #tpu.memory_space<hbm>>) dst(%arg6 : memref<10000xi32, #tpu.memory_space<vmem>>)
      tpu.yield
    }) : () -> ()
    %mul3A_3 = arith.constant 640 : i32
    %mul3A_4 = arith.muli %arg1, %mul3A_3 : i32
    %mul3A_5 = arith.constant 640 : i32
    %mul3A_6 = arith.muli %arg1, %mul3A_5 : i32
    "tpu.region"() ({
      %run_scoped3A_23 = tpu.sem_alloc : memref<!tpu.dma_semaphore, #tpu.memory_space<semaphore_mem>>
      %dma_start3A = arith.constant 0 : i32
      %dma_start3A_24 = tpu.memref_slice %arg8[%mul3A_6, %dma_start3A] : memref<10240x8xf32, #tpu.memory_space<vmem_shared>> -> memref<640x8xf32, #tpu.memory_space<vmem_shared>>
      %dma_start3A_25 = arith.constant 0 : i32
      %dma_start3A_26 = tpu.memref_slice %arg4[%mul3A_4, %dma_start3A_25] : memref<10240x8xf32, #tpu.memory_space<hbm>> -> memref<640x8xf32, #tpu.memory_space<hbm>>
      tpu.enqueue_dma source(%dma_start3A_26 : memref<640x8xf32, #tpu.memory_space<hbm>>) target(%dma_start3A_24 : memref<640x8xf32, #tpu.memory_space<vmem_shared>>) target_semaphore(%run_scoped3A_23 : memref<!tpu.dma_semaphore, #tpu.memory_space<semaphore_mem>>)
      %dma_wait3A = arith.constant 0 : i32
      %dma_wait3A_27 = tpu.memref_slice %arg8[%mul3A_6, %dma_wait3A] : memref<10240x8xf32, #tpu.memory_space<vmem_shared>> -> memref<640x8xf32, #tpu.memory_space<vmem_shared>>
      %dma_wait3A_28 = arith.constant 0 : i32
      %dma_wait3A_29 = tpu.memref_slice %arg4[%mul3A_4, %dma_wait3A_28] : memref<10240x8xf32, #tpu.memory_space<hbm>> -> memref<640x8xf32, #tpu.memory_space<hbm>>
      tpu.wait_dma2 semaphore(%run_scoped3A_23 : memref<!tpu.dma_semaphore, #tpu.memory_space<semaphore_mem>>) src(%dma_wait3A_29 : memref<640x8xf32, #tpu.memory_space<hbm>>) dst(%dma_wait3A_27 : memref<640x8xf32, #tpu.memory_space<vmem_shared>>)
      tpu.yield
    }) : () -> ()
    %barrier3A = arith.constant 0 : index
    tpu.barrier barrier_id(%barrier3A)
    %scan3A = arith.constant 0 : i32
    %scan3A_7 = arith.constant 0 : i32
    %scan3A_8 = arith.constant 125 : i32
    %scan3A_9 = arith.addi %scan3A_7, %scan3A_8 : i32
    %scan3A_10 = arith.constant 1 : i32
    scf.for %scan3A_23 = %scan3A_7 to %scan3A_9 step %scan3A_10  : i32 {
      %mul3A_24 = arith.constant 80 : i32
      %mul3A_25 = arith.muli %scan3A_23, %mul3A_24 : i32
      %ge3A = arith.constant 4 : i32
      %ge3A_26 = arith.cmpi sge, %scan3A_23, %ge3A : i32
      %convert_element_type3A = arith.extui %ge3A_26 : i1 to i32
      %cond3A = arith.constant 0 : i32
      %cond3A_27 = arith.cmpi ne, %convert_element_type3A, %cond3A : i32
      scf.if %cond3A_27 {
        %dma_wait3A = tpu.memref_slice %arg6[%mul3A_25] : memref<10000xi32, #tpu.memory_space<vmem>> -> memref<80xi32, #tpu.memory_space<vmem>>
        %dma_wait3A_31 = arith.constant 0 : i32
        %dma_wait3A_32 = arith.constant 0 : i32
        %dma_wait3A_33 = tpu.memref_slice %arg8[%dma_wait3A_31, %dma_wait3A_32] : memref<10240x8xf32, #tpu.memory_space<vmem_shared>> -> memref<10240x8xf32, #tpu.memory_space<vmem_shared>>
        tpu.wait_indirect_dma semaphore(%arg9 : memref<!tpu.dma_semaphore, #tpu.memory_space<semaphore_mem>>) src(%arg7 : memref<80x8xf32, #tpu.memory_space<vmem>>) dst(%dma_wait3A_33 : memref<10240x8xf32, #tpu.memory_space<vmem_shared>>)
      } else {
      }
      %dma_start3A = tpu.memref_slice %arg6[%mul3A_25] : memref<10000xi32, #tpu.memory_space<vmem>> -> memref<80xi32, #tpu.memory_space<vmem>>
      %dma_start3A_28 = arith.constant 0 : i32
      %dma_start3A_29 = arith.constant 0 : i32
      %dma_start3A_30 = tpu.memref_slice %arg8[%dma_start3A_28, %dma_start3A_29] : memref<10240x8xf32, #tpu.memory_space<vmem_shared>> -> memref<10240x8xf32, #tpu.memory_space<vmem_shared>>
      tpu.enqueue_indirect_dma source(%arg7 : memref<80x8xf32, #tpu.memory_space<vmem>>) target(%dma_start3A_30 : memref<10240x8xf32, #tpu.memory_space<vmem_shared>>) offsets(%dma_start3A : memref<80xi32, #tpu.memory_space<vmem>>) semaphore(%arg9 : memref<!tpu.dma_semaphore, #tpu.memory_space<semaphore_mem>>) {add = true}
    }
    %scan3A_11 = arith.constant 125 : i32
    %scan3A_12 = arith.constant 0 : i32
    %scan3A_13 = arith.constant 0 : i32
    %scan3A_14 = arith.constant 4 : i32
    %scan3A_15 = arith.addi %scan3A_13, %scan3A_14 : i32
    %scan3A_16 = arith.constant 1 : i32
    scf.for %scan3A_23 = %scan3A_13 to %scan3A_15 step %scan3A_16  : i32 {
      %dma_wait3A = arith.constant 0 : i32
      %dma_wait3A_24 = tpu.memref_slice %arg6[%dma_wait3A] : memref<10000xi32, #tpu.memory_space<vmem>> -> memref<80xi32, #tpu.memory_space<vmem>>
      %dma_wait3A_25 = arith.constant 0 : i32
      %dma_wait3A_26 = arith.constant 0 : i32
      %dma_wait3A_27 = tpu.memref_slice %arg8[%dma_wait3A_25, %dma_wait3A_26] : memref<10240x8xf32, #tpu.memory_space<vmem_shared>> -> memref<10240x8xf32, #tpu.memory_space<vmem_shared>>
      tpu.wait_indirect_dma semaphore(%arg9 : memref<!tpu.dma_semaphore, #tpu.memory_space<semaphore_mem>>) src(%arg7 : memref<80x8xf32, #tpu.memory_space<vmem>>) dst(%dma_wait3A_27 : memref<10240x8xf32, #tpu.memory_space<vmem_shared>>)
    }
    %scan3A_17 = arith.constant 4 : i32
    %barrier3A_18 = arith.constant 0 : index
    tpu.barrier barrier_id(%barrier3A_18)
    %mul3A_19 = arith.constant 640 : i32
    %mul3A_20 = arith.muli %arg1, %mul3A_19 : i32
    %mul3A_21 = arith.constant 640 : i32
    %mul3A_22 = arith.muli %arg1, %mul3A_21 : i32
    "tpu.region"() ({
      %run_scoped3A_23 = tpu.sem_alloc : memref<!tpu.dma_semaphore, #tpu.memory_space<semaphore_mem>>
      %dma_start3A = arith.constant 0 : i32
      %dma_start3A_24 = tpu.memref_slice %arg5[%arg0, %mul3A_22, %dma_start3A] : memref<2x10240x8xf32, #tpu.memory_space<hbm>> -> memref<1x640x8xf32, #tpu.memory_space<hbm>>
      %dma_start3A_25 = tpu.memref_squeeze %dma_start3A_24 : memref<1x640x8xf32, #tpu.memory_space<hbm>> -> memref<640x8xf32, #tpu.memory_space<hbm>>
      %dma_start3A_26 = arith.constant 0 : i32
      %dma_start3A_27 = tpu.memref_slice %arg8[%mul3A_20, %dma_start3A_26] : memref<10240x8xf32, #tpu.memory_space<vmem_shared>> -> memref<640x8xf32, #tpu.memory_space<vmem_shared>>
      tpu.enqueue_dma source(%dma_start3A_27 : memref<640x8xf32, #tpu.memory_space<vmem_shared>>) target(%dma_start3A_25 : memref<640x8xf32, #tpu.memory_space<hbm>>) target_semaphore(%run_scoped3A_23 : memref<!tpu.dma_semaphore, #tpu.memory_space<semaphore_mem>>)
      %dma_wait3A = arith.constant 0 : i32
      %dma_wait3A_28 = tpu.memref_slice %arg5[%arg0, %mul3A_22, %dma_wait3A] : memref<2x10240x8xf32, #tpu.memory_space<hbm>> -> memref<1x640x8xf32, #tpu.memory_space<hbm>>
      %dma_wait3A_29 = tpu.memref_squeeze %dma_wait3A_28 : memref<1x640x8xf32, #tpu.memory_space<hbm>> -> memref<640x8xf32, #tpu.memory_space<hbm>>
      %dma_wait3A_30 = arith.constant 0 : i32
      %dma_wait3A_31 = tpu.memref_slice %arg8[%mul3A_20, %dma_wait3A_30] : memref<10240x8xf32, #tpu.memory_space<vmem_shared>> -> memref<640x8xf32, #tpu.memory_space<vmem_shared>>
      tpu.wait_dma2 semaphore(%run_scoped3A_23 : memref<!tpu.dma_semaphore, #tpu.memory_space<semaphore_mem>>) src(%dma_wait3A_31 : memref<640x8xf32, #tpu.memory_space<vmem_shared>>) dst(%dma_wait3A_29 : memref<640x8xf32, #tpu.memory_space<hbm>>)
      tpu.yield
    }) : () -> ()
    return
  }
}

#map = affine_map<(d0, d1) -> (0, 0)>
#map1 = affine_map<(d0, d1) -> (0, 0, 0)>
module attributes {stable_mosaic.version = 14 : i64} {
  func.func @prop(%arg0: i32, %arg1: i32, %arg2: memref<2x320000xi32, #tpu.memory_space<hbm>>, %arg3: memref<10000x32xf32, #tpu.memory_space<hbm>>, %arg4: memref<10000x32xf32, #tpu.memory_space<hbm>>, %arg5: memref<2x10000x32xf32, #tpu.memory_space<hbm>>, %arg6: memref<10000xi32, #tpu.memory_space<vmem>>, %arg7: memref<10000xi32, #tpu.memory_space<vmem>>, %arg8: memref<8x80x32xf32, #tpu.memory_space<vmem>>, %arg9: memref<10000x32xf32, #tpu.memory_space<vmem_shared>>, %arg10: memref<8x!tpu.dma_semaphore, #tpu.memory_space<semaphore_mem>>, %arg11: memref<8x!tpu.dma_semaphore, #tpu.memory_space<semaphore_mem>>) attributes {dimension_semantics = [#tpu.dimension_semantics<core_parallel>, #tpu.dimension_semantics<subcore_parallel>], iteration_bounds = array<i64: 2, 16>, scalar_prefetch = 0 : i64, scratch_operands = 6 : i64, tpu.core_type = #tpu.core_type<sc_vector_subcore>, window_params = [{transform_indices = #map}, {transform_indices = #map}, {transform_indices = #map}, {transform_indices = #map1}]} {
    %mul3A = arith.constant 2 : i32
    %mul3A_0 = arith.muli %arg1, %mul3A : i32
    %add3A = arith.addi %mul3A_0, %arg0 : i32
    %mul3A_1 = arith.constant 10000 : i32
    %mul3A_2 = arith.muli %add3A, %mul3A_1 : i32
    %run_scoped3A = arith.constant 0 : i32
    "tpu.region"() ({
      %run_scoped3A_123 = tpu.sem_alloc : memref<!tpu.dma_semaphore, #tpu.memory_space<semaphore_mem>>
      %dma_start3A_124 = tpu.memref_slice %arg2[%run_scoped3A, %mul3A_2] : memref<2x320000xi32, #tpu.memory_space<hbm>> -> memref<1x10000xi32, #tpu.memory_space<hbm>>
      %dma_start3A_125 = tpu.memref_squeeze %dma_start3A_124 : memref<1x10000xi32, #tpu.memory_space<hbm>> -> memref<10000xi32, #tpu.memory_space<hbm>>
      %dma_start3A_126 = tpu.memref_slice %arg2[%run_scoped3A, %mul3A_2] : memref<2x320000xi32, #tpu.memory_space<hbm>> -> memref<1x10000xi32, #tpu.memory_space<hbm>>
      %dma_start3A_127 = tpu.memref_squeeze %dma_start3A_126 : memref<1x10000xi32, #tpu.memory_space<hbm>> -> memref<10000xi32, #tpu.memory_space<hbm>>
      tpu.enqueue_dma source(%dma_start3A_127 : memref<10000xi32, #tpu.memory_space<hbm>>) target(%arg6 : memref<10000xi32, #tpu.memory_space<vmem>>) target_semaphore(%run_scoped3A_123 : memref<!tpu.dma_semaphore, #tpu.memory_space<semaphore_mem>>)
      %dma_wait3A = tpu.memref_slice %arg2[%run_scoped3A, %mul3A_2] : memref<2x320000xi32, #tpu.memory_space<hbm>> -> memref<1x10000xi32, #tpu.memory_space<hbm>>
      %dma_wait3A_128 = tpu.memref_squeeze %dma_wait3A : memref<1x10000xi32, #tpu.memory_space<hbm>> -> memref<10000xi32, #tpu.memory_space<hbm>>
      %dma_wait3A_129 = tpu.memref_slice %arg2[%run_scoped3A, %mul3A_2] : memref<2x320000xi32, #tpu.memory_space<hbm>> -> memref<1x10000xi32, #tpu.memory_space<hbm>>
      %dma_wait3A_130 = tpu.memref_squeeze %dma_wait3A_129 : memref<1x10000xi32, #tpu.memory_space<hbm>> -> memref<10000xi32, #tpu.memory_space<hbm>>
      tpu.wait_dma2 semaphore(%run_scoped3A_123 : memref<!tpu.dma_semaphore, #tpu.memory_space<semaphore_mem>>) src(%dma_wait3A_130 : memref<10000xi32, #tpu.memory_space<hbm>>) dst(%arg6 : memref<10000xi32, #tpu.memory_space<vmem>>)
      tpu.yield
    }) : () -> ()
    %mul3A_3 = arith.constant 10000 : i32
    %mul3A_4 = arith.muli %add3A, %mul3A_3 : i32
    %run_scoped3A_5 = arith.constant 1 : i32
    "tpu.region"() ({
      %run_scoped3A_123 = tpu.sem_alloc : memref<!tpu.dma_semaphore, #tpu.memory_space<semaphore_mem>>
      %dma_start3A_124 = tpu.memref_slice %arg2[%run_scoped3A_5, %mul3A_4] : memref<2x320000xi32, #tpu.memory_space<hbm>> -> memref<1x10000xi32, #tpu.memory_space<hbm>>
      %dma_start3A_125 = tpu.memref_squeeze %dma_start3A_124 : memref<1x10000xi32, #tpu.memory_space<hbm>> -> memref<10000xi32, #tpu.memory_space<hbm>>
      %dma_start3A_126 = tpu.memref_slice %arg2[%run_scoped3A_5, %mul3A_4] : memref<2x320000xi32, #tpu.memory_space<hbm>> -> memref<1x10000xi32, #tpu.memory_space<hbm>>
      %dma_start3A_127 = tpu.memref_squeeze %dma_start3A_126 : memref<1x10000xi32, #tpu.memory_space<hbm>> -> memref<10000xi32, #tpu.memory_space<hbm>>
      tpu.enqueue_dma source(%dma_start3A_127 : memref<10000xi32, #tpu.memory_space<hbm>>) target(%arg7 : memref<10000xi32, #tpu.memory_space<vmem>>) target_semaphore(%run_scoped3A_123 : memref<!tpu.dma_semaphore, #tpu.memory_space<semaphore_mem>>)
      %dma_wait3A = tpu.memref_slice %arg2[%run_scoped3A_5, %mul3A_4] : memref<2x320000xi32, #tpu.memory_space<hbm>> -> memref<1x10000xi32, #tpu.memory_space<hbm>>
      %dma_wait3A_128 = tpu.memref_squeeze %dma_wait3A : memref<1x10000xi32, #tpu.memory_space<hbm>> -> memref<10000xi32, #tpu.memory_space<hbm>>
      %dma_wait3A_129 = tpu.memref_slice %arg2[%run_scoped3A_5, %mul3A_4] : memref<2x320000xi32, #tpu.memory_space<hbm>> -> memref<1x10000xi32, #tpu.memory_space<hbm>>
      %dma_wait3A_130 = tpu.memref_squeeze %dma_wait3A_129 : memref<1x10000xi32, #tpu.memory_space<hbm>> -> memref<10000xi32, #tpu.memory_space<hbm>>
      tpu.wait_dma2 semaphore(%run_scoped3A_123 : memref<!tpu.dma_semaphore, #tpu.memory_space<semaphore_mem>>) src(%dma_wait3A_130 : memref<10000xi32, #tpu.memory_space<hbm>>) dst(%arg7 : memref<10000xi32, #tpu.memory_space<vmem>>)
      tpu.yield
    }) : () -> ()
    %mul3A_6 = arith.constant 625 : i32
    %mul3A_7 = arith.muli %arg1, %mul3A_6 : i32
    %mul3A_8 = arith.constant 625 : i32
    %mul3A_9 = arith.muli %arg1, %mul3A_8 : i32
    "tpu.region"() ({
      %run_scoped3A_123 = tpu.sem_alloc : memref<!tpu.dma_semaphore, #tpu.memory_space<semaphore_mem>>
      %dma_start3A_124 = arith.constant 0 : i32
      %dma_start3A_125 = tpu.memref_slice %arg9[%mul3A_9, %dma_start3A_124] : memref<10000x32xf32, #tpu.memory_space<vmem_shared>> -> memref<625x32xf32, #tpu.memory_space<vmem_shared>>
      %dma_start3A_126 = arith.constant 0 : i32
      %dma_start3A_127 = tpu.memref_slice %arg4[%mul3A_7, %dma_start3A_126] : memref<10000x32xf32, #tpu.memory_space<hbm>> -> memref<625x32xf32, #tpu.memory_space<hbm>>
      tpu.enqueue_dma source(%dma_start3A_127 : memref<625x32xf32, #tpu.memory_space<hbm>>) target(%dma_start3A_125 : memref<625x32xf32, #tpu.memory_space<vmem_shared>>) target_semaphore(%run_scoped3A_123 : memref<!tpu.dma_semaphore, #tpu.memory_space<semaphore_mem>>)
      %dma_wait3A = arith.constant 0 : i32
      %dma_wait3A_128 = tpu.memref_slice %arg9[%mul3A_9, %dma_wait3A] : memref<10000x32xf32, #tpu.memory_space<vmem_shared>> -> memref<625x32xf32, #tpu.memory_space<vmem_shared>>
      %dma_wait3A_129 = arith.constant 0 : i32
      %dma_wait3A_130 = tpu.memref_slice %arg4[%mul3A_7, %dma_wait3A_129] : memref<10000x32xf32, #tpu.memory_space<hbm>> -> memref<625x32xf32, #tpu.memory_space<hbm>>
      tpu.wait_dma2 semaphore(%run_scoped3A_123 : memref<!tpu.dma_semaphore, #tpu.memory_space<semaphore_mem>>) src(%dma_wait3A_130 : memref<625x32xf32, #tpu.memory_space<hbm>>) dst(%dma_wait3A_128 : memref<625x32xf32, #tpu.memory_space<vmem_shared>>)
      tpu.yield
    }) : () -> ()
    %barrier3A = arith.constant 0 : index
    tpu.barrier barrier_id(%barrier3A)
    %dma_start3A = arith.constant 0 : i32
    %dma_start3A_10 = arith.constant 0 : i32
    %dma_start3A_11 = arith.constant 0 : i32
    %dma_start3A_12 = arith.constant 0 : i32
    %dma_start3A_13 = tpu.memref_slice %arg8[%dma_start3A, %dma_start3A_11, %dma_start3A_12] : memref<8x80x32xf32, #tpu.memory_space<vmem>> -> memref<1x80x32xf32, #tpu.memory_space<vmem>>
    %dma_start3A_14 = tpu.memref_squeeze %dma_start3A_13 : memref<1x80x32xf32, #tpu.memory_space<vmem>> -> memref<80x32xf32, #tpu.memory_space<vmem>>
    %dma_start3A_15 = arith.constant 0 : i32
    %dma_start3A_16 = tpu.memref_slice %arg6[%dma_start3A_15] : memref<10000xi32, #tpu.memory_space<vmem>> -> memref<80xi32, #tpu.memory_space<vmem>>
    %dma_start3A_17 = arith.constant 0 : i32
    %dma_start3A_18 = arith.constant 0 : i32
    %dma_start3A_19 = tpu.memref_slice %arg3[%dma_start3A_17, %dma_start3A_18] : memref<10000x32xf32, #tpu.memory_space<hbm>> -> memref<10000x32xf32, #tpu.memory_space<hbm>>
    %dma_start3A_20 = tpu.memref_slice %arg10[%dma_start3A_10] : memref<8x!tpu.dma_semaphore, #tpu.memory_space<semaphore_mem>> -> memref<1x!tpu.dma_semaphore, #tpu.memory_space<semaphore_mem>>
    %dma_start3A_21 = tpu.memref_squeeze %dma_start3A_20 : memref<1x!tpu.dma_semaphore, #tpu.memory_space<semaphore_mem>> -> memref<!tpu.dma_semaphore, #tpu.memory_space<semaphore_mem>>
    tpu.enqueue_indirect_dma source(%dma_start3A_19 : memref<10000x32xf32, #tpu.memory_space<hbm>>) target(%dma_start3A_14 : memref<80x32xf32, #tpu.memory_space<vmem>>) offsets(%dma_start3A_16 : memref<80xi32, #tpu.memory_space<vmem>>) semaphore(%dma_start3A_21 : memref<!tpu.dma_semaphore, #tpu.memory_space<semaphore_mem>>)
    %dma_start3A_22 = arith.constant 1 : i32
    %dma_start3A_23 = arith.constant 1 : i32
    %dma_start3A_24 = arith.constant 0 : i32
    %dma_start3A_25 = arith.constant 0 : i32
    %dma_start3A_26 = tpu.memref_slice %arg8[%dma_start3A_22, %dma_start3A_24, %dma_start3A_25] : memref<8x80x32xf32, #tpu.memory_space<vmem>> -> memref<1x80x32xf32, #tpu.memory_space<vmem>>
    %dma_start3A_27 = tpu.memref_squeeze %dma_start3A_26 : memref<1x80x32xf32, #tpu.memory_space<vmem>> -> memref<80x32xf32, #tpu.memory_space<vmem>>
    %dma_start3A_28 = arith.constant 80 : i32
    %dma_start3A_29 = tpu.memref_slice %arg6[%dma_start3A_28] : memref<10000xi32, #tpu.memory_space<vmem>> -> memref<80xi32, #tpu.memory_space<vmem>>
    %dma_start3A_30 = arith.constant 0 : i32
    %dma_start3A_31 = arith.constant 0 : i32
    %dma_start3A_32 = tpu.memref_slice %arg3[%dma_start3A_30, %dma_start3A_31] : memref<10000x32xf32, #tpu.memory_space<hbm>> -> memref<10000x32xf32, #tpu.memory_space<hbm>>
    %dma_start3A_33 = tpu.memref_slice %arg10[%dma_start3A_23] : memref<8x!tpu.dma_semaphore, #tpu.memory_space<semaphore_mem>> -> memref<1x!tpu.dma_semaphore, #tpu.memory_space<semaphore_mem>>
    %dma_start3A_34 = tpu.memref_squeeze %dma_start3A_33 : memref<1x!tpu.dma_semaphore, #tpu.memory_space<semaphore_mem>> -> memref<!tpu.dma_semaphore, #tpu.memory_space<semaphore_mem>>
    tpu.enqueue_indirect_dma source(%dma_start3A_32 : memref<10000x32xf32, #tpu.memory_space<hbm>>) target(%dma_start3A_27 : memref<80x32xf32, #tpu.memory_space<vmem>>) offsets(%dma_start3A_29 : memref<80xi32, #tpu.memory_space<vmem>>) semaphore(%dma_start3A_34 : memref<!tpu.dma_semaphore, #tpu.memory_space<semaphore_mem>>)
    %dma_start3A_35 = arith.constant 2 : i32
    %dma_start3A_36 = arith.constant 2 : i32
    %dma_start3A_37 = arith.constant 0 : i32
    %dma_start3A_38 = arith.constant 0 : i32
    %dma_start3A_39 = tpu.memref_slice %arg8[%dma_start3A_35, %dma_start3A_37, %dma_start3A_38] : memref<8x80x32xf32, #tpu.memory_space<vmem>> -> memref<1x80x32xf32, #tpu.memory_space<vmem>>
    %dma_start3A_40 = tpu.memref_squeeze %dma_start3A_39 : memref<1x80x32xf32, #tpu.memory_space<vmem>> -> memref<80x32xf32, #tpu.memory_space<vmem>>
    %dma_start3A_41 = arith.constant 160 : i32
    %dma_start3A_42 = tpu.memref_slice %arg6[%dma_start3A_41] : memref<10000xi32, #tpu.memory_space<vmem>> -> memref<80xi32, #tpu.memory_space<vmem>>
    %dma_start3A_43 = arith.constant 0 : i32
    %dma_start3A_44 = arith.constant 0 : i32
    %dma_start3A_45 = tpu.memref_slice %arg3[%dma_start3A_43, %dma_start3A_44] : memref<10000x32xf32, #tpu.memory_space<hbm>> -> memref<10000x32xf32, #tpu.memory_space<hbm>>
    %dma_start3A_46 = tpu.memref_slice %arg10[%dma_start3A_36] : memref<8x!tpu.dma_semaphore, #tpu.memory_space<semaphore_mem>> -> memref<1x!tpu.dma_semaphore, #tpu.memory_space<semaphore_mem>>
    %dma_start3A_47 = tpu.memref_squeeze %dma_start3A_46 : memref<1x!tpu.dma_semaphore, #tpu.memory_space<semaphore_mem>> -> memref<!tpu.dma_semaphore, #tpu.memory_space<semaphore_mem>>
    tpu.enqueue_indirect_dma source(%dma_start3A_45 : memref<10000x32xf32, #tpu.memory_space<hbm>>) target(%dma_start3A_40 : memref<80x32xf32, #tpu.memory_space<vmem>>) offsets(%dma_start3A_42 : memref<80xi32, #tpu.memory_space<vmem>>) semaphore(%dma_start3A_47 : memref<!tpu.dma_semaphore, #tpu.memory_space<semaphore_mem>>)
    %dma_start3A_48 = arith.constant 3 : i32
    %dma_start3A_49 = arith.constant 3 : i32
    %dma_start3A_50 = arith.constant 0 : i32
    %dma_start3A_51 = arith.constant 0 : i32
    %dma_start3A_52 = tpu.memref_slice %arg8[%dma_start3A_48, %dma_start3A_50, %dma_start3A_51] : memref<8x80x32xf32, #tpu.memory_space<vmem>> -> memref<1x80x32xf32, #tpu.memory_space<vmem>>
    %dma_start3A_53 = tpu.memref_squeeze %dma_start3A_52 : memref<1x80x32xf32, #tpu.memory_space<vmem>> -> memref<80x32xf32, #tpu.memory_space<vmem>>
    %dma_start3A_54 = arith.constant 240 : i32
    %dma_start3A_55 = tpu.memref_slice %arg6[%dma_start3A_54] : memref<10000xi32, #tpu.memory_space<vmem>> -> memref<80xi32, #tpu.memory_space<vmem>>
    %dma_start3A_56 = arith.constant 0 : i32
    %dma_start3A_57 = arith.constant 0 : i32
    %dma_start3A_58 = tpu.memref_slice %arg3[%dma_start3A_56, %dma_start3A_57] : memref<10000x32xf32, #tpu.memory_space<hbm>> -> memref<10000x32xf32, #tpu.memory_space<hbm>>
    %dma_start3A_59 = tpu.memref_slice %arg10[%dma_start3A_49] : memref<8x!tpu.dma_semaphore, #tpu.memory_space<semaphore_mem>> -> memref<1x!tpu.dma_semaphore, #tpu.memory_space<semaphore_mem>>
    %dma_start3A_60 = tpu.memref_squeeze %dma_start3A_59 : memref<1x!tpu.dma_semaphore, #tpu.memory_space<semaphore_mem>> -> memref<!tpu.dma_semaphore, #tpu.memory_space<semaphore_mem>>
    tpu.enqueue_indirect_dma source(%dma_start3A_58 : memref<10000x32xf32, #tpu.memory_space<hbm>>) target(%dma_start3A_53 : memref<80x32xf32, #tpu.memory_space<vmem>>) offsets(%dma_start3A_55 : memref<80xi32, #tpu.memory_space<vmem>>) semaphore(%dma_start3A_60 : memref<!tpu.dma_semaphore, #tpu.memory_space<semaphore_mem>>)
    %dma_start3A_61 = arith.constant 4 : i32
    %dma_start3A_62 = arith.constant 4 : i32
    %dma_start3A_63 = arith.constant 0 : i32
    %dma_start3A_64 = arith.constant 0 : i32
    %dma_start3A_65 = tpu.memref_slice %arg8[%dma_start3A_61, %dma_start3A_63, %dma_start3A_64] : memref<8x80x32xf32, #tpu.memory_space<vmem>> -> memref<1x80x32xf32, #tpu.memory_space<vmem>>
    %dma_start3A_66 = tpu.memref_squeeze %dma_start3A_65 : memref<1x80x32xf32, #tpu.memory_space<vmem>> -> memref<80x32xf32, #tpu.memory_space<vmem>>
    %dma_start3A_67 = arith.constant 320 : i32
    %dma_start3A_68 = tpu.memref_slice %arg6[%dma_start3A_67] : memref<10000xi32, #tpu.memory_space<vmem>> -> memref<80xi32, #tpu.memory_space<vmem>>
    %dma_start3A_69 = arith.constant 0 : i32
    %dma_start3A_70 = arith.constant 0 : i32
    %dma_start3A_71 = tpu.memref_slice %arg3[%dma_start3A_69, %dma_start3A_70] : memref<10000x32xf32, #tpu.memory_space<hbm>> -> memref<10000x32xf32, #tpu.memory_space<hbm>>
    %dma_start3A_72 = tpu.memref_slice %arg10[%dma_start3A_62] : memref<8x!tpu.dma_semaphore, #tpu.memory_space<semaphore_mem>> -> memref<1x!tpu.dma_semaphore, #tpu.memory_space<semaphore_mem>>
    %dma_start3A_73 = tpu.memref_squeeze %dma_start3A_72 : memref<1x!tpu.dma_semaphore, #tpu.memory_space<semaphore_mem>> -> memref<!tpu.dma_semaphore, #tpu.memory_space<semaphore_mem>>
    tpu.enqueue_indirect_dma source(%dma_start3A_71 : memref<10000x32xf32, #tpu.memory_space<hbm>>) target(%dma_start3A_66 : memref<80x32xf32, #tpu.memory_space<vmem>>) offsets(%dma_start3A_68 : memref<80xi32, #tpu.memory_space<vmem>>) semaphore(%dma_start3A_73 : memref<!tpu.dma_semaphore, #tpu.memory_space<semaphore_mem>>)
    %dma_start3A_74 = arith.constant 5 : i32
    %dma_start3A_75 = arith.constant 5 : i32
    %dma_start3A_76 = arith.constant 0 : i32
    %dma_start3A_77 = arith.constant 0 : i32
    %dma_start3A_78 = tpu.memref_slice %arg8[%dma_start3A_74, %dma_start3A_76, %dma_start3A_77] : memref<8x80x32xf32, #tpu.memory_space<vmem>> -> memref<1x80x32xf32, #tpu.memory_space<vmem>>
    %dma_start3A_79 = tpu.memref_squeeze %dma_start3A_78 : memref<1x80x32xf32, #tpu.memory_space<vmem>> -> memref<80x32xf32, #tpu.memory_space<vmem>>
    %dma_start3A_80 = arith.constant 400 : i32
    %dma_start3A_81 = tpu.memref_slice %arg6[%dma_start3A_80] : memref<10000xi32, #tpu.memory_space<vmem>> -> memref<80xi32, #tpu.memory_space<vmem>>
    %dma_start3A_82 = arith.constant 0 : i32
    %dma_start3A_83 = arith.constant 0 : i32
    %dma_start3A_84 = tpu.memref_slice %arg3[%dma_start3A_82, %dma_start3A_83] : memref<10000x32xf32, #tpu.memory_space<hbm>> -> memref<10000x32xf32, #tpu.memory_space<hbm>>
    %dma_start3A_85 = tpu.memref_slice %arg10[%dma_start3A_75] : memref<8x!tpu.dma_semaphore, #tpu.memory_space<semaphore_mem>> -> memref<1x!tpu.dma_semaphore, #tpu.memory_space<semaphore_mem>>
    %dma_start3A_86 = tpu.memref_squeeze %dma_start3A_85 : memref<1x!tpu.dma_semaphore, #tpu.memory_space<semaphore_mem>> -> memref<!tpu.dma_semaphore, #tpu.memory_space<semaphore_mem>>
    tpu.enqueue_indirect_dma source(%dma_start3A_84 : memref<10000x32xf32, #tpu.memory_space<hbm>>) target(%dma_start3A_79 : memref<80x32xf32, #tpu.memory_space<vmem>>) offsets(%dma_start3A_81 : memref<80xi32, #tpu.memory_space<vmem>>) semaphore(%dma_start3A_86 : memref<!tpu.dma_semaphore, #tpu.memory_space<semaphore_mem>>)
    %dma_start3A_87 = arith.constant 6 : i32
    %dma_start3A_88 = arith.constant 6 : i32
    %dma_start3A_89 = arith.constant 0 : i32
    %dma_start3A_90 = arith.constant 0 : i32
    %dma_start3A_91 = tpu.memref_slice %arg8[%dma_start3A_87, %dma_start3A_89, %dma_start3A_90] : memref<8x80x32xf32, #tpu.memory_space<vmem>> -> memref<1x80x32xf32, #tpu.memory_space<vmem>>
    %dma_start3A_92 = tpu.memref_squeeze %dma_start3A_91 : memref<1x80x32xf32, #tpu.memory_space<vmem>> -> memref<80x32xf32, #tpu.memory_space<vmem>>
    %dma_start3A_93 = arith.constant 480 : i32
    %dma_start3A_94 = tpu.memref_slice %arg6[%dma_start3A_93] : memref<10000xi32, #tpu.memory_space<vmem>> -> memref<80xi32, #tpu.memory_space<vmem>>
    %dma_start3A_95 = arith.constant 0 : i32
    %dma_start3A_96 = arith.constant 0 : i32
    %dma_start3A_97 = tpu.memref_slice %arg3[%dma_start3A_95, %dma_start3A_96] : memref<10000x32xf32, #tpu.memory_space<hbm>> -> memref<10000x32xf32, #tpu.memory_space<hbm>>
    %dma_start3A_98 = tpu.memref_slice %arg10[%dma_start3A_88] : memref<8x!tpu.dma_semaphore, #tpu.memory_space<semaphore_mem>> -> memref<1x!tpu.dma_semaphore, #tpu.memory_space<semaphore_mem>>
    %dma_start3A_99 = tpu.memref_squeeze %dma_start3A_98 : memref<1x!tpu.dma_semaphore, #tpu.memory_space<semaphore_mem>> -> memref<!tpu.dma_semaphore, #tpu.memory_space<semaphore_mem>>
    tpu.enqueue_indirect_dma source(%dma_start3A_97 : memref<10000x32xf32, #tpu.memory_space<hbm>>) target(%dma_start3A_92 : memref<80x32xf32, #tpu.memory_space<vmem>>) offsets(%dma_start3A_94 : memref<80xi32, #tpu.memory_space<vmem>>) semaphore(%dma_start3A_99 : memref<!tpu.dma_semaphore, #tpu.memory_space<semaphore_mem>>)
    %dma_start3A_100 = arith.constant 7 : i32
    %dma_start3A_101 = arith.constant 7 : i32
    %dma_start3A_102 = arith.constant 0 : i32
    %dma_start3A_103 = arith.constant 0 : i32
    %dma_start3A_104 = tpu.memref_slice %arg8[%dma_start3A_100, %dma_start3A_102, %dma_start3A_103] : memref<8x80x32xf32, #tpu.memory_space<vmem>> -> memref<1x80x32xf32, #tpu.memory_space<vmem>>
    %dma_start3A_105 = tpu.memref_squeeze %dma_start3A_104 : memref<1x80x32xf32, #tpu.memory_space<vmem>> -> memref<80x32xf32, #tpu.memory_space<vmem>>
    %dma_start3A_106 = arith.constant 560 : i32
    %dma_start3A_107 = tpu.memref_slice %arg6[%dma_start3A_106] : memref<10000xi32, #tpu.memory_space<vmem>> -> memref<80xi32, #tpu.memory_space<vmem>>
    %dma_start3A_108 = arith.constant 0 : i32
    %dma_start3A_109 = arith.constant 0 : i32
    %dma_start3A_110 = tpu.memref_slice %arg3[%dma_start3A_108, %dma_start3A_109] : memref<10000x32xf32, #tpu.memory_space<hbm>> -> memref<10000x32xf32, #tpu.memory_space<hbm>>
    %dma_start3A_111 = tpu.memref_slice %arg10[%dma_start3A_101] : memref<8x!tpu.dma_semaphore, #tpu.memory_space<semaphore_mem>> -> memref<1x!tpu.dma_semaphore, #tpu.memory_space<semaphore_mem>>
    %dma_start3A_112 = tpu.memref_squeeze %dma_start3A_111 : memref<1x!tpu.dma_semaphore, #tpu.memory_space<semaphore_mem>> -> memref<!tpu.dma_semaphore, #tpu.memory_space<semaphore_mem>>
    tpu.enqueue_indirect_dma source(%dma_start3A_110 : memref<10000x32xf32, #tpu.memory_space<hbm>>) target(%dma_start3A_105 : memref<80x32xf32, #tpu.memory_space<vmem>>) offsets(%dma_start3A_107 : memref<80xi32, #tpu.memory_space<vmem>>) semaphore(%dma_start3A_112 : memref<!tpu.dma_semaphore, #tpu.memory_space<semaphore_mem>>)
    %scan3A = arith.constant 0 : i32
    %scan3A_113 = arith.constant 0 : i32
    %scan3A_114 = arith.constant 16 : i32
    %scan3A_115 = arith.addi %scan3A_113, %scan3A_114 : i32
    %scan3A_116 = arith.constant 1 : i32
    scf.for %scan3A_123 = %scan3A_113 to %scan3A_115 step %scan3A_116  : i32 {
      %mul3A_124 = arith.constant 8 : i32
      %mul3A_125 = arith.muli %scan3A_123, %mul3A_124 : i32
      %add3A_126 = arith.constant 0 : i32
      %add3A_127 = arith.addi %mul3A_125, %add3A_126 : i32
      %lt3A = arith.constant 125 : i32
      %lt3A_128 = arith.cmpi slt, %add3A_127, %lt3A : i32
      %convert_element_type3A = arith.extui %lt3A_128 : i1 to i32
      %cond3A = arith.constant 0 : i32
      %cond3A_129 = arith.cmpi ne, %convert_element_type3A, %cond3A : i32
      scf.if %cond3A_129 {
        %mul3A_291 = arith.constant 80 : i32
        %mul3A_292 = arith.muli %add3A_127, %mul3A_291 : i32
        %dma_wait3A = arith.constant 0 : i32
        %dma_wait3A_293 = arith.constant 0 : i32
        %dma_wait3A_294 = arith.constant 0 : i32
        %dma_wait3A_295 = arith.constant 0 : i32
        %dma_wait3A_296 = tpu.memref_slice %arg8[%dma_wait3A, %dma_wait3A_294, %dma_wait3A_295] : memref<8x80x32xf32, #tpu.memory_space<vmem>> -> memref<1x80x32xf32, #tpu.memory_space<vmem>>
        %dma_wait3A_297 = tpu.memref_squeeze %dma_wait3A_296 : memref<1x80x32xf32, #tpu.memory_space<vmem>> -> memref<80x32xf32, #tpu.memory_space<vmem>>
        %dma_wait3A_298 = tpu.memref_slice %arg6[%mul3A_292] : memref<10000xi32, #tpu.memory_space<vmem>> -> memref<80xi32, #tpu.memory_space<vmem>>
        %dma_wait3A_299 = arith.constant 0 : i32
        %dma_wait3A_300 = arith.constant 0 : i32
        %dma_wait3A_301 = tpu.memref_slice %arg3[%dma_wait3A_299, %dma_wait3A_300] : memref<10000x32xf32, #tpu.memory_space<hbm>> -> memref<10000x32xf32, #tpu.memory_space<hbm>>
        %dma_wait3A_302 = tpu.memref_slice %arg10[%dma_wait3A_293] : memref<8x!tpu.dma_semaphore, #tpu.memory_space<semaphore_mem>> -> memref<1x!tpu.dma_semaphore, #tpu.memory_space<semaphore_mem>>
        %dma_wait3A_303 = tpu.memref_squeeze %dma_wait3A_302 : memref<1x!tpu.dma_semaphore, #tpu.memory_space<semaphore_mem>> -> memref<!tpu.dma_semaphore, #tpu.memory_space<semaphore_mem>>
        tpu.wait_indirect_dma semaphore(%dma_wait3A_303 : memref<!tpu.dma_semaphore, #tpu.memory_space<semaphore_mem>>) src(%dma_wait3A_301 : memref<10000x32xf32, #tpu.memory_space<hbm>>) dst(%dma_wait3A_297 : memref<80x32xf32, #tpu.memory_space<vmem>>)
        %mul3A_304 = arith.constant 80 : i32
        %mul3A_305 = arith.muli %add3A_127, %mul3A_304 : i32
        %dma_start3A_306 = arith.constant 0 : i32
        %dma_start3A_307 = arith.constant 0 : i32
        %dma_start3A_308 = arith.constant 0 : i32
        %dma_start3A_309 = arith.constant 0 : i32
        %dma_start3A_310 = tpu.memref_slice %arg8[%dma_start3A_306, %dma_start3A_308, %dma_start3A_309] : memref<8x80x32xf32, #tpu.memory_space<vmem>> -> memref<1x80x32xf32, #tpu.memory_space<vmem>>
        %dma_start3A_311 = tpu.memref_squeeze %dma_start3A_310 : memref<1x80x32xf32, #tpu.memory_space<vmem>> -> memref<80x32xf32, #tpu.memory_space<vmem>>
        %dma_start3A_312 = tpu.memref_slice %arg7[%mul3A_305] : memref<10000xi32, #tpu.memory_space<vmem>> -> memref<80xi32, #tpu.memory_space<vmem>>
        %dma_start3A_313 = arith.constant 0 : i32
        %dma_start3A_314 = arith.constant 0 : i32
        %dma_start3A_315 = tpu.memref_slice %arg9[%dma_start3A_313, %dma_start3A_314] : memref<10000x32xf32, #tpu.memory_space<vmem_shared>> -> memref<10000x32xf32, #tpu.memory_space<vmem_shared>>
        %dma_start3A_316 = tpu.memref_slice %arg11[%dma_start3A_307] : memref<8x!tpu.dma_semaphore, #tpu.memory_space<semaphore_mem>> -> memref<1x!tpu.dma_semaphore, #tpu.memory_space<semaphore_mem>>
        %dma_start3A_317 = tpu.memref_squeeze %dma_start3A_316 : memref<1x!tpu.dma_semaphore, #tpu.memory_space<semaphore_mem>> -> memref<!tpu.dma_semaphore, #tpu.memory_space<semaphore_mem>>
        tpu.enqueue_indirect_dma source(%dma_start3A_311 : memref<80x32xf32, #tpu.memory_space<vmem>>) target(%dma_start3A_315 : memref<10000x32xf32, #tpu.memory_space<vmem_shared>>) offsets(%dma_start3A_312 : memref<80xi32, #tpu.memory_space<vmem>>) semaphore(%dma_start3A_317 : memref<!tpu.dma_semaphore, #tpu.memory_space<semaphore_mem>>) {add = true}
      } else {
      }
      %add3A_130 = arith.constant 1 : i32
      %add3A_131 = arith.addi %mul3A_125, %add3A_130 : i32
      %lt3A_132 = arith.constant 125 : i32
      %lt3A_133 = arith.cmpi slt, %add3A_131, %lt3A_132 : i32
      %convert_element_type3A_134 = arith.extui %lt3A_133 : i1 to i32
      %cond3A_135 = arith.constant 0 : i32
      %cond3A_136 = arith.cmpi ne, %convert_element_type3A_134, %cond3A_135 : i32
      scf.if %cond3A_136 {
        %mul3A_291 = arith.constant 80 : i32
        %mul3A_292 = arith.muli %add3A_131, %mul3A_291 : i32
        %dma_wait3A = arith.constant 1 : i32
        %dma_wait3A_293 = arith.constant 1 : i32
        %dma_wait3A_294 = arith.constant 0 : i32
        %dma_wait3A_295 = arith.constant 0 : i32
        %dma_wait3A_296 = tpu.memref_slice %arg8[%dma_wait3A, %dma_wait3A_294, %dma_wait3A_295] : memref<8x80x32xf32, #tpu.memory_space<vmem>> -> memref<1x80x32xf32, #tpu.memory_space<vmem>>
        %dma_wait3A_297 = tpu.memref_squeeze %dma_wait3A_296 : memref<1x80x32xf32, #tpu.memory_space<vmem>> -> memref<80x32xf32, #tpu.memory_space<vmem>>
        %dma_wait3A_298 = tpu.memref_slice %arg6[%mul3A_292] : memref<10000xi32, #tpu.memory_space<vmem>> -> memref<80xi32, #tpu.memory_space<vmem>>
        %dma_wait3A_299 = arith.constant 0 : i32
        %dma_wait3A_300 = arith.constant 0 : i32
        %dma_wait3A_301 = tpu.memref_slice %arg3[%dma_wait3A_299, %dma_wait3A_300] : memref<10000x32xf32, #tpu.memory_space<hbm>> -> memref<10000x32xf32, #tpu.memory_space<hbm>>
        %dma_wait3A_302 = tpu.memref_slice %arg10[%dma_wait3A_293] : memref<8x!tpu.dma_semaphore, #tpu.memory_space<semaphore_mem>> -> memref<1x!tpu.dma_semaphore, #tpu.memory_space<semaphore_mem>>
        %dma_wait3A_303 = tpu.memref_squeeze %dma_wait3A_302 : memref<1x!tpu.dma_semaphore, #tpu.memory_space<semaphore_mem>> -> memref<!tpu.dma_semaphore, #tpu.memory_space<semaphore_mem>>
        tpu.wait_indirect_dma semaphore(%dma_wait3A_303 : memref<!tpu.dma_semaphore, #tpu.memory_space<semaphore_mem>>) src(%dma_wait3A_301 : memref<10000x32xf32, #tpu.memory_space<hbm>>) dst(%dma_wait3A_297 : memref<80x32xf32, #tpu.memory_space<vmem>>)
        %mul3A_304 = arith.constant 80 : i32
        %mul3A_305 = arith.muli %add3A_131, %mul3A_304 : i32
        %dma_start3A_306 = arith.constant 1 : i32
        %dma_start3A_307 = arith.constant 1 : i32
        %dma_start3A_308 = arith.constant 0 : i32
        %dma_start3A_309 = arith.constant 0 : i32
        %dma_start3A_310 = tpu.memref_slice %arg8[%dma_start3A_306, %dma_start3A_308, %dma_start3A_309] : memref<8x80x32xf32, #tpu.memory_space<vmem>> -> memref<1x80x32xf32, #tpu.memory_space<vmem>>
        %dma_start3A_311 = tpu.memref_squeeze %dma_start3A_310 : memref<1x80x32xf32, #tpu.memory_space<vmem>> -> memref<80x32xf32, #tpu.memory_space<vmem>>
        %dma_start3A_312 = tpu.memref_slice %arg7[%mul3A_305] : memref<10000xi32, #tpu.memory_space<vmem>> -> memref<80xi32, #tpu.memory_space<vmem>>
        %dma_start3A_313 = arith.constant 0 : i32
        %dma_start3A_314 = arith.constant 0 : i32
        %dma_start3A_315 = tpu.memref_slice %arg9[%dma_start3A_313, %dma_start3A_314] : memref<10000x32xf32, #tpu.memory_space<vmem_shared>> -> memref<10000x32xf32, #tpu.memory_space<vmem_shared>>
        %dma_start3A_316 = tpu.memref_slice %arg11[%dma_start3A_307] : memref<8x!tpu.dma_semaphore, #tpu.memory_space<semaphore_mem>> -> memref<1x!tpu.dma_semaphore, #tpu.memory_space<semaphore_mem>>
        %dma_start3A_317 = tpu.memref_squeeze %dma_start3A_316 : memref<1x!tpu.dma_semaphore, #tpu.memory_space<semaphore_mem>> -> memref<!tpu.dma_semaphore, #tpu.memory_space<semaphore_mem>>
        tpu.enqueue_indirect_dma source(%dma_start3A_311 : memref<80x32xf32, #tpu.memory_space<vmem>>) target(%dma_start3A_315 : memref<10000x32xf32, #tpu.memory_space<vmem_shared>>) offsets(%dma_start3A_312 : memref<80xi32, #tpu.memory_space<vmem>>) semaphore(%dma_start3A_317 : memref<!tpu.dma_semaphore, #tpu.memory_space<semaphore_mem>>) {add = true}
      } else {
      }
      %add3A_137 = arith.constant 2 : i32
      %add3A_138 = arith.addi %mul3A_125, %add3A_137 : i32
      %lt3A_139 = arith.constant 125 : i32
      %lt3A_140 = arith.cmpi slt, %add3A_138, %lt3A_139 : i32
      %convert_element_type3A_141 = arith.extui %lt3A_140 : i1 to i32
      %cond3A_142 = arith.constant 0 : i32
      %cond3A_143 = arith.cmpi ne, %convert_element_type3A_141, %cond3A_142 : i32
      scf.if %cond3A_143 {
        %mul3A_291 = arith.constant 80 : i32
        %mul3A_292 = arith.muli %add3A_138, %mul3A_291 : i32
        %dma_wait3A = arith.constant 2 : i32
        %dma_wait3A_293 = arith.constant 2 : i32
        %dma_wait3A_294 = arith.constant 0 : i32
        %dma_wait3A_295 = arith.constant 0 : i32
        %dma_wait3A_296 = tpu.memref_slice %arg8[%dma_wait3A, %dma_wait3A_294, %dma_wait3A_295] : memref<8x80x32xf32, #tpu.memory_space<vmem>> -> memref<1x80x32xf32, #tpu.memory_space<vmem>>
        %dma_wait3A_297 = tpu.memref_squeeze %dma_wait3A_296 : memref<1x80x32xf32, #tpu.memory_space<vmem>> -> memref<80x32xf32, #tpu.memory_space<vmem>>
        %dma_wait3A_298 = tpu.memref_slice %arg6[%mul3A_292] : memref<10000xi32, #tpu.memory_space<vmem>> -> memref<80xi32, #tpu.memory_space<vmem>>
        %dma_wait3A_299 = arith.constant 0 : i32
        %dma_wait3A_300 = arith.constant 0 : i32
        %dma_wait3A_301 = tpu.memref_slice %arg3[%dma_wait3A_299, %dma_wait3A_300] : memref<10000x32xf32, #tpu.memory_space<hbm>> -> memref<10000x32xf32, #tpu.memory_space<hbm>>
        %dma_wait3A_302 = tpu.memref_slice %arg10[%dma_wait3A_293] : memref<8x!tpu.dma_semaphore, #tpu.memory_space<semaphore_mem>> -> memref<1x!tpu.dma_semaphore, #tpu.memory_space<semaphore_mem>>
        %dma_wait3A_303 = tpu.memref_squeeze %dma_wait3A_302 : memref<1x!tpu.dma_semaphore, #tpu.memory_space<semaphore_mem>> -> memref<!tpu.dma_semaphore, #tpu.memory_space<semaphore_mem>>
        tpu.wait_indirect_dma semaphore(%dma_wait3A_303 : memref<!tpu.dma_semaphore, #tpu.memory_space<semaphore_mem>>) src(%dma_wait3A_301 : memref<10000x32xf32, #tpu.memory_space<hbm>>) dst(%dma_wait3A_297 : memref<80x32xf32, #tpu.memory_space<vmem>>)
        %mul3A_304 = arith.constant 80 : i32
        %mul3A_305 = arith.muli %add3A_138, %mul3A_304 : i32
        %dma_start3A_306 = arith.constant 2 : i32
        %dma_start3A_307 = arith.constant 2 : i32
        %dma_start3A_308 = arith.constant 0 : i32
        %dma_start3A_309 = arith.constant 0 : i32
        %dma_start3A_310 = tpu.memref_slice %arg8[%dma_start3A_306, %dma_start3A_308, %dma_start3A_309] : memref<8x80x32xf32, #tpu.memory_space<vmem>> -> memref<1x80x32xf32, #tpu.memory_space<vmem>>
        %dma_start3A_311 = tpu.memref_squeeze %dma_start3A_310 : memref<1x80x32xf32, #tpu.memory_space<vmem>> -> memref<80x32xf32, #tpu.memory_space<vmem>>
        %dma_start3A_312 = tpu.memref_slice %arg7[%mul3A_305] : memref<10000xi32, #tpu.memory_space<vmem>> -> memref<80xi32, #tpu.memory_space<vmem>>
        %dma_start3A_313 = arith.constant 0 : i32
        %dma_start3A_314 = arith.constant 0 : i32
        %dma_start3A_315 = tpu.memref_slice %arg9[%dma_start3A_313, %dma_start3A_314] : memref<10000x32xf32, #tpu.memory_space<vmem_shared>> -> memref<10000x32xf32, #tpu.memory_space<vmem_shared>>
        %dma_start3A_316 = tpu.memref_slice %arg11[%dma_start3A_307] : memref<8x!tpu.dma_semaphore, #tpu.memory_space<semaphore_mem>> -> memref<1x!tpu.dma_semaphore, #tpu.memory_space<semaphore_mem>>
        %dma_start3A_317 = tpu.memref_squeeze %dma_start3A_316 : memref<1x!tpu.dma_semaphore, #tpu.memory_space<semaphore_mem>> -> memref<!tpu.dma_semaphore, #tpu.memory_space<semaphore_mem>>
        tpu.enqueue_indirect_dma source(%dma_start3A_311 : memref<80x32xf32, #tpu.memory_space<vmem>>) target(%dma_start3A_315 : memref<10000x32xf32, #tpu.memory_space<vmem_shared>>) offsets(%dma_start3A_312 : memref<80xi32, #tpu.memory_space<vmem>>) semaphore(%dma_start3A_317 : memref<!tpu.dma_semaphore, #tpu.memory_space<semaphore_mem>>) {add = true}
      } else {
      }
      %add3A_144 = arith.constant 3 : i32
      %add3A_145 = arith.addi %mul3A_125, %add3A_144 : i32
      %lt3A_146 = arith.constant 125 : i32
      %lt3A_147 = arith.cmpi slt, %add3A_145, %lt3A_146 : i32
      %convert_element_type3A_148 = arith.extui %lt3A_147 : i1 to i32
      %cond3A_149 = arith.constant 0 : i32
      %cond3A_150 = arith.cmpi ne, %convert_element_type3A_148, %cond3A_149 : i32
      scf.if %cond3A_150 {
        %mul3A_291 = arith.constant 80 : i32
        %mul3A_292 = arith.muli %add3A_145, %mul3A_291 : i32
        %dma_wait3A = arith.constant 3 : i32
        %dma_wait3A_293 = arith.constant 3 : i32
        %dma_wait3A_294 = arith.constant 0 : i32
        %dma_wait3A_295 = arith.constant 0 : i32
        %dma_wait3A_296 = tpu.memref_slice %arg8[%dma_wait3A, %dma_wait3A_294, %dma_wait3A_295] : memref<8x80x32xf32, #tpu.memory_space<vmem>> -> memref<1x80x32xf32, #tpu.memory_space<vmem>>
        %dma_wait3A_297 = tpu.memref_squeeze %dma_wait3A_296 : memref<1x80x32xf32, #tpu.memory_space<vmem>> -> memref<80x32xf32, #tpu.memory_space<vmem>>
        %dma_wait3A_298 = tpu.memref_slice %arg6[%mul3A_292] : memref<10000xi32, #tpu.memory_space<vmem>> -> memref<80xi32, #tpu.memory_space<vmem>>
        %dma_wait3A_299 = arith.constant 0 : i32
        %dma_wait3A_300 = arith.constant 0 : i32
        %dma_wait3A_301 = tpu.memref_slice %arg3[%dma_wait3A_299, %dma_wait3A_300] : memref<10000x32xf32, #tpu.memory_space<hbm>> -> memref<10000x32xf32, #tpu.memory_space<hbm>>
        %dma_wait3A_302 = tpu.memref_slice %arg10[%dma_wait3A_293] : memref<8x!tpu.dma_semaphore, #tpu.memory_space<semaphore_mem>> -> memref<1x!tpu.dma_semaphore, #tpu.memory_space<semaphore_mem>>
        %dma_wait3A_303 = tpu.memref_squeeze %dma_wait3A_302 : memref<1x!tpu.dma_semaphore, #tpu.memory_space<semaphore_mem>> -> memref<!tpu.dma_semaphore, #tpu.memory_space<semaphore_mem>>
        tpu.wait_indirect_dma semaphore(%dma_wait3A_303 : memref<!tpu.dma_semaphore, #tpu.memory_space<semaphore_mem>>) src(%dma_wait3A_301 : memref<10000x32xf32, #tpu.memory_space<hbm>>) dst(%dma_wait3A_297 : memref<80x32xf32, #tpu.memory_space<vmem>>)
        %mul3A_304 = arith.constant 80 : i32
        %mul3A_305 = arith.muli %add3A_145, %mul3A_304 : i32
        %dma_start3A_306 = arith.constant 3 : i32
        %dma_start3A_307 = arith.constant 3 : i32
        %dma_start3A_308 = arith.constant 0 : i32
        %dma_start3A_309 = arith.constant 0 : i32
        %dma_start3A_310 = tpu.memref_slice %arg8[%dma_start3A_306, %dma_start3A_308, %dma_start3A_309] : memref<8x80x32xf32, #tpu.memory_space<vmem>> -> memref<1x80x32xf32, #tpu.memory_space<vmem>>
        %dma_start3A_311 = tpu.memref_squeeze %dma_start3A_310 : memref<1x80x32xf32, #tpu.memory_space<vmem>> -> memref<80x32xf32, #tpu.memory_space<vmem>>
        %dma_start3A_312 = tpu.memref_slice %arg7[%mul3A_305] : memref<10000xi32, #tpu.memory_space<vmem>> -> memref<80xi32, #tpu.memory_space<vmem>>
        %dma_start3A_313 = arith.constant 0 : i32
        %dma_start3A_314 = arith.constant 0 : i32
        %dma_start3A_315 = tpu.memref_slice %arg9[%dma_start3A_313, %dma_start3A_314] : memref<10000x32xf32, #tpu.memory_space<vmem_shared>> -> memref<10000x32xf32, #tpu.memory_space<vmem_shared>>
        %dma_start3A_316 = tpu.memref_slice %arg11[%dma_start3A_307] : memref<8x!tpu.dma_semaphore, #tpu.memory_space<semaphore_mem>> -> memref<1x!tpu.dma_semaphore, #tpu.memory_space<semaphore_mem>>
        %dma_start3A_317 = tpu.memref_squeeze %dma_start3A_316 : memref<1x!tpu.dma_semaphore, #tpu.memory_space<semaphore_mem>> -> memref<!tpu.dma_semaphore, #tpu.memory_space<semaphore_mem>>
        tpu.enqueue_indirect_dma source(%dma_start3A_311 : memref<80x32xf32, #tpu.memory_space<vmem>>) target(%dma_start3A_315 : memref<10000x32xf32, #tpu.memory_space<vmem_shared>>) offsets(%dma_start3A_312 : memref<80xi32, #tpu.memory_space<vmem>>) semaphore(%dma_start3A_317 : memref<!tpu.dma_semaphore, #tpu.memory_space<semaphore_mem>>) {add = true}
      } else {
      }
      %add3A_151 = arith.constant 4 : i32
      %add3A_152 = arith.addi %mul3A_125, %add3A_151 : i32
      %lt3A_153 = arith.constant 125 : i32
      %lt3A_154 = arith.cmpi slt, %add3A_152, %lt3A_153 : i32
      %convert_element_type3A_155 = arith.extui %lt3A_154 : i1 to i32
      %cond3A_156 = arith.constant 0 : i32
      %cond3A_157 = arith.cmpi ne, %convert_element_type3A_155, %cond3A_156 : i32
      scf.if %cond3A_157 {
        %mul3A_291 = arith.constant 80 : i32
        %mul3A_292 = arith.muli %add3A_152, %mul3A_291 : i32
        %dma_wait3A = arith.constant 4 : i32
        %dma_wait3A_293 = arith.constant 4 : i32
        %dma_wait3A_294 = arith.constant 0 : i32
        %dma_wait3A_295 = arith.constant 0 : i32
        %dma_wait3A_296 = tpu.memref_slice %arg8[%dma_wait3A, %dma_wait3A_294, %dma_wait3A_295] : memref<8x80x32xf32, #tpu.memory_space<vmem>> -> memref<1x80x32xf32, #tpu.memory_space<vmem>>
        %dma_wait3A_297 = tpu.memref_squeeze %dma_wait3A_296 : memref<1x80x32xf32, #tpu.memory_space<vmem>> -> memref<80x32xf32, #tpu.memory_space<vmem>>
        %dma_wait3A_298 = tpu.memref_slice %arg6[%mul3A_292] : memref<10000xi32, #tpu.memory_space<vmem>> -> memref<80xi32, #tpu.memory_space<vmem>>
        %dma_wait3A_299 = arith.constant 0 : i32
        %dma_wait3A_300 = arith.constant 0 : i32
        %dma_wait3A_301 = tpu.memref_slice %arg3[%dma_wait3A_299, %dma_wait3A_300] : memref<10000x32xf32, #tpu.memory_space<hbm>> -> memref<10000x32xf32, #tpu.memory_space<hbm>>
        %dma_wait3A_302 = tpu.memref_slice %arg10[%dma_wait3A_293] : memref<8x!tpu.dma_semaphore, #tpu.memory_space<semaphore_mem>> -> memref<1x!tpu.dma_semaphore, #tpu.memory_space<semaphore_mem>>
        %dma_wait3A_303 = tpu.memref_squeeze %dma_wait3A_302 : memref<1x!tpu.dma_semaphore, #tpu.memory_space<semaphore_mem>> -> memref<!tpu.dma_semaphore, #tpu.memory_space<semaphore_mem>>
        tpu.wait_indirect_dma semaphore(%dma_wait3A_303 : memref<!tpu.dma_semaphore, #tpu.memory_space<semaphore_mem>>) src(%dma_wait3A_301 : memref<10000x32xf32, #tpu.memory_space<hbm>>) dst(%dma_wait3A_297 : memref<80x32xf32, #tpu.memory_space<vmem>>)
        %mul3A_304 = arith.constant 80 : i32
        %mul3A_305 = arith.muli %add3A_152, %mul3A_304 : i32
        %dma_start3A_306 = arith.constant 4 : i32
        %dma_start3A_307 = arith.constant 4 : i32
        %dma_start3A_308 = arith.constant 0 : i32
        %dma_start3A_309 = arith.constant 0 : i32
        %dma_start3A_310 = tpu.memref_slice %arg8[%dma_start3A_306, %dma_start3A_308, %dma_start3A_309] : memref<8x80x32xf32, #tpu.memory_space<vmem>> -> memref<1x80x32xf32, #tpu.memory_space<vmem>>
        %dma_start3A_311 = tpu.memref_squeeze %dma_start3A_310 : memref<1x80x32xf32, #tpu.memory_space<vmem>> -> memref<80x32xf32, #tpu.memory_space<vmem>>
        %dma_start3A_312 = tpu.memref_slice %arg7[%mul3A_305] : memref<10000xi32, #tpu.memory_space<vmem>> -> memref<80xi32, #tpu.memory_space<vmem>>
        %dma_start3A_313 = arith.constant 0 : i32
        %dma_start3A_314 = arith.constant 0 : i32
        %dma_start3A_315 = tpu.memref_slice %arg9[%dma_start3A_313, %dma_start3A_314] : memref<10000x32xf32, #tpu.memory_space<vmem_shared>> -> memref<10000x32xf32, #tpu.memory_space<vmem_shared>>
        %dma_start3A_316 = tpu.memref_slice %arg11[%dma_start3A_307] : memref<8x!tpu.dma_semaphore, #tpu.memory_space<semaphore_mem>> -> memref<1x!tpu.dma_semaphore, #tpu.memory_space<semaphore_mem>>
        %dma_start3A_317 = tpu.memref_squeeze %dma_start3A_316 : memref<1x!tpu.dma_semaphore, #tpu.memory_space<semaphore_mem>> -> memref<!tpu.dma_semaphore, #tpu.memory_space<semaphore_mem>>
        tpu.enqueue_indirect_dma source(%dma_start3A_311 : memref<80x32xf32, #tpu.memory_space<vmem>>) target(%dma_start3A_315 : memref<10000x32xf32, #tpu.memory_space<vmem_shared>>) offsets(%dma_start3A_312 : memref<80xi32, #tpu.memory_space<vmem>>) semaphore(%dma_start3A_317 : memref<!tpu.dma_semaphore, #tpu.memory_space<semaphore_mem>>) {add = true}
      } else {
      }
      %add3A_158 = arith.constant 5 : i32
      %add3A_159 = arith.addi %mul3A_125, %add3A_158 : i32
      %lt3A_160 = arith.constant 125 : i32
      %lt3A_161 = arith.cmpi slt, %add3A_159, %lt3A_160 : i32
      %convert_element_type3A_162 = arith.extui %lt3A_161 : i1 to i32
      %cond3A_163 = arith.constant 0 : i32
      %cond3A_164 = arith.cmpi ne, %convert_element_type3A_162, %cond3A_163 : i32
      scf.if %cond3A_164 {
        %mul3A_291 = arith.constant 80 : i32
        %mul3A_292 = arith.muli %add3A_159, %mul3A_291 : i32
        %dma_wait3A = arith.constant 5 : i32
        %dma_wait3A_293 = arith.constant 5 : i32
        %dma_wait3A_294 = arith.constant 0 : i32
        %dma_wait3A_295 = arith.constant 0 : i32
        %dma_wait3A_296 = tpu.memref_slice %arg8[%dma_wait3A, %dma_wait3A_294, %dma_wait3A_295] : memref<8x80x32xf32, #tpu.memory_space<vmem>> -> memref<1x80x32xf32, #tpu.memory_space<vmem>>
        %dma_wait3A_297 = tpu.memref_squeeze %dma_wait3A_296 : memref<1x80x32xf32, #tpu.memory_space<vmem>> -> memref<80x32xf32, #tpu.memory_space<vmem>>
        %dma_wait3A_298 = tpu.memref_slice %arg6[%mul3A_292] : memref<10000xi32, #tpu.memory_space<vmem>> -> memref<80xi32, #tpu.memory_space<vmem>>
        %dma_wait3A_299 = arith.constant 0 : i32
        %dma_wait3A_300 = arith.constant 0 : i32
        %dma_wait3A_301 = tpu.memref_slice %arg3[%dma_wait3A_299, %dma_wait3A_300] : memref<10000x32xf32, #tpu.memory_space<hbm>> -> memref<10000x32xf32, #tpu.memory_space<hbm>>
        %dma_wait3A_302 = tpu.memref_slice %arg10[%dma_wait3A_293] : memref<8x!tpu.dma_semaphore, #tpu.memory_space<semaphore_mem>> -> memref<1x!tpu.dma_semaphore, #tpu.memory_space<semaphore_mem>>
        %dma_wait3A_303 = tpu.memref_squeeze %dma_wait3A_302 : memref<1x!tpu.dma_semaphore, #tpu.memory_space<semaphore_mem>> -> memref<!tpu.dma_semaphore, #tpu.memory_space<semaphore_mem>>
        tpu.wait_indirect_dma semaphore(%dma_wait3A_303 : memref<!tpu.dma_semaphore, #tpu.memory_space<semaphore_mem>>) src(%dma_wait3A_301 : memref<10000x32xf32, #tpu.memory_space<hbm>>) dst(%dma_wait3A_297 : memref<80x32xf32, #tpu.memory_space<vmem>>)
        %mul3A_304 = arith.constant 80 : i32
        %mul3A_305 = arith.muli %add3A_159, %mul3A_304 : i32
        %dma_start3A_306 = arith.constant 5 : i32
        %dma_start3A_307 = arith.constant 5 : i32
        %dma_start3A_308 = arith.constant 0 : i32
        %dma_start3A_309 = arith.constant 0 : i32
        %dma_start3A_310 = tpu.memref_slice %arg8[%dma_start3A_306, %dma_start3A_308, %dma_start3A_309] : memref<8x80x32xf32, #tpu.memory_space<vmem>> -> memref<1x80x32xf32, #tpu.memory_space<vmem>>
        %dma_start3A_311 = tpu.memref_squeeze %dma_start3A_310 : memref<1x80x32xf32, #tpu.memory_space<vmem>> -> memref<80x32xf32, #tpu.memory_space<vmem>>
        %dma_start3A_312 = tpu.memref_slice %arg7[%mul3A_305] : memref<10000xi32, #tpu.memory_space<vmem>> -> memref<80xi32, #tpu.memory_space<vmem>>
        %dma_start3A_313 = arith.constant 0 : i32
        %dma_start3A_314 = arith.constant 0 : i32
        %dma_start3A_315 = tpu.memref_slice %arg9[%dma_start3A_313, %dma_start3A_314] : memref<10000x32xf32, #tpu.memory_space<vmem_shared>> -> memref<10000x32xf32, #tpu.memory_space<vmem_shared>>
        %dma_start3A_316 = tpu.memref_slice %arg11[%dma_start3A_307] : memref<8x!tpu.dma_semaphore, #tpu.memory_space<semaphore_mem>> -> memref<1x!tpu.dma_semaphore, #tpu.memory_space<semaphore_mem>>
        %dma_start3A_317 = tpu.memref_squeeze %dma_start3A_316 : memref<1x!tpu.dma_semaphore, #tpu.memory_space<semaphore_mem>> -> memref<!tpu.dma_semaphore, #tpu.memory_space<semaphore_mem>>
        tpu.enqueue_indirect_dma source(%dma_start3A_311 : memref<80x32xf32, #tpu.memory_space<vmem>>) target(%dma_start3A_315 : memref<10000x32xf32, #tpu.memory_space<vmem_shared>>) offsets(%dma_start3A_312 : memref<80xi32, #tpu.memory_space<vmem>>) semaphore(%dma_start3A_317 : memref<!tpu.dma_semaphore, #tpu.memory_space<semaphore_mem>>) {add = true}
      } else {
      }
      %add3A_165 = arith.constant 6 : i32
      %add3A_166 = arith.addi %mul3A_125, %add3A_165 : i32
      %lt3A_167 = arith.constant 125 : i32
      %lt3A_168 = arith.cmpi slt, %add3A_166, %lt3A_167 : i32
      %convert_element_type3A_169 = arith.extui %lt3A_168 : i1 to i32
      %cond3A_170 = arith.constant 0 : i32
      %cond3A_171 = arith.cmpi ne, %convert_element_type3A_169, %cond3A_170 : i32
      scf.if %cond3A_171 {
        %mul3A_291 = arith.constant 80 : i32
        %mul3A_292 = arith.muli %add3A_166, %mul3A_291 : i32
        %dma_wait3A = arith.constant 6 : i32
        %dma_wait3A_293 = arith.constant 6 : i32
        %dma_wait3A_294 = arith.constant 0 : i32
        %dma_wait3A_295 = arith.constant 0 : i32
        %dma_wait3A_296 = tpu.memref_slice %arg8[%dma_wait3A, %dma_wait3A_294, %dma_wait3A_295] : memref<8x80x32xf32, #tpu.memory_space<vmem>> -> memref<1x80x32xf32, #tpu.memory_space<vmem>>
        %dma_wait3A_297 = tpu.memref_squeeze %dma_wait3A_296 : memref<1x80x32xf32, #tpu.memory_space<vmem>> -> memref<80x32xf32, #tpu.memory_space<vmem>>
        %dma_wait3A_298 = tpu.memref_slice %arg6[%mul3A_292] : memref<10000xi32, #tpu.memory_space<vmem>> -> memref<80xi32, #tpu.memory_space<vmem>>
        %dma_wait3A_299 = arith.constant 0 : i32
        %dma_wait3A_300 = arith.constant 0 : i32
        %dma_wait3A_301 = tpu.memref_slice %arg3[%dma_wait3A_299, %dma_wait3A_300] : memref<10000x32xf32, #tpu.memory_space<hbm>> -> memref<10000x32xf32, #tpu.memory_space<hbm>>
        %dma_wait3A_302 = tpu.memref_slice %arg10[%dma_wait3A_293] : memref<8x!tpu.dma_semaphore, #tpu.memory_space<semaphore_mem>> -> memref<1x!tpu.dma_semaphore, #tpu.memory_space<semaphore_mem>>
        %dma_wait3A_303 = tpu.memref_squeeze %dma_wait3A_302 : memref<1x!tpu.dma_semaphore, #tpu.memory_space<semaphore_mem>> -> memref<!tpu.dma_semaphore, #tpu.memory_space<semaphore_mem>>
        tpu.wait_indirect_dma semaphore(%dma_wait3A_303 : memref<!tpu.dma_semaphore, #tpu.memory_space<semaphore_mem>>) src(%dma_wait3A_301 : memref<10000x32xf32, #tpu.memory_space<hbm>>) dst(%dma_wait3A_297 : memref<80x32xf32, #tpu.memory_space<vmem>>)
        %mul3A_304 = arith.constant 80 : i32
        %mul3A_305 = arith.muli %add3A_166, %mul3A_304 : i32
        %dma_start3A_306 = arith.constant 6 : i32
        %dma_start3A_307 = arith.constant 6 : i32
        %dma_start3A_308 = arith.constant 0 : i32
        %dma_start3A_309 = arith.constant 0 : i32
        %dma_start3A_310 = tpu.memref_slice %arg8[%dma_start3A_306, %dma_start3A_308, %dma_start3A_309] : memref<8x80x32xf32, #tpu.memory_space<vmem>> -> memref<1x80x32xf32, #tpu.memory_space<vmem>>
        %dma_start3A_311 = tpu.memref_squeeze %dma_start3A_310 : memref<1x80x32xf32, #tpu.memory_space<vmem>> -> memref<80x32xf32, #tpu.memory_space<vmem>>
        %dma_start3A_312 = tpu.memref_slice %arg7[%mul3A_305] : memref<10000xi32, #tpu.memory_space<vmem>> -> memref<80xi32, #tpu.memory_space<vmem>>
        %dma_start3A_313 = arith.constant 0 : i32
        %dma_start3A_314 = arith.constant 0 : i32
        %dma_start3A_315 = tpu.memref_slice %arg9[%dma_start3A_313, %dma_start3A_314] : memref<10000x32xf32, #tpu.memory_space<vmem_shared>> -> memref<10000x32xf32, #tpu.memory_space<vmem_shared>>
        %dma_start3A_316 = tpu.memref_slice %arg11[%dma_start3A_307] : memref<8x!tpu.dma_semaphore, #tpu.memory_space<semaphore_mem>> -> memref<1x!tpu.dma_semaphore, #tpu.memory_space<semaphore_mem>>
        %dma_start3A_317 = tpu.memref_squeeze %dma_start3A_316 : memref<1x!tpu.dma_semaphore, #tpu.memory_space<semaphore_mem>> -> memref<!tpu.dma_semaphore, #tpu.memory_space<semaphore_mem>>
        tpu.enqueue_indirect_dma source(%dma_start3A_311 : memref<80x32xf32, #tpu.memory_space<vmem>>) target(%dma_start3A_315 : memref<10000x32xf32, #tpu.memory_space<vmem_shared>>) offsets(%dma_start3A_312 : memref<80xi32, #tpu.memory_space<vmem>>) semaphore(%dma_start3A_317 : memref<!tpu.dma_semaphore, #tpu.memory_space<semaphore_mem>>) {add = true}
      } else {
      }
      %add3A_172 = arith.constant 7 : i32
      %add3A_173 = arith.addi %mul3A_125, %add3A_172 : i32
      %lt3A_174 = arith.constant 125 : i32
      %lt3A_175 = arith.cmpi slt, %add3A_173, %lt3A_174 : i32
      %convert_element_type3A_176 = arith.extui %lt3A_175 : i1 to i32
      %cond3A_177 = arith.constant 0 : i32
      %cond3A_178 = arith.cmpi ne, %convert_element_type3A_176, %cond3A_177 : i32
      scf.if %cond3A_178 {
        %mul3A_291 = arith.constant 80 : i32
        %mul3A_292 = arith.muli %add3A_173, %mul3A_291 : i32
        %dma_wait3A = arith.constant 7 : i32
        %dma_wait3A_293 = arith.constant 7 : i32
        %dma_wait3A_294 = arith.constant 0 : i32
        %dma_wait3A_295 = arith.constant 0 : i32
        %dma_wait3A_296 = tpu.memref_slice %arg8[%dma_wait3A, %dma_wait3A_294, %dma_wait3A_295] : memref<8x80x32xf32, #tpu.memory_space<vmem>> -> memref<1x80x32xf32, #tpu.memory_space<vmem>>
        %dma_wait3A_297 = tpu.memref_squeeze %dma_wait3A_296 : memref<1x80x32xf32, #tpu.memory_space<vmem>> -> memref<80x32xf32, #tpu.memory_space<vmem>>
        %dma_wait3A_298 = tpu.memref_slice %arg6[%mul3A_292] : memref<10000xi32, #tpu.memory_space<vmem>> -> memref<80xi32, #tpu.memory_space<vmem>>
        %dma_wait3A_299 = arith.constant 0 : i32
        %dma_wait3A_300 = arith.constant 0 : i32
        %dma_wait3A_301 = tpu.memref_slice %arg3[%dma_wait3A_299, %dma_wait3A_300] : memref<10000x32xf32, #tpu.memory_space<hbm>> -> memref<10000x32xf32, #tpu.memory_space<hbm>>
        %dma_wait3A_302 = tpu.memref_slice %arg10[%dma_wait3A_293] : memref<8x!tpu.dma_semaphore, #tpu.memory_space<semaphore_mem>> -> memref<1x!tpu.dma_semaphore, #tpu.memory_space<semaphore_mem>>
        %dma_wait3A_303 = tpu.memref_squeeze %dma_wait3A_302 : memref<1x!tpu.dma_semaphore, #tpu.memory_space<semaphore_mem>> -> memref<!tpu.dma_semaphore, #tpu.memory_space<semaphore_mem>>
        tpu.wait_indirect_dma semaphore(%dma_wait3A_303 : memref<!tpu.dma_semaphore, #tpu.memory_space<semaphore_mem>>) src(%dma_wait3A_301 : memref<10000x32xf32, #tpu.memory_space<hbm>>) dst(%dma_wait3A_297 : memref<80x32xf32, #tpu.memory_space<vmem>>)
        %mul3A_304 = arith.constant 80 : i32
        %mul3A_305 = arith.muli %add3A_173, %mul3A_304 : i32
        %dma_start3A_306 = arith.constant 7 : i32
        %dma_start3A_307 = arith.constant 7 : i32
        %dma_start3A_308 = arith.constant 0 : i32
        %dma_start3A_309 = arith.constant 0 : i32
        %dma_start3A_310 = tpu.memref_slice %arg8[%dma_start3A_306, %dma_start3A_308, %dma_start3A_309] : memref<8x80x32xf32, #tpu.memory_space<vmem>> -> memref<1x80x32xf32, #tpu.memory_space<vmem>>
        %dma_start3A_311 = tpu.memref_squeeze %dma_start3A_310 : memref<1x80x32xf32, #tpu.memory_space<vmem>> -> memref<80x32xf32, #tpu.memory_space<vmem>>
        %dma_start3A_312 = tpu.memref_slice %arg7[%mul3A_305] : memref<10000xi32, #tpu.memory_space<vmem>> -> memref<80xi32, #tpu.memory_space<vmem>>
        %dma_start3A_313 = arith.constant 0 : i32
        %dma_start3A_314 = arith.constant 0 : i32
        %dma_start3A_315 = tpu.memref_slice %arg9[%dma_start3A_313, %dma_start3A_314] : memref<10000x32xf32, #tpu.memory_space<vmem_shared>> -> memref<10000x32xf32, #tpu.memory_space<vmem_shared>>
        %dma_start3A_316 = tpu.memref_slice %arg11[%dma_start3A_307] : memref<8x!tpu.dma_semaphore, #tpu.memory_space<semaphore_mem>> -> memref<1x!tpu.dma_semaphore, #tpu.memory_space<semaphore_mem>>
        %dma_start3A_317 = tpu.memref_squeeze %dma_start3A_316 : memref<1x!tpu.dma_semaphore, #tpu.memory_space<semaphore_mem>> -> memref<!tpu.dma_semaphore, #tpu.memory_space<semaphore_mem>>
        tpu.enqueue_indirect_dma source(%dma_start3A_311 : memref<80x32xf32, #tpu.memory_space<vmem>>) target(%dma_start3A_315 : memref<10000x32xf32, #tpu.memory_space<vmem_shared>>) offsets(%dma_start3A_312 : memref<80xi32, #tpu.memory_space<vmem>>) semaphore(%dma_start3A_317 : memref<!tpu.dma_semaphore, #tpu.memory_space<semaphore_mem>>) {add = true}
      } else {
      }
      %add3A_179 = arith.constant 0 : i32
      %add3A_180 = arith.addi %mul3A_125, %add3A_179 : i32
      %add3A_181 = arith.constant 8 : i32
      %add3A_182 = arith.addi %add3A_180, %add3A_181 : i32
      %lt3A_183 = arith.constant 125 : i32
      %lt3A_184 = arith.cmpi slt, %add3A_180, %lt3A_183 : i32
      %convert_element_type3A_185 = arith.extui %lt3A_184 : i1 to i32
      %cond3A_186 = arith.constant 0 : i32
      %cond3A_187 = arith.cmpi ne, %convert_element_type3A_185, %cond3A_186 : i32
      scf.if %cond3A_187 {
        %mul3A_291 = arith.constant 80 : i32
        %mul3A_292 = arith.muli %add3A_180, %mul3A_291 : i32
        %dma_wait3A = arith.constant 0 : i32
        %dma_wait3A_293 = arith.constant 0 : i32
        %dma_wait3A_294 = arith.constant 0 : i32
        %dma_wait3A_295 = arith.constant 0 : i32
        %dma_wait3A_296 = tpu.memref_slice %arg8[%dma_wait3A, %dma_wait3A_294, %dma_wait3A_295] : memref<8x80x32xf32, #tpu.memory_space<vmem>> -> memref<1x80x32xf32, #tpu.memory_space<vmem>>
        %dma_wait3A_297 = tpu.memref_squeeze %dma_wait3A_296 : memref<1x80x32xf32, #tpu.memory_space<vmem>> -> memref<80x32xf32, #tpu.memory_space<vmem>>
        %dma_wait3A_298 = tpu.memref_slice %arg7[%mul3A_292] : memref<10000xi32, #tpu.memory_space<vmem>> -> memref<80xi32, #tpu.memory_space<vmem>>
        %dma_wait3A_299 = arith.constant 0 : i32
        %dma_wait3A_300 = arith.constant 0 : i32
        %dma_wait3A_301 = tpu.memref_slice %arg9[%dma_wait3A_299, %dma_wait3A_300] : memref<10000x32xf32, #tpu.memory_space<vmem_shared>> -> memref<10000x32xf32, #tpu.memory_space<vmem_shared>>
        %dma_wait3A_302 = tpu.memref_slice %arg11[%dma_wait3A_293] : memref<8x!tpu.dma_semaphore, #tpu.memory_space<semaphore_mem>> -> memref<1x!tpu.dma_semaphore, #tpu.memory_space<semaphore_mem>>
        %dma_wait3A_303 = tpu.memref_squeeze %dma_wait3A_302 : memref<1x!tpu.dma_semaphore, #tpu.memory_space<semaphore_mem>> -> memref<!tpu.dma_semaphore, #tpu.memory_space<semaphore_mem>>
        tpu.wait_indirect_dma semaphore(%dma_wait3A_303 : memref<!tpu.dma_semaphore, #tpu.memory_space<semaphore_mem>>) src(%dma_wait3A_297 : memref<80x32xf32, #tpu.memory_space<vmem>>) dst(%dma_wait3A_301 : memref<10000x32xf32, #tpu.memory_space<vmem_shared>>)
      } else {
      }
      %lt3A_188 = arith.constant 125 : i32
      %lt3A_189 = arith.cmpi slt, %add3A_182, %lt3A_188 : i32
      %convert_element_type3A_190 = arith.extui %lt3A_189 : i1 to i32
      %cond3A_191 = arith.constant 0 : i32
      %cond3A_192 = arith.cmpi ne, %convert_element_type3A_190, %cond3A_191 : i32
      scf.if %cond3A_192 {
        %mul3A_291 = arith.constant 80 : i32
        %mul3A_292 = arith.muli %add3A_182, %mul3A_291 : i32
        %dma_start3A_293 = arith.constant 0 : i32
        %dma_start3A_294 = arith.constant 0 : i32
        %dma_start3A_295 = arith.constant 0 : i32
        %dma_start3A_296 = arith.constant 0 : i32
        %dma_start3A_297 = tpu.memref_slice %arg8[%dma_start3A_293, %dma_start3A_295, %dma_start3A_296] : memref<8x80x32xf32, #tpu.memory_space<vmem>> -> memref<1x80x32xf32, #tpu.memory_space<vmem>>
        %dma_start3A_298 = tpu.memref_squeeze %dma_start3A_297 : memref<1x80x32xf32, #tpu.memory_space<vmem>> -> memref<80x32xf32, #tpu.memory_space<vmem>>
        %dma_start3A_299 = tpu.memref_slice %arg6[%mul3A_292] : memref<10000xi32, #tpu.memory_space<vmem>> -> memref<80xi32, #tpu.memory_space<vmem>>
        %dma_start3A_300 = arith.constant 0 : i32
        %dma_start3A_301 = arith.constant 0 : i32
        %dma_start3A_302 = tpu.memref_slice %arg3[%dma_start3A_300, %dma_start3A_301] : memref<10000x32xf32, #tpu.memory_space<hbm>> -> memref<10000x32xf32, #tpu.memory_space<hbm>>
        %dma_start3A_303 = tpu.memref_slice %arg10[%dma_start3A_294] : memref<8x!tpu.dma_semaphore, #tpu.memory_space<semaphore_mem>> -> memref<1x!tpu.dma_semaphore, #tpu.memory_space<semaphore_mem>>
        %dma_start3A_304 = tpu.memref_squeeze %dma_start3A_303 : memref<1x!tpu.dma_semaphore, #tpu.memory_space<semaphore_mem>> -> memref<!tpu.dma_semaphore, #tpu.memory_space<semaphore_mem>>
        tpu.enqueue_indirect_dma source(%dma_start3A_302 : memref<10000x32xf32, #tpu.memory_space<hbm>>) target(%dma_start3A_298 : memref<80x32xf32, #tpu.memory_space<vmem>>) offsets(%dma_start3A_299 : memref<80xi32, #tpu.memory_space<vmem>>) semaphore(%dma_start3A_304 : memref<!tpu.dma_semaphore, #tpu.memory_space<semaphore_mem>>)
      } else {
      }
      %add3A_193 = arith.constant 1 : i32
      %add3A_194 = arith.addi %mul3A_125, %add3A_193 : i32
      %add3A_195 = arith.constant 8 : i32
      %add3A_196 = arith.addi %add3A_194, %add3A_195 : i32
      %lt3A_197 = arith.constant 125 : i32
      %lt3A_198 = arith.cmpi slt, %add3A_194, %lt3A_197 : i32
      %convert_element_type3A_199 = arith.extui %lt3A_198 : i1 to i32
      %cond3A_200 = arith.constant 0 : i32
      %cond3A_201 = arith.cmpi ne, %convert_element_type3A_199, %cond3A_200 : i32
      scf.if %cond3A_201 {
        %mul3A_291 = arith.constant 80 : i32
        %mul3A_292 = arith.muli %add3A_194, %mul3A_291 : i32
        %dma_wait3A = arith.constant 1 : i32
        %dma_wait3A_293 = arith.constant 1 : i32
        %dma_wait3A_294 = arith.constant 0 : i32
        %dma_wait3A_295 = arith.constant 0 : i32
        %dma_wait3A_296 = tpu.memref_slice %arg8[%dma_wait3A, %dma_wait3A_294, %dma_wait3A_295] : memref<8x80x32xf32, #tpu.memory_space<vmem>> -> memref<1x80x32xf32, #tpu.memory_space<vmem>>
        %dma_wait3A_297 = tpu.memref_squeeze %dma_wait3A_296 : memref<1x80x32xf32, #tpu.memory_space<vmem>> -> memref<80x32xf32, #tpu.memory_space<vmem>>
        %dma_wait3A_298 = tpu.memref_slice %arg7[%mul3A_292] : memref<10000xi32, #tpu.memory_space<vmem>> -> memref<80xi32, #tpu.memory_space<vmem>>
        %dma_wait3A_299 = arith.constant 0 : i32
        %dma_wait3A_300 = arith.constant 0 : i32
        %dma_wait3A_301 = tpu.memref_slice %arg9[%dma_wait3A_299, %dma_wait3A_300] : memref<10000x32xf32, #tpu.memory_space<vmem_shared>> -> memref<10000x32xf32, #tpu.memory_space<vmem_shared>>
        %dma_wait3A_302 = tpu.memref_slice %arg11[%dma_wait3A_293] : memref<8x!tpu.dma_semaphore, #tpu.memory_space<semaphore_mem>> -> memref<1x!tpu.dma_semaphore, #tpu.memory_space<semaphore_mem>>
        %dma_wait3A_303 = tpu.memref_squeeze %dma_wait3A_302 : memref<1x!tpu.dma_semaphore, #tpu.memory_space<semaphore_mem>> -> memref<!tpu.dma_semaphore, #tpu.memory_space<semaphore_mem>>
        tpu.wait_indirect_dma semaphore(%dma_wait3A_303 : memref<!tpu.dma_semaphore, #tpu.memory_space<semaphore_mem>>) src(%dma_wait3A_297 : memref<80x32xf32, #tpu.memory_space<vmem>>) dst(%dma_wait3A_301 : memref<10000x32xf32, #tpu.memory_space<vmem_shared>>)
      } else {
      }
      %lt3A_202 = arith.constant 125 : i32
      %lt3A_203 = arith.cmpi slt, %add3A_196, %lt3A_202 : i32
      %convert_element_type3A_204 = arith.extui %lt3A_203 : i1 to i32
      %cond3A_205 = arith.constant 0 : i32
      %cond3A_206 = arith.cmpi ne, %convert_element_type3A_204, %cond3A_205 : i32
      scf.if %cond3A_206 {
        %mul3A_291 = arith.constant 80 : i32
        %mul3A_292 = arith.muli %add3A_196, %mul3A_291 : i32
        %dma_start3A_293 = arith.constant 1 : i32
        %dma_start3A_294 = arith.constant 1 : i32
        %dma_start3A_295 = arith.constant 0 : i32
        %dma_start3A_296 = arith.constant 0 : i32
        %dma_start3A_297 = tpu.memref_slice %arg8[%dma_start3A_293, %dma_start3A_295, %dma_start3A_296] : memref<8x80x32xf32, #tpu.memory_space<vmem>> -> memref<1x80x32xf32, #tpu.memory_space<vmem>>
        %dma_start3A_298 = tpu.memref_squeeze %dma_start3A_297 : memref<1x80x32xf32, #tpu.memory_space<vmem>> -> memref<80x32xf32, #tpu.memory_space<vmem>>
        %dma_start3A_299 = tpu.memref_slice %arg6[%mul3A_292] : memref<10000xi32, #tpu.memory_space<vmem>> -> memref<80xi32, #tpu.memory_space<vmem>>
        %dma_start3A_300 = arith.constant 0 : i32
        %dma_start3A_301 = arith.constant 0 : i32
        %dma_start3A_302 = tpu.memref_slice %arg3[%dma_start3A_300, %dma_start3A_301] : memref<10000x32xf32, #tpu.memory_space<hbm>> -> memref<10000x32xf32, #tpu.memory_space<hbm>>
        %dma_start3A_303 = tpu.memref_slice %arg10[%dma_start3A_294] : memref<8x!tpu.dma_semaphore, #tpu.memory_space<semaphore_mem>> -> memref<1x!tpu.dma_semaphore, #tpu.memory_space<semaphore_mem>>
        %dma_start3A_304 = tpu.memref_squeeze %dma_start3A_303 : memref<1x!tpu.dma_semaphore, #tpu.memory_space<semaphore_mem>> -> memref<!tpu.dma_semaphore, #tpu.memory_space<semaphore_mem>>
        tpu.enqueue_indirect_dma source(%dma_start3A_302 : memref<10000x32xf32, #tpu.memory_space<hbm>>) target(%dma_start3A_298 : memref<80x32xf32, #tpu.memory_space<vmem>>) offsets(%dma_start3A_299 : memref<80xi32, #tpu.memory_space<vmem>>) semaphore(%dma_start3A_304 : memref<!tpu.dma_semaphore, #tpu.memory_space<semaphore_mem>>)
      } else {
      }
      %add3A_207 = arith.constant 2 : i32
      %add3A_208 = arith.addi %mul3A_125, %add3A_207 : i32
      %add3A_209 = arith.constant 8 : i32
      %add3A_210 = arith.addi %add3A_208, %add3A_209 : i32
      %lt3A_211 = arith.constant 125 : i32
      %lt3A_212 = arith.cmpi slt, %add3A_208, %lt3A_211 : i32
      %convert_element_type3A_213 = arith.extui %lt3A_212 : i1 to i32
      %cond3A_214 = arith.constant 0 : i32
      %cond3A_215 = arith.cmpi ne, %convert_element_type3A_213, %cond3A_214 : i32
      scf.if %cond3A_215 {
        %mul3A_291 = arith.constant 80 : i32
        %mul3A_292 = arith.muli %add3A_208, %mul3A_291 : i32
        %dma_wait3A = arith.constant 2 : i32
        %dma_wait3A_293 = arith.constant 2 : i32
        %dma_wait3A_294 = arith.constant 0 : i32
        %dma_wait3A_295 = arith.constant 0 : i32
        %dma_wait3A_296 = tpu.memref_slice %arg8[%dma_wait3A, %dma_wait3A_294, %dma_wait3A_295] : memref<8x80x32xf32, #tpu.memory_space<vmem>> -> memref<1x80x32xf32, #tpu.memory_space<vmem>>
        %dma_wait3A_297 = tpu.memref_squeeze %dma_wait3A_296 : memref<1x80x32xf32, #tpu.memory_space<vmem>> -> memref<80x32xf32, #tpu.memory_space<vmem>>
        %dma_wait3A_298 = tpu.memref_slice %arg7[%mul3A_292] : memref<10000xi32, #tpu.memory_space<vmem>> -> memref<80xi32, #tpu.memory_space<vmem>>
        %dma_wait3A_299 = arith.constant 0 : i32
        %dma_wait3A_300 = arith.constant 0 : i32
        %dma_wait3A_301 = tpu.memref_slice %arg9[%dma_wait3A_299, %dma_wait3A_300] : memref<10000x32xf32, #tpu.memory_space<vmem_shared>> -> memref<10000x32xf32, #tpu.memory_space<vmem_shared>>
        %dma_wait3A_302 = tpu.memref_slice %arg11[%dma_wait3A_293] : memref<8x!tpu.dma_semaphore, #tpu.memory_space<semaphore_mem>> -> memref<1x!tpu.dma_semaphore, #tpu.memory_space<semaphore_mem>>
        %dma_wait3A_303 = tpu.memref_squeeze %dma_wait3A_302 : memref<1x!tpu.dma_semaphore, #tpu.memory_space<semaphore_mem>> -> memref<!tpu.dma_semaphore, #tpu.memory_space<semaphore_mem>>
        tpu.wait_indirect_dma semaphore(%dma_wait3A_303 : memref<!tpu.dma_semaphore, #tpu.memory_space<semaphore_mem>>) src(%dma_wait3A_297 : memref<80x32xf32, #tpu.memory_space<vmem>>) dst(%dma_wait3A_301 : memref<10000x32xf32, #tpu.memory_space<vmem_shared>>)
      } else {
      }
      %lt3A_216 = arith.constant 125 : i32
      %lt3A_217 = arith.cmpi slt, %add3A_210, %lt3A_216 : i32
      %convert_element_type3A_218 = arith.extui %lt3A_217 : i1 to i32
      %cond3A_219 = arith.constant 0 : i32
      %cond3A_220 = arith.cmpi ne, %convert_element_type3A_218, %cond3A_219 : i32
      scf.if %cond3A_220 {
        %mul3A_291 = arith.constant 80 : i32
        %mul3A_292 = arith.muli %add3A_210, %mul3A_291 : i32
        %dma_start3A_293 = arith.constant 2 : i32
        %dma_start3A_294 = arith.constant 2 : i32
        %dma_start3A_295 = arith.constant 0 : i32
        %dma_start3A_296 = arith.constant 0 : i32
        %dma_start3A_297 = tpu.memref_slice %arg8[%dma_start3A_293, %dma_start3A_295, %dma_start3A_296] : memref<8x80x32xf32, #tpu.memory_space<vmem>> -> memref<1x80x32xf32, #tpu.memory_space<vmem>>
        %dma_start3A_298 = tpu.memref_squeeze %dma_start3A_297 : memref<1x80x32xf32, #tpu.memory_space<vmem>> -> memref<80x32xf32, #tpu.memory_space<vmem>>
        %dma_start3A_299 = tpu.memref_slice %arg6[%mul3A_292] : memref<10000xi32, #tpu.memory_space<vmem>> -> memref<80xi32, #tpu.memory_space<vmem>>
        %dma_start3A_300 = arith.constant 0 : i32
        %dma_start3A_301 = arith.constant 0 : i32
        %dma_start3A_302 = tpu.memref_slice %arg3[%dma_start3A_300, %dma_start3A_301] : memref<10000x32xf32, #tpu.memory_space<hbm>> -> memref<10000x32xf32, #tpu.memory_space<hbm>>
        %dma_start3A_303 = tpu.memref_slice %arg10[%dma_start3A_294] : memref<8x!tpu.dma_semaphore, #tpu.memory_space<semaphore_mem>> -> memref<1x!tpu.dma_semaphore, #tpu.memory_space<semaphore_mem>>
        %dma_start3A_304 = tpu.memref_squeeze %dma_start3A_303 : memref<1x!tpu.dma_semaphore, #tpu.memory_space<semaphore_mem>> -> memref<!tpu.dma_semaphore, #tpu.memory_space<semaphore_mem>>
        tpu.enqueue_indirect_dma source(%dma_start3A_302 : memref<10000x32xf32, #tpu.memory_space<hbm>>) target(%dma_start3A_298 : memref<80x32xf32, #tpu.memory_space<vmem>>) offsets(%dma_start3A_299 : memref<80xi32, #tpu.memory_space<vmem>>) semaphore(%dma_start3A_304 : memref<!tpu.dma_semaphore, #tpu.memory_space<semaphore_mem>>)
      } else {
      }
      %add3A_221 = arith.constant 3 : i32
      %add3A_222 = arith.addi %mul3A_125, %add3A_221 : i32
      %add3A_223 = arith.constant 8 : i32
      %add3A_224 = arith.addi %add3A_222, %add3A_223 : i32
      %lt3A_225 = arith.constant 125 : i32
      %lt3A_226 = arith.cmpi slt, %add3A_222, %lt3A_225 : i32
      %convert_element_type3A_227 = arith.extui %lt3A_226 : i1 to i32
      %cond3A_228 = arith.constant 0 : i32
      %cond3A_229 = arith.cmpi ne, %convert_element_type3A_227, %cond3A_228 : i32
      scf.if %cond3A_229 {
        %mul3A_291 = arith.constant 80 : i32
        %mul3A_292 = arith.muli %add3A_222, %mul3A_291 : i32
        %dma_wait3A = arith.constant 3 : i32
        %dma_wait3A_293 = arith.constant 3 : i32
        %dma_wait3A_294 = arith.constant 0 : i32
        %dma_wait3A_295 = arith.constant 0 : i32
        %dma_wait3A_296 = tpu.memref_slice %arg8[%dma_wait3A, %dma_wait3A_294, %dma_wait3A_295] : memref<8x80x32xf32, #tpu.memory_space<vmem>> -> memref<1x80x32xf32, #tpu.memory_space<vmem>>
        %dma_wait3A_297 = tpu.memref_squeeze %dma_wait3A_296 : memref<1x80x32xf32, #tpu.memory_space<vmem>> -> memref<80x32xf32, #tpu.memory_space<vmem>>
        %dma_wait3A_298 = tpu.memref_slice %arg7[%mul3A_292] : memref<10000xi32, #tpu.memory_space<vmem>> -> memref<80xi32, #tpu.memory_space<vmem>>
        %dma_wait3A_299 = arith.constant 0 : i32
        %dma_wait3A_300 = arith.constant 0 : i32
        %dma_wait3A_301 = tpu.memref_slice %arg9[%dma_wait3A_299, %dma_wait3A_300] : memref<10000x32xf32, #tpu.memory_space<vmem_shared>> -> memref<10000x32xf32, #tpu.memory_space<vmem_shared>>
        %dma_wait3A_302 = tpu.memref_slice %arg11[%dma_wait3A_293] : memref<8x!tpu.dma_semaphore, #tpu.memory_space<semaphore_mem>> -> memref<1x!tpu.dma_semaphore, #tpu.memory_space<semaphore_mem>>
        %dma_wait3A_303 = tpu.memref_squeeze %dma_wait3A_302 : memref<1x!tpu.dma_semaphore, #tpu.memory_space<semaphore_mem>> -> memref<!tpu.dma_semaphore, #tpu.memory_space<semaphore_mem>>
        tpu.wait_indirect_dma semaphore(%dma_wait3A_303 : memref<!tpu.dma_semaphore, #tpu.memory_space<semaphore_mem>>) src(%dma_wait3A_297 : memref<80x32xf32, #tpu.memory_space<vmem>>) dst(%dma_wait3A_301 : memref<10000x32xf32, #tpu.memory_space<vmem_shared>>)
      } else {
      }
      %lt3A_230 = arith.constant 125 : i32
      %lt3A_231 = arith.cmpi slt, %add3A_224, %lt3A_230 : i32
      %convert_element_type3A_232 = arith.extui %lt3A_231 : i1 to i32
      %cond3A_233 = arith.constant 0 : i32
      %cond3A_234 = arith.cmpi ne, %convert_element_type3A_232, %cond3A_233 : i32
      scf.if %cond3A_234 {
        %mul3A_291 = arith.constant 80 : i32
        %mul3A_292 = arith.muli %add3A_224, %mul3A_291 : i32
        %dma_start3A_293 = arith.constant 3 : i32
        %dma_start3A_294 = arith.constant 3 : i32
        %dma_start3A_295 = arith.constant 0 : i32
        %dma_start3A_296 = arith.constant 0 : i32
        %dma_start3A_297 = tpu.memref_slice %arg8[%dma_start3A_293, %dma_start3A_295, %dma_start3A_296] : memref<8x80x32xf32, #tpu.memory_space<vmem>> -> memref<1x80x32xf32, #tpu.memory_space<vmem>>
        %dma_start3A_298 = tpu.memref_squeeze %dma_start3A_297 : memref<1x80x32xf32, #tpu.memory_space<vmem>> -> memref<80x32xf32, #tpu.memory_space<vmem>>
        %dma_start3A_299 = tpu.memref_slice %arg6[%mul3A_292] : memref<10000xi32, #tpu.memory_space<vmem>> -> memref<80xi32, #tpu.memory_space<vmem>>
        %dma_start3A_300 = arith.constant 0 : i32
        %dma_start3A_301 = arith.constant 0 : i32
        %dma_start3A_302 = tpu.memref_slice %arg3[%dma_start3A_300, %dma_start3A_301] : memref<10000x32xf32, #tpu.memory_space<hbm>> -> memref<10000x32xf32, #tpu.memory_space<hbm>>
        %dma_start3A_303 = tpu.memref_slice %arg10[%dma_start3A_294] : memref<8x!tpu.dma_semaphore, #tpu.memory_space<semaphore_mem>> -> memref<1x!tpu.dma_semaphore, #tpu.memory_space<semaphore_mem>>
        %dma_start3A_304 = tpu.memref_squeeze %dma_start3A_303 : memref<1x!tpu.dma_semaphore, #tpu.memory_space<semaphore_mem>> -> memref<!tpu.dma_semaphore, #tpu.memory_space<semaphore_mem>>
        tpu.enqueue_indirect_dma source(%dma_start3A_302 : memref<10000x32xf32, #tpu.memory_space<hbm>>) target(%dma_start3A_298 : memref<80x32xf32, #tpu.memory_space<vmem>>) offsets(%dma_start3A_299 : memref<80xi32, #tpu.memory_space<vmem>>) semaphore(%dma_start3A_304 : memref<!tpu.dma_semaphore, #tpu.memory_space<semaphore_mem>>)
      } else {
      }
      %add3A_235 = arith.constant 4 : i32
      %add3A_236 = arith.addi %mul3A_125, %add3A_235 : i32
      %add3A_237 = arith.constant 8 : i32
      %add3A_238 = arith.addi %add3A_236, %add3A_237 : i32
      %lt3A_239 = arith.constant 125 : i32
      %lt3A_240 = arith.cmpi slt, %add3A_236, %lt3A_239 : i32
      %convert_element_type3A_241 = arith.extui %lt3A_240 : i1 to i32
      %cond3A_242 = arith.constant 0 : i32
      %cond3A_243 = arith.cmpi ne, %convert_element_type3A_241, %cond3A_242 : i32
      scf.if %cond3A_243 {
        %mul3A_291 = arith.constant 80 : i32
        %mul3A_292 = arith.muli %add3A_236, %mul3A_291 : i32
        %dma_wait3A = arith.constant 4 : i32
        %dma_wait3A_293 = arith.constant 4 : i32
        %dma_wait3A_294 = arith.constant 0 : i32
        %dma_wait3A_295 = arith.constant 0 : i32
        %dma_wait3A_296 = tpu.memref_slice %arg8[%dma_wait3A, %dma_wait3A_294, %dma_wait3A_295] : memref<8x80x32xf32, #tpu.memory_space<vmem>> -> memref<1x80x32xf32, #tpu.memory_space<vmem>>
        %dma_wait3A_297 = tpu.memref_squeeze %dma_wait3A_296 : memref<1x80x32xf32, #tpu.memory_space<vmem>> -> memref<80x32xf32, #tpu.memory_space<vmem>>
        %dma_wait3A_298 = tpu.memref_slice %arg7[%mul3A_292] : memref<10000xi32, #tpu.memory_space<vmem>> -> memref<80xi32, #tpu.memory_space<vmem>>
        %dma_wait3A_299 = arith.constant 0 : i32
        %dma_wait3A_300 = arith.constant 0 : i32
        %dma_wait3A_301 = tpu.memref_slice %arg9[%dma_wait3A_299, %dma_wait3A_300] : memref<10000x32xf32, #tpu.memory_space<vmem_shared>> -> memref<10000x32xf32, #tpu.memory_space<vmem_shared>>
        %dma_wait3A_302 = tpu.memref_slice %arg11[%dma_wait3A_293] : memref<8x!tpu.dma_semaphore, #tpu.memory_space<semaphore_mem>> -> memref<1x!tpu.dma_semaphore, #tpu.memory_space<semaphore_mem>>
        %dma_wait3A_303 = tpu.memref_squeeze %dma_wait3A_302 : memref<1x!tpu.dma_semaphore, #tpu.memory_space<semaphore_mem>> -> memref<!tpu.dma_semaphore, #tpu.memory_space<semaphore_mem>>
        tpu.wait_indirect_dma semaphore(%dma_wait3A_303 : memref<!tpu.dma_semaphore, #tpu.memory_space<semaphore_mem>>) src(%dma_wait3A_297 : memref<80x32xf32, #tpu.memory_space<vmem>>) dst(%dma_wait3A_301 : memref<10000x32xf32, #tpu.memory_space<vmem_shared>>)
      } else {
      }
      %lt3A_244 = arith.constant 125 : i32
      %lt3A_245 = arith.cmpi slt, %add3A_238, %lt3A_244 : i32
      %convert_element_type3A_246 = arith.extui %lt3A_245 : i1 to i32
      %cond3A_247 = arith.constant 0 : i32
      %cond3A_248 = arith.cmpi ne, %convert_element_type3A_246, %cond3A_247 : i32
      scf.if %cond3A_248 {
        %mul3A_291 = arith.constant 80 : i32
        %mul3A_292 = arith.muli %add3A_238, %mul3A_291 : i32
        %dma_start3A_293 = arith.constant 4 : i32
        %dma_start3A_294 = arith.constant 4 : i32
        %dma_start3A_295 = arith.constant 0 : i32
        %dma_start3A_296 = arith.constant 0 : i32
        %dma_start3A_297 = tpu.memref_slice %arg8[%dma_start3A_293, %dma_start3A_295, %dma_start3A_296] : memref<8x80x32xf32, #tpu.memory_space<vmem>> -> memref<1x80x32xf32, #tpu.memory_space<vmem>>
        %dma_start3A_298 = tpu.memref_squeeze %dma_start3A_297 : memref<1x80x32xf32, #tpu.memory_space<vmem>> -> memref<80x32xf32, #tpu.memory_space<vmem>>
        %dma_start3A_299 = tpu.memref_slice %arg6[%mul3A_292] : memref<10000xi32, #tpu.memory_space<vmem>> -> memref<80xi32, #tpu.memory_space<vmem>>
        %dma_start3A_300 = arith.constant 0 : i32
        %dma_start3A_301 = arith.constant 0 : i32
        %dma_start3A_302 = tpu.memref_slice %arg3[%dma_start3A_300, %dma_start3A_301] : memref<10000x32xf32, #tpu.memory_space<hbm>> -> memref<10000x32xf32, #tpu.memory_space<hbm>>
        %dma_start3A_303 = tpu.memref_slice %arg10[%dma_start3A_294] : memref<8x!tpu.dma_semaphore, #tpu.memory_space<semaphore_mem>> -> memref<1x!tpu.dma_semaphore, #tpu.memory_space<semaphore_mem>>
        %dma_start3A_304 = tpu.memref_squeeze %dma_start3A_303 : memref<1x!tpu.dma_semaphore, #tpu.memory_space<semaphore_mem>> -> memref<!tpu.dma_semaphore, #tpu.memory_space<semaphore_mem>>
        tpu.enqueue_indirect_dma source(%dma_start3A_302 : memref<10000x32xf32, #tpu.memory_space<hbm>>) target(%dma_start3A_298 : memref<80x32xf32, #tpu.memory_space<vmem>>) offsets(%dma_start3A_299 : memref<80xi32, #tpu.memory_space<vmem>>) semaphore(%dma_start3A_304 : memref<!tpu.dma_semaphore, #tpu.memory_space<semaphore_mem>>)
      } else {
      }
      %add3A_249 = arith.constant 5 : i32
      %add3A_250 = arith.addi %mul3A_125, %add3A_249 : i32
      %add3A_251 = arith.constant 8 : i32
      %add3A_252 = arith.addi %add3A_250, %add3A_251 : i32
      %lt3A_253 = arith.constant 125 : i32
      %lt3A_254 = arith.cmpi slt, %add3A_250, %lt3A_253 : i32
      %convert_element_type3A_255 = arith.extui %lt3A_254 : i1 to i32
      %cond3A_256 = arith.constant 0 : i32
      %cond3A_257 = arith.cmpi ne, %convert_element_type3A_255, %cond3A_256 : i32
      scf.if %cond3A_257 {
        %mul3A_291 = arith.constant 80 : i32
        %mul3A_292 = arith.muli %add3A_250, %mul3A_291 : i32
        %dma_wait3A = arith.constant 5 : i32
        %dma_wait3A_293 = arith.constant 5 : i32
        %dma_wait3A_294 = arith.constant 0 : i32
        %dma_wait3A_295 = arith.constant 0 : i32
        %dma_wait3A_296 = tpu.memref_slice %arg8[%dma_wait3A, %dma_wait3A_294, %dma_wait3A_295] : memref<8x80x32xf32, #tpu.memory_space<vmem>> -> memref<1x80x32xf32, #tpu.memory_space<vmem>>
        %dma_wait3A_297 = tpu.memref_squeeze %dma_wait3A_296 : memref<1x80x32xf32, #tpu.memory_space<vmem>> -> memref<80x32xf32, #tpu.memory_space<vmem>>
        %dma_wait3A_298 = tpu.memref_slice %arg7[%mul3A_292] : memref<10000xi32, #tpu.memory_space<vmem>> -> memref<80xi32, #tpu.memory_space<vmem>>
        %dma_wait3A_299 = arith.constant 0 : i32
        %dma_wait3A_300 = arith.constant 0 : i32
        %dma_wait3A_301 = tpu.memref_slice %arg9[%dma_wait3A_299, %dma_wait3A_300] : memref<10000x32xf32, #tpu.memory_space<vmem_shared>> -> memref<10000x32xf32, #tpu.memory_space<vmem_shared>>
        %dma_wait3A_302 = tpu.memref_slice %arg11[%dma_wait3A_293] : memref<8x!tpu.dma_semaphore, #tpu.memory_space<semaphore_mem>> -> memref<1x!tpu.dma_semaphore, #tpu.memory_space<semaphore_mem>>
        %dma_wait3A_303 = tpu.memref_squeeze %dma_wait3A_302 : memref<1x!tpu.dma_semaphore, #tpu.memory_space<semaphore_mem>> -> memref<!tpu.dma_semaphore, #tpu.memory_space<semaphore_mem>>
        tpu.wait_indirect_dma semaphore(%dma_wait3A_303 : memref<!tpu.dma_semaphore, #tpu.memory_space<semaphore_mem>>) src(%dma_wait3A_297 : memref<80x32xf32, #tpu.memory_space<vmem>>) dst(%dma_wait3A_301 : memref<10000x32xf32, #tpu.memory_space<vmem_shared>>)
      } else {
      }
      %lt3A_258 = arith.constant 125 : i32
      %lt3A_259 = arith.cmpi slt, %add3A_252, %lt3A_258 : i32
      %convert_element_type3A_260 = arith.extui %lt3A_259 : i1 to i32
      %cond3A_261 = arith.constant 0 : i32
      %cond3A_262 = arith.cmpi ne, %convert_element_type3A_260, %cond3A_261 : i32
      scf.if %cond3A_262 {
        %mul3A_291 = arith.constant 80 : i32
        %mul3A_292 = arith.muli %add3A_252, %mul3A_291 : i32
        %dma_start3A_293 = arith.constant 5 : i32
        %dma_start3A_294 = arith.constant 5 : i32
        %dma_start3A_295 = arith.constant 0 : i32
        %dma_start3A_296 = arith.constant 0 : i32
        %dma_start3A_297 = tpu.memref_slice %arg8[%dma_start3A_293, %dma_start3A_295, %dma_start3A_296] : memref<8x80x32xf32, #tpu.memory_space<vmem>> -> memref<1x80x32xf32, #tpu.memory_space<vmem>>
        %dma_start3A_298 = tpu.memref_squeeze %dma_start3A_297 : memref<1x80x32xf32, #tpu.memory_space<vmem>> -> memref<80x32xf32, #tpu.memory_space<vmem>>
        %dma_start3A_299 = tpu.memref_slice %arg6[%mul3A_292] : memref<10000xi32, #tpu.memory_space<vmem>> -> memref<80xi32, #tpu.memory_space<vmem>>
        %dma_start3A_300 = arith.constant 0 : i32
        %dma_start3A_301 = arith.constant 0 : i32
        %dma_start3A_302 = tpu.memref_slice %arg3[%dma_start3A_300, %dma_start3A_301] : memref<10000x32xf32, #tpu.memory_space<hbm>> -> memref<10000x32xf32, #tpu.memory_space<hbm>>
        %dma_start3A_303 = tpu.memref_slice %arg10[%dma_start3A_294] : memref<8x!tpu.dma_semaphore, #tpu.memory_space<semaphore_mem>> -> memref<1x!tpu.dma_semaphore, #tpu.memory_space<semaphore_mem>>
        %dma_start3A_304 = tpu.memref_squeeze %dma_start3A_303 : memref<1x!tpu.dma_semaphore, #tpu.memory_space<semaphore_mem>> -> memref<!tpu.dma_semaphore, #tpu.memory_space<semaphore_mem>>
        tpu.enqueue_indirect_dma source(%dma_start3A_302 : memref<10000x32xf32, #tpu.memory_space<hbm>>) target(%dma_start3A_298 : memref<80x32xf32, #tpu.memory_space<vmem>>) offsets(%dma_start3A_299 : memref<80xi32, #tpu.memory_space<vmem>>) semaphore(%dma_start3A_304 : memref<!tpu.dma_semaphore, #tpu.memory_space<semaphore_mem>>)
      } else {
      }
      %add3A_263 = arith.constant 6 : i32
      %add3A_264 = arith.addi %mul3A_125, %add3A_263 : i32
      %add3A_265 = arith.constant 8 : i32
      %add3A_266 = arith.addi %add3A_264, %add3A_265 : i32
      %lt3A_267 = arith.constant 125 : i32
      %lt3A_268 = arith.cmpi slt, %add3A_264, %lt3A_267 : i32
      %convert_element_type3A_269 = arith.extui %lt3A_268 : i1 to i32
      %cond3A_270 = arith.constant 0 : i32
      %cond3A_271 = arith.cmpi ne, %convert_element_type3A_269, %cond3A_270 : i32
      scf.if %cond3A_271 {
        %mul3A_291 = arith.constant 80 : i32
        %mul3A_292 = arith.muli %add3A_264, %mul3A_291 : i32
        %dma_wait3A = arith.constant 6 : i32
        %dma_wait3A_293 = arith.constant 6 : i32
        %dma_wait3A_294 = arith.constant 0 : i32
        %dma_wait3A_295 = arith.constant 0 : i32
        %dma_wait3A_296 = tpu.memref_slice %arg8[%dma_wait3A, %dma_wait3A_294, %dma_wait3A_295] : memref<8x80x32xf32, #tpu.memory_space<vmem>> -> memref<1x80x32xf32, #tpu.memory_space<vmem>>
        %dma_wait3A_297 = tpu.memref_squeeze %dma_wait3A_296 : memref<1x80x32xf32, #tpu.memory_space<vmem>> -> memref<80x32xf32, #tpu.memory_space<vmem>>
        %dma_wait3A_298 = tpu.memref_slice %arg7[%mul3A_292] : memref<10000xi32, #tpu.memory_space<vmem>> -> memref<80xi32, #tpu.memory_space<vmem>>
        %dma_wait3A_299 = arith.constant 0 : i32
        %dma_wait3A_300 = arith.constant 0 : i32
        %dma_wait3A_301 = tpu.memref_slice %arg9[%dma_wait3A_299, %dma_wait3A_300] : memref<10000x32xf32, #tpu.memory_space<vmem_shared>> -> memref<10000x32xf32, #tpu.memory_space<vmem_shared>>
        %dma_wait3A_302 = tpu.memref_slice %arg11[%dma_wait3A_293] : memref<8x!tpu.dma_semaphore, #tpu.memory_space<semaphore_mem>> -> memref<1x!tpu.dma_semaphore, #tpu.memory_space<semaphore_mem>>
        %dma_wait3A_303 = tpu.memref_squeeze %dma_wait3A_302 : memref<1x!tpu.dma_semaphore, #tpu.memory_space<semaphore_mem>> -> memref<!tpu.dma_semaphore, #tpu.memory_space<semaphore_mem>>
        tpu.wait_indirect_dma semaphore(%dma_wait3A_303 : memref<!tpu.dma_semaphore, #tpu.memory_space<semaphore_mem>>) src(%dma_wait3A_297 : memref<80x32xf32, #tpu.memory_space<vmem>>) dst(%dma_wait3A_301 : memref<10000x32xf32, #tpu.memory_space<vmem_shared>>)
      } else {
      }
      %lt3A_272 = arith.constant 125 : i32
      %lt3A_273 = arith.cmpi slt, %add3A_266, %lt3A_272 : i32
      %convert_element_type3A_274 = arith.extui %lt3A_273 : i1 to i32
      %cond3A_275 = arith.constant 0 : i32
      %cond3A_276 = arith.cmpi ne, %convert_element_type3A_274, %cond3A_275 : i32
      scf.if %cond3A_276 {
        %mul3A_291 = arith.constant 80 : i32
        %mul3A_292 = arith.muli %add3A_266, %mul3A_291 : i32
        %dma_start3A_293 = arith.constant 6 : i32
        %dma_start3A_294 = arith.constant 6 : i32
        %dma_start3A_295 = arith.constant 0 : i32
        %dma_start3A_296 = arith.constant 0 : i32
        %dma_start3A_297 = tpu.memref_slice %arg8[%dma_start3A_293, %dma_start3A_295, %dma_start3A_296] : memref<8x80x32xf32, #tpu.memory_space<vmem>> -> memref<1x80x32xf32, #tpu.memory_space<vmem>>
        %dma_start3A_298 = tpu.memref_squeeze %dma_start3A_297 : memref<1x80x32xf32, #tpu.memory_space<vmem>> -> memref<80x32xf32, #tpu.memory_space<vmem>>
        %dma_start3A_299 = tpu.memref_slice %arg6[%mul3A_292] : memref<10000xi32, #tpu.memory_space<vmem>> -> memref<80xi32, #tpu.memory_space<vmem>>
        %dma_start3A_300 = arith.constant 0 : i32
        %dma_start3A_301 = arith.constant 0 : i32
        %dma_start3A_302 = tpu.memref_slice %arg3[%dma_start3A_300, %dma_start3A_301] : memref<10000x32xf32, #tpu.memory_space<hbm>> -> memref<10000x32xf32, #tpu.memory_space<hbm>>
        %dma_start3A_303 = tpu.memref_slice %arg10[%dma_start3A_294] : memref<8x!tpu.dma_semaphore, #tpu.memory_space<semaphore_mem>> -> memref<1x!tpu.dma_semaphore, #tpu.memory_space<semaphore_mem>>
        %dma_start3A_304 = tpu.memref_squeeze %dma_start3A_303 : memref<1x!tpu.dma_semaphore, #tpu.memory_space<semaphore_mem>> -> memref<!tpu.dma_semaphore, #tpu.memory_space<semaphore_mem>>
        tpu.enqueue_indirect_dma source(%dma_start3A_302 : memref<10000x32xf32, #tpu.memory_space<hbm>>) target(%dma_start3A_298 : memref<80x32xf32, #tpu.memory_space<vmem>>) offsets(%dma_start3A_299 : memref<80xi32, #tpu.memory_space<vmem>>) semaphore(%dma_start3A_304 : memref<!tpu.dma_semaphore, #tpu.memory_space<semaphore_mem>>)
      } else {
      }
      %add3A_277 = arith.constant 7 : i32
      %add3A_278 = arith.addi %mul3A_125, %add3A_277 : i32
      %add3A_279 = arith.constant 8 : i32
      %add3A_280 = arith.addi %add3A_278, %add3A_279 : i32
      %lt3A_281 = arith.constant 125 : i32
      %lt3A_282 = arith.cmpi slt, %add3A_278, %lt3A_281 : i32
      %convert_element_type3A_283 = arith.extui %lt3A_282 : i1 to i32
      %cond3A_284 = arith.constant 0 : i32
      %cond3A_285 = arith.cmpi ne, %convert_element_type3A_283, %cond3A_284 : i32
      scf.if %cond3A_285 {
        %mul3A_291 = arith.constant 80 : i32
        %mul3A_292 = arith.muli %add3A_278, %mul3A_291 : i32
        %dma_wait3A = arith.constant 7 : i32
        %dma_wait3A_293 = arith.constant 7 : i32
        %dma_wait3A_294 = arith.constant 0 : i32
        %dma_wait3A_295 = arith.constant 0 : i32
        %dma_wait3A_296 = tpu.memref_slice %arg8[%dma_wait3A, %dma_wait3A_294, %dma_wait3A_295] : memref<8x80x32xf32, #tpu.memory_space<vmem>> -> memref<1x80x32xf32, #tpu.memory_space<vmem>>
        %dma_wait3A_297 = tpu.memref_squeeze %dma_wait3A_296 : memref<1x80x32xf32, #tpu.memory_space<vmem>> -> memref<80x32xf32, #tpu.memory_space<vmem>>
        %dma_wait3A_298 = tpu.memref_slice %arg7[%mul3A_292] : memref<10000xi32, #tpu.memory_space<vmem>> -> memref<80xi32, #tpu.memory_space<vmem>>
        %dma_wait3A_299 = arith.constant 0 : i32
        %dma_wait3A_300 = arith.constant 0 : i32
        %dma_wait3A_301 = tpu.memref_slice %arg9[%dma_wait3A_299, %dma_wait3A_300] : memref<10000x32xf32, #tpu.memory_space<vmem_shared>> -> memref<10000x32xf32, #tpu.memory_space<vmem_shared>>
        %dma_wait3A_302 = tpu.memref_slice %arg11[%dma_wait3A_293] : memref<8x!tpu.dma_semaphore, #tpu.memory_space<semaphore_mem>> -> memref<1x!tpu.dma_semaphore, #tpu.memory_space<semaphore_mem>>
        %dma_wait3A_303 = tpu.memref_squeeze %dma_wait3A_302 : memref<1x!tpu.dma_semaphore, #tpu.memory_space<semaphore_mem>> -> memref<!tpu.dma_semaphore, #tpu.memory_space<semaphore_mem>>
        tpu.wait_indirect_dma semaphore(%dma_wait3A_303 : memref<!tpu.dma_semaphore, #tpu.memory_space<semaphore_mem>>) src(%dma_wait3A_297 : memref<80x32xf32, #tpu.memory_space<vmem>>) dst(%dma_wait3A_301 : memref<10000x32xf32, #tpu.memory_space<vmem_shared>>)
      } else {
      }
      %lt3A_286 = arith.constant 125 : i32
      %lt3A_287 = arith.cmpi slt, %add3A_280, %lt3A_286 : i32
      %convert_element_type3A_288 = arith.extui %lt3A_287 : i1 to i32
      %cond3A_289 = arith.constant 0 : i32
      %cond3A_290 = arith.cmpi ne, %convert_element_type3A_288, %cond3A_289 : i32
      scf.if %cond3A_290 {
        %mul3A_291 = arith.constant 80 : i32
        %mul3A_292 = arith.muli %add3A_280, %mul3A_291 : i32
        %dma_start3A_293 = arith.constant 7 : i32
        %dma_start3A_294 = arith.constant 7 : i32
        %dma_start3A_295 = arith.constant 0 : i32
        %dma_start3A_296 = arith.constant 0 : i32
        %dma_start3A_297 = tpu.memref_slice %arg8[%dma_start3A_293, %dma_start3A_295, %dma_start3A_296] : memref<8x80x32xf32, #tpu.memory_space<vmem>> -> memref<1x80x32xf32, #tpu.memory_space<vmem>>
        %dma_start3A_298 = tpu.memref_squeeze %dma_start3A_297 : memref<1x80x32xf32, #tpu.memory_space<vmem>> -> memref<80x32xf32, #tpu.memory_space<vmem>>
        %dma_start3A_299 = tpu.memref_slice %arg6[%mul3A_292] : memref<10000xi32, #tpu.memory_space<vmem>> -> memref<80xi32, #tpu.memory_space<vmem>>
        %dma_start3A_300 = arith.constant 0 : i32
        %dma_start3A_301 = arith.constant 0 : i32
        %dma_start3A_302 = tpu.memref_slice %arg3[%dma_start3A_300, %dma_start3A_301] : memref<10000x32xf32, #tpu.memory_space<hbm>> -> memref<10000x32xf32, #tpu.memory_space<hbm>>
        %dma_start3A_303 = tpu.memref_slice %arg10[%dma_start3A_294] : memref<8x!tpu.dma_semaphore, #tpu.memory_space<semaphore_mem>> -> memref<1x!tpu.dma_semaphore, #tpu.memory_space<semaphore_mem>>
        %dma_start3A_304 = tpu.memref_squeeze %dma_start3A_303 : memref<1x!tpu.dma_semaphore, #tpu.memory_space<semaphore_mem>> -> memref<!tpu.dma_semaphore, #tpu.memory_space<semaphore_mem>>
        tpu.enqueue_indirect_dma source(%dma_start3A_302 : memref<10000x32xf32, #tpu.memory_space<hbm>>) target(%dma_start3A_298 : memref<80x32xf32, #tpu.memory_space<vmem>>) offsets(%dma_start3A_299 : memref<80xi32, #tpu.memory_space<vmem>>) semaphore(%dma_start3A_304 : memref<!tpu.dma_semaphore, #tpu.memory_space<semaphore_mem>>)
      } else {
      }
    }
    %scan3A_117 = arith.constant 16 : i32
    %barrier3A_118 = arith.constant 0 : index
    tpu.barrier barrier_id(%barrier3A_118)
    %mul3A_119 = arith.constant 625 : i32
    %mul3A_120 = arith.muli %arg1, %mul3A_119 : i32
    %mul3A_121 = arith.constant 625 : i32
    %mul3A_122 = arith.muli %arg1, %mul3A_121 : i32
    "tpu.region"() ({
      %run_scoped3A_123 = tpu.sem_alloc : memref<!tpu.dma_semaphore, #tpu.memory_space<semaphore_mem>>
      %dma_start3A_124 = arith.constant 0 : i32
      %dma_start3A_125 = tpu.memref_slice %arg5[%arg0, %mul3A_122, %dma_start3A_124] : memref<2x10000x32xf32, #tpu.memory_space<hbm>> -> memref<1x625x32xf32, #tpu.memory_space<hbm>>
      %dma_start3A_126 = tpu.memref_squeeze %dma_start3A_125 : memref<1x625x32xf32, #tpu.memory_space<hbm>> -> memref<625x32xf32, #tpu.memory_space<hbm>>
      %dma_start3A_127 = arith.constant 0 : i32
      %dma_start3A_128 = tpu.memref_slice %arg9[%mul3A_120, %dma_start3A_127] : memref<10000x32xf32, #tpu.memory_space<vmem_shared>> -> memref<625x32xf32, #tpu.memory_space<vmem_shared>>
      tpu.enqueue_dma source(%dma_start3A_128 : memref<625x32xf32, #tpu.memory_space<vmem_shared>>) target(%dma_start3A_126 : memref<625x32xf32, #tpu.memory_space<hbm>>) target_semaphore(%run_scoped3A_123 : memref<!tpu.dma_semaphore, #tpu.memory_space<semaphore_mem>>)
      %dma_wait3A = arith.constant 0 : i32
      %dma_wait3A_129 = tpu.memref_slice %arg5[%arg0, %mul3A_122, %dma_wait3A] : memref<2x10000x32xf32, #tpu.memory_space<hbm>> -> memref<1x625x32xf32, #tpu.memory_space<hbm>>
      %dma_wait3A_130 = tpu.memref_squeeze %dma_wait3A_129 : memref<1x625x32xf32, #tpu.memory_space<hbm>> -> memref<625x32xf32, #tpu.memory_space<hbm>>
      %dma_wait3A_131 = arith.constant 0 : i32
      %dma_wait3A_132 = tpu.memref_slice %arg9[%mul3A_120, %dma_wait3A_131] : memref<10000x32xf32, #tpu.memory_space<vmem_shared>> -> memref<625x32xf32, #tpu.memory_space<vmem_shared>>
      tpu.wait_dma2 semaphore(%run_scoped3A_123 : memref<!tpu.dma_semaphore, #tpu.memory_space<semaphore_mem>>) src(%dma_wait3A_132 : memref<625x32xf32, #tpu.memory_space<vmem_shared>>) dst(%dma_wait3A_130 : memref<625x32xf32, #tpu.memory_space<hbm>>)
      tpu.yield
    }) : () -> ()
    return
  }
}

#map = affine_map<(d0, d1) -> (0, 0)>
#map1 = affine_map<(d0, d1) -> (0, 0, 0)>
module attributes {stable_mosaic.version = 14 : i64} {
  func.func @prop(%arg0: i32, %arg1: i32, %arg2: memref<2x320000xi32, #tpu.memory_space<hbm>>, %arg3: memref<10000x16xf32, #tpu.memory_space<hbm>>, %arg4: memref<10000x16xf32, #tpu.memory_space<hbm>>, %arg5: memref<2x10000x16xf32, #tpu.memory_space<hbm>>, %arg6: memref<10000xi32, #tpu.memory_space<vmem>>, %arg7: memref<10000xi32, #tpu.memory_space<vmem>>, %arg8: memref<8x80x16xf32, #tpu.memory_space<vmem>>, %arg9: memref<10000x16xf32, #tpu.memory_space<vmem_shared>>, %arg10: memref<8x!tpu.dma_semaphore, #tpu.memory_space<semaphore_mem>>, %arg11: memref<8x!tpu.dma_semaphore, #tpu.memory_space<semaphore_mem>>) attributes {dimension_semantics = [#tpu.dimension_semantics<core_parallel>, #tpu.dimension_semantics<subcore_parallel>], iteration_bounds = array<i64: 2, 16>, scalar_prefetch = 0 : i64, scratch_operands = 6 : i64, tpu.core_type = #tpu.core_type<sc_vector_subcore>, window_params = [{transform_indices = #map}, {transform_indices = #map}, {transform_indices = #map}, {transform_indices = #map1}]} {
    %mul3A = arith.constant 2 : i32
    %mul3A_0 = arith.muli %arg1, %mul3A : i32
    %add3A = arith.addi %mul3A_0, %arg0 : i32
    %mul3A_1 = arith.constant 10000 : i32
    %mul3A_2 = arith.muli %add3A, %mul3A_1 : i32
    %run_scoped3A = arith.constant 0 : i32
    "tpu.region"() ({
      %run_scoped3A_123 = tpu.sem_alloc : memref<!tpu.dma_semaphore, #tpu.memory_space<semaphore_mem>>
      %dma_start3A_124 = tpu.memref_slice %arg2[%run_scoped3A, %mul3A_2] : memref<2x320000xi32, #tpu.memory_space<hbm>> -> memref<1x10000xi32, #tpu.memory_space<hbm>>
      %dma_start3A_125 = tpu.memref_squeeze %dma_start3A_124 : memref<1x10000xi32, #tpu.memory_space<hbm>> -> memref<10000xi32, #tpu.memory_space<hbm>>
      %dma_start3A_126 = tpu.memref_slice %arg2[%run_scoped3A, %mul3A_2] : memref<2x320000xi32, #tpu.memory_space<hbm>> -> memref<1x10000xi32, #tpu.memory_space<hbm>>
      %dma_start3A_127 = tpu.memref_squeeze %dma_start3A_126 : memref<1x10000xi32, #tpu.memory_space<hbm>> -> memref<10000xi32, #tpu.memory_space<hbm>>
      tpu.enqueue_dma source(%dma_start3A_127 : memref<10000xi32, #tpu.memory_space<hbm>>) target(%arg6 : memref<10000xi32, #tpu.memory_space<vmem>>) target_semaphore(%run_scoped3A_123 : memref<!tpu.dma_semaphore, #tpu.memory_space<semaphore_mem>>)
      %dma_wait3A = tpu.memref_slice %arg2[%run_scoped3A, %mul3A_2] : memref<2x320000xi32, #tpu.memory_space<hbm>> -> memref<1x10000xi32, #tpu.memory_space<hbm>>
      %dma_wait3A_128 = tpu.memref_squeeze %dma_wait3A : memref<1x10000xi32, #tpu.memory_space<hbm>> -> memref<10000xi32, #tpu.memory_space<hbm>>
      %dma_wait3A_129 = tpu.memref_slice %arg2[%run_scoped3A, %mul3A_2] : memref<2x320000xi32, #tpu.memory_space<hbm>> -> memref<1x10000xi32, #tpu.memory_space<hbm>>
      %dma_wait3A_130 = tpu.memref_squeeze %dma_wait3A_129 : memref<1x10000xi32, #tpu.memory_space<hbm>> -> memref<10000xi32, #tpu.memory_space<hbm>>
      tpu.wait_dma2 semaphore(%run_scoped3A_123 : memref<!tpu.dma_semaphore, #tpu.memory_space<semaphore_mem>>) src(%dma_wait3A_130 : memref<10000xi32, #tpu.memory_space<hbm>>) dst(%arg6 : memref<10000xi32, #tpu.memory_space<vmem>>)
      tpu.yield
    }) : () -> ()
    %mul3A_3 = arith.constant 10000 : i32
    %mul3A_4 = arith.muli %add3A, %mul3A_3 : i32
    %run_scoped3A_5 = arith.constant 1 : i32
    "tpu.region"() ({
      %run_scoped3A_123 = tpu.sem_alloc : memref<!tpu.dma_semaphore, #tpu.memory_space<semaphore_mem>>
      %dma_start3A_124 = tpu.memref_slice %arg2[%run_scoped3A_5, %mul3A_4] : memref<2x320000xi32, #tpu.memory_space<hbm>> -> memref<1x10000xi32, #tpu.memory_space<hbm>>
      %dma_start3A_125 = tpu.memref_squeeze %dma_start3A_124 : memref<1x10000xi32, #tpu.memory_space<hbm>> -> memref<10000xi32, #tpu.memory_space<hbm>>
      %dma_start3A_126 = tpu.memref_slice %arg2[%run_scoped3A_5, %mul3A_4] : memref<2x320000xi32, #tpu.memory_space<hbm>> -> memref<1x10000xi32, #tpu.memory_space<hbm>>
      %dma_start3A_127 = tpu.memref_squeeze %dma_start3A_126 : memref<1x10000xi32, #tpu.memory_space<hbm>> -> memref<10000xi32, #tpu.memory_space<hbm>>
      tpu.enqueue_dma source(%dma_start3A_127 : memref<10000xi32, #tpu.memory_space<hbm>>) target(%arg7 : memref<10000xi32, #tpu.memory_space<vmem>>) target_semaphore(%run_scoped3A_123 : memref<!tpu.dma_semaphore, #tpu.memory_space<semaphore_mem>>)
      %dma_wait3A = tpu.memref_slice %arg2[%run_scoped3A_5, %mul3A_4] : memref<2x320000xi32, #tpu.memory_space<hbm>> -> memref<1x10000xi32, #tpu.memory_space<hbm>>
      %dma_wait3A_128 = tpu.memref_squeeze %dma_wait3A : memref<1x10000xi32, #tpu.memory_space<hbm>> -> memref<10000xi32, #tpu.memory_space<hbm>>
      %dma_wait3A_129 = tpu.memref_slice %arg2[%run_scoped3A_5, %mul3A_4] : memref<2x320000xi32, #tpu.memory_space<hbm>> -> memref<1x10000xi32, #tpu.memory_space<hbm>>
      %dma_wait3A_130 = tpu.memref_squeeze %dma_wait3A_129 : memref<1x10000xi32, #tpu.memory_space<hbm>> -> memref<10000xi32, #tpu.memory_space<hbm>>
      tpu.wait_dma2 semaphore(%run_scoped3A_123 : memref<!tpu.dma_semaphore, #tpu.memory_space<semaphore_mem>>) src(%dma_wait3A_130 : memref<10000xi32, #tpu.memory_space<hbm>>) dst(%arg7 : memref<10000xi32, #tpu.memory_space<vmem>>)
      tpu.yield
    }) : () -> ()
    %mul3A_6 = arith.constant 625 : i32
    %mul3A_7 = arith.muli %arg1, %mul3A_6 : i32
    %mul3A_8 = arith.constant 625 : i32
    %mul3A_9 = arith.muli %arg1, %mul3A_8 : i32
    "tpu.region"() ({
      %run_scoped3A_123 = tpu.sem_alloc : memref<!tpu.dma_semaphore, #tpu.memory_space<semaphore_mem>>
      %dma_start3A_124 = arith.constant 0 : i32
      %dma_start3A_125 = tpu.memref_slice %arg9[%mul3A_9, %dma_start3A_124] : memref<10000x16xf32, #tpu.memory_space<vmem_shared>> -> memref<625x16xf32, #tpu.memory_space<vmem_shared>>
      %dma_start3A_126 = arith.constant 0 : i32
      %dma_start3A_127 = tpu.memref_slice %arg4[%mul3A_7, %dma_start3A_126] : memref<10000x16xf32, #tpu.memory_space<hbm>> -> memref<625x16xf32, #tpu.memory_space<hbm>>
      tpu.enqueue_dma source(%dma_start3A_127 : memref<625x16xf32, #tpu.memory_space<hbm>>) target(%dma_start3A_125 : memref<625x16xf32, #tpu.memory_space<vmem_shared>>) target_semaphore(%run_scoped3A_123 : memref<!tpu.dma_semaphore, #tpu.memory_space<semaphore_mem>>)
      %dma_wait3A = arith.constant 0 : i32
      %dma_wait3A_128 = tpu.memref_slice %arg9[%mul3A_9, %dma_wait3A] : memref<10000x16xf32, #tpu.memory_space<vmem_shared>> -> memref<625x16xf32, #tpu.memory_space<vmem_shared>>
      %dma_wait3A_129 = arith.constant 0 : i32
      %dma_wait3A_130 = tpu.memref_slice %arg4[%mul3A_7, %dma_wait3A_129] : memref<10000x16xf32, #tpu.memory_space<hbm>> -> memref<625x16xf32, #tpu.memory_space<hbm>>
      tpu.wait_dma2 semaphore(%run_scoped3A_123 : memref<!tpu.dma_semaphore, #tpu.memory_space<semaphore_mem>>) src(%dma_wait3A_130 : memref<625x16xf32, #tpu.memory_space<hbm>>) dst(%dma_wait3A_128 : memref<625x16xf32, #tpu.memory_space<vmem_shared>>)
      tpu.yield
    }) : () -> ()
    %barrier3A = arith.constant 0 : index
    tpu.barrier barrier_id(%barrier3A)
    %dma_start3A = arith.constant 0 : i32
    %dma_start3A_10 = arith.constant 0 : i32
    %dma_start3A_11 = arith.constant 0 : i32
    %dma_start3A_12 = arith.constant 0 : i32
    %dma_start3A_13 = tpu.memref_slice %arg8[%dma_start3A, %dma_start3A_11, %dma_start3A_12] : memref<8x80x16xf32, #tpu.memory_space<vmem>> -> memref<1x80x16xf32, #tpu.memory_space<vmem>>
    %dma_start3A_14 = tpu.memref_squeeze %dma_start3A_13 : memref<1x80x16xf32, #tpu.memory_space<vmem>> -> memref<80x16xf32, #tpu.memory_space<vmem>>
    %dma_start3A_15 = arith.constant 0 : i32
    %dma_start3A_16 = tpu.memref_slice %arg6[%dma_start3A_15] : memref<10000xi32, #tpu.memory_space<vmem>> -> memref<80xi32, #tpu.memory_space<vmem>>
    %dma_start3A_17 = arith.constant 0 : i32
    %dma_start3A_18 = arith.constant 0 : i32
    %dma_start3A_19 = tpu.memref_slice %arg3[%dma_start3A_17, %dma_start3A_18] : memref<10000x16xf32, #tpu.memory_space<hbm>> -> memref<10000x16xf32, #tpu.memory_space<hbm>>
    %dma_start3A_20 = tpu.memref_slice %arg10[%dma_start3A_10] : memref<8x!tpu.dma_semaphore, #tpu.memory_space<semaphore_mem>> -> memref<1x!tpu.dma_semaphore, #tpu.memory_space<semaphore_mem>>
    %dma_start3A_21 = tpu.memref_squeeze %dma_start3A_20 : memref<1x!tpu.dma_semaphore, #tpu.memory_space<semaphore_mem>> -> memref<!tpu.dma_semaphore, #tpu.memory_space<semaphore_mem>>
    tpu.enqueue_indirect_dma source(%dma_start3A_19 : memref<10000x16xf32, #tpu.memory_space<hbm>>) target(%dma_start3A_14 : memref<80x16xf32, #tpu.memory_space<vmem>>) offsets(%dma_start3A_16 : memref<80xi32, #tpu.memory_space<vmem>>) semaphore(%dma_start3A_21 : memref<!tpu.dma_semaphore, #tpu.memory_space<semaphore_mem>>)
    %dma_start3A_22 = arith.constant 1 : i32
    %dma_start3A_23 = arith.constant 1 : i32
    %dma_start3A_24 = arith.constant 0 : i32
    %dma_start3A_25 = arith.constant 0 : i32
    %dma_start3A_26 = tpu.memref_slice %arg8[%dma_start3A_22, %dma_start3A_24, %dma_start3A_25] : memref<8x80x16xf32, #tpu.memory_space<vmem>> -> memref<1x80x16xf32, #tpu.memory_space<vmem>>
    %dma_start3A_27 = tpu.memref_squeeze %dma_start3A_26 : memref<1x80x16xf32, #tpu.memory_space<vmem>> -> memref<80x16xf32, #tpu.memory_space<vmem>>
    %dma_start3A_28 = arith.constant 80 : i32
    %dma_start3A_29 = tpu.memref_slice %arg6[%dma_start3A_28] : memref<10000xi32, #tpu.memory_space<vmem>> -> memref<80xi32, #tpu.memory_space<vmem>>
    %dma_start3A_30 = arith.constant 0 : i32
    %dma_start3A_31 = arith.constant 0 : i32
    %dma_start3A_32 = tpu.memref_slice %arg3[%dma_start3A_30, %dma_start3A_31] : memref<10000x16xf32, #tpu.memory_space<hbm>> -> memref<10000x16xf32, #tpu.memory_space<hbm>>
    %dma_start3A_33 = tpu.memref_slice %arg10[%dma_start3A_23] : memref<8x!tpu.dma_semaphore, #tpu.memory_space<semaphore_mem>> -> memref<1x!tpu.dma_semaphore, #tpu.memory_space<semaphore_mem>>
    %dma_start3A_34 = tpu.memref_squeeze %dma_start3A_33 : memref<1x!tpu.dma_semaphore, #tpu.memory_space<semaphore_mem>> -> memref<!tpu.dma_semaphore, #tpu.memory_space<semaphore_mem>>
    tpu.enqueue_indirect_dma source(%dma_start3A_32 : memref<10000x16xf32, #tpu.memory_space<hbm>>) target(%dma_start3A_27 : memref<80x16xf32, #tpu.memory_space<vmem>>) offsets(%dma_start3A_29 : memref<80xi32, #tpu.memory_space<vmem>>) semaphore(%dma_start3A_34 : memref<!tpu.dma_semaphore, #tpu.memory_space<semaphore_mem>>)
    %dma_start3A_35 = arith.constant 2 : i32
    %dma_start3A_36 = arith.constant 2 : i32
    %dma_start3A_37 = arith.constant 0 : i32
    %dma_start3A_38 = arith.constant 0 : i32
    %dma_start3A_39 = tpu.memref_slice %arg8[%dma_start3A_35, %dma_start3A_37, %dma_start3A_38] : memref<8x80x16xf32, #tpu.memory_space<vmem>> -> memref<1x80x16xf32, #tpu.memory_space<vmem>>
    %dma_start3A_40 = tpu.memref_squeeze %dma_start3A_39 : memref<1x80x16xf32, #tpu.memory_space<vmem>> -> memref<80x16xf32, #tpu.memory_space<vmem>>
    %dma_start3A_41 = arith.constant 160 : i32
    %dma_start3A_42 = tpu.memref_slice %arg6[%dma_start3A_41] : memref<10000xi32, #tpu.memory_space<vmem>> -> memref<80xi32, #tpu.memory_space<vmem>>
    %dma_start3A_43 = arith.constant 0 : i32
    %dma_start3A_44 = arith.constant 0 : i32
    %dma_start3A_45 = tpu.memref_slice %arg3[%dma_start3A_43, %dma_start3A_44] : memref<10000x16xf32, #tpu.memory_space<hbm>> -> memref<10000x16xf32, #tpu.memory_space<hbm>>
    %dma_start3A_46 = tpu.memref_slice %arg10[%dma_start3A_36] : memref<8x!tpu.dma_semaphore, #tpu.memory_space<semaphore_mem>> -> memref<1x!tpu.dma_semaphore, #tpu.memory_space<semaphore_mem>>
    %dma_start3A_47 = tpu.memref_squeeze %dma_start3A_46 : memref<1x!tpu.dma_semaphore, #tpu.memory_space<semaphore_mem>> -> memref<!tpu.dma_semaphore, #tpu.memory_space<semaphore_mem>>
    tpu.enqueue_indirect_dma source(%dma_start3A_45 : memref<10000x16xf32, #tpu.memory_space<hbm>>) target(%dma_start3A_40 : memref<80x16xf32, #tpu.memory_space<vmem>>) offsets(%dma_start3A_42 : memref<80xi32, #tpu.memory_space<vmem>>) semaphore(%dma_start3A_47 : memref<!tpu.dma_semaphore, #tpu.memory_space<semaphore_mem>>)
    %dma_start3A_48 = arith.constant 3 : i32
    %dma_start3A_49 = arith.constant 3 : i32
    %dma_start3A_50 = arith.constant 0 : i32
    %dma_start3A_51 = arith.constant 0 : i32
    %dma_start3A_52 = tpu.memref_slice %arg8[%dma_start3A_48, %dma_start3A_50, %dma_start3A_51] : memref<8x80x16xf32, #tpu.memory_space<vmem>> -> memref<1x80x16xf32, #tpu.memory_space<vmem>>
    %dma_start3A_53 = tpu.memref_squeeze %dma_start3A_52 : memref<1x80x16xf32, #tpu.memory_space<vmem>> -> memref<80x16xf32, #tpu.memory_space<vmem>>
    %dma_start3A_54 = arith.constant 240 : i32
    %dma_start3A_55 = tpu.memref_slice %arg6[%dma_start3A_54] : memref<10000xi32, #tpu.memory_space<vmem>> -> memref<80xi32, #tpu.memory_space<vmem>>
    %dma_start3A_56 = arith.constant 0 : i32
    %dma_start3A_57 = arith.constant 0 : i32
    %dma_start3A_58 = tpu.memref_slice %arg3[%dma_start3A_56, %dma_start3A_57] : memref<10000x16xf32, #tpu.memory_space<hbm>> -> memref<10000x16xf32, #tpu.memory_space<hbm>>
    %dma_start3A_59 = tpu.memref_slice %arg10[%dma_start3A_49] : memref<8x!tpu.dma_semaphore, #tpu.memory_space<semaphore_mem>> -> memref<1x!tpu.dma_semaphore, #tpu.memory_space<semaphore_mem>>
    %dma_start3A_60 = tpu.memref_squeeze %dma_start3A_59 : memref<1x!tpu.dma_semaphore, #tpu.memory_space<semaphore_mem>> -> memref<!tpu.dma_semaphore, #tpu.memory_space<semaphore_mem>>
    tpu.enqueue_indirect_dma source(%dma_start3A_58 : memref<10000x16xf32, #tpu.memory_space<hbm>>) target(%dma_start3A_53 : memref<80x16xf32, #tpu.memory_space<vmem>>) offsets(%dma_start3A_55 : memref<80xi32, #tpu.memory_space<vmem>>) semaphore(%dma_start3A_60 : memref<!tpu.dma_semaphore, #tpu.memory_space<semaphore_mem>>)
    %dma_start3A_61 = arith.constant 4 : i32
    %dma_start3A_62 = arith.constant 4 : i32
    %dma_start3A_63 = arith.constant 0 : i32
    %dma_start3A_64 = arith.constant 0 : i32
    %dma_start3A_65 = tpu.memref_slice %arg8[%dma_start3A_61, %dma_start3A_63, %dma_start3A_64] : memref<8x80x16xf32, #tpu.memory_space<vmem>> -> memref<1x80x16xf32, #tpu.memory_space<vmem>>
    %dma_start3A_66 = tpu.memref_squeeze %dma_start3A_65 : memref<1x80x16xf32, #tpu.memory_space<vmem>> -> memref<80x16xf32, #tpu.memory_space<vmem>>
    %dma_start3A_67 = arith.constant 320 : i32
    %dma_start3A_68 = tpu.memref_slice %arg6[%dma_start3A_67] : memref<10000xi32, #tpu.memory_space<vmem>> -> memref<80xi32, #tpu.memory_space<vmem>>
    %dma_start3A_69 = arith.constant 0 : i32
    %dma_start3A_70 = arith.constant 0 : i32
    %dma_start3A_71 = tpu.memref_slice %arg3[%dma_start3A_69, %dma_start3A_70] : memref<10000x16xf32, #tpu.memory_space<hbm>> -> memref<10000x16xf32, #tpu.memory_space<hbm>>
    %dma_start3A_72 = tpu.memref_slice %arg10[%dma_start3A_62] : memref<8x!tpu.dma_semaphore, #tpu.memory_space<semaphore_mem>> -> memref<1x!tpu.dma_semaphore, #tpu.memory_space<semaphore_mem>>
    %dma_start3A_73 = tpu.memref_squeeze %dma_start3A_72 : memref<1x!tpu.dma_semaphore, #tpu.memory_space<semaphore_mem>> -> memref<!tpu.dma_semaphore, #tpu.memory_space<semaphore_mem>>
    tpu.enqueue_indirect_dma source(%dma_start3A_71 : memref<10000x16xf32, #tpu.memory_space<hbm>>) target(%dma_start3A_66 : memref<80x16xf32, #tpu.memory_space<vmem>>) offsets(%dma_start3A_68 : memref<80xi32, #tpu.memory_space<vmem>>) semaphore(%dma_start3A_73 : memref<!tpu.dma_semaphore, #tpu.memory_space<semaphore_mem>>)
    %dma_start3A_74 = arith.constant 5 : i32
    %dma_start3A_75 = arith.constant 5 : i32
    %dma_start3A_76 = arith.constant 0 : i32
    %dma_start3A_77 = arith.constant 0 : i32
    %dma_start3A_78 = tpu.memref_slice %arg8[%dma_start3A_74, %dma_start3A_76, %dma_start3A_77] : memref<8x80x16xf32, #tpu.memory_space<vmem>> -> memref<1x80x16xf32, #tpu.memory_space<vmem>>
    %dma_start3A_79 = tpu.memref_squeeze %dma_start3A_78 : memref<1x80x16xf32, #tpu.memory_space<vmem>> -> memref<80x16xf32, #tpu.memory_space<vmem>>
    %dma_start3A_80 = arith.constant 400 : i32
    %dma_start3A_81 = tpu.memref_slice %arg6[%dma_start3A_80] : memref<10000xi32, #tpu.memory_space<vmem>> -> memref<80xi32, #tpu.memory_space<vmem>>
    %dma_start3A_82 = arith.constant 0 : i32
    %dma_start3A_83 = arith.constant 0 : i32
    %dma_start3A_84 = tpu.memref_slice %arg3[%dma_start3A_82, %dma_start3A_83] : memref<10000x16xf32, #tpu.memory_space<hbm>> -> memref<10000x16xf32, #tpu.memory_space<hbm>>
    %dma_start3A_85 = tpu.memref_slice %arg10[%dma_start3A_75] : memref<8x!tpu.dma_semaphore, #tpu.memory_space<semaphore_mem>> -> memref<1x!tpu.dma_semaphore, #tpu.memory_space<semaphore_mem>>
    %dma_start3A_86 = tpu.memref_squeeze %dma_start3A_85 : memref<1x!tpu.dma_semaphore, #tpu.memory_space<semaphore_mem>> -> memref<!tpu.dma_semaphore, #tpu.memory_space<semaphore_mem>>
    tpu.enqueue_indirect_dma source(%dma_start3A_84 : memref<10000x16xf32, #tpu.memory_space<hbm>>) target(%dma_start3A_79 : memref<80x16xf32, #tpu.memory_space<vmem>>) offsets(%dma_start3A_81 : memref<80xi32, #tpu.memory_space<vmem>>) semaphore(%dma_start3A_86 : memref<!tpu.dma_semaphore, #tpu.memory_space<semaphore_mem>>)
    %dma_start3A_87 = arith.constant 6 : i32
    %dma_start3A_88 = arith.constant 6 : i32
    %dma_start3A_89 = arith.constant 0 : i32
    %dma_start3A_90 = arith.constant 0 : i32
    %dma_start3A_91 = tpu.memref_slice %arg8[%dma_start3A_87, %dma_start3A_89, %dma_start3A_90] : memref<8x80x16xf32, #tpu.memory_space<vmem>> -> memref<1x80x16xf32, #tpu.memory_space<vmem>>
    %dma_start3A_92 = tpu.memref_squeeze %dma_start3A_91 : memref<1x80x16xf32, #tpu.memory_space<vmem>> -> memref<80x16xf32, #tpu.memory_space<vmem>>
    %dma_start3A_93 = arith.constant 480 : i32
    %dma_start3A_94 = tpu.memref_slice %arg6[%dma_start3A_93] : memref<10000xi32, #tpu.memory_space<vmem>> -> memref<80xi32, #tpu.memory_space<vmem>>
    %dma_start3A_95 = arith.constant 0 : i32
    %dma_start3A_96 = arith.constant 0 : i32
    %dma_start3A_97 = tpu.memref_slice %arg3[%dma_start3A_95, %dma_start3A_96] : memref<10000x16xf32, #tpu.memory_space<hbm>> -> memref<10000x16xf32, #tpu.memory_space<hbm>>
    %dma_start3A_98 = tpu.memref_slice %arg10[%dma_start3A_88] : memref<8x!tpu.dma_semaphore, #tpu.memory_space<semaphore_mem>> -> memref<1x!tpu.dma_semaphore, #tpu.memory_space<semaphore_mem>>
    %dma_start3A_99 = tpu.memref_squeeze %dma_start3A_98 : memref<1x!tpu.dma_semaphore, #tpu.memory_space<semaphore_mem>> -> memref<!tpu.dma_semaphore, #tpu.memory_space<semaphore_mem>>
    tpu.enqueue_indirect_dma source(%dma_start3A_97 : memref<10000x16xf32, #tpu.memory_space<hbm>>) target(%dma_start3A_92 : memref<80x16xf32, #tpu.memory_space<vmem>>) offsets(%dma_start3A_94 : memref<80xi32, #tpu.memory_space<vmem>>) semaphore(%dma_start3A_99 : memref<!tpu.dma_semaphore, #tpu.memory_space<semaphore_mem>>)
    %dma_start3A_100 = arith.constant 7 : i32
    %dma_start3A_101 = arith.constant 7 : i32
    %dma_start3A_102 = arith.constant 0 : i32
    %dma_start3A_103 = arith.constant 0 : i32
    %dma_start3A_104 = tpu.memref_slice %arg8[%dma_start3A_100, %dma_start3A_102, %dma_start3A_103] : memref<8x80x16xf32, #tpu.memory_space<vmem>> -> memref<1x80x16xf32, #tpu.memory_space<vmem>>
    %dma_start3A_105 = tpu.memref_squeeze %dma_start3A_104 : memref<1x80x16xf32, #tpu.memory_space<vmem>> -> memref<80x16xf32, #tpu.memory_space<vmem>>
    %dma_start3A_106 = arith.constant 560 : i32
    %dma_start3A_107 = tpu.memref_slice %arg6[%dma_start3A_106] : memref<10000xi32, #tpu.memory_space<vmem>> -> memref<80xi32, #tpu.memory_space<vmem>>
    %dma_start3A_108 = arith.constant 0 : i32
    %dma_start3A_109 = arith.constant 0 : i32
    %dma_start3A_110 = tpu.memref_slice %arg3[%dma_start3A_108, %dma_start3A_109] : memref<10000x16xf32, #tpu.memory_space<hbm>> -> memref<10000x16xf32, #tpu.memory_space<hbm>>
    %dma_start3A_111 = tpu.memref_slice %arg10[%dma_start3A_101] : memref<8x!tpu.dma_semaphore, #tpu.memory_space<semaphore_mem>> -> memref<1x!tpu.dma_semaphore, #tpu.memory_space<semaphore_mem>>
    %dma_start3A_112 = tpu.memref_squeeze %dma_start3A_111 : memref<1x!tpu.dma_semaphore, #tpu.memory_space<semaphore_mem>> -> memref<!tpu.dma_semaphore, #tpu.memory_space<semaphore_mem>>
    tpu.enqueue_indirect_dma source(%dma_start3A_110 : memref<10000x16xf32, #tpu.memory_space<hbm>>) target(%dma_start3A_105 : memref<80x16xf32, #tpu.memory_space<vmem>>) offsets(%dma_start3A_107 : memref<80xi32, #tpu.memory_space<vmem>>) semaphore(%dma_start3A_112 : memref<!tpu.dma_semaphore, #tpu.memory_space<semaphore_mem>>)
    %scan3A = arith.constant 0 : i32
    %scan3A_113 = arith.constant 0 : i32
    %scan3A_114 = arith.constant 16 : i32
    %scan3A_115 = arith.addi %scan3A_113, %scan3A_114 : i32
    %scan3A_116 = arith.constant 1 : i32
    scf.for %scan3A_123 = %scan3A_113 to %scan3A_115 step %scan3A_116  : i32 {
      %mul3A_124 = arith.constant 8 : i32
      %mul3A_125 = arith.muli %scan3A_123, %mul3A_124 : i32
      %add3A_126 = arith.constant 0 : i32
      %add3A_127 = arith.addi %mul3A_125, %add3A_126 : i32
      %lt3A = arith.constant 125 : i32
      %lt3A_128 = arith.cmpi slt, %add3A_127, %lt3A : i32
      %convert_element_type3A = arith.extui %lt3A_128 : i1 to i32
      %cond3A = arith.constant 0 : i32
      %cond3A_129 = arith.cmpi ne, %convert_element_type3A, %cond3A : i32
      scf.if %cond3A_129 {
        %mul3A_291 = arith.constant 80 : i32
        %mul3A_292 = arith.muli %add3A_127, %mul3A_291 : i32
        %dma_wait3A = arith.constant 0 : i32
        %dma_wait3A_293 = arith.constant 0 : i32
        %dma_wait3A_294 = arith.constant 0 : i32
        %dma_wait3A_295 = arith.constant 0 : i32
        %dma_wait3A_296 = tpu.memref_slice %arg8[%dma_wait3A, %dma_wait3A_294, %dma_wait3A_295] : memref<8x80x16xf32, #tpu.memory_space<vmem>> -> memref<1x80x16xf32, #tpu.memory_space<vmem>>
        %dma_wait3A_297 = tpu.memref_squeeze %dma_wait3A_296 : memref<1x80x16xf32, #tpu.memory_space<vmem>> -> memref<80x16xf32, #tpu.memory_space<vmem>>
        %dma_wait3A_298 = tpu.memref_slice %arg6[%mul3A_292] : memref<10000xi32, #tpu.memory_space<vmem>> -> memref<80xi32, #tpu.memory_space<vmem>>
        %dma_wait3A_299 = arith.constant 0 : i32
        %dma_wait3A_300 = arith.constant 0 : i32
        %dma_wait3A_301 = tpu.memref_slice %arg3[%dma_wait3A_299, %dma_wait3A_300] : memref<10000x16xf32, #tpu.memory_space<hbm>> -> memref<10000x16xf32, #tpu.memory_space<hbm>>
        %dma_wait3A_302 = tpu.memref_slice %arg10[%dma_wait3A_293] : memref<8x!tpu.dma_semaphore, #tpu.memory_space<semaphore_mem>> -> memref<1x!tpu.dma_semaphore, #tpu.memory_space<semaphore_mem>>
        %dma_wait3A_303 = tpu.memref_squeeze %dma_wait3A_302 : memref<1x!tpu.dma_semaphore, #tpu.memory_space<semaphore_mem>> -> memref<!tpu.dma_semaphore, #tpu.memory_space<semaphore_mem>>
        tpu.wait_indirect_dma semaphore(%dma_wait3A_303 : memref<!tpu.dma_semaphore, #tpu.memory_space<semaphore_mem>>) src(%dma_wait3A_301 : memref<10000x16xf32, #tpu.memory_space<hbm>>) dst(%dma_wait3A_297 : memref<80x16xf32, #tpu.memory_space<vmem>>)
        %mul3A_304 = arith.constant 80 : i32
        %mul3A_305 = arith.muli %add3A_127, %mul3A_304 : i32
        %dma_start3A_306 = arith.constant 0 : i32
        %dma_start3A_307 = arith.constant 0 : i32
        %dma_start3A_308 = arith.constant 0 : i32
        %dma_start3A_309 = arith.constant 0 : i32
        %dma_start3A_310 = tpu.memref_slice %arg8[%dma_start3A_306, %dma_start3A_308, %dma_start3A_309] : memref<8x80x16xf32, #tpu.memory_space<vmem>> -> memref<1x80x16xf32, #tpu.memory_space<vmem>>
        %dma_start3A_311 = tpu.memref_squeeze %dma_start3A_310 : memref<1x80x16xf32, #tpu.memory_space<vmem>> -> memref<80x16xf32, #tpu.memory_space<vmem>>
        %dma_start3A_312 = tpu.memref_slice %arg7[%mul3A_305] : memref<10000xi32, #tpu.memory_space<vmem>> -> memref<80xi32, #tpu.memory_space<vmem>>
        %dma_start3A_313 = arith.constant 0 : i32
        %dma_start3A_314 = arith.constant 0 : i32
        %dma_start3A_315 = tpu.memref_slice %arg9[%dma_start3A_313, %dma_start3A_314] : memref<10000x16xf32, #tpu.memory_space<vmem_shared>> -> memref<10000x16xf32, #tpu.memory_space<vmem_shared>>
        %dma_start3A_316 = tpu.memref_slice %arg11[%dma_start3A_307] : memref<8x!tpu.dma_semaphore, #tpu.memory_space<semaphore_mem>> -> memref<1x!tpu.dma_semaphore, #tpu.memory_space<semaphore_mem>>
        %dma_start3A_317 = tpu.memref_squeeze %dma_start3A_316 : memref<1x!tpu.dma_semaphore, #tpu.memory_space<semaphore_mem>> -> memref<!tpu.dma_semaphore, #tpu.memory_space<semaphore_mem>>
        tpu.enqueue_indirect_dma source(%dma_start3A_311 : memref<80x16xf32, #tpu.memory_space<vmem>>) target(%dma_start3A_315 : memref<10000x16xf32, #tpu.memory_space<vmem_shared>>) offsets(%dma_start3A_312 : memref<80xi32, #tpu.memory_space<vmem>>) semaphore(%dma_start3A_317 : memref<!tpu.dma_semaphore, #tpu.memory_space<semaphore_mem>>) {add = true}
      } else {
      }
      %add3A_130 = arith.constant 1 : i32
      %add3A_131 = arith.addi %mul3A_125, %add3A_130 : i32
      %lt3A_132 = arith.constant 125 : i32
      %lt3A_133 = arith.cmpi slt, %add3A_131, %lt3A_132 : i32
      %convert_element_type3A_134 = arith.extui %lt3A_133 : i1 to i32
      %cond3A_135 = arith.constant 0 : i32
      %cond3A_136 = arith.cmpi ne, %convert_element_type3A_134, %cond3A_135 : i32
      scf.if %cond3A_136 {
        %mul3A_291 = arith.constant 80 : i32
        %mul3A_292 = arith.muli %add3A_131, %mul3A_291 : i32
        %dma_wait3A = arith.constant 1 : i32
        %dma_wait3A_293 = arith.constant 1 : i32
        %dma_wait3A_294 = arith.constant 0 : i32
        %dma_wait3A_295 = arith.constant 0 : i32
        %dma_wait3A_296 = tpu.memref_slice %arg8[%dma_wait3A, %dma_wait3A_294, %dma_wait3A_295] : memref<8x80x16xf32, #tpu.memory_space<vmem>> -> memref<1x80x16xf32, #tpu.memory_space<vmem>>
        %dma_wait3A_297 = tpu.memref_squeeze %dma_wait3A_296 : memref<1x80x16xf32, #tpu.memory_space<vmem>> -> memref<80x16xf32, #tpu.memory_space<vmem>>
        %dma_wait3A_298 = tpu.memref_slice %arg6[%mul3A_292] : memref<10000xi32, #tpu.memory_space<vmem>> -> memref<80xi32, #tpu.memory_space<vmem>>
        %dma_wait3A_299 = arith.constant 0 : i32
        %dma_wait3A_300 = arith.constant 0 : i32
        %dma_wait3A_301 = tpu.memref_slice %arg3[%dma_wait3A_299, %dma_wait3A_300] : memref<10000x16xf32, #tpu.memory_space<hbm>> -> memref<10000x16xf32, #tpu.memory_space<hbm>>
        %dma_wait3A_302 = tpu.memref_slice %arg10[%dma_wait3A_293] : memref<8x!tpu.dma_semaphore, #tpu.memory_space<semaphore_mem>> -> memref<1x!tpu.dma_semaphore, #tpu.memory_space<semaphore_mem>>
        %dma_wait3A_303 = tpu.memref_squeeze %dma_wait3A_302 : memref<1x!tpu.dma_semaphore, #tpu.memory_space<semaphore_mem>> -> memref<!tpu.dma_semaphore, #tpu.memory_space<semaphore_mem>>
        tpu.wait_indirect_dma semaphore(%dma_wait3A_303 : memref<!tpu.dma_semaphore, #tpu.memory_space<semaphore_mem>>) src(%dma_wait3A_301 : memref<10000x16xf32, #tpu.memory_space<hbm>>) dst(%dma_wait3A_297 : memref<80x16xf32, #tpu.memory_space<vmem>>)
        %mul3A_304 = arith.constant 80 : i32
        %mul3A_305 = arith.muli %add3A_131, %mul3A_304 : i32
        %dma_start3A_306 = arith.constant 1 : i32
        %dma_start3A_307 = arith.constant 1 : i32
        %dma_start3A_308 = arith.constant 0 : i32
        %dma_start3A_309 = arith.constant 0 : i32
        %dma_start3A_310 = tpu.memref_slice %arg8[%dma_start3A_306, %dma_start3A_308, %dma_start3A_309] : memref<8x80x16xf32, #tpu.memory_space<vmem>> -> memref<1x80x16xf32, #tpu.memory_space<vmem>>
        %dma_start3A_311 = tpu.memref_squeeze %dma_start3A_310 : memref<1x80x16xf32, #tpu.memory_space<vmem>> -> memref<80x16xf32, #tpu.memory_space<vmem>>
        %dma_start3A_312 = tpu.memref_slice %arg7[%mul3A_305] : memref<10000xi32, #tpu.memory_space<vmem>> -> memref<80xi32, #tpu.memory_space<vmem>>
        %dma_start3A_313 = arith.constant 0 : i32
        %dma_start3A_314 = arith.constant 0 : i32
        %dma_start3A_315 = tpu.memref_slice %arg9[%dma_start3A_313, %dma_start3A_314] : memref<10000x16xf32, #tpu.memory_space<vmem_shared>> -> memref<10000x16xf32, #tpu.memory_space<vmem_shared>>
        %dma_start3A_316 = tpu.memref_slice %arg11[%dma_start3A_307] : memref<8x!tpu.dma_semaphore, #tpu.memory_space<semaphore_mem>> -> memref<1x!tpu.dma_semaphore, #tpu.memory_space<semaphore_mem>>
        %dma_start3A_317 = tpu.memref_squeeze %dma_start3A_316 : memref<1x!tpu.dma_semaphore, #tpu.memory_space<semaphore_mem>> -> memref<!tpu.dma_semaphore, #tpu.memory_space<semaphore_mem>>
        tpu.enqueue_indirect_dma source(%dma_start3A_311 : memref<80x16xf32, #tpu.memory_space<vmem>>) target(%dma_start3A_315 : memref<10000x16xf32, #tpu.memory_space<vmem_shared>>) offsets(%dma_start3A_312 : memref<80xi32, #tpu.memory_space<vmem>>) semaphore(%dma_start3A_317 : memref<!tpu.dma_semaphore, #tpu.memory_space<semaphore_mem>>) {add = true}
      } else {
      }
      %add3A_137 = arith.constant 2 : i32
      %add3A_138 = arith.addi %mul3A_125, %add3A_137 : i32
      %lt3A_139 = arith.constant 125 : i32
      %lt3A_140 = arith.cmpi slt, %add3A_138, %lt3A_139 : i32
      %convert_element_type3A_141 = arith.extui %lt3A_140 : i1 to i32
      %cond3A_142 = arith.constant 0 : i32
      %cond3A_143 = arith.cmpi ne, %convert_element_type3A_141, %cond3A_142 : i32
      scf.if %cond3A_143 {
        %mul3A_291 = arith.constant 80 : i32
        %mul3A_292 = arith.muli %add3A_138, %mul3A_291 : i32
        %dma_wait3A = arith.constant 2 : i32
        %dma_wait3A_293 = arith.constant 2 : i32
        %dma_wait3A_294 = arith.constant 0 : i32
        %dma_wait3A_295 = arith.constant 0 : i32
        %dma_wait3A_296 = tpu.memref_slice %arg8[%dma_wait3A, %dma_wait3A_294, %dma_wait3A_295] : memref<8x80x16xf32, #tpu.memory_space<vmem>> -> memref<1x80x16xf32, #tpu.memory_space<vmem>>
        %dma_wait3A_297 = tpu.memref_squeeze %dma_wait3A_296 : memref<1x80x16xf32, #tpu.memory_space<vmem>> -> memref<80x16xf32, #tpu.memory_space<vmem>>
        %dma_wait3A_298 = tpu.memref_slice %arg6[%mul3A_292] : memref<10000xi32, #tpu.memory_space<vmem>> -> memref<80xi32, #tpu.memory_space<vmem>>
        %dma_wait3A_299 = arith.constant 0 : i32
        %dma_wait3A_300 = arith.constant 0 : i32
        %dma_wait3A_301 = tpu.memref_slice %arg3[%dma_wait3A_299, %dma_wait3A_300] : memref<10000x16xf32, #tpu.memory_space<hbm>> -> memref<10000x16xf32, #tpu.memory_space<hbm>>
        %dma_wait3A_302 = tpu.memref_slice %arg10[%dma_wait3A_293] : memref<8x!tpu.dma_semaphore, #tpu.memory_space<semaphore_mem>> -> memref<1x!tpu.dma_semaphore, #tpu.memory_space<semaphore_mem>>
        %dma_wait3A_303 = tpu.memref_squeeze %dma_wait3A_302 : memref<1x!tpu.dma_semaphore, #tpu.memory_space<semaphore_mem>> -> memref<!tpu.dma_semaphore, #tpu.memory_space<semaphore_mem>>
        tpu.wait_indirect_dma semaphore(%dma_wait3A_303 : memref<!tpu.dma_semaphore, #tpu.memory_space<semaphore_mem>>) src(%dma_wait3A_301 : memref<10000x16xf32, #tpu.memory_space<hbm>>) dst(%dma_wait3A_297 : memref<80x16xf32, #tpu.memory_space<vmem>>)
        %mul3A_304 = arith.constant 80 : i32
        %mul3A_305 = arith.muli %add3A_138, %mul3A_304 : i32
        %dma_start3A_306 = arith.constant 2 : i32
        %dma_start3A_307 = arith.constant 2 : i32
        %dma_start3A_308 = arith.constant 0 : i32
        %dma_start3A_309 = arith.constant 0 : i32
        %dma_start3A_310 = tpu.memref_slice %arg8[%dma_start3A_306, %dma_start3A_308, %dma_start3A_309] : memref<8x80x16xf32, #tpu.memory_space<vmem>> -> memref<1x80x16xf32, #tpu.memory_space<vmem>>
        %dma_start3A_311 = tpu.memref_squeeze %dma_start3A_310 : memref<1x80x16xf32, #tpu.memory_space<vmem>> -> memref<80x16xf32, #tpu.memory_space<vmem>>
        %dma_start3A_312 = tpu.memref_slice %arg7[%mul3A_305] : memref<10000xi32, #tpu.memory_space<vmem>> -> memref<80xi32, #tpu.memory_space<vmem>>
        %dma_start3A_313 = arith.constant 0 : i32
        %dma_start3A_314 = arith.constant 0 : i32
        %dma_start3A_315 = tpu.memref_slice %arg9[%dma_start3A_313, %dma_start3A_314] : memref<10000x16xf32, #tpu.memory_space<vmem_shared>> -> memref<10000x16xf32, #tpu.memory_space<vmem_shared>>
        %dma_start3A_316 = tpu.memref_slice %arg11[%dma_start3A_307] : memref<8x!tpu.dma_semaphore, #tpu.memory_space<semaphore_mem>> -> memref<1x!tpu.dma_semaphore, #tpu.memory_space<semaphore_mem>>
        %dma_start3A_317 = tpu.memref_squeeze %dma_start3A_316 : memref<1x!tpu.dma_semaphore, #tpu.memory_space<semaphore_mem>> -> memref<!tpu.dma_semaphore, #tpu.memory_space<semaphore_mem>>
        tpu.enqueue_indirect_dma source(%dma_start3A_311 : memref<80x16xf32, #tpu.memory_space<vmem>>) target(%dma_start3A_315 : memref<10000x16xf32, #tpu.memory_space<vmem_shared>>) offsets(%dma_start3A_312 : memref<80xi32, #tpu.memory_space<vmem>>) semaphore(%dma_start3A_317 : memref<!tpu.dma_semaphore, #tpu.memory_space<semaphore_mem>>) {add = true}
      } else {
      }
      %add3A_144 = arith.constant 3 : i32
      %add3A_145 = arith.addi %mul3A_125, %add3A_144 : i32
      %lt3A_146 = arith.constant 125 : i32
      %lt3A_147 = arith.cmpi slt, %add3A_145, %lt3A_146 : i32
      %convert_element_type3A_148 = arith.extui %lt3A_147 : i1 to i32
      %cond3A_149 = arith.constant 0 : i32
      %cond3A_150 = arith.cmpi ne, %convert_element_type3A_148, %cond3A_149 : i32
      scf.if %cond3A_150 {
        %mul3A_291 = arith.constant 80 : i32
        %mul3A_292 = arith.muli %add3A_145, %mul3A_291 : i32
        %dma_wait3A = arith.constant 3 : i32
        %dma_wait3A_293 = arith.constant 3 : i32
        %dma_wait3A_294 = arith.constant 0 : i32
        %dma_wait3A_295 = arith.constant 0 : i32
        %dma_wait3A_296 = tpu.memref_slice %arg8[%dma_wait3A, %dma_wait3A_294, %dma_wait3A_295] : memref<8x80x16xf32, #tpu.memory_space<vmem>> -> memref<1x80x16xf32, #tpu.memory_space<vmem>>
        %dma_wait3A_297 = tpu.memref_squeeze %dma_wait3A_296 : memref<1x80x16xf32, #tpu.memory_space<vmem>> -> memref<80x16xf32, #tpu.memory_space<vmem>>
        %dma_wait3A_298 = tpu.memref_slice %arg6[%mul3A_292] : memref<10000xi32, #tpu.memory_space<vmem>> -> memref<80xi32, #tpu.memory_space<vmem>>
        %dma_wait3A_299 = arith.constant 0 : i32
        %dma_wait3A_300 = arith.constant 0 : i32
        %dma_wait3A_301 = tpu.memref_slice %arg3[%dma_wait3A_299, %dma_wait3A_300] : memref<10000x16xf32, #tpu.memory_space<hbm>> -> memref<10000x16xf32, #tpu.memory_space<hbm>>
        %dma_wait3A_302 = tpu.memref_slice %arg10[%dma_wait3A_293] : memref<8x!tpu.dma_semaphore, #tpu.memory_space<semaphore_mem>> -> memref<1x!tpu.dma_semaphore, #tpu.memory_space<semaphore_mem>>
        %dma_wait3A_303 = tpu.memref_squeeze %dma_wait3A_302 : memref<1x!tpu.dma_semaphore, #tpu.memory_space<semaphore_mem>> -> memref<!tpu.dma_semaphore, #tpu.memory_space<semaphore_mem>>
        tpu.wait_indirect_dma semaphore(%dma_wait3A_303 : memref<!tpu.dma_semaphore, #tpu.memory_space<semaphore_mem>>) src(%dma_wait3A_301 : memref<10000x16xf32, #tpu.memory_space<hbm>>) dst(%dma_wait3A_297 : memref<80x16xf32, #tpu.memory_space<vmem>>)
        %mul3A_304 = arith.constant 80 : i32
        %mul3A_305 = arith.muli %add3A_145, %mul3A_304 : i32
        %dma_start3A_306 = arith.constant 3 : i32
        %dma_start3A_307 = arith.constant 3 : i32
        %dma_start3A_308 = arith.constant 0 : i32
        %dma_start3A_309 = arith.constant 0 : i32
        %dma_start3A_310 = tpu.memref_slice %arg8[%dma_start3A_306, %dma_start3A_308, %dma_start3A_309] : memref<8x80x16xf32, #tpu.memory_space<vmem>> -> memref<1x80x16xf32, #tpu.memory_space<vmem>>
        %dma_start3A_311 = tpu.memref_squeeze %dma_start3A_310 : memref<1x80x16xf32, #tpu.memory_space<vmem>> -> memref<80x16xf32, #tpu.memory_space<vmem>>
        %dma_start3A_312 = tpu.memref_slice %arg7[%mul3A_305] : memref<10000xi32, #tpu.memory_space<vmem>> -> memref<80xi32, #tpu.memory_space<vmem>>
        %dma_start3A_313 = arith.constant 0 : i32
        %dma_start3A_314 = arith.constant 0 : i32
        %dma_start3A_315 = tpu.memref_slice %arg9[%dma_start3A_313, %dma_start3A_314] : memref<10000x16xf32, #tpu.memory_space<vmem_shared>> -> memref<10000x16xf32, #tpu.memory_space<vmem_shared>>
        %dma_start3A_316 = tpu.memref_slice %arg11[%dma_start3A_307] : memref<8x!tpu.dma_semaphore, #tpu.memory_space<semaphore_mem>> -> memref<1x!tpu.dma_semaphore, #tpu.memory_space<semaphore_mem>>
        %dma_start3A_317 = tpu.memref_squeeze %dma_start3A_316 : memref<1x!tpu.dma_semaphore, #tpu.memory_space<semaphore_mem>> -> memref<!tpu.dma_semaphore, #tpu.memory_space<semaphore_mem>>
        tpu.enqueue_indirect_dma source(%dma_start3A_311 : memref<80x16xf32, #tpu.memory_space<vmem>>) target(%dma_start3A_315 : memref<10000x16xf32, #tpu.memory_space<vmem_shared>>) offsets(%dma_start3A_312 : memref<80xi32, #tpu.memory_space<vmem>>) semaphore(%dma_start3A_317 : memref<!tpu.dma_semaphore, #tpu.memory_space<semaphore_mem>>) {add = true}
      } else {
      }
      %add3A_151 = arith.constant 4 : i32
      %add3A_152 = arith.addi %mul3A_125, %add3A_151 : i32
      %lt3A_153 = arith.constant 125 : i32
      %lt3A_154 = arith.cmpi slt, %add3A_152, %lt3A_153 : i32
      %convert_element_type3A_155 = arith.extui %lt3A_154 : i1 to i32
      %cond3A_156 = arith.constant 0 : i32
      %cond3A_157 = arith.cmpi ne, %convert_element_type3A_155, %cond3A_156 : i32
      scf.if %cond3A_157 {
        %mul3A_291 = arith.constant 80 : i32
        %mul3A_292 = arith.muli %add3A_152, %mul3A_291 : i32
        %dma_wait3A = arith.constant 4 : i32
        %dma_wait3A_293 = arith.constant 4 : i32
        %dma_wait3A_294 = arith.constant 0 : i32
        %dma_wait3A_295 = arith.constant 0 : i32
        %dma_wait3A_296 = tpu.memref_slice %arg8[%dma_wait3A, %dma_wait3A_294, %dma_wait3A_295] : memref<8x80x16xf32, #tpu.memory_space<vmem>> -> memref<1x80x16xf32, #tpu.memory_space<vmem>>
        %dma_wait3A_297 = tpu.memref_squeeze %dma_wait3A_296 : memref<1x80x16xf32, #tpu.memory_space<vmem>> -> memref<80x16xf32, #tpu.memory_space<vmem>>
        %dma_wait3A_298 = tpu.memref_slice %arg6[%mul3A_292] : memref<10000xi32, #tpu.memory_space<vmem>> -> memref<80xi32, #tpu.memory_space<vmem>>
        %dma_wait3A_299 = arith.constant 0 : i32
        %dma_wait3A_300 = arith.constant 0 : i32
        %dma_wait3A_301 = tpu.memref_slice %arg3[%dma_wait3A_299, %dma_wait3A_300] : memref<10000x16xf32, #tpu.memory_space<hbm>> -> memref<10000x16xf32, #tpu.memory_space<hbm>>
        %dma_wait3A_302 = tpu.memref_slice %arg10[%dma_wait3A_293] : memref<8x!tpu.dma_semaphore, #tpu.memory_space<semaphore_mem>> -> memref<1x!tpu.dma_semaphore, #tpu.memory_space<semaphore_mem>>
        %dma_wait3A_303 = tpu.memref_squeeze %dma_wait3A_302 : memref<1x!tpu.dma_semaphore, #tpu.memory_space<semaphore_mem>> -> memref<!tpu.dma_semaphore, #tpu.memory_space<semaphore_mem>>
        tpu.wait_indirect_dma semaphore(%dma_wait3A_303 : memref<!tpu.dma_semaphore, #tpu.memory_space<semaphore_mem>>) src(%dma_wait3A_301 : memref<10000x16xf32, #tpu.memory_space<hbm>>) dst(%dma_wait3A_297 : memref<80x16xf32, #tpu.memory_space<vmem>>)
        %mul3A_304 = arith.constant 80 : i32
        %mul3A_305 = arith.muli %add3A_152, %mul3A_304 : i32
        %dma_start3A_306 = arith.constant 4 : i32
        %dma_start3A_307 = arith.constant 4 : i32
        %dma_start3A_308 = arith.constant 0 : i32
        %dma_start3A_309 = arith.constant 0 : i32
        %dma_start3A_310 = tpu.memref_slice %arg8[%dma_start3A_306, %dma_start3A_308, %dma_start3A_309] : memref<8x80x16xf32, #tpu.memory_space<vmem>> -> memref<1x80x16xf32, #tpu.memory_space<vmem>>
        %dma_start3A_311 = tpu.memref_squeeze %dma_start3A_310 : memref<1x80x16xf32, #tpu.memory_space<vmem>> -> memref<80x16xf32, #tpu.memory_space<vmem>>
        %dma_start3A_312 = tpu.memref_slice %arg7[%mul3A_305] : memref<10000xi32, #tpu.memory_space<vmem>> -> memref<80xi32, #tpu.memory_space<vmem>>
        %dma_start3A_313 = arith.constant 0 : i32
        %dma_start3A_314 = arith.constant 0 : i32
        %dma_start3A_315 = tpu.memref_slice %arg9[%dma_start3A_313, %dma_start3A_314] : memref<10000x16xf32, #tpu.memory_space<vmem_shared>> -> memref<10000x16xf32, #tpu.memory_space<vmem_shared>>
        %dma_start3A_316 = tpu.memref_slice %arg11[%dma_start3A_307] : memref<8x!tpu.dma_semaphore, #tpu.memory_space<semaphore_mem>> -> memref<1x!tpu.dma_semaphore, #tpu.memory_space<semaphore_mem>>
        %dma_start3A_317 = tpu.memref_squeeze %dma_start3A_316 : memref<1x!tpu.dma_semaphore, #tpu.memory_space<semaphore_mem>> -> memref<!tpu.dma_semaphore, #tpu.memory_space<semaphore_mem>>
        tpu.enqueue_indirect_dma source(%dma_start3A_311 : memref<80x16xf32, #tpu.memory_space<vmem>>) target(%dma_start3A_315 : memref<10000x16xf32, #tpu.memory_space<vmem_shared>>) offsets(%dma_start3A_312 : memref<80xi32, #tpu.memory_space<vmem>>) semaphore(%dma_start3A_317 : memref<!tpu.dma_semaphore, #tpu.memory_space<semaphore_mem>>) {add = true}
      } else {
      }
      %add3A_158 = arith.constant 5 : i32
      %add3A_159 = arith.addi %mul3A_125, %add3A_158 : i32
      %lt3A_160 = arith.constant 125 : i32
      %lt3A_161 = arith.cmpi slt, %add3A_159, %lt3A_160 : i32
      %convert_element_type3A_162 = arith.extui %lt3A_161 : i1 to i32
      %cond3A_163 = arith.constant 0 : i32
      %cond3A_164 = arith.cmpi ne, %convert_element_type3A_162, %cond3A_163 : i32
      scf.if %cond3A_164 {
        %mul3A_291 = arith.constant 80 : i32
        %mul3A_292 = arith.muli %add3A_159, %mul3A_291 : i32
        %dma_wait3A = arith.constant 5 : i32
        %dma_wait3A_293 = arith.constant 5 : i32
        %dma_wait3A_294 = arith.constant 0 : i32
        %dma_wait3A_295 = arith.constant 0 : i32
        %dma_wait3A_296 = tpu.memref_slice %arg8[%dma_wait3A, %dma_wait3A_294, %dma_wait3A_295] : memref<8x80x16xf32, #tpu.memory_space<vmem>> -> memref<1x80x16xf32, #tpu.memory_space<vmem>>
        %dma_wait3A_297 = tpu.memref_squeeze %dma_wait3A_296 : memref<1x80x16xf32, #tpu.memory_space<vmem>> -> memref<80x16xf32, #tpu.memory_space<vmem>>
        %dma_wait3A_298 = tpu.memref_slice %arg6[%mul3A_292] : memref<10000xi32, #tpu.memory_space<vmem>> -> memref<80xi32, #tpu.memory_space<vmem>>
        %dma_wait3A_299 = arith.constant 0 : i32
        %dma_wait3A_300 = arith.constant 0 : i32
        %dma_wait3A_301 = tpu.memref_slice %arg3[%dma_wait3A_299, %dma_wait3A_300] : memref<10000x16xf32, #tpu.memory_space<hbm>> -> memref<10000x16xf32, #tpu.memory_space<hbm>>
        %dma_wait3A_302 = tpu.memref_slice %arg10[%dma_wait3A_293] : memref<8x!tpu.dma_semaphore, #tpu.memory_space<semaphore_mem>> -> memref<1x!tpu.dma_semaphore, #tpu.memory_space<semaphore_mem>>
        %dma_wait3A_303 = tpu.memref_squeeze %dma_wait3A_302 : memref<1x!tpu.dma_semaphore, #tpu.memory_space<semaphore_mem>> -> memref<!tpu.dma_semaphore, #tpu.memory_space<semaphore_mem>>
        tpu.wait_indirect_dma semaphore(%dma_wait3A_303 : memref<!tpu.dma_semaphore, #tpu.memory_space<semaphore_mem>>) src(%dma_wait3A_301 : memref<10000x16xf32, #tpu.memory_space<hbm>>) dst(%dma_wait3A_297 : memref<80x16xf32, #tpu.memory_space<vmem>>)
        %mul3A_304 = arith.constant 80 : i32
        %mul3A_305 = arith.muli %add3A_159, %mul3A_304 : i32
        %dma_start3A_306 = arith.constant 5 : i32
        %dma_start3A_307 = arith.constant 5 : i32
        %dma_start3A_308 = arith.constant 0 : i32
        %dma_start3A_309 = arith.constant 0 : i32
        %dma_start3A_310 = tpu.memref_slice %arg8[%dma_start3A_306, %dma_start3A_308, %dma_start3A_309] : memref<8x80x16xf32, #tpu.memory_space<vmem>> -> memref<1x80x16xf32, #tpu.memory_space<vmem>>
        %dma_start3A_311 = tpu.memref_squeeze %dma_start3A_310 : memref<1x80x16xf32, #tpu.memory_space<vmem>> -> memref<80x16xf32, #tpu.memory_space<vmem>>
        %dma_start3A_312 = tpu.memref_slice %arg7[%mul3A_305] : memref<10000xi32, #tpu.memory_space<vmem>> -> memref<80xi32, #tpu.memory_space<vmem>>
        %dma_start3A_313 = arith.constant 0 : i32
        %dma_start3A_314 = arith.constant 0 : i32
        %dma_start3A_315 = tpu.memref_slice %arg9[%dma_start3A_313, %dma_start3A_314] : memref<10000x16xf32, #tpu.memory_space<vmem_shared>> -> memref<10000x16xf32, #tpu.memory_space<vmem_shared>>
        %dma_start3A_316 = tpu.memref_slice %arg11[%dma_start3A_307] : memref<8x!tpu.dma_semaphore, #tpu.memory_space<semaphore_mem>> -> memref<1x!tpu.dma_semaphore, #tpu.memory_space<semaphore_mem>>
        %dma_start3A_317 = tpu.memref_squeeze %dma_start3A_316 : memref<1x!tpu.dma_semaphore, #tpu.memory_space<semaphore_mem>> -> memref<!tpu.dma_semaphore, #tpu.memory_space<semaphore_mem>>
        tpu.enqueue_indirect_dma source(%dma_start3A_311 : memref<80x16xf32, #tpu.memory_space<vmem>>) target(%dma_start3A_315 : memref<10000x16xf32, #tpu.memory_space<vmem_shared>>) offsets(%dma_start3A_312 : memref<80xi32, #tpu.memory_space<vmem>>) semaphore(%dma_start3A_317 : memref<!tpu.dma_semaphore, #tpu.memory_space<semaphore_mem>>) {add = true}
      } else {
      }
      %add3A_165 = arith.constant 6 : i32
      %add3A_166 = arith.addi %mul3A_125, %add3A_165 : i32
      %lt3A_167 = arith.constant 125 : i32
      %lt3A_168 = arith.cmpi slt, %add3A_166, %lt3A_167 : i32
      %convert_element_type3A_169 = arith.extui %lt3A_168 : i1 to i32
      %cond3A_170 = arith.constant 0 : i32
      %cond3A_171 = arith.cmpi ne, %convert_element_type3A_169, %cond3A_170 : i32
      scf.if %cond3A_171 {
        %mul3A_291 = arith.constant 80 : i32
        %mul3A_292 = arith.muli %add3A_166, %mul3A_291 : i32
        %dma_wait3A = arith.constant 6 : i32
        %dma_wait3A_293 = arith.constant 6 : i32
        %dma_wait3A_294 = arith.constant 0 : i32
        %dma_wait3A_295 = arith.constant 0 : i32
        %dma_wait3A_296 = tpu.memref_slice %arg8[%dma_wait3A, %dma_wait3A_294, %dma_wait3A_295] : memref<8x80x16xf32, #tpu.memory_space<vmem>> -> memref<1x80x16xf32, #tpu.memory_space<vmem>>
        %dma_wait3A_297 = tpu.memref_squeeze %dma_wait3A_296 : memref<1x80x16xf32, #tpu.memory_space<vmem>> -> memref<80x16xf32, #tpu.memory_space<vmem>>
        %dma_wait3A_298 = tpu.memref_slice %arg6[%mul3A_292] : memref<10000xi32, #tpu.memory_space<vmem>> -> memref<80xi32, #tpu.memory_space<vmem>>
        %dma_wait3A_299 = arith.constant 0 : i32
        %dma_wait3A_300 = arith.constant 0 : i32
        %dma_wait3A_301 = tpu.memref_slice %arg3[%dma_wait3A_299, %dma_wait3A_300] : memref<10000x16xf32, #tpu.memory_space<hbm>> -> memref<10000x16xf32, #tpu.memory_space<hbm>>
        %dma_wait3A_302 = tpu.memref_slice %arg10[%dma_wait3A_293] : memref<8x!tpu.dma_semaphore, #tpu.memory_space<semaphore_mem>> -> memref<1x!tpu.dma_semaphore, #tpu.memory_space<semaphore_mem>>
        %dma_wait3A_303 = tpu.memref_squeeze %dma_wait3A_302 : memref<1x!tpu.dma_semaphore, #tpu.memory_space<semaphore_mem>> -> memref<!tpu.dma_semaphore, #tpu.memory_space<semaphore_mem>>
        tpu.wait_indirect_dma semaphore(%dma_wait3A_303 : memref<!tpu.dma_semaphore, #tpu.memory_space<semaphore_mem>>) src(%dma_wait3A_301 : memref<10000x16xf32, #tpu.memory_space<hbm>>) dst(%dma_wait3A_297 : memref<80x16xf32, #tpu.memory_space<vmem>>)
        %mul3A_304 = arith.constant 80 : i32
        %mul3A_305 = arith.muli %add3A_166, %mul3A_304 : i32
        %dma_start3A_306 = arith.constant 6 : i32
        %dma_start3A_307 = arith.constant 6 : i32
        %dma_start3A_308 = arith.constant 0 : i32
        %dma_start3A_309 = arith.constant 0 : i32
        %dma_start3A_310 = tpu.memref_slice %arg8[%dma_start3A_306, %dma_start3A_308, %dma_start3A_309] : memref<8x80x16xf32, #tpu.memory_space<vmem>> -> memref<1x80x16xf32, #tpu.memory_space<vmem>>
        %dma_start3A_311 = tpu.memref_squeeze %dma_start3A_310 : memref<1x80x16xf32, #tpu.memory_space<vmem>> -> memref<80x16xf32, #tpu.memory_space<vmem>>
        %dma_start3A_312 = tpu.memref_slice %arg7[%mul3A_305] : memref<10000xi32, #tpu.memory_space<vmem>> -> memref<80xi32, #tpu.memory_space<vmem>>
        %dma_start3A_313 = arith.constant 0 : i32
        %dma_start3A_314 = arith.constant 0 : i32
        %dma_start3A_315 = tpu.memref_slice %arg9[%dma_start3A_313, %dma_start3A_314] : memref<10000x16xf32, #tpu.memory_space<vmem_shared>> -> memref<10000x16xf32, #tpu.memory_space<vmem_shared>>
        %dma_start3A_316 = tpu.memref_slice %arg11[%dma_start3A_307] : memref<8x!tpu.dma_semaphore, #tpu.memory_space<semaphore_mem>> -> memref<1x!tpu.dma_semaphore, #tpu.memory_space<semaphore_mem>>
        %dma_start3A_317 = tpu.memref_squeeze %dma_start3A_316 : memref<1x!tpu.dma_semaphore, #tpu.memory_space<semaphore_mem>> -> memref<!tpu.dma_semaphore, #tpu.memory_space<semaphore_mem>>
        tpu.enqueue_indirect_dma source(%dma_start3A_311 : memref<80x16xf32, #tpu.memory_space<vmem>>) target(%dma_start3A_315 : memref<10000x16xf32, #tpu.memory_space<vmem_shared>>) offsets(%dma_start3A_312 : memref<80xi32, #tpu.memory_space<vmem>>) semaphore(%dma_start3A_317 : memref<!tpu.dma_semaphore, #tpu.memory_space<semaphore_mem>>) {add = true}
      } else {
      }
      %add3A_172 = arith.constant 7 : i32
      %add3A_173 = arith.addi %mul3A_125, %add3A_172 : i32
      %lt3A_174 = arith.constant 125 : i32
      %lt3A_175 = arith.cmpi slt, %add3A_173, %lt3A_174 : i32
      %convert_element_type3A_176 = arith.extui %lt3A_175 : i1 to i32
      %cond3A_177 = arith.constant 0 : i32
      %cond3A_178 = arith.cmpi ne, %convert_element_type3A_176, %cond3A_177 : i32
      scf.if %cond3A_178 {
        %mul3A_291 = arith.constant 80 : i32
        %mul3A_292 = arith.muli %add3A_173, %mul3A_291 : i32
        %dma_wait3A = arith.constant 7 : i32
        %dma_wait3A_293 = arith.constant 7 : i32
        %dma_wait3A_294 = arith.constant 0 : i32
        %dma_wait3A_295 = arith.constant 0 : i32
        %dma_wait3A_296 = tpu.memref_slice %arg8[%dma_wait3A, %dma_wait3A_294, %dma_wait3A_295] : memref<8x80x16xf32, #tpu.memory_space<vmem>> -> memref<1x80x16xf32, #tpu.memory_space<vmem>>
        %dma_wait3A_297 = tpu.memref_squeeze %dma_wait3A_296 : memref<1x80x16xf32, #tpu.memory_space<vmem>> -> memref<80x16xf32, #tpu.memory_space<vmem>>
        %dma_wait3A_298 = tpu.memref_slice %arg6[%mul3A_292] : memref<10000xi32, #tpu.memory_space<vmem>> -> memref<80xi32, #tpu.memory_space<vmem>>
        %dma_wait3A_299 = arith.constant 0 : i32
        %dma_wait3A_300 = arith.constant 0 : i32
        %dma_wait3A_301 = tpu.memref_slice %arg3[%dma_wait3A_299, %dma_wait3A_300] : memref<10000x16xf32, #tpu.memory_space<hbm>> -> memref<10000x16xf32, #tpu.memory_space<hbm>>
        %dma_wait3A_302 = tpu.memref_slice %arg10[%dma_wait3A_293] : memref<8x!tpu.dma_semaphore, #tpu.memory_space<semaphore_mem>> -> memref<1x!tpu.dma_semaphore, #tpu.memory_space<semaphore_mem>>
        %dma_wait3A_303 = tpu.memref_squeeze %dma_wait3A_302 : memref<1x!tpu.dma_semaphore, #tpu.memory_space<semaphore_mem>> -> memref<!tpu.dma_semaphore, #tpu.memory_space<semaphore_mem>>
        tpu.wait_indirect_dma semaphore(%dma_wait3A_303 : memref<!tpu.dma_semaphore, #tpu.memory_space<semaphore_mem>>) src(%dma_wait3A_301 : memref<10000x16xf32, #tpu.memory_space<hbm>>) dst(%dma_wait3A_297 : memref<80x16xf32, #tpu.memory_space<vmem>>)
        %mul3A_304 = arith.constant 80 : i32
        %mul3A_305 = arith.muli %add3A_173, %mul3A_304 : i32
        %dma_start3A_306 = arith.constant 7 : i32
        %dma_start3A_307 = arith.constant 7 : i32
        %dma_start3A_308 = arith.constant 0 : i32
        %dma_start3A_309 = arith.constant 0 : i32
        %dma_start3A_310 = tpu.memref_slice %arg8[%dma_start3A_306, %dma_start3A_308, %dma_start3A_309] : memref<8x80x16xf32, #tpu.memory_space<vmem>> -> memref<1x80x16xf32, #tpu.memory_space<vmem>>
        %dma_start3A_311 = tpu.memref_squeeze %dma_start3A_310 : memref<1x80x16xf32, #tpu.memory_space<vmem>> -> memref<80x16xf32, #tpu.memory_space<vmem>>
        %dma_start3A_312 = tpu.memref_slice %arg7[%mul3A_305] : memref<10000xi32, #tpu.memory_space<vmem>> -> memref<80xi32, #tpu.memory_space<vmem>>
        %dma_start3A_313 = arith.constant 0 : i32
        %dma_start3A_314 = arith.constant 0 : i32
        %dma_start3A_315 = tpu.memref_slice %arg9[%dma_start3A_313, %dma_start3A_314] : memref<10000x16xf32, #tpu.memory_space<vmem_shared>> -> memref<10000x16xf32, #tpu.memory_space<vmem_shared>>
        %dma_start3A_316 = tpu.memref_slice %arg11[%dma_start3A_307] : memref<8x!tpu.dma_semaphore, #tpu.memory_space<semaphore_mem>> -> memref<1x!tpu.dma_semaphore, #tpu.memory_space<semaphore_mem>>
        %dma_start3A_317 = tpu.memref_squeeze %dma_start3A_316 : memref<1x!tpu.dma_semaphore, #tpu.memory_space<semaphore_mem>> -> memref<!tpu.dma_semaphore, #tpu.memory_space<semaphore_mem>>
        tpu.enqueue_indirect_dma source(%dma_start3A_311 : memref<80x16xf32, #tpu.memory_space<vmem>>) target(%dma_start3A_315 : memref<10000x16xf32, #tpu.memory_space<vmem_shared>>) offsets(%dma_start3A_312 : memref<80xi32, #tpu.memory_space<vmem>>) semaphore(%dma_start3A_317 : memref<!tpu.dma_semaphore, #tpu.memory_space<semaphore_mem>>) {add = true}
      } else {
      }
      %add3A_179 = arith.constant 0 : i32
      %add3A_180 = arith.addi %mul3A_125, %add3A_179 : i32
      %add3A_181 = arith.constant 8 : i32
      %add3A_182 = arith.addi %add3A_180, %add3A_181 : i32
      %lt3A_183 = arith.constant 125 : i32
      %lt3A_184 = arith.cmpi slt, %add3A_180, %lt3A_183 : i32
      %convert_element_type3A_185 = arith.extui %lt3A_184 : i1 to i32
      %cond3A_186 = arith.constant 0 : i32
      %cond3A_187 = arith.cmpi ne, %convert_element_type3A_185, %cond3A_186 : i32
      scf.if %cond3A_187 {
        %mul3A_291 = arith.constant 80 : i32
        %mul3A_292 = arith.muli %add3A_180, %mul3A_291 : i32
        %dma_wait3A = arith.constant 0 : i32
        %dma_wait3A_293 = arith.constant 0 : i32
        %dma_wait3A_294 = arith.constant 0 : i32
        %dma_wait3A_295 = arith.constant 0 : i32
        %dma_wait3A_296 = tpu.memref_slice %arg8[%dma_wait3A, %dma_wait3A_294, %dma_wait3A_295] : memref<8x80x16xf32, #tpu.memory_space<vmem>> -> memref<1x80x16xf32, #tpu.memory_space<vmem>>
        %dma_wait3A_297 = tpu.memref_squeeze %dma_wait3A_296 : memref<1x80x16xf32, #tpu.memory_space<vmem>> -> memref<80x16xf32, #tpu.memory_space<vmem>>
        %dma_wait3A_298 = tpu.memref_slice %arg7[%mul3A_292] : memref<10000xi32, #tpu.memory_space<vmem>> -> memref<80xi32, #tpu.memory_space<vmem>>
        %dma_wait3A_299 = arith.constant 0 : i32
        %dma_wait3A_300 = arith.constant 0 : i32
        %dma_wait3A_301 = tpu.memref_slice %arg9[%dma_wait3A_299, %dma_wait3A_300] : memref<10000x16xf32, #tpu.memory_space<vmem_shared>> -> memref<10000x16xf32, #tpu.memory_space<vmem_shared>>
        %dma_wait3A_302 = tpu.memref_slice %arg11[%dma_wait3A_293] : memref<8x!tpu.dma_semaphore, #tpu.memory_space<semaphore_mem>> -> memref<1x!tpu.dma_semaphore, #tpu.memory_space<semaphore_mem>>
        %dma_wait3A_303 = tpu.memref_squeeze %dma_wait3A_302 : memref<1x!tpu.dma_semaphore, #tpu.memory_space<semaphore_mem>> -> memref<!tpu.dma_semaphore, #tpu.memory_space<semaphore_mem>>
        tpu.wait_indirect_dma semaphore(%dma_wait3A_303 : memref<!tpu.dma_semaphore, #tpu.memory_space<semaphore_mem>>) src(%dma_wait3A_297 : memref<80x16xf32, #tpu.memory_space<vmem>>) dst(%dma_wait3A_301 : memref<10000x16xf32, #tpu.memory_space<vmem_shared>>)
      } else {
      }
      %lt3A_188 = arith.constant 125 : i32
      %lt3A_189 = arith.cmpi slt, %add3A_182, %lt3A_188 : i32
      %convert_element_type3A_190 = arith.extui %lt3A_189 : i1 to i32
      %cond3A_191 = arith.constant 0 : i32
      %cond3A_192 = arith.cmpi ne, %convert_element_type3A_190, %cond3A_191 : i32
      scf.if %cond3A_192 {
        %mul3A_291 = arith.constant 80 : i32
        %mul3A_292 = arith.muli %add3A_182, %mul3A_291 : i32
        %dma_start3A_293 = arith.constant 0 : i32
        %dma_start3A_294 = arith.constant 0 : i32
        %dma_start3A_295 = arith.constant 0 : i32
        %dma_start3A_296 = arith.constant 0 : i32
        %dma_start3A_297 = tpu.memref_slice %arg8[%dma_start3A_293, %dma_start3A_295, %dma_start3A_296] : memref<8x80x16xf32, #tpu.memory_space<vmem>> -> memref<1x80x16xf32, #tpu.memory_space<vmem>>
        %dma_start3A_298 = tpu.memref_squeeze %dma_start3A_297 : memref<1x80x16xf32, #tpu.memory_space<vmem>> -> memref<80x16xf32, #tpu.memory_space<vmem>>
        %dma_start3A_299 = tpu.memref_slice %arg6[%mul3A_292] : memref<10000xi32, #tpu.memory_space<vmem>> -> memref<80xi32, #tpu.memory_space<vmem>>
        %dma_start3A_300 = arith.constant 0 : i32
        %dma_start3A_301 = arith.constant 0 : i32
        %dma_start3A_302 = tpu.memref_slice %arg3[%dma_start3A_300, %dma_start3A_301] : memref<10000x16xf32, #tpu.memory_space<hbm>> -> memref<10000x16xf32, #tpu.memory_space<hbm>>
        %dma_start3A_303 = tpu.memref_slice %arg10[%dma_start3A_294] : memref<8x!tpu.dma_semaphore, #tpu.memory_space<semaphore_mem>> -> memref<1x!tpu.dma_semaphore, #tpu.memory_space<semaphore_mem>>
        %dma_start3A_304 = tpu.memref_squeeze %dma_start3A_303 : memref<1x!tpu.dma_semaphore, #tpu.memory_space<semaphore_mem>> -> memref<!tpu.dma_semaphore, #tpu.memory_space<semaphore_mem>>
        tpu.enqueue_indirect_dma source(%dma_start3A_302 : memref<10000x16xf32, #tpu.memory_space<hbm>>) target(%dma_start3A_298 : memref<80x16xf32, #tpu.memory_space<vmem>>) offsets(%dma_start3A_299 : memref<80xi32, #tpu.memory_space<vmem>>) semaphore(%dma_start3A_304 : memref<!tpu.dma_semaphore, #tpu.memory_space<semaphore_mem>>)
      } else {
      }
      %add3A_193 = arith.constant 1 : i32
      %add3A_194 = arith.addi %mul3A_125, %add3A_193 : i32
      %add3A_195 = arith.constant 8 : i32
      %add3A_196 = arith.addi %add3A_194, %add3A_195 : i32
      %lt3A_197 = arith.constant 125 : i32
      %lt3A_198 = arith.cmpi slt, %add3A_194, %lt3A_197 : i32
      %convert_element_type3A_199 = arith.extui %lt3A_198 : i1 to i32
      %cond3A_200 = arith.constant 0 : i32
      %cond3A_201 = arith.cmpi ne, %convert_element_type3A_199, %cond3A_200 : i32
      scf.if %cond3A_201 {
        %mul3A_291 = arith.constant 80 : i32
        %mul3A_292 = arith.muli %add3A_194, %mul3A_291 : i32
        %dma_wait3A = arith.constant 1 : i32
        %dma_wait3A_293 = arith.constant 1 : i32
        %dma_wait3A_294 = arith.constant 0 : i32
        %dma_wait3A_295 = arith.constant 0 : i32
        %dma_wait3A_296 = tpu.memref_slice %arg8[%dma_wait3A, %dma_wait3A_294, %dma_wait3A_295] : memref<8x80x16xf32, #tpu.memory_space<vmem>> -> memref<1x80x16xf32, #tpu.memory_space<vmem>>
        %dma_wait3A_297 = tpu.memref_squeeze %dma_wait3A_296 : memref<1x80x16xf32, #tpu.memory_space<vmem>> -> memref<80x16xf32, #tpu.memory_space<vmem>>
        %dma_wait3A_298 = tpu.memref_slice %arg7[%mul3A_292] : memref<10000xi32, #tpu.memory_space<vmem>> -> memref<80xi32, #tpu.memory_space<vmem>>
        %dma_wait3A_299 = arith.constant 0 : i32
        %dma_wait3A_300 = arith.constant 0 : i32
        %dma_wait3A_301 = tpu.memref_slice %arg9[%dma_wait3A_299, %dma_wait3A_300] : memref<10000x16xf32, #tpu.memory_space<vmem_shared>> -> memref<10000x16xf32, #tpu.memory_space<vmem_shared>>
        %dma_wait3A_302 = tpu.memref_slice %arg11[%dma_wait3A_293] : memref<8x!tpu.dma_semaphore, #tpu.memory_space<semaphore_mem>> -> memref<1x!tpu.dma_semaphore, #tpu.memory_space<semaphore_mem>>
        %dma_wait3A_303 = tpu.memref_squeeze %dma_wait3A_302 : memref<1x!tpu.dma_semaphore, #tpu.memory_space<semaphore_mem>> -> memref<!tpu.dma_semaphore, #tpu.memory_space<semaphore_mem>>
        tpu.wait_indirect_dma semaphore(%dma_wait3A_303 : memref<!tpu.dma_semaphore, #tpu.memory_space<semaphore_mem>>) src(%dma_wait3A_297 : memref<80x16xf32, #tpu.memory_space<vmem>>) dst(%dma_wait3A_301 : memref<10000x16xf32, #tpu.memory_space<vmem_shared>>)
      } else {
      }
      %lt3A_202 = arith.constant 125 : i32
      %lt3A_203 = arith.cmpi slt, %add3A_196, %lt3A_202 : i32
      %convert_element_type3A_204 = arith.extui %lt3A_203 : i1 to i32
      %cond3A_205 = arith.constant 0 : i32
      %cond3A_206 = arith.cmpi ne, %convert_element_type3A_204, %cond3A_205 : i32
      scf.if %cond3A_206 {
        %mul3A_291 = arith.constant 80 : i32
        %mul3A_292 = arith.muli %add3A_196, %mul3A_291 : i32
        %dma_start3A_293 = arith.constant 1 : i32
        %dma_start3A_294 = arith.constant 1 : i32
        %dma_start3A_295 = arith.constant 0 : i32
        %dma_start3A_296 = arith.constant 0 : i32
        %dma_start3A_297 = tpu.memref_slice %arg8[%dma_start3A_293, %dma_start3A_295, %dma_start3A_296] : memref<8x80x16xf32, #tpu.memory_space<vmem>> -> memref<1x80x16xf32, #tpu.memory_space<vmem>>
        %dma_start3A_298 = tpu.memref_squeeze %dma_start3A_297 : memref<1x80x16xf32, #tpu.memory_space<vmem>> -> memref<80x16xf32, #tpu.memory_space<vmem>>
        %dma_start3A_299 = tpu.memref_slice %arg6[%mul3A_292] : memref<10000xi32, #tpu.memory_space<vmem>> -> memref<80xi32, #tpu.memory_space<vmem>>
        %dma_start3A_300 = arith.constant 0 : i32
        %dma_start3A_301 = arith.constant 0 : i32
        %dma_start3A_302 = tpu.memref_slice %arg3[%dma_start3A_300, %dma_start3A_301] : memref<10000x16xf32, #tpu.memory_space<hbm>> -> memref<10000x16xf32, #tpu.memory_space<hbm>>
        %dma_start3A_303 = tpu.memref_slice %arg10[%dma_start3A_294] : memref<8x!tpu.dma_semaphore, #tpu.memory_space<semaphore_mem>> -> memref<1x!tpu.dma_semaphore, #tpu.memory_space<semaphore_mem>>
        %dma_start3A_304 = tpu.memref_squeeze %dma_start3A_303 : memref<1x!tpu.dma_semaphore, #tpu.memory_space<semaphore_mem>> -> memref<!tpu.dma_semaphore, #tpu.memory_space<semaphore_mem>>
        tpu.enqueue_indirect_dma source(%dma_start3A_302 : memref<10000x16xf32, #tpu.memory_space<hbm>>) target(%dma_start3A_298 : memref<80x16xf32, #tpu.memory_space<vmem>>) offsets(%dma_start3A_299 : memref<80xi32, #tpu.memory_space<vmem>>) semaphore(%dma_start3A_304 : memref<!tpu.dma_semaphore, #tpu.memory_space<semaphore_mem>>)
      } else {
      }
      %add3A_207 = arith.constant 2 : i32
      %add3A_208 = arith.addi %mul3A_125, %add3A_207 : i32
      %add3A_209 = arith.constant 8 : i32
      %add3A_210 = arith.addi %add3A_208, %add3A_209 : i32
      %lt3A_211 = arith.constant 125 : i32
      %lt3A_212 = arith.cmpi slt, %add3A_208, %lt3A_211 : i32
      %convert_element_type3A_213 = arith.extui %lt3A_212 : i1 to i32
      %cond3A_214 = arith.constant 0 : i32
      %cond3A_215 = arith.cmpi ne, %convert_element_type3A_213, %cond3A_214 : i32
      scf.if %cond3A_215 {
        %mul3A_291 = arith.constant 80 : i32
        %mul3A_292 = arith.muli %add3A_208, %mul3A_291 : i32
        %dma_wait3A = arith.constant 2 : i32
        %dma_wait3A_293 = arith.constant 2 : i32
        %dma_wait3A_294 = arith.constant 0 : i32
        %dma_wait3A_295 = arith.constant 0 : i32
        %dma_wait3A_296 = tpu.memref_slice %arg8[%dma_wait3A, %dma_wait3A_294, %dma_wait3A_295] : memref<8x80x16xf32, #tpu.memory_space<vmem>> -> memref<1x80x16xf32, #tpu.memory_space<vmem>>
        %dma_wait3A_297 = tpu.memref_squeeze %dma_wait3A_296 : memref<1x80x16xf32, #tpu.memory_space<vmem>> -> memref<80x16xf32, #tpu.memory_space<vmem>>
        %dma_wait3A_298 = tpu.memref_slice %arg7[%mul3A_292] : memref<10000xi32, #tpu.memory_space<vmem>> -> memref<80xi32, #tpu.memory_space<vmem>>
        %dma_wait3A_299 = arith.constant 0 : i32
        %dma_wait3A_300 = arith.constant 0 : i32
        %dma_wait3A_301 = tpu.memref_slice %arg9[%dma_wait3A_299, %dma_wait3A_300] : memref<10000x16xf32, #tpu.memory_space<vmem_shared>> -> memref<10000x16xf32, #tpu.memory_space<vmem_shared>>
        %dma_wait3A_302 = tpu.memref_slice %arg11[%dma_wait3A_293] : memref<8x!tpu.dma_semaphore, #tpu.memory_space<semaphore_mem>> -> memref<1x!tpu.dma_semaphore, #tpu.memory_space<semaphore_mem>>
        %dma_wait3A_303 = tpu.memref_squeeze %dma_wait3A_302 : memref<1x!tpu.dma_semaphore, #tpu.memory_space<semaphore_mem>> -> memref<!tpu.dma_semaphore, #tpu.memory_space<semaphore_mem>>
        tpu.wait_indirect_dma semaphore(%dma_wait3A_303 : memref<!tpu.dma_semaphore, #tpu.memory_space<semaphore_mem>>) src(%dma_wait3A_297 : memref<80x16xf32, #tpu.memory_space<vmem>>) dst(%dma_wait3A_301 : memref<10000x16xf32, #tpu.memory_space<vmem_shared>>)
      } else {
      }
      %lt3A_216 = arith.constant 125 : i32
      %lt3A_217 = arith.cmpi slt, %add3A_210, %lt3A_216 : i32
      %convert_element_type3A_218 = arith.extui %lt3A_217 : i1 to i32
      %cond3A_219 = arith.constant 0 : i32
      %cond3A_220 = arith.cmpi ne, %convert_element_type3A_218, %cond3A_219 : i32
      scf.if %cond3A_220 {
        %mul3A_291 = arith.constant 80 : i32
        %mul3A_292 = arith.muli %add3A_210, %mul3A_291 : i32
        %dma_start3A_293 = arith.constant 2 : i32
        %dma_start3A_294 = arith.constant 2 : i32
        %dma_start3A_295 = arith.constant 0 : i32
        %dma_start3A_296 = arith.constant 0 : i32
        %dma_start3A_297 = tpu.memref_slice %arg8[%dma_start3A_293, %dma_start3A_295, %dma_start3A_296] : memref<8x80x16xf32, #tpu.memory_space<vmem>> -> memref<1x80x16xf32, #tpu.memory_space<vmem>>
        %dma_start3A_298 = tpu.memref_squeeze %dma_start3A_297 : memref<1x80x16xf32, #tpu.memory_space<vmem>> -> memref<80x16xf32, #tpu.memory_space<vmem>>
        %dma_start3A_299 = tpu.memref_slice %arg6[%mul3A_292] : memref<10000xi32, #tpu.memory_space<vmem>> -> memref<80xi32, #tpu.memory_space<vmem>>
        %dma_start3A_300 = arith.constant 0 : i32
        %dma_start3A_301 = arith.constant 0 : i32
        %dma_start3A_302 = tpu.memref_slice %arg3[%dma_start3A_300, %dma_start3A_301] : memref<10000x16xf32, #tpu.memory_space<hbm>> -> memref<10000x16xf32, #tpu.memory_space<hbm>>
        %dma_start3A_303 = tpu.memref_slice %arg10[%dma_start3A_294] : memref<8x!tpu.dma_semaphore, #tpu.memory_space<semaphore_mem>> -> memref<1x!tpu.dma_semaphore, #tpu.memory_space<semaphore_mem>>
        %dma_start3A_304 = tpu.memref_squeeze %dma_start3A_303 : memref<1x!tpu.dma_semaphore, #tpu.memory_space<semaphore_mem>> -> memref<!tpu.dma_semaphore, #tpu.memory_space<semaphore_mem>>
        tpu.enqueue_indirect_dma source(%dma_start3A_302 : memref<10000x16xf32, #tpu.memory_space<hbm>>) target(%dma_start3A_298 : memref<80x16xf32, #tpu.memory_space<vmem>>) offsets(%dma_start3A_299 : memref<80xi32, #tpu.memory_space<vmem>>) semaphore(%dma_start3A_304 : memref<!tpu.dma_semaphore, #tpu.memory_space<semaphore_mem>>)
      } else {
      }
      %add3A_221 = arith.constant 3 : i32
      %add3A_222 = arith.addi %mul3A_125, %add3A_221 : i32
      %add3A_223 = arith.constant 8 : i32
      %add3A_224 = arith.addi %add3A_222, %add3A_223 : i32
      %lt3A_225 = arith.constant 125 : i32
      %lt3A_226 = arith.cmpi slt, %add3A_222, %lt3A_225 : i32
      %convert_element_type3A_227 = arith.extui %lt3A_226 : i1 to i32
      %cond3A_228 = arith.constant 0 : i32
      %cond3A_229 = arith.cmpi ne, %convert_element_type3A_227, %cond3A_228 : i32
      scf.if %cond3A_229 {
        %mul3A_291 = arith.constant 80 : i32
        %mul3A_292 = arith.muli %add3A_222, %mul3A_291 : i32
        %dma_wait3A = arith.constant 3 : i32
        %dma_wait3A_293 = arith.constant 3 : i32
        %dma_wait3A_294 = arith.constant 0 : i32
        %dma_wait3A_295 = arith.constant 0 : i32
        %dma_wait3A_296 = tpu.memref_slice %arg8[%dma_wait3A, %dma_wait3A_294, %dma_wait3A_295] : memref<8x80x16xf32, #tpu.memory_space<vmem>> -> memref<1x80x16xf32, #tpu.memory_space<vmem>>
        %dma_wait3A_297 = tpu.memref_squeeze %dma_wait3A_296 : memref<1x80x16xf32, #tpu.memory_space<vmem>> -> memref<80x16xf32, #tpu.memory_space<vmem>>
        %dma_wait3A_298 = tpu.memref_slice %arg7[%mul3A_292] : memref<10000xi32, #tpu.memory_space<vmem>> -> memref<80xi32, #tpu.memory_space<vmem>>
        %dma_wait3A_299 = arith.constant 0 : i32
        %dma_wait3A_300 = arith.constant 0 : i32
        %dma_wait3A_301 = tpu.memref_slice %arg9[%dma_wait3A_299, %dma_wait3A_300] : memref<10000x16xf32, #tpu.memory_space<vmem_shared>> -> memref<10000x16xf32, #tpu.memory_space<vmem_shared>>
        %dma_wait3A_302 = tpu.memref_slice %arg11[%dma_wait3A_293] : memref<8x!tpu.dma_semaphore, #tpu.memory_space<semaphore_mem>> -> memref<1x!tpu.dma_semaphore, #tpu.memory_space<semaphore_mem>>
        %dma_wait3A_303 = tpu.memref_squeeze %dma_wait3A_302 : memref<1x!tpu.dma_semaphore, #tpu.memory_space<semaphore_mem>> -> memref<!tpu.dma_semaphore, #tpu.memory_space<semaphore_mem>>
        tpu.wait_indirect_dma semaphore(%dma_wait3A_303 : memref<!tpu.dma_semaphore, #tpu.memory_space<semaphore_mem>>) src(%dma_wait3A_297 : memref<80x16xf32, #tpu.memory_space<vmem>>) dst(%dma_wait3A_301 : memref<10000x16xf32, #tpu.memory_space<vmem_shared>>)
      } else {
      }
      %lt3A_230 = arith.constant 125 : i32
      %lt3A_231 = arith.cmpi slt, %add3A_224, %lt3A_230 : i32
      %convert_element_type3A_232 = arith.extui %lt3A_231 : i1 to i32
      %cond3A_233 = arith.constant 0 : i32
      %cond3A_234 = arith.cmpi ne, %convert_element_type3A_232, %cond3A_233 : i32
      scf.if %cond3A_234 {
        %mul3A_291 = arith.constant 80 : i32
        %mul3A_292 = arith.muli %add3A_224, %mul3A_291 : i32
        %dma_start3A_293 = arith.constant 3 : i32
        %dma_start3A_294 = arith.constant 3 : i32
        %dma_start3A_295 = arith.constant 0 : i32
        %dma_start3A_296 = arith.constant 0 : i32
        %dma_start3A_297 = tpu.memref_slice %arg8[%dma_start3A_293, %dma_start3A_295, %dma_start3A_296] : memref<8x80x16xf32, #tpu.memory_space<vmem>> -> memref<1x80x16xf32, #tpu.memory_space<vmem>>
        %dma_start3A_298 = tpu.memref_squeeze %dma_start3A_297 : memref<1x80x16xf32, #tpu.memory_space<vmem>> -> memref<80x16xf32, #tpu.memory_space<vmem>>
        %dma_start3A_299 = tpu.memref_slice %arg6[%mul3A_292] : memref<10000xi32, #tpu.memory_space<vmem>> -> memref<80xi32, #tpu.memory_space<vmem>>
        %dma_start3A_300 = arith.constant 0 : i32
        %dma_start3A_301 = arith.constant 0 : i32
        %dma_start3A_302 = tpu.memref_slice %arg3[%dma_start3A_300, %dma_start3A_301] : memref<10000x16xf32, #tpu.memory_space<hbm>> -> memref<10000x16xf32, #tpu.memory_space<hbm>>
        %dma_start3A_303 = tpu.memref_slice %arg10[%dma_start3A_294] : memref<8x!tpu.dma_semaphore, #tpu.memory_space<semaphore_mem>> -> memref<1x!tpu.dma_semaphore, #tpu.memory_space<semaphore_mem>>
        %dma_start3A_304 = tpu.memref_squeeze %dma_start3A_303 : memref<1x!tpu.dma_semaphore, #tpu.memory_space<semaphore_mem>> -> memref<!tpu.dma_semaphore, #tpu.memory_space<semaphore_mem>>
        tpu.enqueue_indirect_dma source(%dma_start3A_302 : memref<10000x16xf32, #tpu.memory_space<hbm>>) target(%dma_start3A_298 : memref<80x16xf32, #tpu.memory_space<vmem>>) offsets(%dma_start3A_299 : memref<80xi32, #tpu.memory_space<vmem>>) semaphore(%dma_start3A_304 : memref<!tpu.dma_semaphore, #tpu.memory_space<semaphore_mem>>)
      } else {
      }
      %add3A_235 = arith.constant 4 : i32
      %add3A_236 = arith.addi %mul3A_125, %add3A_235 : i32
      %add3A_237 = arith.constant 8 : i32
      %add3A_238 = arith.addi %add3A_236, %add3A_237 : i32
      %lt3A_239 = arith.constant 125 : i32
      %lt3A_240 = arith.cmpi slt, %add3A_236, %lt3A_239 : i32
      %convert_element_type3A_241 = arith.extui %lt3A_240 : i1 to i32
      %cond3A_242 = arith.constant 0 : i32
      %cond3A_243 = arith.cmpi ne, %convert_element_type3A_241, %cond3A_242 : i32
      scf.if %cond3A_243 {
        %mul3A_291 = arith.constant 80 : i32
        %mul3A_292 = arith.muli %add3A_236, %mul3A_291 : i32
        %dma_wait3A = arith.constant 4 : i32
        %dma_wait3A_293 = arith.constant 4 : i32
        %dma_wait3A_294 = arith.constant 0 : i32
        %dma_wait3A_295 = arith.constant 0 : i32
        %dma_wait3A_296 = tpu.memref_slice %arg8[%dma_wait3A, %dma_wait3A_294, %dma_wait3A_295] : memref<8x80x16xf32, #tpu.memory_space<vmem>> -> memref<1x80x16xf32, #tpu.memory_space<vmem>>
        %dma_wait3A_297 = tpu.memref_squeeze %dma_wait3A_296 : memref<1x80x16xf32, #tpu.memory_space<vmem>> -> memref<80x16xf32, #tpu.memory_space<vmem>>
        %dma_wait3A_298 = tpu.memref_slice %arg7[%mul3A_292] : memref<10000xi32, #tpu.memory_space<vmem>> -> memref<80xi32, #tpu.memory_space<vmem>>
        %dma_wait3A_299 = arith.constant 0 : i32
        %dma_wait3A_300 = arith.constant 0 : i32
        %dma_wait3A_301 = tpu.memref_slice %arg9[%dma_wait3A_299, %dma_wait3A_300] : memref<10000x16xf32, #tpu.memory_space<vmem_shared>> -> memref<10000x16xf32, #tpu.memory_space<vmem_shared>>
        %dma_wait3A_302 = tpu.memref_slice %arg11[%dma_wait3A_293] : memref<8x!tpu.dma_semaphore, #tpu.memory_space<semaphore_mem>> -> memref<1x!tpu.dma_semaphore, #tpu.memory_space<semaphore_mem>>
        %dma_wait3A_303 = tpu.memref_squeeze %dma_wait3A_302 : memref<1x!tpu.dma_semaphore, #tpu.memory_space<semaphore_mem>> -> memref<!tpu.dma_semaphore, #tpu.memory_space<semaphore_mem>>
        tpu.wait_indirect_dma semaphore(%dma_wait3A_303 : memref<!tpu.dma_semaphore, #tpu.memory_space<semaphore_mem>>) src(%dma_wait3A_297 : memref<80x16xf32, #tpu.memory_space<vmem>>) dst(%dma_wait3A_301 : memref<10000x16xf32, #tpu.memory_space<vmem_shared>>)
      } else {
      }
      %lt3A_244 = arith.constant 125 : i32
      %lt3A_245 = arith.cmpi slt, %add3A_238, %lt3A_244 : i32
      %convert_element_type3A_246 = arith.extui %lt3A_245 : i1 to i32
      %cond3A_247 = arith.constant 0 : i32
      %cond3A_248 = arith.cmpi ne, %convert_element_type3A_246, %cond3A_247 : i32
      scf.if %cond3A_248 {
        %mul3A_291 = arith.constant 80 : i32
        %mul3A_292 = arith.muli %add3A_238, %mul3A_291 : i32
        %dma_start3A_293 = arith.constant 4 : i32
        %dma_start3A_294 = arith.constant 4 : i32
        %dma_start3A_295 = arith.constant 0 : i32
        %dma_start3A_296 = arith.constant 0 : i32
        %dma_start3A_297 = tpu.memref_slice %arg8[%dma_start3A_293, %dma_start3A_295, %dma_start3A_296] : memref<8x80x16xf32, #tpu.memory_space<vmem>> -> memref<1x80x16xf32, #tpu.memory_space<vmem>>
        %dma_start3A_298 = tpu.memref_squeeze %dma_start3A_297 : memref<1x80x16xf32, #tpu.memory_space<vmem>> -> memref<80x16xf32, #tpu.memory_space<vmem>>
        %dma_start3A_299 = tpu.memref_slice %arg6[%mul3A_292] : memref<10000xi32, #tpu.memory_space<vmem>> -> memref<80xi32, #tpu.memory_space<vmem>>
        %dma_start3A_300 = arith.constant 0 : i32
        %dma_start3A_301 = arith.constant 0 : i32
        %dma_start3A_302 = tpu.memref_slice %arg3[%dma_start3A_300, %dma_start3A_301] : memref<10000x16xf32, #tpu.memory_space<hbm>> -> memref<10000x16xf32, #tpu.memory_space<hbm>>
        %dma_start3A_303 = tpu.memref_slice %arg10[%dma_start3A_294] : memref<8x!tpu.dma_semaphore, #tpu.memory_space<semaphore_mem>> -> memref<1x!tpu.dma_semaphore, #tpu.memory_space<semaphore_mem>>
        %dma_start3A_304 = tpu.memref_squeeze %dma_start3A_303 : memref<1x!tpu.dma_semaphore, #tpu.memory_space<semaphore_mem>> -> memref<!tpu.dma_semaphore, #tpu.memory_space<semaphore_mem>>
        tpu.enqueue_indirect_dma source(%dma_start3A_302 : memref<10000x16xf32, #tpu.memory_space<hbm>>) target(%dma_start3A_298 : memref<80x16xf32, #tpu.memory_space<vmem>>) offsets(%dma_start3A_299 : memref<80xi32, #tpu.memory_space<vmem>>) semaphore(%dma_start3A_304 : memref<!tpu.dma_semaphore, #tpu.memory_space<semaphore_mem>>)
      } else {
      }
      %add3A_249 = arith.constant 5 : i32
      %add3A_250 = arith.addi %mul3A_125, %add3A_249 : i32
      %add3A_251 = arith.constant 8 : i32
      %add3A_252 = arith.addi %add3A_250, %add3A_251 : i32
      %lt3A_253 = arith.constant 125 : i32
      %lt3A_254 = arith.cmpi slt, %add3A_250, %lt3A_253 : i32
      %convert_element_type3A_255 = arith.extui %lt3A_254 : i1 to i32
      %cond3A_256 = arith.constant 0 : i32
      %cond3A_257 = arith.cmpi ne, %convert_element_type3A_255, %cond3A_256 : i32
      scf.if %cond3A_257 {
        %mul3A_291 = arith.constant 80 : i32
        %mul3A_292 = arith.muli %add3A_250, %mul3A_291 : i32
        %dma_wait3A = arith.constant 5 : i32
        %dma_wait3A_293 = arith.constant 5 : i32
        %dma_wait3A_294 = arith.constant 0 : i32
        %dma_wait3A_295 = arith.constant 0 : i32
        %dma_wait3A_296 = tpu.memref_slice %arg8[%dma_wait3A, %dma_wait3A_294, %dma_wait3A_295] : memref<8x80x16xf32, #tpu.memory_space<vmem>> -> memref<1x80x16xf32, #tpu.memory_space<vmem>>
        %dma_wait3A_297 = tpu.memref_squeeze %dma_wait3A_296 : memref<1x80x16xf32, #tpu.memory_space<vmem>> -> memref<80x16xf32, #tpu.memory_space<vmem>>
        %dma_wait3A_298 = tpu.memref_slice %arg7[%mul3A_292] : memref<10000xi32, #tpu.memory_space<vmem>> -> memref<80xi32, #tpu.memory_space<vmem>>
        %dma_wait3A_299 = arith.constant 0 : i32
        %dma_wait3A_300 = arith.constant 0 : i32
        %dma_wait3A_301 = tpu.memref_slice %arg9[%dma_wait3A_299, %dma_wait3A_300] : memref<10000x16xf32, #tpu.memory_space<vmem_shared>> -> memref<10000x16xf32, #tpu.memory_space<vmem_shared>>
        %dma_wait3A_302 = tpu.memref_slice %arg11[%dma_wait3A_293] : memref<8x!tpu.dma_semaphore, #tpu.memory_space<semaphore_mem>> -> memref<1x!tpu.dma_semaphore, #tpu.memory_space<semaphore_mem>>
        %dma_wait3A_303 = tpu.memref_squeeze %dma_wait3A_302 : memref<1x!tpu.dma_semaphore, #tpu.memory_space<semaphore_mem>> -> memref<!tpu.dma_semaphore, #tpu.memory_space<semaphore_mem>>
        tpu.wait_indirect_dma semaphore(%dma_wait3A_303 : memref<!tpu.dma_semaphore, #tpu.memory_space<semaphore_mem>>) src(%dma_wait3A_297 : memref<80x16xf32, #tpu.memory_space<vmem>>) dst(%dma_wait3A_301 : memref<10000x16xf32, #tpu.memory_space<vmem_shared>>)
      } else {
      }
      %lt3A_258 = arith.constant 125 : i32
      %lt3A_259 = arith.cmpi slt, %add3A_252, %lt3A_258 : i32
      %convert_element_type3A_260 = arith.extui %lt3A_259 : i1 to i32
      %cond3A_261 = arith.constant 0 : i32
      %cond3A_262 = arith.cmpi ne, %convert_element_type3A_260, %cond3A_261 : i32
      scf.if %cond3A_262 {
        %mul3A_291 = arith.constant 80 : i32
        %mul3A_292 = arith.muli %add3A_252, %mul3A_291 : i32
        %dma_start3A_293 = arith.constant 5 : i32
        %dma_start3A_294 = arith.constant 5 : i32
        %dma_start3A_295 = arith.constant 0 : i32
        %dma_start3A_296 = arith.constant 0 : i32
        %dma_start3A_297 = tpu.memref_slice %arg8[%dma_start3A_293, %dma_start3A_295, %dma_start3A_296] : memref<8x80x16xf32, #tpu.memory_space<vmem>> -> memref<1x80x16xf32, #tpu.memory_space<vmem>>
        %dma_start3A_298 = tpu.memref_squeeze %dma_start3A_297 : memref<1x80x16xf32, #tpu.memory_space<vmem>> -> memref<80x16xf32, #tpu.memory_space<vmem>>
        %dma_start3A_299 = tpu.memref_slice %arg6[%mul3A_292] : memref<10000xi32, #tpu.memory_space<vmem>> -> memref<80xi32, #tpu.memory_space<vmem>>
        %dma_start3A_300 = arith.constant 0 : i32
        %dma_start3A_301 = arith.constant 0 : i32
        %dma_start3A_302 = tpu.memref_slice %arg3[%dma_start3A_300, %dma_start3A_301] : memref<10000x16xf32, #tpu.memory_space<hbm>> -> memref<10000x16xf32, #tpu.memory_space<hbm>>
        %dma_start3A_303 = tpu.memref_slice %arg10[%dma_start3A_294] : memref<8x!tpu.dma_semaphore, #tpu.memory_space<semaphore_mem>> -> memref<1x!tpu.dma_semaphore, #tpu.memory_space<semaphore_mem>>
        %dma_start3A_304 = tpu.memref_squeeze %dma_start3A_303 : memref<1x!tpu.dma_semaphore, #tpu.memory_space<semaphore_mem>> -> memref<!tpu.dma_semaphore, #tpu.memory_space<semaphore_mem>>
        tpu.enqueue_indirect_dma source(%dma_start3A_302 : memref<10000x16xf32, #tpu.memory_space<hbm>>) target(%dma_start3A_298 : memref<80x16xf32, #tpu.memory_space<vmem>>) offsets(%dma_start3A_299 : memref<80xi32, #tpu.memory_space<vmem>>) semaphore(%dma_start3A_304 : memref<!tpu.dma_semaphore, #tpu.memory_space<semaphore_mem>>)
      } else {
      }
      %add3A_263 = arith.constant 6 : i32
      %add3A_264 = arith.addi %mul3A_125, %add3A_263 : i32
      %add3A_265 = arith.constant 8 : i32
      %add3A_266 = arith.addi %add3A_264, %add3A_265 : i32
      %lt3A_267 = arith.constant 125 : i32
      %lt3A_268 = arith.cmpi slt, %add3A_264, %lt3A_267 : i32
      %convert_element_type3A_269 = arith.extui %lt3A_268 : i1 to i32
      %cond3A_270 = arith.constant 0 : i32
      %cond3A_271 = arith.cmpi ne, %convert_element_type3A_269, %cond3A_270 : i32
      scf.if %cond3A_271 {
        %mul3A_291 = arith.constant 80 : i32
        %mul3A_292 = arith.muli %add3A_264, %mul3A_291 : i32
        %dma_wait3A = arith.constant 6 : i32
        %dma_wait3A_293 = arith.constant 6 : i32
        %dma_wait3A_294 = arith.constant 0 : i32
        %dma_wait3A_295 = arith.constant 0 : i32
        %dma_wait3A_296 = tpu.memref_slice %arg8[%dma_wait3A, %dma_wait3A_294, %dma_wait3A_295] : memref<8x80x16xf32, #tpu.memory_space<vmem>> -> memref<1x80x16xf32, #tpu.memory_space<vmem>>
        %dma_wait3A_297 = tpu.memref_squeeze %dma_wait3A_296 : memref<1x80x16xf32, #tpu.memory_space<vmem>> -> memref<80x16xf32, #tpu.memory_space<vmem>>
        %dma_wait3A_298 = tpu.memref_slice %arg7[%mul3A_292] : memref<10000xi32, #tpu.memory_space<vmem>> -> memref<80xi32, #tpu.memory_space<vmem>>
        %dma_wait3A_299 = arith.constant 0 : i32
        %dma_wait3A_300 = arith.constant 0 : i32
        %dma_wait3A_301 = tpu.memref_slice %arg9[%dma_wait3A_299, %dma_wait3A_300] : memref<10000x16xf32, #tpu.memory_space<vmem_shared>> -> memref<10000x16xf32, #tpu.memory_space<vmem_shared>>
        %dma_wait3A_302 = tpu.memref_slice %arg11[%dma_wait3A_293] : memref<8x!tpu.dma_semaphore, #tpu.memory_space<semaphore_mem>> -> memref<1x!tpu.dma_semaphore, #tpu.memory_space<semaphore_mem>>
        %dma_wait3A_303 = tpu.memref_squeeze %dma_wait3A_302 : memref<1x!tpu.dma_semaphore, #tpu.memory_space<semaphore_mem>> -> memref<!tpu.dma_semaphore, #tpu.memory_space<semaphore_mem>>
        tpu.wait_indirect_dma semaphore(%dma_wait3A_303 : memref<!tpu.dma_semaphore, #tpu.memory_space<semaphore_mem>>) src(%dma_wait3A_297 : memref<80x16xf32, #tpu.memory_space<vmem>>) dst(%dma_wait3A_301 : memref<10000x16xf32, #tpu.memory_space<vmem_shared>>)
      } else {
      }
      %lt3A_272 = arith.constant 125 : i32
      %lt3A_273 = arith.cmpi slt, %add3A_266, %lt3A_272 : i32
      %convert_element_type3A_274 = arith.extui %lt3A_273 : i1 to i32
      %cond3A_275 = arith.constant 0 : i32
      %cond3A_276 = arith.cmpi ne, %convert_element_type3A_274, %cond3A_275 : i32
      scf.if %cond3A_276 {
        %mul3A_291 = arith.constant 80 : i32
        %mul3A_292 = arith.muli %add3A_266, %mul3A_291 : i32
        %dma_start3A_293 = arith.constant 6 : i32
        %dma_start3A_294 = arith.constant 6 : i32
        %dma_start3A_295 = arith.constant 0 : i32
        %dma_start3A_296 = arith.constant 0 : i32
        %dma_start3A_297 = tpu.memref_slice %arg8[%dma_start3A_293, %dma_start3A_295, %dma_start3A_296] : memref<8x80x16xf32, #tpu.memory_space<vmem>> -> memref<1x80x16xf32, #tpu.memory_space<vmem>>
        %dma_start3A_298 = tpu.memref_squeeze %dma_start3A_297 : memref<1x80x16xf32, #tpu.memory_space<vmem>> -> memref<80x16xf32, #tpu.memory_space<vmem>>
        %dma_start3A_299 = tpu.memref_slice %arg6[%mul3A_292] : memref<10000xi32, #tpu.memory_space<vmem>> -> memref<80xi32, #tpu.memory_space<vmem>>
        %dma_start3A_300 = arith.constant 0 : i32
        %dma_start3A_301 = arith.constant 0 : i32
        %dma_start3A_302 = tpu.memref_slice %arg3[%dma_start3A_300, %dma_start3A_301] : memref<10000x16xf32, #tpu.memory_space<hbm>> -> memref<10000x16xf32, #tpu.memory_space<hbm>>
        %dma_start3A_303 = tpu.memref_slice %arg10[%dma_start3A_294] : memref<8x!tpu.dma_semaphore, #tpu.memory_space<semaphore_mem>> -> memref<1x!tpu.dma_semaphore, #tpu.memory_space<semaphore_mem>>
        %dma_start3A_304 = tpu.memref_squeeze %dma_start3A_303 : memref<1x!tpu.dma_semaphore, #tpu.memory_space<semaphore_mem>> -> memref<!tpu.dma_semaphore, #tpu.memory_space<semaphore_mem>>
        tpu.enqueue_indirect_dma source(%dma_start3A_302 : memref<10000x16xf32, #tpu.memory_space<hbm>>) target(%dma_start3A_298 : memref<80x16xf32, #tpu.memory_space<vmem>>) offsets(%dma_start3A_299 : memref<80xi32, #tpu.memory_space<vmem>>) semaphore(%dma_start3A_304 : memref<!tpu.dma_semaphore, #tpu.memory_space<semaphore_mem>>)
      } else {
      }
      %add3A_277 = arith.constant 7 : i32
      %add3A_278 = arith.addi %mul3A_125, %add3A_277 : i32
      %add3A_279 = arith.constant 8 : i32
      %add3A_280 = arith.addi %add3A_278, %add3A_279 : i32
      %lt3A_281 = arith.constant 125 : i32
      %lt3A_282 = arith.cmpi slt, %add3A_278, %lt3A_281 : i32
      %convert_element_type3A_283 = arith.extui %lt3A_282 : i1 to i32
      %cond3A_284 = arith.constant 0 : i32
      %cond3A_285 = arith.cmpi ne, %convert_element_type3A_283, %cond3A_284 : i32
      scf.if %cond3A_285 {
        %mul3A_291 = arith.constant 80 : i32
        %mul3A_292 = arith.muli %add3A_278, %mul3A_291 : i32
        %dma_wait3A = arith.constant 7 : i32
        %dma_wait3A_293 = arith.constant 7 : i32
        %dma_wait3A_294 = arith.constant 0 : i32
        %dma_wait3A_295 = arith.constant 0 : i32
        %dma_wait3A_296 = tpu.memref_slice %arg8[%dma_wait3A, %dma_wait3A_294, %dma_wait3A_295] : memref<8x80x16xf32, #tpu.memory_space<vmem>> -> memref<1x80x16xf32, #tpu.memory_space<vmem>>
        %dma_wait3A_297 = tpu.memref_squeeze %dma_wait3A_296 : memref<1x80x16xf32, #tpu.memory_space<vmem>> -> memref<80x16xf32, #tpu.memory_space<vmem>>
        %dma_wait3A_298 = tpu.memref_slice %arg7[%mul3A_292] : memref<10000xi32, #tpu.memory_space<vmem>> -> memref<80xi32, #tpu.memory_space<vmem>>
        %dma_wait3A_299 = arith.constant 0 : i32
        %dma_wait3A_300 = arith.constant 0 : i32
        %dma_wait3A_301 = tpu.memref_slice %arg9[%dma_wait3A_299, %dma_wait3A_300] : memref<10000x16xf32, #tpu.memory_space<vmem_shared>> -> memref<10000x16xf32, #tpu.memory_space<vmem_shared>>
        %dma_wait3A_302 = tpu.memref_slice %arg11[%dma_wait3A_293] : memref<8x!tpu.dma_semaphore, #tpu.memory_space<semaphore_mem>> -> memref<1x!tpu.dma_semaphore, #tpu.memory_space<semaphore_mem>>
        %dma_wait3A_303 = tpu.memref_squeeze %dma_wait3A_302 : memref<1x!tpu.dma_semaphore, #tpu.memory_space<semaphore_mem>> -> memref<!tpu.dma_semaphore, #tpu.memory_space<semaphore_mem>>
        tpu.wait_indirect_dma semaphore(%dma_wait3A_303 : memref<!tpu.dma_semaphore, #tpu.memory_space<semaphore_mem>>) src(%dma_wait3A_297 : memref<80x16xf32, #tpu.memory_space<vmem>>) dst(%dma_wait3A_301 : memref<10000x16xf32, #tpu.memory_space<vmem_shared>>)
      } else {
      }
      %lt3A_286 = arith.constant 125 : i32
      %lt3A_287 = arith.cmpi slt, %add3A_280, %lt3A_286 : i32
      %convert_element_type3A_288 = arith.extui %lt3A_287 : i1 to i32
      %cond3A_289 = arith.constant 0 : i32
      %cond3A_290 = arith.cmpi ne, %convert_element_type3A_288, %cond3A_289 : i32
      scf.if %cond3A_290 {
        %mul3A_291 = arith.constant 80 : i32
        %mul3A_292 = arith.muli %add3A_280, %mul3A_291 : i32
        %dma_start3A_293 = arith.constant 7 : i32
        %dma_start3A_294 = arith.constant 7 : i32
        %dma_start3A_295 = arith.constant 0 : i32
        %dma_start3A_296 = arith.constant 0 : i32
        %dma_start3A_297 = tpu.memref_slice %arg8[%dma_start3A_293, %dma_start3A_295, %dma_start3A_296] : memref<8x80x16xf32, #tpu.memory_space<vmem>> -> memref<1x80x16xf32, #tpu.memory_space<vmem>>
        %dma_start3A_298 = tpu.memref_squeeze %dma_start3A_297 : memref<1x80x16xf32, #tpu.memory_space<vmem>> -> memref<80x16xf32, #tpu.memory_space<vmem>>
        %dma_start3A_299 = tpu.memref_slice %arg6[%mul3A_292] : memref<10000xi32, #tpu.memory_space<vmem>> -> memref<80xi32, #tpu.memory_space<vmem>>
        %dma_start3A_300 = arith.constant 0 : i32
        %dma_start3A_301 = arith.constant 0 : i32
        %dma_start3A_302 = tpu.memref_slice %arg3[%dma_start3A_300, %dma_start3A_301] : memref<10000x16xf32, #tpu.memory_space<hbm>> -> memref<10000x16xf32, #tpu.memory_space<hbm>>
        %dma_start3A_303 = tpu.memref_slice %arg10[%dma_start3A_294] : memref<8x!tpu.dma_semaphore, #tpu.memory_space<semaphore_mem>> -> memref<1x!tpu.dma_semaphore, #tpu.memory_space<semaphore_mem>>
        %dma_start3A_304 = tpu.memref_squeeze %dma_start3A_303 : memref<1x!tpu.dma_semaphore, #tpu.memory_space<semaphore_mem>> -> memref<!tpu.dma_semaphore, #tpu.memory_space<semaphore_mem>>
        tpu.enqueue_indirect_dma source(%dma_start3A_302 : memref<10000x16xf32, #tpu.memory_space<hbm>>) target(%dma_start3A_298 : memref<80x16xf32, #tpu.memory_space<vmem>>) offsets(%dma_start3A_299 : memref<80xi32, #tpu.memory_space<vmem>>) semaphore(%dma_start3A_304 : memref<!tpu.dma_semaphore, #tpu.memory_space<semaphore_mem>>)
      } else {
      }
    }
    %scan3A_117 = arith.constant 16 : i32
    %barrier3A_118 = arith.constant 0 : index
    tpu.barrier barrier_id(%barrier3A_118)
    %mul3A_119 = arith.constant 625 : i32
    %mul3A_120 = arith.muli %arg1, %mul3A_119 : i32
    %mul3A_121 = arith.constant 625 : i32
    %mul3A_122 = arith.muli %arg1, %mul3A_121 : i32
    "tpu.region"() ({
      %run_scoped3A_123 = tpu.sem_alloc : memref<!tpu.dma_semaphore, #tpu.memory_space<semaphore_mem>>
      %dma_start3A_124 = arith.constant 0 : i32
      %dma_start3A_125 = tpu.memref_slice %arg5[%arg0, %mul3A_122, %dma_start3A_124] : memref<2x10000x16xf32, #tpu.memory_space<hbm>> -> memref<1x625x16xf32, #tpu.memory_space<hbm>>
      %dma_start3A_126 = tpu.memref_squeeze %dma_start3A_125 : memref<1x625x16xf32, #tpu.memory_space<hbm>> -> memref<625x16xf32, #tpu.memory_space<hbm>>
      %dma_start3A_127 = arith.constant 0 : i32
      %dma_start3A_128 = tpu.memref_slice %arg9[%mul3A_120, %dma_start3A_127] : memref<10000x16xf32, #tpu.memory_space<vmem_shared>> -> memref<625x16xf32, #tpu.memory_space<vmem_shared>>
      tpu.enqueue_dma source(%dma_start3A_128 : memref<625x16xf32, #tpu.memory_space<vmem_shared>>) target(%dma_start3A_126 : memref<625x16xf32, #tpu.memory_space<hbm>>) target_semaphore(%run_scoped3A_123 : memref<!tpu.dma_semaphore, #tpu.memory_space<semaphore_mem>>)
      %dma_wait3A = arith.constant 0 : i32
      %dma_wait3A_129 = tpu.memref_slice %arg5[%arg0, %mul3A_122, %dma_wait3A] : memref<2x10000x16xf32, #tpu.memory_space<hbm>> -> memref<1x625x16xf32, #tpu.memory_space<hbm>>
      %dma_wait3A_130 = tpu.memref_squeeze %dma_wait3A_129 : memref<1x625x16xf32, #tpu.memory_space<hbm>> -> memref<625x16xf32, #tpu.memory_space<hbm>>
      %dma_wait3A_131 = arith.constant 0 : i32
      %dma_wait3A_132 = tpu.memref_slice %arg9[%mul3A_120, %dma_wait3A_131] : memref<10000x16xf32, #tpu.memory_space<vmem_shared>> -> memref<625x16xf32, #tpu.memory_space<vmem_shared>>
      tpu.wait_dma2 semaphore(%run_scoped3A_123 : memref<!tpu.dma_semaphore, #tpu.memory_space<semaphore_mem>>) src(%dma_wait3A_132 : memref<625x16xf32, #tpu.memory_space<vmem_shared>>) dst(%dma_wait3A_130 : memref<625x16xf32, #tpu.memory_space<hbm>>)
      tpu.yield
    }) : () -> ()
    return
  }
}

module attributes {stable_mosaic.version = 14 : i64} {
  func.func @_enc_body(%arg0: i32, %arg1: memref<2000x128xf32, #tpu.memory_space<vmem>>, %arg2: memref<128x32xf32, #tpu.memory_space<vmem>>, %arg3: memref<1x32xf32, #tpu.memory_space<vmem>>, %arg4: memref<1x32xf32, #tpu.memory_space<vmem>>, %arg5: memref<1x32xf32, #tpu.memory_space<vmem>>, %arg6: memref<32x20xf32, #tpu.memory_space<vmem>>, %arg7: memref<1x20xf32, #tpu.memory_space<vmem>>, %arg8: memref<1x20xf32, #tpu.memory_space<vmem>>, %arg9: memref<1x20xf32, #tpu.memory_space<vmem>>, %arg10: memref<2000x20xf32, #tpu.memory_space<vmem>>) attributes {dimension_semantics = [#tpu.dimension_semantics<parallel>], iteration_bounds = array<i64: 5>, scalar_prefetch = 0 : i64, scratch_operands = 0 : i64, tpu.core_type = #tpu.core_type<tc>, window_params = [{transform_indices = @transform_0, window_bounds = array<i64: 2000, 128>}, {pipeline_mode = #tpu.pipeline_mode<synchronous>, transform_indices = @transform_1, window_bounds = array<i64: 128, 32>}, {pipeline_mode = #tpu.pipeline_mode<synchronous>, transform_indices = @transform_2, window_bounds = array<i64: 1, 32>}, {pipeline_mode = #tpu.pipeline_mode<synchronous>, transform_indices = @transform_3, window_bounds = array<i64: 1, 32>}, {pipeline_mode = #tpu.pipeline_mode<synchronous>, transform_indices = @transform_4, window_bounds = array<i64: 1, 32>}, {pipeline_mode = #tpu.pipeline_mode<synchronous>, transform_indices = @transform_5, window_bounds = array<i64: 32, 20>}, {pipeline_mode = #tpu.pipeline_mode<synchronous>, transform_indices = @transform_6, window_bounds = array<i64: 1, 20>}, {pipeline_mode = #tpu.pipeline_mode<synchronous>, transform_indices = @transform_7, window_bounds = array<i64: 1, 20>}, {pipeline_mode = #tpu.pipeline_mode<synchronous>, transform_indices = @transform_8, window_bounds = array<i64: 1, 20>}, {transform_indices = @transform_9, window_bounds = array<i64: 2000, 20>}]} {
    %get3A = arith.constant 0 : index
    %get3A_0 = arith.constant 0 : index
    %get3A_1 = vector.load %arg1[%get3A, %get3A_0] : memref<2000x128xf32, #tpu.memory_space<vmem>>, vector<2000x128xf32>
    %get3A_2 = arith.constant 0 : index
    %get3A_3 = arith.constant 0 : index
    %get3A_4 = vector.load %arg2[%get3A_2, %get3A_3] : memref<128x32xf32, #tpu.memory_space<vmem>>, vector<128x32xf32>
    %dot_general3A = arith.constant dense<0.000000e+00> : vector<2000x32xf32>
    %dot_general3A_5 = tpu.matmul %get3A_1, %get3A_4, %dot_general3A {dimension_numbers = #tpu.dot_dimension_numbers<[1], [0], [0], [1], [0, 0, 1, 1], [], []>, transpose_lhs_hint = false} : vector<2000x128xf32>, vector<128x32xf32>, vector<2000x32xf32> -> vector<2000x32xf32>
    %get3A_6 = arith.constant 0 : index
    %get3A_7 = arith.constant 0 : index
    %get3A_8 = vector.load %arg3[%get3A_6, %get3A_7] : memref<1x32xf32, #tpu.memory_space<vmem>>, vector<1x32xf32>
    %add3A = vector.broadcast %get3A_8 : vector<1x32xf32> to vector<2000x32xf32>
    %add3A_9 = arith.addf %dot_general3A_5, %add3A : vector<2000x32xf32>
    %get3A_10 = arith.constant 0 : index
    %get3A_11 = arith.constant 0 : index
    %get3A_12 = vector.load %arg4[%get3A_10, %get3A_11] : memref<1x32xf32, #tpu.memory_space<vmem>>, vector<1x32xf32>
    %mul3A = arith.constant 0.999500393 : f32
    %mul3A_13 = vector.broadcast %mul3A : f32 to vector<1x32xf32>
    %mul3A_14 = arith.mulf %get3A_12, %mul3A_13 : vector<1x32xf32>
    %mul3A_15 = vector.broadcast %mul3A_14 : vector<1x32xf32> to vector<2000x32xf32>
    %mul3A_16 = arith.mulf %add3A_9, %mul3A_15 : vector<2000x32xf32>
    %get3A_17 = arith.constant 0 : index
    %get3A_18 = arith.constant 0 : index
    %get3A_19 = vector.load %arg5[%get3A_17, %get3A_18] : memref<1x32xf32, #tpu.memory_space<vmem>>, vector<1x32xf32>
    %add3A_20 = vector.broadcast %get3A_19 : vector<1x32xf32> to vector<2000x32xf32>
    %add3A_21 = arith.addf %mul3A_16, %add3A_20 : vector<2000x32xf32>
    %gt3A = arith.constant 0.000000e+00 : f32
    %gt3A_22 = vector.broadcast %gt3A : f32 to vector<2000x32xf32>
    %gt3A_23 = arith.cmpf ogt, %add3A_21, %gt3A_22 : vector<2000x32xf32>
    %min3A = arith.constant 0.000000e+00 : f32
    %min3A_24 = vector.broadcast %min3A : f32 to vector<2000x32xf32>
    %min3A_25 = arith.minimumf %add3A_21, %min3A_24 : vector<2000x32xf32>
    %exp3A = math.exp %min3A_25 : vector<2000x32xf32>
    %sub3A = arith.constant 1.000000e+00 : f32
    %sub3A_26 = vector.broadcast %sub3A : f32 to vector<2000x32xf32>
    %sub3A_27 = arith.subf %exp3A, %sub3A_26 : vector<2000x32xf32>
    %select_n3A = arith.select %gt3A_23, %add3A_21, %sub3A_27 : vector<2000x32xi1>, vector<2000x32xf32>
    %get3A_28 = arith.constant 0 : index
    %get3A_29 = arith.constant 0 : index
    %get3A_30 = vector.load %arg6[%get3A_28, %get3A_29] : memref<32x20xf32, #tpu.memory_space<vmem>>, vector<32x20xf32>
    %dot_general3A_31 = arith.constant dense<0.000000e+00> : vector<2000x20xf32>
    %dot_general3A_32 = tpu.matmul %select_n3A, %get3A_30, %dot_general3A_31 {dimension_numbers = #tpu.dot_dimension_numbers<[1], [0], [0], [1], [0, 0, 1, 1], [], []>, transpose_lhs_hint = false} : vector<2000x32xf32>, vector<32x20xf32>, vector<2000x20xf32> -> vector<2000x20xf32>
    %get3A_33 = arith.constant 0 : index
    %get3A_34 = arith.constant 0 : index
    %get3A_35 = vector.load %arg7[%get3A_33, %get3A_34] : memref<1x20xf32, #tpu.memory_space<vmem>>, vector<1x20xf32>
    %add3A_36 = vector.broadcast %get3A_35 : vector<1x20xf32> to vector<2000x20xf32>
    %add3A_37 = arith.addf %dot_general3A_32, %add3A_36 : vector<2000x20xf32>
    %get3A_38 = arith.constant 0 : index
    %get3A_39 = arith.constant 0 : index
    %get3A_40 = vector.load %arg8[%get3A_38, %get3A_39] : memref<1x20xf32, #tpu.memory_space<vmem>>, vector<1x20xf32>
    %mul3A_41 = arith.constant 0.999500393 : f32
    %mul3A_42 = vector.broadcast %mul3A_41 : f32 to vector<1x20xf32>
    %mul3A_43 = arith.mulf %get3A_40, %mul3A_42 : vector<1x20xf32>
    %mul3A_44 = vector.broadcast %mul3A_43 : vector<1x20xf32> to vector<2000x20xf32>
    %mul3A_45 = arith.mulf %add3A_37, %mul3A_44 : vector<2000x20xf32>
    %get3A_46 = arith.constant 0 : index
    %get3A_47 = arith.constant 0 : index
    %get3A_48 = vector.load %arg9[%get3A_46, %get3A_47] : memref<1x20xf32, #tpu.memory_space<vmem>>, vector<1x20xf32>
    %add3A_49 = vector.broadcast %get3A_48 : vector<1x20xf32> to vector<2000x20xf32>
    %add3A_50 = arith.addf %mul3A_45, %add3A_49 : vector<2000x20xf32>
    %gt3A_51 = arith.constant 0.000000e+00 : f32
    %gt3A_52 = vector.broadcast %gt3A_51 : f32 to vector<2000x20xf32>
    %gt3A_53 = arith.cmpf ogt, %add3A_50, %gt3A_52 : vector<2000x20xf32>
    %min3A_54 = arith.constant 0.000000e+00 : f32
    %min3A_55 = vector.broadcast %min3A_54 : f32 to vector<2000x20xf32>
    %min3A_56 = arith.minimumf %add3A_50, %min3A_55 : vector<2000x20xf32>
    %exp3A_57 = math.exp %min3A_56 : vector<2000x20xf32>
    %sub3A_58 = arith.constant 1.000000e+00 : f32
    %sub3A_59 = vector.broadcast %sub3A_58 : f32 to vector<2000x20xf32>
    %sub3A_60 = arith.subf %exp3A_57, %sub3A_59 : vector<2000x20xf32>
    %select_n3A_61 = arith.select %gt3A_53, %add3A_50, %sub3A_60 : vector<2000x20xi1>, vector<2000x20xf32>
    %swap3A = arith.constant 0 : index
    %swap3A_62 = arith.constant 0 : index
    %swap3A_63 = vector.load %arg10[%swap3A, %swap3A_62] : memref<2000x20xf32, #tpu.memory_space<vmem>>, vector<2000x20xf32>
    tpu.vector_store %arg10[%swap3A, %swap3A_62], %select_n3A_61 {strides = array<i32>} : memref<2000x20xf32, #tpu.memory_space<vmem>>, vector<2000x20xf32>,
    return
  }
  func.func @transform_0(%arg0: i32) -> (i32, i32) {
    %c0_i32 = arith.constant 0 : i32
    %c0_i32_0 = arith.constant 0 : i32
    return %arg0, %c0_i32 : i32, i32
  }
  func.func @transform_1(%arg0: i32) -> (i32, i32) {
    %c0_i32 = arith.constant 0 : i32
    %c0_i32_0 = arith.constant 0 : i32
    %c0_i32_1 = arith.constant 0 : i32
    return %c0_i32, %c0_i32_0 : i32, i32
  }
  func.func @transform_2(%arg0: i32) -> (i32, i32) {
    %c0_i32 = arith.constant 0 : i32
    %c0_i32_0 = arith.constant 0 : i32
    %c0_i32_1 = arith.constant 0 : i32
    return %c0_i32, %c0_i32_0 : i32, i32
  }
  func.func @transform_3(%arg0: i32) -> (i32, i32) {
    %c0_i32 = arith.constant 0 : i32
    %c0_i32_0 = arith.constant 0 : i32
    %c0_i32_1 = arith.constant 0 : i32
    return %c0_i32, %c0_i32_0 : i32, i32
  }
  func.func @transform_4(%arg0: i32) -> (i32, i32) {
    %c0_i32 = arith.constant 0 : i32
    %c0_i32_0 = arith.constant 0 : i32
    %c0_i32_1 = arith.constant 0 : i32
    return %c0_i32, %c0_i32_0 : i32, i32
  }
  func.func @transform_5(%arg0: i32) -> (i32, i32) {
    %c0_i32 = arith.constant 0 : i32
    %c0_i32_0 = arith.constant 0 : i32
    %c0_i32_1 = arith.constant 0 : i32
    return %c0_i32, %c0_i32_0 : i32, i32
  }
  func.func @transform_6(%arg0: i32) -> (i32, i32) {
    %c0_i32 = arith.constant 0 : i32
    %c0_i32_0 = arith.constant 0 : i32
    %c0_i32_1 = arith.constant 0 : i32
    return %c0_i32, %c0_i32_0 : i32, i32
  }
  func.func @transform_7(%arg0: i32) -> (i32, i32) {
    %c0_i32 = arith.constant 0 : i32
    %c0_i32_0 = arith.constant 0 : i32
    %c0_i32_1 = arith.constant 0 : i32
    return %c0_i32, %c0_i32_0 : i32, i32
  }
  func.func @transform_8(%arg0: i32) -> (i32, i32) {
    %c0_i32 = arith.constant 0 : i32
    %c0_i32_0 = arith.constant 0 : i32
    %c0_i32_1 = arith.constant 0 : i32
    return %c0_i32, %c0_i32_0 : i32, i32
  }
  func.func @transform_9(%arg0: i32) -> (i32, i32) {
    %c0_i32 = arith.constant 0 : i32
    %c0_i32_0 = arith.constant 0 : i32
    return %arg0, %c0_i32 : i32, i32
  }
}

module attributes {stable_mosaic.version = 14 : i64} {
  func.func @_scale_body(%arg0: i32, %arg1: memref<2000x20xf32, #tpu.memory_space<vmem>>, %arg2: memref<2x2000x8xf32, #tpu.memory_space<vmem>>, %arg3: memref<2000x32xf32, #tpu.memory_space<vmem>>) attributes {dimension_semantics = [#tpu.dimension_semantics<parallel>], iteration_bounds = array<i64: 5>, scalar_prefetch = 0 : i64, scratch_operands = 0 : i64, tpu.core_type = #tpu.core_type<tc>, window_params = [{transform_indices = @transform_0, window_bounds = array<i64: 2000, 20>}, {transform_indices = @transform_1, window_bounds = array<i64: 2, 2000, 8>}, {transform_indices = @transform_2, window_bounds = array<i64: 2000, 32>}]} {
    %get3A = arith.constant 0 : index
    %get3A_0 = arith.constant 0 : index
    %get3A_1 = arith.constant 0 : index
    %get3A_2 = vector.load %arg2[%get3A, %get3A_0, %get3A_1] : memref<2x2000x8xf32, #tpu.memory_space<vmem>>, vector<2x2000x8xf32>
    %slice3A = vector.extract_strided_slice %get3A_2 {offsets = [0, 0, 0], sizes = [1, 2000, 1], strides = [1, 1, 1]} : vector<2x2000x8xf32> to vector<1x2000x1xf32>
    %squeeze3A = vector.shape_cast %slice3A : vector<1x2000x1xf32> to vector<2000x1xf32>
    %slice3A_3 = vector.extract_strided_slice %get3A_2 {offsets = [1, 0, 0], sizes = [1, 2000, 1], strides = [1, 1, 1]} : vector<2x2000x8xf32> to vector<1x2000x1xf32>
    %squeeze3A_4 = vector.shape_cast %slice3A_3 : vector<1x2000x1xf32> to vector<2000x1xf32>
    %add3A = arith.addf %squeeze3A, %squeeze3A_4 : vector<2000x1xf32>
    %add3A_5 = arith.constant 1.000000e+00 : f32
    %add3A_6 = vector.broadcast %add3A_5 : f32 to vector<2000x1xf32>
    %add3A_7 = arith.addf %add3A, %add3A_6 : vector<2000x1xf32>
    %rsqrt3A = math.rsqrt %add3A_7 : vector<2000x1xf32>
    %get3A_8 = arith.constant 0 : index
    %get3A_9 = arith.constant 0 : index
    %get3A_10 = vector.load %arg1[%get3A_8, %get3A_9] : memref<2000x20xf32, #tpu.memory_space<vmem>>, vector<2000x20xf32>
    %mul3A = vector.broadcast %rsqrt3A : vector<2000x1xf32> to vector<2000x20xf32>
    %mul3A_11 = arith.mulf %get3A_10, %mul3A : vector<2000x20xf32>
    %broadcast_in_dim3A = arith.constant 0.000000e+00 : f32
    %broadcast_in_dim3A_12 = vector.broadcast %broadcast_in_dim3A : f32 to vector<2000x12xf32>
    %concatenate3A = tpu.concatenate %mul3A_11, %broadcast_in_dim3A_12 in 1 : vector<2000x20xf32>, vector<2000x12xf32> -> vector<2000x32xf32>
    %swap3A = arith.constant 0 : index
    %swap3A_13 = arith.constant 0 : index
    %swap3A_14 = vector.load %arg3[%swap3A, %swap3A_13] : memref<2000x32xf32, #tpu.memory_space<vmem>>, vector<2000x32xf32>
    tpu.vector_store %arg3[%swap3A, %swap3A_13], %concatenate3A {strides = array<i32>} : memref<2000x32xf32, #tpu.memory_space<vmem>>, vector<2000x32xf32>,
    return
  }
  func.func @transform_0(%arg0: i32) -> (i32, i32) {
    %c0_i32 = arith.constant 0 : i32
    %c0_i32_0 = arith.constant 0 : i32
    return %arg0, %c0_i32 : i32, i32
  }
  func.func @transform_1(%arg0: i32) -> (i32, i32, i32) {
    %c0_i32 = arith.constant 0 : i32
    %c0_i32_0 = arith.constant 0 : i32
    %c0_i32_1 = arith.constant 0 : i32
    return %c0_i32, %arg0, %c0_i32_0 : i32, i32, i32
  }
  func.func @transform_2(%arg0: i32) -> (i32, i32) {
    %c0_i32 = arith.constant 0 : i32
    %c0_i32_0 = arith.constant 0 : i32
    return %arg0, %c0_i32 : i32, i32
  }
}

module attributes {stable_mosaic.version = 14 : i64} {
  func.func @_mid_body(%arg0: i32, %arg1: memref<2x2000x32xf32, #tpu.memory_space<vmem>>, %arg2: memref<2000x32xf32, #tpu.memory_space<vmem>>, %arg3: memref<2x2000x8xf32, #tpu.memory_space<vmem>>, %arg4: memref<32x64xf32, #tpu.memory_space<vmem>>, %arg5: memref<1x64xf32, #tpu.memory_space<vmem>>, %arg6: memref<1x64xf32, #tpu.memory_space<vmem>>, %arg7: memref<1x64xf32, #tpu.memory_space<vmem>>, %arg8: memref<64x16xf32, #tpu.memory_space<vmem>>, %arg9: memref<2000x16xf32, #tpu.memory_space<vmem>>) attributes {dimension_semantics = [#tpu.dimension_semantics<parallel>], iteration_bounds = array<i64: 5>, scalar_prefetch = 0 : i64, scratch_operands = 0 : i64, tpu.core_type = #tpu.core_type<tc>, window_params = [{transform_indices = @transform_0, window_bounds = array<i64: 2, 2000, 32>}, {transform_indices = @transform_1, window_bounds = array<i64: 2000, 32>}, {transform_indices = @transform_2, window_bounds = array<i64: 2, 2000, 8>}, {pipeline_mode = #tpu.pipeline_mode<synchronous>, transform_indices = @transform_3, window_bounds = array<i64: 32, 64>}, {pipeline_mode = #tpu.pipeline_mode<synchronous>, transform_indices = @transform_4, window_bounds = array<i64: 1, 64>}, {pipeline_mode = #tpu.pipeline_mode<synchronous>, transform_indices = @transform_5, window_bounds = array<i64: 1, 64>}, {pipeline_mode = #tpu.pipeline_mode<synchronous>, transform_indices = @transform_6, window_bounds = array<i64: 1, 64>}, {pipeline_mode = #tpu.pipeline_mode<synchronous>, transform_indices = @transform_7, window_bounds = array<i64: 64, 16>}, {transform_indices = @transform_8, window_bounds = array<i64: 2000, 16>}]} {
    %get3A = arith.constant 0 : index
    %get3A_0 = arith.constant 0 : index
    %get3A_1 = arith.constant 0 : index
    %get3A_2 = vector.load %arg3[%get3A, %get3A_0, %get3A_1] : memref<2x2000x8xf32, #tpu.memory_space<vmem>>, vector<2x2000x8xf32>
    %slice3A = vector.extract_strided_slice %get3A_2 {offsets = [0, 0, 0], sizes = [1, 2000, 1], strides = [1, 1, 1]} : vector<2x2000x8xf32> to vector<1x2000x1xf32>
    %squeeze3A = vector.shape_cast %slice3A : vector<1x2000x1xf32> to vector<2000x1xf32>
    %slice3A_3 = vector.extract_strided_slice %get3A_2 {offsets = [1, 0, 0], sizes = [1, 2000, 1], strides = [1, 1, 1]} : vector<2x2000x8xf32> to vector<1x2000x1xf32>
    %squeeze3A_4 = vector.shape_cast %slice3A_3 : vector<1x2000x1xf32> to vector<2000x1xf32>
    %add3A = arith.addf %squeeze3A, %squeeze3A_4 : vector<2000x1xf32>
    %add3A_5 = arith.constant 1.000000e+00 : f32
    %add3A_6 = vector.broadcast %add3A_5 : f32 to vector<2000x1xf32>
    %add3A_7 = arith.addf %add3A, %add3A_6 : vector<2000x1xf32>
    %rsqrt3A = math.rsqrt %add3A_7 : vector<2000x1xf32>
    %get3A_8 = arith.constant 0 : index
    %get3A_9 = arith.constant 0 : index
    %get3A_10 = arith.constant 0 : index
    %get3A_11 = vector.load %arg1[%get3A_8, %get3A_9, %get3A_10] : memref<2x2000x32xf32, #tpu.memory_space<vmem>>, vector<2x2000x32xf32>
    %slice3A_12 = vector.extract_strided_slice %get3A_11 {offsets = [0, 0, 0], sizes = [1, 2000, 32], strides = [1, 1, 1]} : vector<2x2000x32xf32> to vector<1x2000x32xf32>
    %squeeze3A_13 = vector.shape_cast %slice3A_12 : vector<1x2000x32xf32> to vector<2000x32xf32>
    %slice3A_14 = vector.extract_strided_slice %get3A_11 {offsets = [1, 0, 0], sizes = [1, 2000, 32], strides = [1, 1, 1]} : vector<2x2000x32xf32> to vector<1x2000x32xf32>
    %squeeze3A_15 = vector.shape_cast %slice3A_14 : vector<1x2000x32xf32> to vector<2000x32xf32>
    %add3A_16 = arith.addf %squeeze3A_13, %squeeze3A_15 : vector<2000x32xf32>
    %get3A_17 = arith.constant 0 : index
    %get3A_18 = arith.constant 0 : index
    %get3A_19 = vector.load %arg2[%get3A_17, %get3A_18] : memref<2000x32xf32, #tpu.memory_space<vmem>>, vector<2000x32xf32>
    %add3A_20 = arith.addf %add3A_16, %get3A_19 : vector<2000x32xf32>
    %mul3A = vector.broadcast %rsqrt3A : vector<2000x1xf32> to vector<2000x32xf32>
    %mul3A_21 = arith.mulf %add3A_20, %mul3A : vector<2000x32xf32>
    %get3A_22 = arith.constant 0 : index
    %get3A_23 = arith.constant 0 : index
    %get3A_24 = vector.load %arg4[%get3A_22, %get3A_23] : memref<32x64xf32, #tpu.memory_space<vmem>>, vector<32x64xf32>
    %dot_general3A = arith.constant dense<0.000000e+00> : vector<2000x64xf32>
    %dot_general3A_25 = tpu.matmul %mul3A_21, %get3A_24, %dot_general3A {dimension_numbers = #tpu.dot_dimension_numbers<[1], [0], [0], [1], [0, 0, 1, 1], [], []>, transpose_lhs_hint = false} : vector<2000x32xf32>, vector<32x64xf32>, vector<2000x64xf32> -> vector<2000x64xf32>
    %get3A_26 = arith.constant 0 : index
    %get3A_27 = arith.constant 0 : index
    %get3A_28 = vector.load %arg5[%get3A_26, %get3A_27] : memref<1x64xf32, #tpu.memory_space<vmem>>, vector<1x64xf32>
    %add3A_29 = vector.broadcast %get3A_28 : vector<1x64xf32> to vector<2000x64xf32>
    %add3A_30 = arith.addf %dot_general3A_25, %add3A_29 : vector<2000x64xf32>
    %get3A_31 = arith.constant 0 : index
    %get3A_32 = arith.constant 0 : index
    %get3A_33 = vector.load %arg6[%get3A_31, %get3A_32] : memref<1x64xf32, #tpu.memory_space<vmem>>, vector<1x64xf32>
    %mul3A_34 = arith.constant 0.999994993 : f32
    %mul3A_35 = vector.broadcast %mul3A_34 : f32 to vector<1x64xf32>
    %mul3A_36 = arith.mulf %get3A_33, %mul3A_35 : vector<1x64xf32>
    %mul3A_37 = vector.broadcast %mul3A_36 : vector<1x64xf32> to vector<2000x64xf32>
    %mul3A_38 = arith.mulf %add3A_30, %mul3A_37 : vector<2000x64xf32>
    %get3A_39 = arith.constant 0 : index
    %get3A_40 = arith.constant 0 : index
    %get3A_41 = vector.load %arg7[%get3A_39, %get3A_40] : memref<1x64xf32, #tpu.memory_space<vmem>>, vector<1x64xf32>
    %add3A_42 = vector.broadcast %get3A_41 : vector<1x64xf32> to vector<2000x64xf32>
    %add3A_43 = arith.addf %mul3A_38, %add3A_42 : vector<2000x64xf32>
    %max3A = arith.constant 0.000000e+00 : f32
    %max3A_44 = vector.broadcast %max3A : f32 to vector<2000x64xf32>
    %max3A_45 = arith.maximumf %add3A_43, %max3A_44 : vector<2000x64xf32>
    %get3A_46 = arith.constant 0 : index
    %get3A_47 = arith.constant 0 : index
    %get3A_48 = vector.load %arg8[%get3A_46, %get3A_47] : memref<64x16xf32, #tpu.memory_space<vmem>>, vector<64x16xf32>
    %dot_general3A_49 = arith.constant dense<0.000000e+00> : vector<2000x16xf32>
    %dot_general3A_50 = tpu.matmul %max3A_45, %get3A_48, %dot_general3A_49 {dimension_numbers = #tpu.dot_dimension_numbers<[1], [0], [0], [1], [0, 0, 1, 1], [], []>, transpose_lhs_hint = false} : vector<2000x64xf32>, vector<64x16xf32>, vector<2000x16xf32> -> vector<2000x16xf32>
    %mul3A_51 = vector.broadcast %rsqrt3A : vector<2000x1xf32> to vector<2000x16xf32>
    %mul3A_52 = arith.mulf %dot_general3A_50, %mul3A_51 : vector<2000x16xf32>
    %swap3A = arith.constant 0 : index
    %swap3A_53 = arith.constant 0 : index
    %swap3A_54 = vector.load %arg9[%swap3A, %swap3A_53] : memref<2000x16xf32, #tpu.memory_space<vmem>>, vector<2000x16xf32>
    tpu.vector_store %arg9[%swap3A, %swap3A_53], %mul3A_52 {strides = array<i32>} : memref<2000x16xf32, #tpu.memory_space<vmem>>, vector<2000x16xf32>,
    return
  }
  func.func @transform_0(%arg0: i32) -> (i32, i32, i32) {
    %c0_i32 = arith.constant 0 : i32
    %c0_i32_0 = arith.constant 0 : i32
    %c0_i32_1 = arith.constant 0 : i32
    return %c0_i32, %arg0, %c0_i32_0 : i32, i32, i32
  }
  func.func @transform_1(%arg0: i32) -> (i32, i32) {
    %c0_i32 = arith.constant 0 : i32
    %c0_i32_0 = arith.constant 0 : i32
    return %arg0, %c0_i32 : i32, i32
  }
  func.func @transform_2(%arg0: i32) -> (i32, i32, i32) {
    %c0_i32 = arith.constant 0 : i32
    %c0_i32_0 = arith.constant 0 : i32
    %c0_i32_1 = arith.constant 0 : i32
    return %c0_i32, %arg0, %c0_i32_0 : i32, i32, i32
  }
  func.func @transform_3(%arg0: i32) -> (i32, i32) {
    %c0_i32 = arith.constant 0 : i32
    %c0_i32_0 = arith.constant 0 : i32
    %c0_i32_1 = arith.constant 0 : i32
    return %c0_i32, %c0_i32_0 : i32, i32
  }
  func.func @transform_4(%arg0: i32) -> (i32, i32) {
    %c0_i32 = arith.constant 0 : i32
    %c0_i32_0 = arith.constant 0 : i32
    %c0_i32_1 = arith.constant 0 : i32
    return %c0_i32, %c0_i32_0 : i32, i32
  }
  func.func @transform_5(%arg0: i32) -> (i32, i32) {
    %c0_i32 = arith.constant 0 : i32
    %c0_i32_0 = arith.constant 0 : i32
    %c0_i32_1 = arith.constant 0 : i32
    return %c0_i32, %c0_i32_0 : i32, i32
  }
  func.func @transform_6(%arg0: i32) -> (i32, i32) {
    %c0_i32 = arith.constant 0 : i32
    %c0_i32_0 = arith.constant 0 : i32
    %c0_i32_1 = arith.constant 0 : i32
    return %c0_i32, %c0_i32_0 : i32, i32
  }
  func.func @transform_7(%arg0: i32) -> (i32, i32) {
    %c0_i32 = arith.constant 0 : i32
    %c0_i32_0 = arith.constant 0 : i32
    %c0_i32_1 = arith.constant 0 : i32
    return %c0_i32, %c0_i32_0 : i32, i32
  }
  func.func @transform_8(%arg0: i32) -> (i32, i32) {
    %c0_i32 = arith.constant 0 : i32
    %c0_i32_0 = arith.constant 0 : i32
    return %arg0, %c0_i32 : i32, i32
  }
}

module attributes {stable_mosaic.version = 14 : i64} {
  func.func @_fin_body(%arg0: i32, %arg1: memref<2x2000x16xf32, #tpu.memory_space<vmem>>, %arg2: memref<2000x16xf32, #tpu.memory_space<vmem>>, %arg3: memref<2x2000x8xf32, #tpu.memory_space<vmem>>, %arg4: memref<1x16xf32, #tpu.memory_space<vmem>>, %arg5: memref<2000x20xf32, #tpu.memory_space<vmem>>, %arg6: memref<28x32xf32, #tpu.memory_space<vmem>>, %arg7: memref<1x32xf32, #tpu.memory_space<vmem>>, %arg8: memref<1x32xf32, #tpu.memory_space<vmem>>, %arg9: memref<1x32xf32, #tpu.memory_space<vmem>>, %arg10: memref<32x128xf32, #tpu.memory_space<vmem>>, %arg11: memref<1x128xf32, #tpu.memory_space<vmem>>, %arg12: memref<16x28xf32, #tpu.memory_space<vmem>>, %arg13: memref<2000x8xf32, #tpu.memory_space<vmem>>, %arg14: memref<2000x8xf32, #tpu.memory_space<vmem>>, %arg15: memref<2000x28xf32, #tpu.memory_space<vmem>>, %arg16: memref<2000x128xf32, #tpu.memory_space<vmem>>, %arg17: memref<2000x15xf32, #tpu.memory_space<vmem>>) attributes {dimension_semantics = [#tpu.dimension_semantics<parallel>], iteration_bounds = array<i64: 5>, scalar_prefetch = 0 : i64, scratch_operands = 0 : i64, tpu.core_type = #tpu.core_type<tc>, window_params = [{transform_indices = @transform_0, window_bounds = array<i64: 2, 2000, 16>}, {transform_indices = @transform_1, window_bounds = array<i64: 2000, 16>}, {transform_indices = @transform_2, window_bounds = array<i64: 2, 2000, 8>}, {pipeline_mode = #tpu.pipeline_mode<synchronous>, transform_indices = @transform_3, window_bounds = array<i64: 1, 16>}, {transform_indices = @transform_4, window_bounds = array<i64: 2000, 20>}, {pipeline_mode = #tpu.pipeline_mode<synchronous>, transform_indices = @transform_5, window_bounds = array<i64: 28, 32>}, {pipeline_mode = #tpu.pipeline_mode<synchronous>, transform_indices = @transform_6, window_bounds = array<i64: 1, 32>}, {pipeline_mode = #tpu.pipeline_mode<synchronous>, transform_indices = @transform_7, window_bounds = array<i64: 1, 32>}, {pipeline_mode = #tpu.pipeline_mode<synchronous>, transform_indices = @transform_8, window_bounds = array<i64: 1, 32>}, {pipeline_mode = #tpu.pipeline_mode<synchronous>, transform_indices = @transform_9, window_bounds = array<i64: 32, 128>}, {pipeline_mode = #tpu.pipeline_mode<synchronous>, transform_indices = @transform_10, window_bounds = array<i64: 1, 128>}, {pipeline_mode = #tpu.pipeline_mode<synchronous>, transform_indices = @transform_11, window_bounds = array<i64: 16, 28>}, {transform_indices = @transform_12, window_bounds = array<i64: 2000, 8>}, {transform_indices = @transform_13, window_bounds = array<i64: 2000, 8>}, {transform_indices = @transform_14, window_bounds = array<i64: 2000, 28>}, {transform_indices = @transform_15, window_bounds = array<i64: 2000, 128>}, {transform_indices = @transform_16, window_bounds = array<i64: 2000, 15>}]} {
    %get3A = arith.constant 0 : index
    %get3A_0 = arith.constant 0 : index
    %get3A_1 = arith.constant 0 : index
    %get3A_2 = vector.load %arg3[%get3A, %get3A_0, %get3A_1] : memref<2x2000x8xf32, #tpu.memory_space<vmem>>, vector<2x2000x8xf32>
    %slice3A = vector.extract_strided_slice %get3A_2 {offsets = [0, 0, 0], sizes = [1, 2000, 1], strides = [1, 1, 1]} : vector<2x2000x8xf32> to vector<1x2000x1xf32>
    %squeeze3A = vector.shape_cast %slice3A : vector<1x2000x1xf32> to vector<2000x1xf32>
    %slice3A_3 = vector.extract_strided_slice %get3A_2 {offsets = [1, 0, 0], sizes = [1, 2000, 1], strides = [1, 1, 1]} : vector<2x2000x8xf32> to vector<1x2000x1xf32>
    %squeeze3A_4 = vector.shape_cast %slice3A_3 : vector<1x2000x1xf32> to vector<2000x1xf32>
    %add3A = arith.addf %squeeze3A, %squeeze3A_4 : vector<2000x1xf32>
    %add3A_5 = arith.constant 1.000000e+00 : f32
    %add3A_6 = vector.broadcast %add3A_5 : f32 to vector<2000x1xf32>
    %add3A_7 = arith.addf %add3A, %add3A_6 : vector<2000x1xf32>
    %rsqrt3A = math.rsqrt %add3A_7 : vector<2000x1xf32>
    %get3A_8 = arith.constant 0 : index
    %get3A_9 = arith.constant 0 : index
    %get3A_10 = arith.constant 0 : index
    %get3A_11 = vector.load %arg1[%get3A_8, %get3A_9, %get3A_10] : memref<2x2000x16xf32, #tpu.memory_space<vmem>>, vector<2x2000x16xf32>
    %slice3A_12 = vector.extract_strided_slice %get3A_11 {offsets = [0, 0, 0], sizes = [1, 2000, 16], strides = [1, 1, 1]} : vector<2x2000x16xf32> to vector<1x2000x16xf32>
    %squeeze3A_13 = vector.shape_cast %slice3A_12 : vector<1x2000x16xf32> to vector<2000x16xf32>
    %slice3A_14 = vector.extract_strided_slice %get3A_11 {offsets = [1, 0, 0], sizes = [1, 2000, 16], strides = [1, 1, 1]} : vector<2x2000x16xf32> to vector<1x2000x16xf32>
    %squeeze3A_15 = vector.shape_cast %slice3A_14 : vector<1x2000x16xf32> to vector<2000x16xf32>
    %add3A_16 = arith.addf %squeeze3A_13, %squeeze3A_15 : vector<2000x16xf32>
    %get3A_17 = arith.constant 0 : index
    %get3A_18 = arith.constant 0 : index
    %get3A_19 = vector.load %arg2[%get3A_17, %get3A_18] : memref<2000x16xf32, #tpu.memory_space<vmem>>, vector<2000x16xf32>
    %add3A_20 = arith.addf %add3A_16, %get3A_19 : vector<2000x16xf32>
    %mul3A = vector.broadcast %rsqrt3A : vector<2000x1xf32> to vector<2000x16xf32>
    %mul3A_21 = arith.mulf %add3A_20, %mul3A : vector<2000x16xf32>
    %get3A_22 = arith.constant 0 : index
    %get3A_23 = arith.constant 0 : index
    %get3A_24 = vector.load %arg4[%get3A_22, %get3A_23] : memref<1x16xf32, #tpu.memory_space<vmem>>, vector<1x16xf32>
    %add3A_25 = vector.broadcast %get3A_24 : vector<1x16xf32> to vector<2000x16xf32>
    %add3A_26 = arith.addf %mul3A_21, %add3A_25 : vector<2000x16xf32>
    %slice3A_27 = vector.extract_strided_slice %add3A_26 {offsets = [0, 0], sizes = [2000, 8], strides = [1, 1]} : vector<2000x16xf32> to vector<2000x8xf32>
    %swap3A = arith.constant 0 : index
    %swap3A_28 = arith.constant 0 : index
    %swap3A_29 = vector.load %arg13[%swap3A, %swap3A_28] : memref<2000x8xf32, #tpu.memory_space<vmem>>, vector<2000x8xf32>
    tpu.vector_store %arg13[%swap3A, %swap3A_28], %slice3A_27 {strides = array<i32>} : memref<2000x8xf32, #tpu.memory_space<vmem>>, vector<2000x8xf32>,
    %slice3A_30 = vector.extract_strided_slice %add3A_26 {offsets = [0, 8], sizes = [2000, 8], strides = [1, 1]} : vector<2000x16xf32> to vector<2000x8xf32>
    %swap3A_31 = arith.constant 0 : index
    %swap3A_32 = arith.constant 0 : index
    %swap3A_33 = vector.load %arg14[%swap3A_31, %swap3A_32] : memref<2000x8xf32, #tpu.memory_space<vmem>>, vector<2000x8xf32>
    tpu.vector_store %arg14[%swap3A_31, %swap3A_32], %slice3A_30 {strides = array<i32>} : memref<2000x8xf32, #tpu.memory_space<vmem>>, vector<2000x8xf32>,
    %get3A_34 = arith.constant 0 : index
    %get3A_35 = arith.constant 0 : index
    %get3A_36 = vector.load %arg5[%get3A_34, %get3A_35] : memref<2000x20xf32, #tpu.memory_space<vmem>>, vector<2000x20xf32>
    %slice3A_37 = vector.extract_strided_slice %add3A_26 {offsets = [0, 0], sizes = [2000, 8], strides = [1, 1]} : vector<2000x16xf32> to vector<2000x8xf32>
    %concatenate3A = tpu.concatenate %get3A_36, %slice3A_37 in 1 : vector<2000x20xf32>, vector<2000x8xf32> -> vector<2000x28xf32>
    %swap3A_38 = arith.constant 0 : index
    %swap3A_39 = arith.constant 0 : index
    %swap3A_40 = vector.load %arg15[%swap3A_38, %swap3A_39] : memref<2000x28xf32, #tpu.memory_space<vmem>>, vector<2000x28xf32>
    tpu.vector_store %arg15[%swap3A_38, %swap3A_39], %concatenate3A {strides = array<i32>} : memref<2000x28xf32, #tpu.memory_space<vmem>>, vector<2000x28xf32>,
    %get3A_41 = arith.constant 0 : index
    %get3A_42 = arith.constant 0 : index
    %get3A_43 = vector.load %arg6[%get3A_41, %get3A_42] : memref<28x32xf32, #tpu.memory_space<vmem>>, vector<28x32xf32>
    %dot_general3A = arith.constant dense<0.000000e+00> : vector<2000x32xf32>
    %dot_general3A_44 = tpu.matmul %concatenate3A, %get3A_43, %dot_general3A {dimension_numbers = #tpu.dot_dimension_numbers<[1], [0], [0], [1], [0, 0, 1, 1], [], []>, transpose_lhs_hint = false} : vector<2000x28xf32>, vector<28x32xf32>, vector<2000x32xf32> -> vector<2000x32xf32>
    %get3A_45 = arith.constant 0 : index
    %get3A_46 = arith.constant 0 : index
    %get3A_47 = vector.load %arg7[%get3A_45, %get3A_46] : memref<1x32xf32, #tpu.memory_space<vmem>>, vector<1x32xf32>
    %add3A_48 = vector.broadcast %get3A_47 : vector<1x32xf32> to vector<2000x32xf32>
    %add3A_49 = arith.addf %dot_general3A_44, %add3A_48 : vector<2000x32xf32>
    %get3A_50 = arith.constant 0 : index
    %get3A_51 = arith.constant 0 : index
    %get3A_52 = vector.load %arg8[%get3A_50, %get3A_51] : memref<1x32xf32, #tpu.memory_space<vmem>>, vector<1x32xf32>
    %mul3A_53 = arith.constant 0.999500393 : f32
    %mul3A_54 = vector.broadcast %mul3A_53 : f32 to vector<1x32xf32>
    %mul3A_55 = arith.mulf %get3A_52, %mul3A_54 : vector<1x32xf32>
    %mul3A_56 = vector.broadcast %mul3A_55 : vector<1x32xf32> to vector<2000x32xf32>
    %mul3A_57 = arith.mulf %add3A_49, %mul3A_56 : vector<2000x32xf32>
    %get3A_58 = arith.constant 0 : index
    %get3A_59 = arith.constant 0 : index
    %get3A_60 = vector.load %arg9[%get3A_58, %get3A_59] : memref<1x32xf32, #tpu.memory_space<vmem>>, vector<1x32xf32>
    %add3A_61 = vector.broadcast %get3A_60 : vector<1x32xf32> to vector<2000x32xf32>
    %add3A_62 = arith.addf %mul3A_57, %add3A_61 : vector<2000x32xf32>
    %gt3A = arith.constant 0.000000e+00 : f32
    %gt3A_63 = vector.broadcast %gt3A : f32 to vector<2000x32xf32>
    %gt3A_64 = arith.cmpf ogt, %add3A_62, %gt3A_63 : vector<2000x32xf32>
    %min3A = arith.constant 0.000000e+00 : f32
    %min3A_65 = vector.broadcast %min3A : f32 to vector<2000x32xf32>
    %min3A_66 = arith.minimumf %add3A_62, %min3A_65 : vector<2000x32xf32>
    %exp3A = math.exp %min3A_66 : vector<2000x32xf32>
    %sub3A = arith.constant 1.000000e+00 : f32
    %sub3A_67 = vector.broadcast %sub3A : f32 to vector<2000x32xf32>
    %sub3A_68 = arith.subf %exp3A, %sub3A_67 : vector<2000x32xf32>
    %select_n3A = arith.select %gt3A_64, %add3A_62, %sub3A_68 : vector<2000x32xi1>, vector<2000x32xf32>
    %get3A_69 = arith.constant 0 : index
    %get3A_70 = arith.constant 0 : index
    %get3A_71 = vector.load %arg10[%get3A_69, %get3A_70] : memref<32x128xf32, #tpu.memory_space<vmem>>, vector<32x128xf32>
    %dot_general3A_72 = arith.constant dense<0.000000e+00> : vector<2000x128xf32>
    %dot_general3A_73 = tpu.matmul %select_n3A, %get3A_71, %dot_general3A_72 {dimension_numbers = #tpu.dot_dimension_numbers<[1], [0], [0], [1], [0, 0, 1, 1], [], []>, transpose_lhs_hint = false} : vector<2000x32xf32>, vector<32x128xf32>, vector<2000x128xf32> -> vector<2000x128xf32>
    %get3A_74 = arith.constant 0 : index
    %get3A_75 = arith.constant 0 : index
    %get3A_76 = vector.load %arg11[%get3A_74, %get3A_75] : memref<1x128xf32, #tpu.memory_space<vmem>>, vector<1x128xf32>
    %add3A_77 = vector.broadcast %get3A_76 : vector<1x128xf32> to vector<2000x128xf32>
    %add3A_78 = arith.addf %dot_general3A_73, %add3A_77 : vector<2000x128xf32>
    %swap3A_79 = arith.constant 0 : index
    %swap3A_80 = arith.constant 0 : index
    %swap3A_81 = vector.load %arg16[%swap3A_79, %swap3A_80] : memref<2000x128xf32, #tpu.memory_space<vmem>>, vector<2000x128xf32>
    tpu.vector_store %arg16[%swap3A_79, %swap3A_80], %add3A_78 {strides = array<i32>} : memref<2000x128xf32, #tpu.memory_space<vmem>>, vector<2000x128xf32>,
    %get3A_82 = arith.constant 0 : index
    %get3A_83 = arith.constant 0 : index
    %get3A_84 = vector.load %arg12[%get3A_82, %get3A_83] : memref<16x28xf32, #tpu.memory_space<vmem>>, vector<16x28xf32>
    %mul3A_85 = arith.mulf %concatenate3A, %concatenate3A : vector<2000x28xf32>
    %reduce_sum3A = arith.constant dense<0.000000e+00> : vector<2000xf32>
    %reduce_sum3A_86 = vector.multi_reduction <add>, %mul3A_85, %reduce_sum3A [1] : vector<2000x28xf32> to vector<2000xf32>
    %broadcast_in_dim3A = vector.shape_cast %reduce_sum3A_86 : vector<2000xf32> to vector<2000x1xf32>
    %dot_general3A_87 = arith.constant dense<0.000000e+00> : vector<2000x16xf32>
    %dot_general3A_88 = tpu.matmul %concatenate3A, %get3A_84, %dot_general3A_87 {dimension_numbers = #tpu.dot_dimension_numbers<[1], [1], [0], [0], [0, 0, 1, 0], [], []>, transpose_lhs_hint = false} : vector<2000x28xf32>, vector<16x28xf32>, vector<2000x16xf32> -> vector<2000x16xf32>
    %broadcast_in_dim3A_89 = arith.constant 1.000000e+00 : f32
    %broadcast_in_dim3A_90 = vector.broadcast %broadcast_in_dim3A_89 : f32 to vector<1x28xf32>
    %mul3A_91 = arith.mulf %get3A_84, %get3A_84 : vector<16x28xf32>
    %dot_general3A_92 = arith.constant dense<0.000000e+00> : vector<1x16xf32>
    %dot_general3A_93 = tpu.matmul %broadcast_in_dim3A_90, %mul3A_91, %dot_general3A_92 {dimension_numbers = #tpu.dot_dimension_numbers<[1], [1], [0], [0], [0, 0, 1, 0], [], []>, transpose_lhs_hint = false} : vector<1x28xf32>, vector<16x28xf32>, vector<1x16xf32> -> vector<1x16xf32>
    %mul3A_94 = arith.constant 2.000000e+00 : f32
    %mul3A_95 = vector.broadcast %mul3A_94 : f32 to vector<2000x16xf32>
    %mul3A_96 = arith.mulf %mul3A_95, %dot_general3A_88 : vector<2000x16xf32>
    %sub3A_97 = vector.broadcast %broadcast_in_dim3A : vector<2000x1xf32> to vector<2000x16xf32>
    %sub3A_98 = arith.subf %sub3A_97, %mul3A_96 : vector<2000x16xf32>
    %add3A_99 = vector.broadcast %dot_general3A_93 : vector<1x16xf32> to vector<2000x16xf32>
    %add3A_100 = arith.addf %sub3A_98, %add3A_99 : vector<2000x16xf32>
    %div3A = arith.constant 0.899999976 : f32
    %div3A_101 = vector.broadcast %div3A : f32 to vector<2000x16xf32>
    %div3A_102 = arith.divf %add3A_100, %div3A_101 : vector<2000x16xf32>
    %add3A_103 = arith.constant 1.000000e+00 : f32
    %add3A_104 = vector.broadcast %add3A_103 : f32 to vector<2000x16xf32>
    %add3A_105 = arith.addf %add3A_104, %div3A_102 : vector<2000x16xf32>
    %div3A_106 = arith.constant 1.000000e+00 : f32
    %div3A_107 = vector.broadcast %div3A_106 : f32 to vector<2000x16xf32>
    %div3A_108 = arith.divf %div3A_107, %add3A_105 : vector<2000x16xf32>
    %log3A = math.log %div3A_108 : vector<2000x16xf32>
    %mul3A_109 = arith.constant 0.949999988 : f32
    %mul3A_110 = vector.broadcast %mul3A_109 : f32 to vector<2000x16xf32>
    %mul3A_111 = arith.mulf %mul3A_110, %log3A : vector<2000x16xf32>
    %exp3A_112 = math.exp %mul3A_111 : vector<2000x16xf32>
    %iota3A = tpu.iota {dimensions = array<i32: 1>} : vector<2000x16xi32>
    %lt3A = arith.constant 15 : i32
    %lt3A_113 = vector.broadcast %lt3A : i32 to vector<2000x16xi32>
    %lt3A_114 = arith.cmpi slt, %iota3A, %lt3A_113 : vector<2000x16xi32>
    %jit3A = arith.constant 0.000000e+00 : f32
    %broadcast_in_dim3A_115 = vector.broadcast %jit3A : f32 to vector<2000x16xf32>
    %select_n3A_116 = arith.select %lt3A_114, %exp3A_112, %broadcast_in_dim3A_115 : vector<2000x16xi1>, vector<2000x16xf32>
    %reduce_sum3A_117 = arith.constant dense<0.000000e+00> : vector<2000xf32>
    %reduce_sum3A_118 = vector.multi_reduction <add>, %select_n3A_116, %reduce_sum3A_117 [1] : vector<2000x16xf32> to vector<2000xf32>
    %broadcast_in_dim3A_119 = vector.shape_cast %reduce_sum3A_118 : vector<2000xf32> to vector<2000x1xf32>
    %div3A_120 = vector.broadcast %broadcast_in_dim3A_119 : vector<2000x1xf32> to vector<2000x16xf32>
    %div3A_121 = arith.divf %select_n3A_116, %div3A_120 : vector<2000x16xf32>
    %slice3A_122 = vector.extract_strided_slice %div3A_121 {offsets = [0, 0], sizes = [2000, 15], strides = [1, 1]} : vector<2000x16xf32> to vector<2000x15xf32>
    %swap3A_123 = arith.constant 0 : index
    %swap3A_124 = arith.constant 0 : index
    %swap3A_125 = vector.load %arg17[%swap3A_123, %swap3A_124] : memref<2000x15xf32, #tpu.memory_space<vmem>>, vector<2000x15xf32>
    tpu.vector_store %arg17[%swap3A_123, %swap3A_124], %slice3A_122 {strides = array<i32>} : memref<2000x15xf32, #tpu.memory_space<vmem>>, vector<2000x15xf32>,
    return
  }
  func.func @transform_0(%arg0: i32) -> (i32, i32, i32) {
    %c0_i32 = arith.constant 0 : i32
    %c0_i32_0 = arith.constant 0 : i32
    %c0_i32_1 = arith.constant 0 : i32
    return %c0_i32, %arg0, %c0_i32_0 : i32, i32, i32
  }
  func.func @transform_1(%arg0: i32) -> (i32, i32) {
    %c0_i32 = arith.constant 0 : i32
    %c0_i32_0 = arith.constant 0 : i32
    return %arg0, %c0_i32 : i32, i32
  }
  func.func @transform_2(%arg0: i32) -> (i32, i32, i32) {
    %c0_i32 = arith.constant 0 : i32
    %c0_i32_0 = arith.constant 0 : i32
    %c0_i32_1 = arith.constant 0 : i32
    return %c0_i32, %arg0, %c0_i32_0 : i32, i32, i32
  }
  func.func @transform_3(%arg0: i32) -> (i32, i32) {
    %c0_i32 = arith.constant 0 : i32
    %c0_i32_0 = arith.constant 0 : i32
    %c0_i32_1 = arith.constant 0 : i32
    return %c0_i32, %c0_i32_0 : i32, i32
  }
  func.func @transform_4(%arg0: i32) -> (i32, i32) {
    %c0_i32 = arith.constant 0 : i32
    %c0_i32_0 = arith.constant 0 : i32
    return %arg0, %c0_i32 : i32, i32
  }
  func.func @transform_5(%arg0: i32) -> (i32, i32) {
    %c0_i32 = arith.constant 0 : i32
    %c0_i32_0 = arith.constant 0 : i32
    %c0_i32_1 = arith.constant 0 : i32
    return %c0_i32, %c0_i32_0 : i32, i32
  }
  func.func @transform_6(%arg0: i32) -> (i32, i32) {
    %c0_i32 = arith.constant 0 : i32
    %c0_i32_0 = arith.constant 0 : i32
    %c0_i32_1 = arith.constant 0 : i32
    return %c0_i32, %c0_i32_0 : i32, i32
  }
  func.func @transform_7(%arg0: i32) -> (i32, i32) {
    %c0_i32 = arith.constant 0 : i32
    %c0_i32_0 = arith.constant 0 : i32
    %c0_i32_1 = arith.constant 0 : i32
    return %c0_i32, %c0_i32_0 : i32, i32
  }
  func.func @transform_8(%arg0: i32) -> (i32, i32) {
    %c0_i32 = arith.constant 0 : i32
    %c0_i32_0 = arith.constant 0 : i32
    %c0_i32_1 = arith.constant 0 : i32
    return %c0_i32, %c0_i32_0 : i32, i32
  }
  func.func @transform_9(%arg0: i32) -> (i32, i32) {
    %c0_i32 = arith.constant 0 : i32
    %c0_i32_0 = arith.constant 0 : i32
    %c0_i32_1 = arith.constant 0 : i32
    return %c0_i32, %c0_i32_0 : i32, i32
  }
  func.func @transform_10(%arg0: i32) -> (i32, i32) {
    %c0_i32 = arith.constant 0 : i32
    %c0_i32_0 = arith.constant 0 : i32
    %c0_i32_1 = arith.constant 0 : i32
    return %c0_i32, %c0_i32_0 : i32, i32
  }
  func.func @transform_11(%arg0: i32) -> (i32, i32) {
    %c0_i32 = arith.constant 0 : i32
    %c0_i32_0 = arith.constant 0 : i32
    %c0_i32_1 = arith.constant 0 : i32
    return %c0_i32, %c0_i32_0 : i32, i32
  }
  func.func @transform_12(%arg0: i32) -> (i32, i32) {
    %c0_i32 = arith.constant 0 : i32
    %c0_i32_0 = arith.constant 0 : i32
    return %arg0, %c0_i32 : i32, i32
  }
  func.func @transform_13(%arg0: i32) -> (i32, i32) {
    %c0_i32 = arith.constant 0 : i32
    %c0_i32_0 = arith.constant 0 : i32
    return %arg0, %c0_i32 : i32, i32
  }
  func.func @transform_14(%arg0: i32) -> (i32, i32) {
    %c0_i32 = arith.constant 0 : i32
    %c0_i32_0 = arith.constant 0 : i32
    return %arg0, %c0_i32 : i32, i32
  }
  func.func @transform_15(%arg0: i32) -> (i32, i32) {
    %c0_i32 = arith.constant 0 : i32
    %c0_i32_0 = arith.constant 0 : i32
    return %arg0, %c0_i32 : i32, i32
  }
  func.func @transform_16(%arg0: i32) -> (i32, i32) {
    %c0_i32 = arith.constant 0 : i32
    %c0_i32_0 = arith.constant 0 : i32
    return %arg0, %c0_i32 : i32, i32
  }
}

</mosaic_0001>

<sc_bundles>
// kernel: _run.12.cloned.1.call-start
scs
__scs_entry_jumppad:
0x0: {  	(pc) =	sbr.rel $0x88, $3  }
0x1: {  	(tag) =	ssettag $0x0;
	lr =	simm.s32 $0x1  }
0x2: {  	[smem:$0x3F88] =	sst lr;
	_ =	strace $0xD0000000  }
0x3: {  	_ = 	snop  }
0x4: {  	_ = 	snop  }
0x5: {  	_ = 	snop  }
0x6: {  	_ = 	snop  }
0x7: {  	_ = 	snop  }
__scs_overlays_trampoline_lowered:
0x8: {  	[smem:$0x3F97] =	sst s0  }
0x9: {  	[smem:$0x3F98] =	sst s1  }
0xa: {  	[smem:$0x3F99] =	sst s2  }
0xb: {  	[smem:$0x3F9A] =	sst s3  }
0xc: {  	[smem:$0x3F9B] =	sst s4  }
0xd: {  	[smem:$0x3F9C] =	sst s5  }
0xe: {  	[smem:$0x3F9D] =	sst s6  }
0xf: {  	[smem:$0x3F9E] =	sst s7  }
0x10: {  	[smem:$0x3F9F] =	sst s8  }
0x11: {  	[smem:$0x3FA0] =	sst s9;
	s0 =	simm.s32 @!p0 $0x0  }
0x12: {  	s1 =	sld [smem:$0x3F86];
	s0 =	simm.s32 @p0 $0x1  }
0x13: {  	[smem:$0x3FA1] =	sst s0;
	s0 =	simm.s32 @!p1 $0x0  }
0x14: {  	s2 =	sld [smem:$0x3F85];
	s0 =	simm.s32 @p1 $0x1  }
0x15: {  	[smem:$0x3FA2] =	sst s0;
	s0 =	simm.s32 @!p2 $0x0  }
0x16: {  	s3 =	sld [smem:$0x3FDB];
	s0 =	simm.s32 @p2 $0x1  }
0x17: {  	s4 =	simm.s32 $0x1BF5;
	[smem:$0x3FA4] =	sst s0  }
0x18: {  	s0 =	sld [smem:$0x3F87];
	_ =	swait.ge [sflag:s4], $0x0  }
0x19: {  	s7 =	sld [smem:$0x3F88]  }
0x1a: {  	s8 =	sadd.s32 $0xFFFFE003, lr  }
0x1b: {  	s9 =	sadd.s32 $0xFFFFFEF7, lr;
	s5 =	simm.s32 $0xFFFFFFFF;
	p2 =	slt.u32 s8, $0xFFFFF086  }
0x1c: {  	p1 =	slt.u32 s9, $0xF7A;
	s5 =	simm.s32 @!p2 $0x0  }
0x1d: {  	s5 =	simm.s32 @p1 $0x1;
	p0 =	seq.s32 s7, s2  }
0x1e: {  	s7 =	smul.u32 @!p0 $0xF7A, s2;
	p2 =	seq.s32 @!p0 s5, $0x0  }
0x1f: {  	s9 =	smul.u32 $0xF7A, s1;
	s8 =	simm.s32 @!p0 $0x1BF5;
	p2 =	por !p2, p0  }
0x20: {  	[sflag:s8] =	ssyncset.s32 @!p0 $0xFFFFF086;
	s6 =	sadd.s32 @!p0 s3, s7;
	s7 =	simm.s32 @!p0 $0x108  }
0x21: {  	s3 =	sadd.s32 s3, s9;
	s6 =	sadd.s32 @!p0 $0x88, s6;
	s7 =	simm.s32 @p2 $0x1082  }
0x22: {  	[simem:s7], [sflag:s8] =	dma.local @!p0 [hbm:s6], $0xF7A  }
0x23: {  	s9 =	sor.u32 $0xD0000000, s2;
	s6 =	simm.s32 $0x108;
	_ =	swait.ge @!p0 [sflag:s8], $0x0  }
0x24: {  	s3 =	sadd.s32 $0x88, s3;
	s6 =	simm.s32 @!p1 $0x1082;
	[sflag:s4] =	ssyncset.s32 $0xFFFFF086  }
0x25: {  	[simem:s6], [sflag:s4] =	dma.local [hbm:s3], $0xF7A  }
0x26: {  	[smem:$0x3F88] =	sst s1;
	(tag) =	ssettag s2;
	_ =	strace s9  }
0x27: {  	s1 =	sld [smem:$0x3F98]  }
0x28: {  	s2 =	sld [smem:$0x3F99]  }
0x29: {  	s4 =	sld [smem:$0x3F9B]  }
0x2a: {  	p0 =	seq.s32 s5, $0x0;
	s5 =	sld [smem:$0x3F9C]  }
0x2b: {  	s6 =	sld [smem:$0x3F9D]  }
0x2c: {  	s7 =	sld [smem:$0x3F9E]  }
0x2d: {  	s3 =	simm.s32 $0x108;
	s8 =	sld [smem:$0x3F9F]  }
0x2e: {  	s3 =	simm.s32 @!p0 $0x1082;
	s9 =	sld [smem:$0x3FA0]  }
0x2f: {  	lr =	sadd.s32 s0, s3;
	s0 =	sld [smem:$0x3F97]  }
0x30: {  	s3 =	sld [smem:$0x3F9A]  }
0x31: {  	[smem:$0x3FA3] =	sst s10  }
0x32: {  	s10 =	sld [smem:$0x3FA1];
	_ =	sdelay $0x3  }
0x33: {  	p0 =	seq.s32 s10, $0x1;
	s10 =	sld [smem:$0x3FA3];
	_ =	sdelay $0x3  }
0x34: {  	[smem:$0x3FA3] =	sst s10  }
0x35: {  	s10 =	sld [smem:$0x3FA2];
	_ =	sdelay $0x3  }
0x36: {  	p1 =	seq.s32 s10, $0x1;
	s10 =	sld [smem:$0x3FA3];
	_ =	sdelay $0x3  }
0x37: {  	[smem:$0x3FA3] =	sst s10  }
0x38: {  	s10 =	sld [smem:$0x3FA4]  }
0x39: {  	_ = 	snop;
	(pc) =	sbr.ind lr, $3  }
0x3a: {  	_ = 	snop  }
0x3b: {  	_ = 	snop  }
0x3c: {  	p2 =	seq.s32 s10, $0x1;
	s10 =	sld [smem:$0x3FA3]  }
0x3d: {  	_ =	shalt  }
0x3e: {  	_ =	shalt  }
0x3f: {  	_ =	shalt  }
0x40: {  	_ =	shalt  }
0x41: {  	_ =	shalt  }
0x42: {  	_ =	shalt  }
0x43: {  	_ =	shalt  }
0x44: {  	_ =	shalt  }
0x45: {  	_ =	shalt  }
0x46: {  	_ =	shalt  }
0x47: {  	_ =	shalt  }
0x48: {  	_ =	shalt  }
0x49: {  	_ =	shalt  }
0x4a: {  	_ =	shalt  }
0x4b: {  	_ =	shalt  }
0x4c: {  	_ =	shalt  }
0x4d: {  	_ =	shalt  }
0x4e: {  	_ =	shalt  }
0x4f: {  	_ =	shalt  }
0x50: {  	_ =	shalt  }
0x51: {  	_ =	shalt  }
0x52: {  	_ =	shalt  }
0x53: {  	_ =	shalt  }
0x54: {  	_ =	shalt  }
0x55: {  	_ =	shalt  }
0x56: {  	_ =	shalt  }
0x57: {  	_ =	shalt  }
0x58: {  	_ =	shalt  }
0x59: {  	_ =	shalt  }
0x5a: {  	_ =	shalt  }
0x5b: {  	_ =	shalt  }
0x5c: {  	_ =	shalt  }
0x5d: {  	_ =	shalt  }
0x5e: {  	_ =	shalt  }
0x5f: {  	_ =	shalt  }
0x60: {  	_ =	shalt  }
0x61: {  	_ =	shalt  }
0x62: {  	_ =	shalt  }
0x63: {  	_ =	shalt  }
0x64: {  	_ =	shalt  }
0x65: {  	_ =	shalt  }
0x66: {  	_ =	shalt  }
0x67: {  	_ =	shalt  }
0x68: {  	_ =	shalt  }
0x69: {  	_ =	shalt  }
0x6a: {  	_ =	shalt  }
0x6b: {  	_ =	shalt  }
0x6c: {  	_ =	shalt  }
0x6d: {  	_ =	shalt  }
0x6e: {  	_ =	shalt  }
0x6f: {  	_ =	shalt  }
0x70: {  	_ =	shalt  }
0x71: {  	_ =	shalt  }
0x72: {  	_ =	shalt  }
0x73: {  	_ =	shalt  }
0x74: {  	_ =	shalt  }
0x75: {  	_ =	shalt  }
0x76: {  	_ =	shalt  }
0x77: {  	_ =	shalt  }
0x78: {  	_ =	shalt  }
0x79: {  	_ =	shalt  }
0x7a: {  	_ =	shalt  }
0x7b: {  	_ =	shalt  }
0x7c: {  	_ =	shalt  }
0x7d: {  	_ =	shalt  }
0x7e: {  	_ =	shalt  }
0x7f: {  	_ =	shalt  }
0x80: {  	_ =	shalt  }
0x81: {  	_ =	shalt  }
0x82: {  	_ =	shalt  }
0x83: {  	_ =	shalt  }
0x84: {  	_ =	shalt  }
0x85: {  	_ =	shalt  }
0x86: {  	_ =	shalt  }
0x87: {  	_ =	shalt  }
.Lfunc_end0:
.L_simem_size_0:
called_computation.1_lowered:
.L_overlay_start_0:
0x88: {  	s2 =	sld [smem:$0x3FD9]  }
0x89: {  	s3 =	sld [smem:$0x3FFE];
	_ =	sdelay $0x1  }
0x8a: {  	s1 =	srdreg.scid  }
0x8b: {  	s0 =	sand.u32 $0x1, s1  }
0x8c: {  	s14 =	sshll.u32 s0, $0xA;
	s2 =	sadd.s32 s3, s2  }
0x8d: {  	s2 =	sadd.s32 s2, s14  }
0x8e: {  	[smem:$0x3FAF] =	sst s2  }
0x8f: {  	_ = 	snop  }
0x90: {  	s2 =	sld [smem:$0x3FD0];
	_ =	sdelay $0x2  }
0x91: {  	s15 =	simm.s32 $0xA;
	s4 =	simm.s32 $0x10  }
0x92: {  	[smem:s4], [sflag:s15] =	dma.local [hbm:s2], $0x1  }
0x93: {  	_ =	swait.eq [sflag:s15], $0x1  }
0x94: {  	[sflag:s15] =	ssyncset.done $0x0  }
0x95: {  	s16 =	sld [smem:$0x10];
	[sflag:s15] =	ssyncadd.s32 $0xFFFFFFFF  }
0x96: {  	s17 =	sld [smem:$0x13];
	(tm) =	ssettm $0x1  }
0x97: {  	s18 =	sld [smem:$0x3FFB];
	_ =	sdelay $0x3  }
0x98: {  	_ =	strace s18  }
0x99: {  	s4 =	sld [smem:$0x3FFC];
	_ =	sdelay $0x3  }
0x9a: {  	_ =	strace s4  }
0x9b: {  	s4 =	sld [smem:$0x3FFD];
	_ =	sdelay $0x3  }
0x9c: {  	_ =	strace s4  }
0x9d: {  	_ =	strace $0x8FFFFFFF  }
0x9e: {  	s19 =	sld [smem:$0x3FDB];
	_ =	sdelay $0x1  }
0x9f: {  	s5 =	simm.s32 $_scs_section_size  }
0xa0: {  	s6 =	simm.s32 $_size__tile_overlayer_lowered;
	s7 =	simm.s32 $_tile_overlayer_lowered  }
0xa1: {  	s22 =	simm.s32 $0x1BFF;
	s21 =	sshll.u32 s7, $0x1;
	s4 =	sadd.s32 s5, s19  }
0xa2: {  	s8 =	simm.s32 $0x0;
	s20 =	sshll.u32 s6, $0x1;
	s6 =	sadd.s32 s21, s4  }
0xa3: {  	[timem:s8], [sflag:s22] =	dma.local [hbm:s6], s20  }
0xa4: {  	_ =	swait.ge [sflag:s22], s20  }
0xa5: {  	s5 =	ssub.s32 $0x0, s20;
	[sflag:s22] =	ssyncset.done $0x0  }
0xa6: {  	[sflag:s22] =	ssyncadd.s32 s5;
	_ =	sdelay $0x1  }
0xa7: {  	s23 =	simm.s32 $0x1B8B  }
0xa8: {  	_ =	swait.ge [sflag:s23], $0x1  }
0xa9: {  	[sflag:s23] =	ssyncset.done $0x0  }
0xaa: {  	s25 =	simm.s32 $0x1B8E;
	s24 =	sld [smem:$0x3FFE];
	[sflag:s23] =	ssyncadd.s32 $0xFFFFFFFF  }
0xab: {  	s26 =	simm.s32 $execute0_lowered;
	[smem:$0x3FD2] =	sst s25  }
0xac: {  	s6 =	sshll.u32 s26, $0x1;
	_ =	strace $0x80000049;
	[dreg:$0x1] =	wrdreg $0xFFFFFFFF  }
0xad: {  	s28 =	simm.s32 $_size_execute0_lowered;
	s4 =	sadd.s32 s4, s6;
	[dreg:$0x0] =	wrdreg $0x0  }
0xae: {  	s6 =	sshll.u32 s28, $0x1;
	[dreg:$0x2] =	wrdreg s4  }
0xaf: {  	[dreg:$0x3] =	wrdreg s6  }
0xb0: {  	[dreg:$0x4] =	wrdreg $0xC0  }
0xb1: {  	_ =	task [dreg:s8], $0x5FFFF  }
0xb2: {  	[dreg:$0x1] =	wrdreg $0xFFFFFFFF  }
0xb3: {  	[dreg:$0x0] =	wrdreg $0x60  }
0xb4: {  	[dreg:$0x2] =	wrdreg s17  }
0xb5: {  	[dreg:$0x3] =	wrdreg s16  }
0xb6: {  	[dreg:$0x4] =	wrdreg s24  }
0xb7: {  	[dreg:$0x5] =	wrdreg $0x9E200  }
0xb8: {  	[dreg:$0x6] =	wrdreg $0x9  }
0xb9: {  	_ =	task.clear_ibuf [dreg:s8], $0x7FFFF;
	_ =	strace $0x90000049  }
0xba: {  	s29 =	simm.s32 $0x9;
	_ =	strace $0x8000004B  }
0xbb: {  	_ =	swait.ge [sflag:s29], $0x1  }
0xbc: {  	[sflag:s29] =	ssyncadd.s32 $0xFFFFFFFF  }
0xbd: {  	_ =	strace $0x9000004B  }
0xbe: {  	_ =	sfence  }
0xbf: {  	s30 =	sld [smem:$0x0];
	_ =	sdelay $0x2  }
0xc0: {  	s31 =	sshll.u32 s1, $0xD;
	s1 =	sshrl.u32 s1, $0x2  }
0xc1: {  	s3 =	sand.u32 $0x4000, s31;
	s1 =	sadd.s32 s1, s30  }
0xc2: {  	s0 =	sor.u32 s3, s0;
	s1 =	sshll.u32 s1, $0x11  }
0xc3: {  	s0 =	sor.u32 s1, s0  }
0xc4: {  	s0 =	sadd.s32 $0x8F2B, s0  }
0xc5: {  	[sflag:s0] =	ssyncadd.remote.s32 $0x1  }
0xc6: {  	_ =	sfence.sel $0xFFFF  }
0xc7: {  	[dreg:$0x0] =	wrdreg $0xFFFFFFFF;
	(pc) =	sbr.abs _section_cstart, $3  }
0xc8: {  	[dreg:$0x1] =	wrdreg $0xFFFFFFFF  }
0xc9: {  	_ =	task.clear_ibuf [dreg:s8], $0x2FFFF;
	_ =	strace $0x9FFFFFFF  }
0xca: {  	(tm) =	ssettm $0x7FFFFFFF  }
0xcb: {  	_ =	shalt  }
tec
execute0_lowered:
.L_overlay_start_1:
0x0: {  	(tag) =	ssettag $0x1  }
0x1: {  	s0 =	rddreg [dreg:$0x0]  }
0x2: {  	s2 =	rddreg [dreg:$0x1]  }
0x3: {  	s1 =	rddreg [dreg:$0x2]  }
0x4: {  	s3 =	rddreg [dreg:$0x3]  }
0x5: {  	s12 =	stileid.u32;
	s4 =	srdreg.scid  }
0x6: {  	s14 =	simm.s32 $0x50;
	s15 =	simm.s32 $0x4E20;
	s16 =	simm.s32 $0x5820  }
0x7: {  	s18 =	simm.s32 $0x6220;
	s20 =	simm.s32 $0x6C20;
	s22 =	simm.s32 $0x7620  }
0x8: {  	s30 =	simm.s32 $0x1;
	s31 =	simm.s32 $0x2;
	s17 =	simm.s32 $0x9  }
0x9: {  	s19 =	simm.s32 $0x0;
	s7 =	smul.u32 $0x4E20, s12;
	s5 =	sand.u32 $0x1, s4  }
0xa: {  	s6 =	sshll.u32 s12, $0x1;
	s4 =	simm.s32 $0x0;
	s29 =	sshll.u32 s12, $0x6  }
0xb: {  	s8 =	smul.u32 $0x4E200, s5;
	s6 =	sor.u32 s5, s6;
	[smem:$0x7FF] =	sst s4  }
0xc: {  	s10 =	ssub.s32 $0x2, s5;
	s12 =	sor.u32 $0x1C11, s29;
	s9 =	sshrl.u32 s7, $0x3  }
0xd: {  	s6 =	smul.u32 $0x2710, s6;
	_ =	strace $0x8000004A;
	s24 =	sshrl.u32 s10, $0x1  }
0xe: {  	s11 =	sadd.s32 s7, s3;
	s9 =	sadd.s32 s9, s1;
	s8 =	sadd.s32 s7, s8  }
0xf: {  	s25 =	ssub.s32 s10, s24;
	s10 =	simm.s32 $0x11;
	s13 =	sshrl.u32 s11, $0x3  }
0x10: {  	s8 =	sshrl.u32 s8, $0x3;
	s23 =	sshrl.u32 s6, $0x3;
	s28 =	sadd.s32 $0x7C600, s9  }
0x11: {  	s5 =	sadd.s32 s0, s23;
	[dreg:$0x6] =	wrdreg s28;
	s0 =	smax.u32 s25, $0x1  }
0x12: {  	s1 =	sadd.s32 s8, s1;
	s26 =	sadd.s32 $0x9C40, s5;
	[dreg:$0x8] =	wrdreg s0  }
0x13: {  	s11 =	simm.s32 $0x5;
	s1 =	sadd.s32 $0x86400, s1;
	[dreg:$0x5] =	wrdreg s26  }
0x14: {  	s0 =	simm.s32 $0x3;
	[dreg:$0x7] =	wrdreg s1;
	s1 =	simm.s32 $0x4  }
.LBB2_1:
0x15: {  	[tilespmem:s4], [sflag:$0x11] =	stream.linear.gather [hbm4b:s5+s4], $0x2710, $0x38;
	[tilespmem:$0xEC40] =	vst v63  }
0x16: {  	_ =	swait.ge [sflag:s10], $0x2710  }
0x17: {  	[sflag:s10] =	ssyncset.done $0x0  }
0x18: {  	s7 =	simm.s32 $0x2710;
	s6 =	rddreg [dreg:$0x5];
	[sflag:s10] =	ssyncadd.s32 $0xFFFFD8F0  }
0x19: {  	[tilespmem:s7], [sflag:$0x11] =	stream.linear.gather [hbm4b:s6+s4], $0x2710, $0x38;
	[tilespmem:$0xEC40] =	vst v63  }
0x1a: {  	_ =	swait.ge [sflag:s10], $0x2710  }
0x1b: {  	[sflag:s10] =	ssyncset.done $0x0  }
0x1c: {  	s9 =	rddreg [dreg:$0x6];
	[sflag:s10] =	ssyncadd.s32 $0xFFFFD8F0  }
0x1d: {  	[spmem:s13], [sflag:s12] =	dma.local [hbm:s9], $0x9C4  }
0x1e: {  	_ =	swait.ge [sflag:s10], $0x9C4  }
0x1f: {  	[sflag:s10] =	ssyncset.done $0x0  }
0x20: {  	[sflag:s10] =	ssyncadd.s32 $0xFFFFF63C  }
0x21: {  	[bflag:$0x0] =	sbarrier.arrive $0xFFFF  }
0x22: {  	[tilespmem:s15], [sflag:$0x1] =	stream.indirect.gather [hbm4b:s2+s14], $0x20, s4, s14, $0xb8;
	[tilespmem:$0xEC40] =	vst v63  }
0x23: {  	_ = 	snop  }
0x24: {  	[tilespmem:s16], [sflag:$0x2] =	stream.indirect.gather [hbm4b:s2+s14], $0x20, s14, s14, $0xb8;
	[tilespmem:$0xEC40] =	vst v63  }
0x25: {  	s21 =	simm.s32 $0xA0  }
0x26: {  	[tilespmem:s18], [sflag:$0x3] =	stream.indirect.gather [hbm4b:s2+s14], $0x20, s21, s14, $0xb8;
	[tilespmem:$0xEC40] =	vst v63  }
0x27: {  	s23 =	simm.s32 $0xF0  }
0x28: {  	[tilespmem:s20], [sflag:$0x4] =	stream.indirect.gather [hbm4b:s2+s14], $0x20, s23, s14, $0xb8;
	[tilespmem:$0xEC40] =	vst v63  }
0x29: {  	s24 =	simm.s32 $0x140  }
0x2a: {  	[tilespmem:s22], [sflag:$0x5] =	stream.indirect.gather [hbm4b:s2+s14], $0x20, s24, s14, $0xb8;
	[tilespmem:$0xEC40] =	vst v63  }
0x2b: {  	s25 =	simm.s32 $0x190;
	s26 =	simm.s32 $0x8020  }
0x2c: {  	[tilespmem:s26], [sflag:$0x6] =	stream.indirect.gather [hbm4b:s2+s14], $0x20, s25, s14, $0xb8;
	[tilespmem:$0xEC40] =	vst v63  }
0x2d: {  	s8 =	simm.s32 $0x8A20;
	s7 =	simm.s32 $0x1E0  }
0x2e: {  	[tilespmem:s8], [sflag:$0x7] =	stream.indirect.gather [hbm4b:s2+s14], $0x20, s7, s14, $0xb8;
	[tilespmem:$0xEC40] =	vst v63  }
0x2f: {  	s9 =	simm.s32 $0x230;
	s21 =	simm.s32 $0x9420  }
0x30: {  	[tilespmem:s21], [sflag:$0x8] =	stream.indirect.gather [hbm4b:s2+s14], $0x20, s9, s14, $0xb8;
	[tilespmem:$0xEC40] =	vst v63  }
0x31: {  	_ =	swait.ge [sflag:s30], $0xA00  }
0x32: {  	[sflag:s30] =	ssyncset.done $0x0  }
0x33: {  	s21 =	simm.s32 $0x2710;
	[sflag:s30] =	ssyncadd.s32 $0xFFFFF600  }
0x34: {  	[spmem:s3] =	stream.indirect.scatter.add.f32 [tilespmem:s15], [sflag:$0x9], $0x20, s21, s14, $0xb8;
	[tilespmem:$0xEC40] =	vst v63  }
0x35: {  	_ =	swait.ge [sflag:s31], $0xA00  }
0x36: {  	[sflag:s31] =	ssyncset.done $0x0  }
0x37: {  	s23 =	simm.s32 $0x2760;
	[sflag:s31] =	ssyncadd.s32 $0xFFFFF600  }
0x38: {  	[spmem:s3] =	stream.indirect.scatter.add.f32 [tilespmem:s16], [sflag:$0xA], $0x20, s23, s14, $0xb8;
	[tilespmem:$0xEC40] =	vst v63  }
0x39: {  	_ =	swait.ge [sflag:s0], $0xA00  }
0x3a: {  	[sflag:s0] =	ssyncset.done $0x0  }
0x3b: {  	s24 =	simm.s32 $0x27B0;
	[sflag:s0] =	ssyncadd.s32 $0xFFFFF600  }
0x3c: {  	[spmem:s3] =	stream.indirect.scatter.add.f32 [tilespmem:s18], [sflag:$0xB], $0x20, s24, s14, $0xb8;
	[tilespmem:$0xEC40] =	vst v63  }
0x3d: {  	_ =	swait.ge [sflag:s1], $0xA00  }
0x3e: {  	[sflag:s1] =	ssyncset.done $0x0  }
0x3f: {  	s25 =	simm.s32 $0x2800;
	[sflag:s1] =	ssyncadd.s32 $0xFFFFF600  }
0x40: {  	[spmem:s3] =	stream.indirect.scatter.add.f32 [tilespmem:s20], [sflag:$0xC], $0x20, s25, s14, $0xb8;
	[tilespmem:$0xEC40] =	vst v63  }
0x41: {  	_ =	swait.ge [sflag:s11], $0xA00  }
0x42: {  	p0 =	por $0x0, $0x0;
	[sflag:s11] =	ssyncset.done $0x0  }
0x43: {  	s26 =	simm.s32 $0x2850;
	s23 =	simm.s32 @!p0 $0x6;
	[sflag:s11] =	ssyncadd.s32 $0xFFFFF600  }
0x44: {  	[spmem:s3] =	stream.indirect.scatter.add.f32 [tilespmem:s22], [sflag:$0xD], $0x20, s26, s14, $0xb8;
	[tilespmem:$0xEC40] =	vst v63  }
0x45: {  	_ =	swait.ge @!p0 [sflag:s23], $0xA00  }
0x46: {  	s21 =	simm.s32 @!p0 $0x28A0;
	s24 =	simm.s32 @!p0 $0x50;
	[sflag:s23] =	ssyncset.done @!p0 $0x0  }
0x47: {  	s25 =	simm.s32 @!p0 $0x8020;
	[sflag:s23] =	ssyncadd.s32 @!p0 $0xFFFFF600;
	s23 =	simm.s32 @!p0 $0x7  }
0x48: {  	[spmem:s3] =	stream.indirect.scatter.add.f32 @!p0 [tilespmem:s25], [sflag:$0xE], $0x20, s21, s24, $0xb8;
	[tilespmem:$0xEC40] =	vst v63  }
0x49: {  	_ =	swait.ge @!p0 [sflag:s23], $0xA00  }
0x4a: {  	s21 =	simm.s32 @!p0 $0x28F0;
	[sflag:s23] =	ssyncset.done @!p0 $0x0  }
0x4b: {  	s25 =	simm.s32 @!p0 $0x8A20;
	[sflag:s23] =	ssyncadd.s32 @!p0 $0xFFFFF600;
	s23 =	simm.s32 @!p0 $0x8  }
0x4c: {  	[spmem:s3] =	stream.indirect.scatter.add.f32 @!p0 [tilespmem:s25], [sflag:$0xF], $0x20, s21, s24, $0xb8;
	[tilespmem:$0xEC40] =	vst v63  }
0x4d: {  	_ =	swait.ge @!p0 [sflag:s23], $0xA00  }
0x4e: {  	[sflag:s23] =	ssyncset.done @!p0 $0x0  }
0x4f: {  	s21 =	simm.s32 @!p0 $0x2940;
	s25 =	simm.s32 @!p0 $0x9420;
	[sflag:s23] =	ssyncadd.s32 @!p0 $0xFFFFF600  }
0x50: {  	[spmem:s3] =	stream.indirect.scatter.add.f32 @!p0 [tilespmem:s25], [sflag:$0x10], $0x20, s21, s24, $0xb8;
	[tilespmem:$0xEC40] =	vst v63  }
0x51: {  	p1 =	por $0x1, $0x1;
	_ =	swait.ge [sflag:s17], $0xA00  }
0x52: {  	s23 =	simm.s32 @p1 $0x280;
	s21 =	simm.s32 @p1 $0x4E20;
	[sflag:s17] =	ssyncset.done $0x0  }
0x53: {  	s24 =	simm.s32 @p1 $0x50;
	s25 =	simm.s32 @p1 $0xA;
	[sflag:s17] =	ssyncadd.s32 $0xFFFFF600  }
0x54: {  	[tilespmem:s21], [sflag:$0x1] =	stream.indirect.gather @p1 [hbm4b:s2+s24], $0x20, s23, s24, $0xb8;
	[tilespmem:$0xEC40] =	vst v63  }
0x55: {  	_ =	swait.ge @p1 [sflag:s25], $0xA00  }
0x56: {  	s21 =	simm.s32 @p1 $0x2D0;
	[sflag:s25] =	ssyncset.done @p1 $0x0  }
0x57: {  	s23 =	simm.s32 @p1 $0x5820;
	[sflag:s25] =	ssyncadd.s32 @p1 $0xFFFFF600;
	s25 =	simm.s32 @p1 $0xB  }
0x58: {  	[tilespmem:s23], [sflag:$0x2] =	stream.indirect.gather @p1 [hbm4b:s2+s24], $0x20, s21, s24, $0xb8;
	[tilespmem:$0xEC40] =	vst v63  }
0x59: {  	_ =	swait.ge @p1 [sflag:s25], $0xA00  }
0x5a: {  	s21 =	simm.s32 @p1 $0x320;
	[sflag:s25] =	ssyncset.done @p1 $0x0  }
0x5b: {  	s23 =	simm.s32 @p1 $0x6220;
	[sflag:s25] =	ssyncadd.s32 @p1 $0xFFFFF600;
	s25 =	simm.s32 @p1 $0xC  }
0x5c: {  	[tilespmem:s23], [sflag:$0x3] =	stream.indirect.gather @p1 [hbm4b:s2+s24], $0x20, s21, s24, $0xb8;
	[tilespmem:$0xEC40] =	vst v63  }
0x5d: {  	_ =	swait.ge @p1 [sflag:s25], $0xA00  }
0x5e: {  	s21 =	simm.s32 @p1 $0x370;
	[sflag:s25] =	ssyncset.done @p1 $0x0  }
0x5f: {  	s23 =	simm.s32 @p1 $0x6C20;
	[sflag:s25] =	ssyncadd.s32 @p1 $0xFFFFF600;
	s25 =	simm.s32 @p1 $0xD  }
0x60: {  	[tilespmem:s23], [sflag:$0x4] =	stream.indirect.gather @p1 [hbm4b:s2+s24], $0x20, s21, s24, $0xb8;
	[tilespmem:$0xEC40] =	vst v63  }
0x61: {  	_ =	swait.ge @p1 [sflag:s25], $0xA00  }
0x62: {  	s21 =	simm.s32 @p1 $0x3C0;
	[sflag:s25] =	ssyncset.done @p1 $0x0  }
0x63: {  	s23 =	simm.s32 @p1 $0x7620;
	[sflag:s25] =	ssyncadd.s32 @p1 $0xFFFFF600;
	s25 =	simm.s32 @!p1 $0xA  }
0x64: {  	[tilespmem:s23], [sflag:$0x5] =	stream.indirect.gather @p1 [hbm4b:s2+s24], $0x20, s21, s24, $0xb8;
	[tilespmem:$0xEC40] =	vst v63  }
0x65: {  	_ =	swait.ge @!p1 [sflag:s25], $0xA00  }
0x66: {  	[sflag:s25] =	ssyncset.done @!p1 $0x0  }
0x67: {  	s21 =	simm.s32 @!p1 $0xB;
	[sflag:s25] =	ssyncadd.s32 @!p1 $0xFFFFF600  }
0x68: {  	_ =	swait.ge @!p1 [sflag:s21], $0xA00  }
0x69: {  	[sflag:s21] =	ssyncset.done @!p1 $0x0  }
0x6a: {  	s23 =	simm.s32 @!p1 $0xC;
	[sflag:s21] =	ssyncadd.s32 @!p1 $0xFFFFF600  }
0x6b: {  	_ =	swait.ge @!p1 [sflag:s23], $0xA00  }
0x6c: {  	[sflag:s23] =	ssyncset.done @!p1 $0x0  }
0x6d: {  	s21 =	simm.s32 @!p1 $0xD;
	[sflag:s23] =	ssyncadd.s32 @!p1 $0xFFFFF600  }
0x6e: {  	_ =	swait.ge @!p1 [sflag:s21], $0xA00  }
0x6f: {  	[sflag:s21] =	ssyncset.done @!p1 $0x0  }
0x70: {  	s23 =	simm.s32 @!p0 $0xE;
	[sflag:s21] =	ssyncadd.s32 @!p1 $0xFFFFF600  }
0x71: {  	p2 =	por $0x0, $0x0;
	_ =	swait.ge @!p0 [sflag:s23], $0xA00  }
0x72: {  	s26 =	simm.s32 @!p2 $0x50;
	s24 =	simm.s32 @!p2 $0x410;
	[sflag:s23] =	ssyncset.done @!p0 $0x0  }
0x73: {  	s21 =	simm.s32 @!p2 $0x8020;
	[sflag:s23] =	ssyncadd.s32 @!p0 $0xFFFFF600;
	s23 =	simm.s32 @!p0 $0xF  }
0x74: {  	[tilespmem:s21], [sflag:$0x6] =	stream.indirect.gather @!p2 [hbm4b:s2+s26], $0x20, s24, s26, $0xb8;
	[tilespmem:$0xEC40] =	vst v63  }
0x75: {  	_ =	swait.ge @!p0 [sflag:s23], $0xA00  }
0x76: {  	s28 =	simm.s32 @!p2 $0x4B0;
	s25 =	simm.s32 @!p0 $0x10;
	[sflag:s23] =	ssyncset.done @!p0 $0x0  }
0x77: {  	s21 =	simm.s32 @!p2 $0x460;
	s24 =	simm.s32 @!p2 $0x8A20;
	[sflag:s23] =	ssyncadd.s32 @!p0 $0xFFFFF600  }
0x78: {  	[tilespmem:s24], [sflag:$0x7] =	stream.indirect.gather @!p2 [hbm4b:s2+s26], $0x20, s21, s26, $0xb8;
	[tilespmem:$0xEC40] =	vst v63  }
0x79: {  	s29 =	simm.s32 @!p2 $0x9420;
	s23 =	simm.s32 $0xD;
	_ =	swait.ge @!p0 [sflag:s25], $0xA00  }
0x7a: {  	s21 =	simm.s32 $0xA00;
	s24 =	simm.s32 $0x0;
	[sflag:s25] =	ssyncset.done @!p0 $0x0  }
.LBB2_2:
0x7b: {  	[sflag:s25] =	ssyncadd.s32 @!p0 $0xFFFFF600  }
0x7c: {  	s24 =	sadd.s32 $0x1, s24;
	s25 =	smov.u32 s21;
	s21 =	sadd.s32 $0xA00, s21  }
0x7d: {  	[tilespmem:s29], [sflag:$0x8] =	stream.indirect.gather @!p2 [hbm4b:s2+s26], $0x20, s28, s26, $0xb8;
	[tilespmem:$0xEC40] =	vst v63  }
0x7e: {  	s26 =	sshra.s32 s25, $0x2;
	p1 =	sne.s32 s21, $0xA000;
	_ =	swait.ge [sflag:s30], $0xA00  }
0x7f: {  	s28 =	sadd.s32 $0x2710, s26;
	[sflag:s30] =	ssyncset.done $0x0  }
0x80: {  	[sflag:s30] =	ssyncadd.s32 $0xFFFFF600  }
0x81: {  	[spmem:s3] =	stream.indirect.scatter.add.f32 [tilespmem:s15], [sflag:$0x9], $0x20, s28, s14, $0xb8;
	[tilespmem:$0xEC40] =	vst v63  }
0x82: {  	_ =	swait.ge [sflag:s31], $0xA00  }
0x83: {  	s28 =	sadd.s32 $0x2760, s26;
	[sflag:s31] =	ssyncset.done $0x0  }
0x84: {  	[sflag:s31] =	ssyncadd.s32 $0xFFFFF600  }
0x85: {  	[spmem:s3] =	stream.indirect.scatter.add.f32 [tilespmem:s16], [sflag:$0xA], $0x20, s28, s14, $0xb8;
	[tilespmem:$0xEC40] =	vst v63  }
0x86: {  	_ =	swait.ge [sflag:s0], $0xA00  }
0x87: {  	s28 =	sadd.s32 $0x27B0, s26;
	[sflag:s0] =	ssyncset.done $0x0  }
0x88: {  	[sflag:s0] =	ssyncadd.s32 $0xFFFFF600  }
0x89: {  	[spmem:s3] =	stream.indirect.scatter.add.f32 [tilespmem:s18], [sflag:$0xB], $0x20, s28, s14, $0xb8;
	[tilespmem:$0xEC40] =	vst v63  }
0x8a: {  	_ =	swait.ge [sflag:s1], $0xA00  }
0x8b: {  	s28 =	sadd.s32 $0x2800, s26;
	[sflag:s1] =	ssyncset.done $0x0  }
0x8c: {  	[sflag:s1] =	ssyncadd.s32 $0xFFFFF600  }
0x8d: {  	[spmem:s3] =	stream.indirect.scatter.add.f32 [tilespmem:s20], [sflag:$0xC], $0x20, s28, s14, $0xb8;
	[tilespmem:$0xEC40] =	vst v63  }
0x8e: {  	_ =	swait.ge [sflag:s11], $0xA00  }
0x8f: {  	p0 =	sgt.u32 s23, $0x7C;
	s26 =	sadd.s32 $0x2850, s26;
	[sflag:s11] =	ssyncset.done $0x0  }
0x90: {  	s29 =	sshra.s32 @!p0 s25, $0x2;
	s28 =	simm.s32 @!p0 $0x6;
	[sflag:s11] =	ssyncadd.s32 $0xFFFFF600  }
0x91: {  	[spmem:s3] =	stream.indirect.scatter.add.f32 [tilespmem:s22], [sflag:$0xD], $0x20, s26, s14, $0xb8;
	[tilespmem:$0xEC40] =	vst v63  }
0x92: {  	s6 =	sadd.s32 @!p0 $0x28F0, s29;
	s26 =	sadd.s32 @!p0 $0x28A0, s29;
	_ =	swait.ge @!p0 [sflag:s28], $0xA00  }
0x93: {  	s7 =	simm.s32 @!p0 $0x50;
	s8 =	simm.s32 @!p0 $0x8020;
	[sflag:s28] =	ssyncset.done @!p0 $0x0  }
0x94: {  	s29 =	sadd.s32 @!p0 $0x2940, s29;
	[sflag:s28] =	ssyncadd.s32 @!p0 $0xFFFFF600;
	s28 =	simm.s32 @!p0 $0x7  }
0x95: {  	[spmem:s3] =	stream.indirect.scatter.add.f32 @!p0 [tilespmem:s8], [sflag:$0xE], $0x20, s26, s7, $0xb8;
	[tilespmem:$0xEC40] =	vst v63  }
0x96: {  	_ =	swait.ge @!p0 [sflag:s28], $0xA00  }
0x97: {  	s8 =	simm.s32 @!p0 $0x8A20;
	[sflag:s28] =	ssyncset.done @!p0 $0x0  }
0x98: {  	s26 =	simm.s32 @!p0 $0x8;
	[sflag:s28] =	ssyncadd.s32 @!p0 $0xFFFFF600  }
0x99: {  	[spmem:s3] =	stream.indirect.scatter.add.f32 @!p0 [tilespmem:s8], [sflag:$0xF], $0x20, s6, s7, $0xb8;
	[tilespmem:$0xEC40] =	vst v63  }
0x9a: {  	_ =	swait.ge @!p0 [sflag:s26], $0xA00  }
0x9b: {  	s6 =	simm.s32 @!p0 $0x9420;
	[sflag:s26] =	ssyncset.done @!p0 $0x0  }
0x9c: {  	p2 =	sne.s32 s25, $0x9600;
	[sflag:s26] =	ssyncadd.s32 @!p0 $0xFFFFF600  }
0x9d: {  	[spmem:s3] =	stream.indirect.scatter.add.f32 @!p0 [tilespmem:s6], [sflag:$0x10], $0x20, s29, s7, $0xb8;
	[tilespmem:$0xEC40] =	vst v63  }
0x9e: {  	s6 =	sshra.s32 @p2 s25, $0x2;
	s7 =	simm.s32 @p2 $0x4E20;
	_ =	swait.ge [sflag:s17], $0xA00  }
0x9f: {  	s26 =	simm.s32 @p2 $0x50;
	s8 =	sadd.s32 @p2 $0x280, s6;
	[sflag:s17] =	ssyncset.done $0x0  }
0xa0: {  	s28 =	simm.s32 @p2 $0xA;
	s29 =	sadd.s32 @p2 $0x2D0, s6;
	[sflag:s17] =	ssyncadd.s32 $0xFFFFF600  }
0xa1: {  	[tilespmem:s7], [sflag:$0x1] =	stream.indirect.gather @p2 [hbm4b:s2+s26], $0x20, s8, s26, $0xb8;
	[tilespmem:$0xEC40] =	vst v63  }
0xa2: {  	s7 =	sadd.s32 @p2 $0x320, s6;
	s8 =	sadd.s32 @p2 $0x370, s6;
	_ =	swait.ge @p2 [sflag:s28], $0xA00  }
0xa3: {  	s9 =	simm.s32 @p2 $0x5820;
	s6 =	sadd.s32 @p2 $0x3C0, s6;
	[sflag:s28] =	ssyncset.done @p2 $0x0  }
0xa4: {  	[sflag:s28] =	ssyncadd.s32 @p2 $0xFFFFF600;
	s28 =	simm.s32 @p2 $0xB  }
0xa5: {  	[tilespmem:s9], [sflag:$0x2] =	stream.indirect.gather @p2 [hbm4b:s2+s26], $0x20, s29, s26, $0xb8;
	[tilespmem:$0xEC40] =	vst v63  }
0xa6: {  	_ =	swait.ge @p2 [sflag:s28], $0xA00  }
0xa7: {  	s9 =	simm.s32 @p2 $0x6220;
	[sflag:s28] =	ssyncset.done @p2 $0x0  }
0xa8: {  	[sflag:s28] =	ssyncadd.s32 @p2 $0xFFFFF600;
	s28 =	simm.s32 @p2 $0xC  }
0xa9: {  	[tilespmem:s9], [sflag:$0x3] =	stream.indirect.gather @p2 [hbm4b:s2+s26], $0x20, s7, s26, $0xb8;
	[tilespmem:$0xEC40] =	vst v63  }
0xaa: {  	_ =	swait.ge @p2 [sflag:s28], $0xA00  }
0xab: {  	s7 =	simm.s32 @p2 $0x6C20;
	[sflag:s28] =	ssyncset.done @p2 $0x0  }
0xac: {  	s9 =	simm.s32 @p2 $0xD;
	[sflag:s28] =	ssyncadd.s32 @p2 $0xFFFFF600  }
0xad: {  	[tilespmem:s7], [sflag:$0x4] =	stream.indirect.gather @p2 [hbm4b:s2+s26], $0x20, s8, s26, $0xb8;
	[tilespmem:$0xEC40] =	vst v63  }
0xae: {  	_ =	swait.ge @p2 [sflag:s9], $0xA00  }
0xaf: {  	s7 =	simm.s32 @p2 $0x7620;
	[sflag:s9] =	ssyncset.done @p2 $0x0  }
0xb0: {  	s8 =	simm.s32 @!p2 $0xA;
	[sflag:s9] =	ssyncadd.s32 @p2 $0xFFFFF600  }
0xb1: {  	[tilespmem:s7], [sflag:$0x5] =	stream.indirect.gather @p2 [hbm4b:s2+s26], $0x20, s6, s26, $0xb8;
	[tilespmem:$0xEC40] =	vst v63  }
0xb2: {  	_ =	swait.ge @!p2 [sflag:s8], $0xA00  }
0xb3: {  	s6 =	simm.s32 @!p2 $0xB;
	[sflag:s8] =	ssyncset.done @!p2 $0x0  }
0xb4: {  	[sflag:s8] =	ssyncadd.s32 @!p2 $0xFFFFF600  }
0xb5: {  	_ =	swait.ge @!p2 [sflag:s6], $0xA00  }
0xb6: {  	s7 =	simm.s32 @!p2 $0xC;
	[sflag:s6] =	ssyncset.done @!p2 $0x0  }
0xb7: {  	[sflag:s6] =	ssyncadd.s32 @!p2 $0xFFFFF600  }
0xb8: {  	_ =	swait.ge @!p2 [sflag:s7], $0xA00  }
0xb9: {  	s6 =	simm.s32 @!p2 $0xD;
	[sflag:s7] =	ssyncset.done @!p2 $0x0  }
0xba: {  	[sflag:s7] =	ssyncadd.s32 @!p2 $0xFFFFF600  }
0xbb: {  	_ =	swait.ge @!p2 [sflag:s6], $0xA00  }
0xbc: {  	s7 =	simm.s32 @!p0 $0xE;
	[sflag:s6] =	ssyncset.done @!p2 $0x0  }
0xbd: {  	[sflag:s6] =	ssyncadd.s32 @!p2 $0xFFFFF600;
	p2 =	sgt.u32 s24, $0xD  }
0xbe: {  	_ =	swait.ge @!p0 [sflag:s7], $0xA00;
	s6 =	sshra.s32 @!p2 s25, $0x2;
	s8 =	simm.s32 @!p2 $0x8020  }
0xbf: {  	s26 =	simm.s32 @!p2 $0x50;
	[sflag:s7] =	ssyncset.done @!p0 $0x0;
	s9 =	sadd.s32 @!p2 $0x410, s6  }
0xc0: {  	s29 =	sadd.s32 @!p2 $0x460, s6;
	[sflag:s7] =	ssyncadd.s32 @!p0 $0xFFFFF600;
	s7 =	simm.s32 @!p0 $0xF  }
0xc1: {  	[tilespmem:s8], [sflag:$0x6] =	stream.indirect.gather @!p2 [hbm4b:s2+s26], $0x20, s9, s26, $0xb8;
	[tilespmem:$0xEC40] =	vst v63  }
0xc2: {  	s28 =	sadd.s32 @!p2 $0x4B0, s6;
	_ =	swait.ge @!p0 [sflag:s7], $0xA00  }
.Ltmp0:
0xc3: {  	s6 =	simm.s32 @!p2 $0x8A20;
	[sflag:s7] =	ssyncset.done @!p0 $0x0;
	(pc) =	sbr.rel @p1 .LBB2_2-.Ltmp0, $4  }
0xc4: {  	s25 =	simm.s32 @!p0 $0x10;
	[sflag:s7] =	ssyncadd.s32 @!p0 $0xFFFFF600  }
0xc5: {  	[tilespmem:s6], [sflag:$0x7] =	stream.indirect.gather @!p2 [hbm4b:s2+s26], $0x20, s29, s26, $0xb8;
	[tilespmem:$0xEC40] =	vst v63  }
0xc6: {  	_ =	swait.ge @!p0 [sflag:s25], $0xA00  }
0xc7: {  	s23 =	sadd.s32 $0x8, s23;
	s29 =	simm.s32 @!p2 $0x9420;
	[sflag:s25] =	ssyncset.done @!p0 $0x0  }
0xc8: {  	[sflag:s25] =	ssyncadd.s32 @!p0 $0xFFFFF600  }
0xc9: {  	[tilespmem:s29], [sflag:$0x8] =	stream.indirect.gather @!p2 [hbm4b:s2+s26], $0x20, s28, s26, $0xb8;
	[tilespmem:$0xEC40] =	vst v63  }
0xca: {  	[bflag:$0x0] =	sbarrier.arrive $0xFFFF  }
0xcb: {  	s6 =	rddreg [dreg:$0x7]  }
0xcc: {  	[hbm:s6], [sflag:s12] =	dma.local [spmem:s13], $0x9C4  }
0xcd: {  	_ =	swait.ge [sflag:s10], $0x9C4  }
0xce: {  	s19 =	sadd.s32 $0x1, s19;
	s29 =	rddreg [dreg:$0x8]  }
0xcf: {  	p0 =	sne.s32 s19, s29  }
.Ltmp1:
0xd0: {  	_ = 	snop;
	(pc) =	sbr.rel @p0 .LBB2_1-.Ltmp1, $3  }
0xd1: {  	_ =	sdelay $0x1  }
0xd2: {  	[sflag:s10] =	ssyncset.done $0x0  }
0xd3: {  	[sflag:s10] =	ssyncadd.s32 $0xFFFFF63C  }
0xd4: {  	_ =	sfence.sel $0x180000  }
0xd5: {  	[bflag:$0x0] =	sbarrier.arrive $0xFFFF  }
0xd6: {  	_ =	strace $0x9000004A  }
0xd7: {  	s0 =	stileid.u32;
	[bflag:$0x2] =	sbarrier.arrive $0xFFFF  }
0xd8: {  	p0 =	sne.s32 s0, $0x0;
	s0 =	rddreg [dreg:$0x4]  }
0xd9: {  	s0 =	sadd.s32 @!p0 $0x100000, s0  }
0xda: {  	[sflag:s0] =	ssyncadd.tile.s32 @!p0 $0x1;
	_ =	shalt  }
.Lfunc_end2:
_tile_overlayer_lowered:
.L_overlay_start_2:
0xdb: {  	(tag) =	ssettag $0x2  }
0xdc: {  	s0 =	rddreg [dreg:$0x0];
	s2 =	stileid.u32  }
0xdd: {  	s1 =	rddreg [dreg:$0x1];
	p0 =	sne.s32 s2, $0x0  }
0xde: {  	s3 =	rddreg [dreg:$0x2];
	[bflag:$0x3] =	sbarrier.arrive $0xFFFF;
	s2 =	simm.s32 @!p0 $0x1C11  }
0xdf: {  	[timem:s3], [sflag:s2] =	dma.local @!p0 [hbm:s0], s1  }
0xe0: {  	s0 =	simm.s32 @!p0 $0x11  }
0xe1: {  	_ =	swait.ge @!p0 [sflag:s0], s1  }
0xe2: {  	s1 =	ssub.s32 @!p0 $0x0, s1;
	[sflag:s0] =	ssyncset.done @!p0 $0x0  }
0xe3: {  	[sflag:s0] =	ssyncadd.s32 @!p0 s1  }
0xe4: {  	[bflag:$0x3] =	sbarrier.arrive $0xFFFF  }
0xe5: {  	_ =	shalt  }

// kernel: _run.15.cloned.1.call-start
scs
__scs_entry_jumppad:
0x0: {  	(pc) =	sbr.rel $0x88, $3  }
0x1: {  	(tag) =	ssettag $0x0;
	lr =	simm.s32 $0x1  }
0x2: {  	[smem:$0x3F88] =	sst lr;
	_ =	strace $0xD0000000  }
0x3: {  	_ = 	snop  }
0x4: {  	_ = 	snop  }
0x5: {  	_ = 	snop  }
0x6: {  	_ = 	snop  }
0x7: {  	_ = 	snop  }
__scs_overlays_trampoline_lowered:
0x8: {  	[smem:$0x3F97] =	sst s0  }
0x9: {  	[smem:$0x3F98] =	sst s1  }
0xa: {  	[smem:$0x3F99] =	sst s2  }
0xb: {  	[smem:$0x3F9A] =	sst s3  }
0xc: {  	[smem:$0x3F9B] =	sst s4  }
0xd: {  	[smem:$0x3F9C] =	sst s5  }
0xe: {  	[smem:$0x3F9D] =	sst s6  }
0xf: {  	[smem:$0x3F9E] =	sst s7  }
0x10: {  	[smem:$0x3F9F] =	sst s8  }
0x11: {  	[smem:$0x3FA0] =	sst s9;
	s0 =	simm.s32 @!p0 $0x0  }
0x12: {  	s1 =	sld [smem:$0x3F86];
	s0 =	simm.s32 @p0 $0x1  }
0x13: {  	[smem:$0x3FA1] =	sst s0;
	s0 =	simm.s32 @!p1 $0x0  }
0x14: {  	s2 =	sld [smem:$0x3F85];
	s0 =	simm.s32 @p1 $0x1  }
0x15: {  	[smem:$0x3FA2] =	sst s0;
	s0 =	simm.s32 @!p2 $0x0  }
0x16: {  	s3 =	sld [smem:$0x3FDB];
	s0 =	simm.s32 @p2 $0x1  }
0x17: {  	s4 =	simm.s32 $0x1BF5;
	[smem:$0x3FA4] =	sst s0  }
0x18: {  	s0 =	sld [smem:$0x3F87];
	_ =	swait.ge [sflag:s4], $0x0  }
0x19: {  	s7 =	sld [smem:$0x3F88]  }
0x1a: {  	s8 =	sadd.s32 $0xFFFFE003, lr  }
0x1b: {  	s9 =	sadd.s32 $0xFFFFFEF7, lr;
	s5 =	simm.s32 $0xFFFFFFFF;
	p2 =	slt.u32 s8, $0xFFFFF086  }
0x1c: {  	p1 =	slt.u32 s9, $0xF7A;
	s5 =	simm.s32 @!p2 $0x0  }
0x1d: {  	s5 =	simm.s32 @p1 $0x1;
	p0 =	seq.s32 s7, s2  }
0x1e: {  	s7 =	smul.u32 @!p0 $0xF7A, s2;
	p2 =	seq.s32 @!p0 s5, $0x0  }
0x1f: {  	s9 =	smul.u32 $0xF7A, s1;
	s8 =	simm.s32 @!p0 $0x1BF5;
	p2 =	por !p2, p0  }
0x20: {  	[sflag:s8] =	ssyncset.s32 @!p0 $0xFFFFF086;
	s6 =	sadd.s32 @!p0 s3, s7;
	s7 =	simm.s32 @!p0 $0x108  }
0x21: {  	s3 =	sadd.s32 s3, s9;
	s6 =	sadd.s32 @!p0 $0x88, s6;
	s7 =	simm.s32 @p2 $0x1082  }
0x22: {  	[simem:s7], [sflag:s8] =	dma.local @!p0 [hbm:s6], $0xF7A  }
0x23: {  	s9 =	sor.u32 $0xD0000000, s2;
	s6 =	simm.s32 $0x108;
	_ =	swait.ge @!p0 [sflag:s8], $0x0  }
0x24: {  	s3 =	sadd.s32 $0x88, s3;
	s6 =	simm.s32 @!p1 $0x1082;
	[sflag:s4] =	ssyncset.s32 $0xFFFFF086  }
0x25: {  	[simem:s6], [sflag:s4] =	dma.local [hbm:s3], $0xF7A  }
0x26: {  	[smem:$0x3F88] =	sst s1;
	(tag) =	ssettag s2;
	_ =	strace s9  }
0x27: {  	s1 =	sld [smem:$0x3F98]  }
0x28: {  	s2 =	sld [smem:$0x3F99]  }
0x29: {  	s4 =	sld [smem:$0x3F9B]  }
0x2a: {  	p0 =	seq.s32 s5, $0x0;
	s5 =	sld [smem:$0x3F9C]  }
0x2b: {  	s6 =	sld [smem:$0x3F9D]  }
0x2c: {  	s7 =	sld [smem:$0x3F9E]  }
0x2d: {  	s3 =	simm.s32 $0x108;
	s8 =	sld [smem:$0x3F9F]  }
0x2e: {  	s3 =	simm.s32 @!p0 $0x1082;
	s9 =	sld [smem:$0x3FA0]  }
0x2f: {  	lr =	sadd.s32 s0, s3;
	s0 =	sld [smem:$0x3F97]  }
0x30: {  	s3 =	sld [smem:$0x3F9A]  }
0x31: {  	[smem:$0x3FA3] =	sst s10  }
0x32: {  	s10 =	sld [smem:$0x3FA1];
	_ =	sdelay $0x3  }
0x33: {  	p0 =	seq.s32 s10, $0x1;
	s10 =	sld [smem:$0x3FA3];
	_ =	sdelay $0x3  }
0x34: {  	[smem:$0x3FA3] =	sst s10  }
0x35: {  	s10 =	sld [smem:$0x3FA2];
	_ =	sdelay $0x3  }
0x36: {  	p1 =	seq.s32 s10, $0x1;
	s10 =	sld [smem:$0x3FA3];
	_ =	sdelay $0x3  }
0x37: {  	[smem:$0x3FA3] =	sst s10  }
0x38: {  	s10 =	sld [smem:$0x3FA4]  }
0x39: {  	_ = 	snop;
	(pc) =	sbr.ind lr, $3  }
0x3a: {  	_ = 	snop  }
0x3b: {  	_ = 	snop  }
0x3c: {  	p2 =	seq.s32 s10, $0x1;
	s10 =	sld [smem:$0x3FA3]  }
0x3d: {  	_ =	shalt  }
0x3e: {  	_ =	shalt  }
0x3f: {  	_ =	shalt  }
0x40: {  	_ =	shalt  }
0x41: {  	_ =	shalt  }
0x42: {  	_ =	shalt  }
0x43: {  	_ =	shalt  }
0x44: {  	_ =	shalt  }
0x45: {  	_ =	shalt  }
0x46: {  	_ =	shalt  }
0x47: {  	_ =	shalt  }
0x48: {  	_ =	shalt  }
0x49: {  	_ =	shalt  }
0x4a: {  	_ =	shalt  }
0x4b: {  	_ =	shalt  }
0x4c: {  	_ =	shalt  }
0x4d: {  	_ =	shalt  }
0x4e: {  	_ =	shalt  }
0x4f: {  	_ =	shalt  }
0x50: {  	_ =	shalt  }
0x51: {  	_ =	shalt  }
0x52: {  	_ =	shalt  }
0x53: {  	_ =	shalt  }
0x54: {  	_ =	shalt  }
0x55: {  	_ =	shalt  }
0x56: {  	_ =	shalt  }
0x57: {  	_ =	shalt  }
0x58: {  	_ =	shalt  }
0x59: {  	_ =	shalt  }
0x5a: {  	_ =	shalt  }
0x5b: {  	_ =	shalt  }
0x5c: {  	_ =	shalt  }
0x5d: {  	_ =	shalt  }
0x5e: {  	_ =	shalt  }
0x5f: {  	_ =	shalt  }
0x60: {  	_ =	shalt  }
0x61: {  	_ =	shalt  }
0x62: {  	_ =	shalt  }
0x63: {  	_ =	shalt  }
0x64: {  	_ =	shalt  }
0x65: {  	_ =	shalt  }
0x66: {  	_ =	shalt  }
0x67: {  	_ =	shalt  }
0x68: {  	_ =	shalt  }
0x69: {  	_ =	shalt  }
0x6a: {  	_ =	shalt  }
0x6b: {  	_ =	shalt  }
0x6c: {  	_ =	shalt  }
0x6d: {  	_ =	shalt  }
0x6e: {  	_ =	shalt  }
0x6f: {  	_ =	shalt  }
0x70: {  	_ =	shalt  }
0x71: {  	_ =	shalt  }
0x72: {  	_ =	shalt  }
0x73: {  	_ =	shalt  }
0x74: {  	_ =	shalt  }
0x75: {  	_ =	shalt  }
0x76: {  	_ =	shalt  }
0x77: {  	_ =	shalt  }
0x78: {  	_ =	shalt  }
0x79: {  	_ =	shalt  }
0x7a: {  	_ =	shalt  }
0x7b: {  	_ =	shalt  }
0x7c: {  	_ =	shalt  }
0x7d: {  	_ =	shalt  }
0x7e: {  	_ =	shalt  }
0x7f: {  	_ =	shalt  }
0x80: {  	_ =	shalt  }
0x81: {  	_ =	shalt  }
0x82: {  	_ =	shalt  }
0x83: {  	_ =	shalt  }
0x84: {  	_ =	shalt  }
0x85: {  	_ =	shalt  }
0x86: {  	_ =	shalt  }
0x87: {  	_ =	shalt  }
.Lfunc_end0:
.L_simem_size_0:
called_computation.2_lowered:
.L_overlay_start_0:
0x88: {  	s2 =	sld [smem:$0x3FD9]  }
0x89: {  	s3 =	sld [smem:$0x3FFE];
	_ =	sdelay $0x1  }
0x8a: {  	s1 =	srdreg.scid  }
0x8b: {  	s0 =	sand.u32 $0x1, s1  }
0x8c: {  	s14 =	sshll.u32 s0, $0xA;
	s2 =	sadd.s32 s3, s2  }
0x8d: {  	s2 =	sadd.s32 s2, s14  }
0x8e: {  	[smem:$0x3FAF] =	sst s2  }
0x8f: {  	_ = 	snop  }
0x90: {  	s2 =	sld [smem:$0x3FD0];
	_ =	sdelay $0x2  }
0x91: {  	s15 =	simm.s32 $0xA;
	s4 =	simm.s32 $0x10  }
0x92: {  	[smem:s4], [sflag:s15] =	dma.local [hbm:s2], $0x1  }
0x93: {  	_ =	swait.eq [sflag:s15], $0x1  }
0x94: {  	s16 =	sld [smem:$0x10];
	[sflag:s15] =	ssyncset.done $0x0  }
0x95: {  	s17 =	sld [smem:$0x13];
	[sflag:s15] =	ssyncadd.s32 $0xFFFFFFFF  }
0x96: {  	s18 =	sld [smem:$0x14];
	(tm) =	ssettm $0x1  }
0x97: {  	s5 =	sld [smem:$0x3FFB];
	_ =	sdelay $0x3  }
0x98: {  	_ =	strace s5  }
0x99: {  	s5 =	sld [smem:$0x3FFC];
	_ =	sdelay $0x3  }
0x9a: {  	_ =	strace s5  }
0x9b: {  	s5 =	sld [smem:$0x3FFD];
	_ =	sdelay $0x3  }
0x9c: {  	_ =	strace s5  }
0x9d: {  	_ =	strace $0x8FFFFFFF  }
0x9e: {  	s19 =	sld [smem:$0x3FDB];
	_ =	sdelay $0x1  }
0x9f: {  	s6 =	simm.s32 $_scs_section_size  }
0xa0: {  	s7 =	simm.s32 $_size__tile_overlayer_lowered;
	s8 =	simm.s32 $_tile_overlayer_lowered  }
0xa1: {  	s22 =	simm.s32 $0x1BFF;
	s21 =	sshll.u32 s8, $0x1;
	s5 =	sadd.s32 s6, s19  }
0xa2: {  	s9 =	simm.s32 $0x0;
	s20 =	sshll.u32 s7, $0x1;
	s7 =	sadd.s32 s21, s5  }
0xa3: {  	[timem:s9], [sflag:s22] =	dma.local [hbm:s7], s20  }
0xa4: {  	_ =	swait.ge [sflag:s22], s20  }
0xa5: {  	s6 =	ssub.s32 $0x0, s20;
	[sflag:s22] =	ssyncset.done $0x0  }
0xa6: {  	[sflag:s22] =	ssyncadd.s32 s6;
	_ =	sdelay $0x1  }
0xa7: {  	s23 =	simm.s32 $0x1B8B  }
0xa8: {  	_ =	swait.ge [sflag:s23], $0x1  }
0xa9: {  	[sflag:s23] =	ssyncset.done $0x0  }
0xaa: {  	s25 =	simm.s32 $0x1B8E;
	s24 =	sld [smem:$0x3FFE];
	[sflag:s23] =	ssyncadd.s32 $0xFFFFFFFF  }
0xab: {  	s26 =	simm.s32 $execute0_lowered;
	[smem:$0x3FD2] =	sst s25  }
0xac: {  	s7 =	sshll.u32 s26, $0x1;
	_ =	strace $0x8000004C;
	[dreg:$0x1] =	wrdreg $0xFFFFFFFF  }
0xad: {  	s28 =	simm.s32 $_size_execute0_lowered;
	s5 =	sadd.s32 s5, s7;
	[dreg:$0x0] =	wrdreg $0x0  }
0xae: {  	s7 =	sshll.u32 s28, $0x1;
	[dreg:$0x2] =	wrdreg s5  }
0xaf: {  	[dreg:$0x3] =	wrdreg s7  }
0xb0: {  	[dreg:$0x4] =	wrdreg $0xC0  }
0xb1: {  	_ =	task [dreg:s9], $0x5FFFF  }
0xb2: {  	[dreg:$0x1] =	wrdreg $0xFFFFFFFF  }
0xb3: {  	[dreg:$0x0] =	wrdreg $0x60  }
0xb4: {  	[dreg:$0x2] =	wrdreg s17  }
0xb5: {  	[dreg:$0x3] =	wrdreg s18  }
0xb6: {  	[dreg:$0x4] =	wrdreg s24  }
0xb7: {  	[dreg:$0x5] =	wrdreg s16  }
0xb8: {  	[dreg:$0x6] =	wrdreg $0x76200  }
0xb9: {  	[dreg:$0x7] =	wrdreg $0x9  }
0xba: {  	_ =	task.clear_ibuf [dreg:s9], $0x8FFFF;
	_ =	strace $0x9000004C  }
0xbb: {  	s29 =	simm.s32 $0x9;
	_ =	strace $0x8000004E  }
0xbc: {  	_ =	swait.ge [sflag:s29], $0x1  }
0xbd: {  	[sflag:s29] =	ssyncadd.s32 $0xFFFFFFFF  }
0xbe: {  	_ =	strace $0x9000004E  }
0xbf: {  	_ =	sfence  }
0xc0: {  	s30 =	sld [smem:$0x0];
	_ =	sdelay $0x2  }
0xc1: {  	s31 =	sshll.u32 s1, $0xD;
	s1 =	sshrl.u32 s1, $0x2  }
0xc2: {  	s3 =	sand.u32 $0x4000, s31;
	s1 =	sadd.s32 s1, s30  }
0xc3: {  	s0 =	sor.u32 s3, s0;
	s1 =	sshll.u32 s1, $0x11  }
0xc4: {  	s0 =	sor.u32 s1, s0  }
0xc5: {  	s0 =	sadd.s32 $0x8F2B, s0  }
0xc6: {  	[sflag:s0] =	ssyncadd.remote.s32 $0x1  }
0xc7: {  	_ =	sfence.sel $0xFFFF  }
0xc8: {  	[dreg:$0x0] =	wrdreg $0xFFFFFFFF;
	(pc) =	sbr.abs _section_cstart, $3  }
0xc9: {  	[dreg:$0x1] =	wrdreg $0xFFFFFFFF  }
0xca: {  	_ =	task.clear_ibuf [dreg:s9], $0x2FFFF;
	_ =	strace $0x9FFFFFFF  }
0xcb: {  	(tm) =	ssettm $0x7FFFFFFF  }
tec
execute0_lowered:
.L_overlay_start_1:
0x0: {  	(tag) =	ssettag $0x1  }
0x1: {  	s0 =	rddreg [dreg:$0x0]  }
0x2: {  	s1 =	rddreg [dreg:$0x1]  }
0x3: {  	s2 =	rddreg [dreg:$0x2]  }
0x4: {  	s8 =	rddreg [dreg:$0x3]  }
0x5: {  	s3 =	rddreg [dreg:$0x4];
	s12 =	stileid.u32  }
0x6: {  	s5 =	srdreg.scid;
	s4 =	simm.s32 $0x0;
	s14 =	simm.s32 $0x50  }
0x7: {  	s15 =	simm.s32 $0x4E20;
	s16 =	simm.s32 $0x5320;
	s18 =	simm.s32 $0x5820  }
0x8: {  	s20 =	simm.s32 $0x5D20;
	s22 =	simm.s32 $0x6220;
	s30 =	simm.s32 $0x1  }
0x9: {  	s31 =	simm.s32 $0x2;
	s17 =	simm.s32 $0x9;
	s19 =	simm.s32 $0x0  }
0xa: {  	s5 =	sand.u32 $0x1, s5;
	s6 =	sshll.u32 s12, $0x1;
	[smem:$0x7FF] =	sst s4  }
0xb: {  	s7 =	smul.u32 $0x2710, s12;
	s29 =	sshll.u32 s12, $0x6;
	s6 =	sor.u32 s5, s6  }
0xc: {  	_ =	strace $0x8000004D;
	s10 =	ssub.s32 $0x2, s5;
	s11 =	smul.u32 $0x27100, s5  }
0xd: {  	s12 =	sor.u32 $0x1C11, s29;
	s6 =	smul.u32 $0x2710, s6;
	s9 =	sshrl.u32 s7, $0x3  }
0xe: {  	s23 =	sshrl.u32 s10, $0x1;
	s26 =	sadd.s32 s7, s3;
	s2 =	sadd.s32 s9, s2  }
0xf: {  	s24 =	ssub.s32 s10, s23;
	s25 =	sadd.s32 s7, s11;
	s10 =	simm.s32 $0x11  }
0x10: {  	s13 =	sshrl.u32 s26, $0x3;
	s6 =	sshrl.u32 s6, $0x3;
	s2 =	sadd.s32 $0xA3800, s2  }
0x11: {  	s28 =	smax.u32 s24, $0x1;
	s5 =	sadd.s32 s0, s6;
	[dreg:$0x7] =	wrdreg s2  }
0x12: {  	s0 =	sshrl.u32 s25, $0x3;
	[dreg:$0x9] =	wrdreg s28;
	s6 =	sadd.s32 $0x9C40, s5  }
0x13: {  	s11 =	simm.s32 $0x5;
	s0 =	sadd.s32 s8, s0;
	[dreg:$0x6] =	wrdreg s6  }
0x14: {  	s2 =	simm.s32 $0x4;
	[dreg:$0x8] =	wrdreg s0;
	s0 =	simm.s32 $0x3  }
.LBB2_1:
0x15: {  	[tilespmem:s4], [sflag:$0x11] =	stream.linear.gather [hbm4b:s5+s4], $0x2710, $0x38;
	[tilespmem:$0x9D30] =	vst v63  }
0x16: {  	_ =	swait.ge [sflag:s10], $0x2710  }
0x17: {  	[sflag:s10] =	ssyncset.done $0x0  }
0x18: {  	s7 =	simm.s32 $0x2710;
	s6 =	rddreg [dreg:$0x6];
	[sflag:s10] =	ssyncadd.s32 $0xFFFFD8F0  }
0x19: {  	[tilespmem:s7], [sflag:$0x11] =	stream.linear.gather [hbm4b:s6+s4], $0x2710, $0x38;
	[tilespmem:$0x9D30] =	vst v63  }
0x1a: {  	_ =	swait.ge [sflag:s10], $0x2710  }
0x1b: {  	[sflag:s10] =	ssyncset.done $0x0  }
0x1c: {  	s9 =	rddreg [dreg:$0x7];
	[sflag:s10] =	ssyncadd.s32 $0xFFFFD8F0  }
0x1d: {  	[spmem:s13], [sflag:s12] =	dma.local [hbm:s9], $0x4E2  }
0x1e: {  	_ =	swait.ge [sflag:s10], $0x4E2  }
0x1f: {  	[sflag:s10] =	ssyncset.done $0x0  }
0x20: {  	[sflag:s10] =	ssyncadd.s32 $0xFFFFFB1E  }
0x21: {  	[bflag:$0x0] =	sbarrier.arrive $0xFFFF  }
0x22: {  	[tilespmem:s15], [sflag:$0x1] =	stream.indirect.gather [hbm4b:s1+s14], $0x10, s4, s14, $0xb8;
	[tilespmem:$0x9D30] =	vst v63  }
0x23: {  	_ = 	snop  }
0x24: {  	[tilespmem:s16], [sflag:$0x2] =	stream.indirect.gather [hbm4b:s1+s14], $0x10, s14, s14, $0xb8;
	[tilespmem:$0x9D30] =	vst v63  }
0x25: {  	s21 =	simm.s32 $0xA0  }
0x26: {  	[tilespmem:s18], [sflag:$0x3] =	stream.indirect.gather [hbm4b:s1+s14], $0x10, s21, s14, $0xb8;
	[tilespmem:$0x9D30] =	vst v63  }
0x27: {  	s23 =	simm.s32 $0xF0  }
0x28: {  	[tilespmem:s20], [sflag:$0x4] =	stream.indirect.gather [hbm4b:s1+s14], $0x10, s23, s14, $0xb8;
	[tilespmem:$0x9D30] =	vst v63  }
0x29: {  	s24 =	simm.s32 $0x140  }
0x2a: {  	[tilespmem:s22], [sflag:$0x5] =	stream.indirect.gather [hbm4b:s1+s14], $0x10, s24, s14, $0xb8;
	[tilespmem:$0x9D30] =	vst v63  }
0x2b: {  	s25 =	simm.s32 $0x190;
	s26 =	simm.s32 $0x6720  }
0x2c: {  	[tilespmem:s26], [sflag:$0x6] =	stream.indirect.gather [hbm4b:s1+s14], $0x10, s25, s14, $0xb8;
	[tilespmem:$0x9D30] =	vst v63  }
0x2d: {  	s8 =	simm.s32 $0x6C20;
	s7 =	simm.s32 $0x1E0  }
0x2e: {  	[tilespmem:s8], [sflag:$0x7] =	stream.indirect.gather [hbm4b:s1+s14], $0x10, s7, s14, $0xb8;
	[tilespmem:$0x9D30] =	vst v63  }
0x2f: {  	s9 =	simm.s32 $0x230;
	s21 =	simm.s32 $0x7120  }
0x30: {  	[tilespmem:s21], [sflag:$0x8] =	stream.indirect.gather [hbm4b:s1+s14], $0x10, s9, s14, $0xb8;
	[tilespmem:$0x9D30] =	vst v63  }
0x31: {  	_ =	swait.ge [sflag:s30], $0x500  }
0x32: {  	[sflag:s30] =	ssyncset.done $0x0  }
0x33: {  	s21 =	simm.s32 $0x2710;
	[sflag:s30] =	ssyncadd.s32 $0xFFFFFB00  }
0x34: {  	[spmem:s3] =	stream.indirect.scatter.add.f32 [tilespmem:s15], [sflag:$0x9], $0x10, s21, s14, $0xb8;
	[tilespmem:$0x9D30] =	vst v63  }
0x35: {  	_ =	swait.ge [sflag:s31], $0x500  }
0x36: {  	[sflag:s31] =	ssyncset.done $0x0  }
0x37: {  	s23 =	simm.s32 $0x2760;
	[sflag:s31] =	ssyncadd.s32 $0xFFFFFB00  }
0x38: {  	[spmem:s3] =	stream.indirect.scatter.add.f32 [tilespmem:s16], [sflag:$0xA], $0x10, s23, s14, $0xb8;
	[tilespmem:$0x9D30] =	vst v63  }
0x39: {  	_ =	swait.ge [sflag:s0], $0x500  }
0x3a: {  	[sflag:s0] =	ssyncset.done $0x0  }
0x3b: {  	s24 =	simm.s32 $0x27B0;
	[sflag:s0] =	ssyncadd.s32 $0xFFFFFB00  }
0x3c: {  	[spmem:s3] =	stream.indirect.scatter.add.f32 [tilespmem:s18], [sflag:$0xB], $0x10, s24, s14, $0xb8;
	[tilespmem:$0x9D30] =	vst v63  }
0x3d: {  	_ =	swait.ge [sflag:s2], $0x500  }
0x3e: {  	[sflag:s2] =	ssyncset.done $0x0  }
0x3f: {  	s25 =	simm.s32 $0x2800;
	[sflag:s2] =	ssyncadd.s32 $0xFFFFFB00  }
0x40: {  	[spmem:s3] =	stream.indirect.scatter.add.f32 [tilespmem:s20], [sflag:$0xC], $0x10, s25, s14, $0xb8;
	[tilespmem:$0x9D30] =	vst v63  }
0x41: {  	_ =	swait.ge [sflag:s11], $0x500  }
0x42: {  	p0 =	por $0x0, $0x0;
	[sflag:s11] =	ssyncset.done $0x0  }
0x43: {  	s26 =	simm.s32 $0x2850;
	s23 =	simm.s32 @!p0 $0x6;
	[sflag:s11] =	ssyncadd.s32 $0xFFFFFB00  }
0x44: {  	[spmem:s3] =	stream.indirect.scatter.add.f32 [tilespmem:s22], [sflag:$0xD], $0x10, s26, s14, $0xb8;
	[tilespmem:$0x9D30] =	vst v63  }
0x45: {  	_ =	swait.ge @!p0 [sflag:s23], $0x500  }
0x46: {  	s21 =	simm.s32 @!p0 $0x28A0;
	s24 =	simm.s32 @!p0 $0x50;
	[sflag:s23] =	ssyncset.done @!p0 $0x0  }
0x47: {  	s25 =	simm.s32 @!p0 $0x6720;
	[sflag:s23] =	ssyncadd.s32 @!p0 $0xFFFFFB00;
	s23 =	simm.s32 @!p0 $0x7  }
0x48: {  	[spmem:s3] =	stream.indirect.scatter.add.f32 @!p0 [tilespmem:s25], [sflag:$0xE], $0x10, s21, s24, $0xb8;
	[tilespmem:$0x9D30] =	vst v63  }
0x49: {  	_ =	swait.ge @!p0 [sflag:s23], $0x500  }
0x4a: {  	s21 =	simm.s32 @!p0 $0x28F0;
	[sflag:s23] =	ssyncset.done @!p0 $0x0  }
0x4b: {  	s25 =	simm.s32 @!p0 $0x6C20;
	[sflag:s23] =	ssyncadd.s32 @!p0 $0xFFFFFB00;
	s23 =	simm.s32 @!p0 $0x8  }
0x4c: {  	[spmem:s3] =	stream.indirect.scatter.add.f32 @!p0 [tilespmem:s25], [sflag:$0xF], $0x10, s21, s24, $0xb8;
	[tilespmem:$0x9D30] =	vst v63  }
0x4d: {  	_ =	swait.ge @!p0 [sflag:s23], $0x500  }
0x4e: {  	[sflag:s23] =	ssyncset.done @!p0 $0x0  }
0x4f: {  	s21 =	simm.s32 @!p0 $0x2940;
	s25 =	simm.s32 @!p0 $0x7120;
	[sflag:s23] =	ssyncadd.s32 @!p0 $0xFFFFFB00  }
0x50: {  	[spmem:s3] =	stream.indirect.scatter.add.f32 @!p0 [tilespmem:s25], [sflag:$0x10], $0x10, s21, s24, $0xb8;
	[tilespmem:$0x9D30] =	vst v63  }
0x51: {  	p1 =	por $0x1, $0x1;
	_ =	swait.ge [sflag:s17], $0x500  }
0x52: {  	s23 =	simm.s32 @p1 $0x280;
	s21 =	simm.s32 @p1 $0x4E20;
	[sflag:s17] =	ssyncset.done $0x0  }
0x53: {  	s24 =	simm.s32 @p1 $0x50;
	s25 =	simm.s32 @p1 $0xA;
	[sflag:s17] =	ssyncadd.s32 $0xFFFFFB00  }
0x54: {  	[tilespmem:s21], [sflag:$0x1] =	stream.indirect.gather @p1 [hbm4b:s1+s24], $0x10, s23, s24, $0xb8;
	[tilespmem:$0x9D30] =	vst v63  }
0x55: {  	_ =	swait.ge @p1 [sflag:s25], $0x500  }
0x56: {  	s21 =	simm.s32 @p1 $0x2D0;
	[sflag:s25] =	ssyncset.done @p1 $0x0  }
0x57: {  	s23 =	simm.s32 @p1 $0x5320;
	[sflag:s25] =	ssyncadd.s32 @p1 $0xFFFFFB00;
	s25 =	simm.s32 @p1 $0xB  }
0x58: {  	[tilespmem:s23], [sflag:$0x2] =	stream.indirect.gather @p1 [hbm4b:s1+s24], $0x10, s21, s24, $0xb8;
	[tilespmem:$0x9D30] =	vst v63  }
0x59: {  	_ =	swait.ge @p1 [sflag:s25], $0x500  }
0x5a: {  	s21 =	simm.s32 @p1 $0x320;
	[sflag:s25] =	ssyncset.done @p1 $0x0  }
0x5b: {  	s23 =	simm.s32 @p1 $0x5820;
	[sflag:s25] =	ssyncadd.s32 @p1 $0xFFFFFB00;
	s25 =	simm.s32 @p1 $0xC  }
0x5c: {  	[tilespmem:s23], [sflag:$0x3] =	stream.indirect.gather @p1 [hbm4b:s1+s24], $0x10, s21, s24, $0xb8;
	[tilespmem:$0x9D30] =	vst v63  }
0x5d: {  	_ =	swait.ge @p1 [sflag:s25], $0x500  }
0x5e: {  	s21 =	simm.s32 @p1 $0x370;
	[sflag:s25] =	ssyncset.done @p1 $0x0  }
0x5f: {  	s23 =	simm.s32 @p1 $0x5D20;
	[sflag:s25] =	ssyncadd.s32 @p1 $0xFFFFFB00;
	s25 =	simm.s32 @p1 $0xD  }
0x60: {  	[tilespmem:s23], [sflag:$0x4] =	stream.indirect.gather @p1 [hbm4b:s1+s24], $0x10, s21, s24, $0xb8;
	[tilespmem:$0x9D30] =	vst v63  }
0x61: {  	_ =	swait.ge @p1 [sflag:s25], $0x500  }
0x62: {  	s21 =	simm.s32 @p1 $0x3C0;
	[sflag:s25] =	ssyncset.done @p1 $0x0  }
0x63: {  	s23 =	simm.s32 @p1 $0x6220;
	[sflag:s25] =	ssyncadd.s32 @p1 $0xFFFFFB00;
	s25 =	simm.s32 @!p1 $0xA  }
0x64: {  	[tilespmem:s23], [sflag:$0x5] =	stream.indirect.gather @p1 [hbm4b:s1+s24], $0x10, s21, s24, $0xb8;
	[tilespmem:$0x9D30] =	vst v63  }
0x65: {  	_ =	swait.ge @!p1 [sflag:s25], $0x500  }
0x66: {  	[sflag:s25] =	ssyncset.done @!p1 $0x0  }
0x67: {  	s21 =	simm.s32 @!p1 $0xB;
	[sflag:s25] =	ssyncadd.s32 @!p1 $0xFFFFFB00  }
0x68: {  	_ =	swait.ge @!p1 [sflag:s21], $0x500  }
0x69: {  	[sflag:s21] =	ssyncset.done @!p1 $0x0  }
0x6a: {  	s23 =	simm.s32 @!p1 $0xC;
	[sflag:s21] =	ssyncadd.s32 @!p1 $0xFFFFFB00  }
0x6b: {  	_ =	swait.ge @!p1 [sflag:s23], $0x500  }
0x6c: {  	[sflag:s23] =	ssyncset.done @!p1 $0x0  }
0x6d: {  	s21 =	simm.s32 @!p1 $0xD;
	[sflag:s23] =	ssyncadd.s32 @!p1 $0xFFFFFB00  }
0x6e: {  	_ =	swait.ge @!p1 [sflag:s21], $0x500  }
0x6f: {  	[sflag:s21] =	ssyncset.done @!p1 $0x0  }
0x70: {  	s23 =	simm.s32 @!p0 $0xE;
	[sflag:s21] =	ssyncadd.s32 @!p1 $0xFFFFFB00  }
0x71: {  	p2 =	por $0x0, $0x0;
	_ =	swait.ge @!p0 [sflag:s23], $0x500  }
0x72: {  	s26 =	simm.s32 @!p2 $0x50;
	s24 =	simm.s32 @!p2 $0x410;
	[sflag:s23] =	ssyncset.done @!p0 $0x0  }
0x73: {  	s21 =	simm.s32 @!p2 $0x6720;
	[sflag:s23] =	ssyncadd.s32 @!p0 $0xFFFFFB00;
	s23 =	simm.s32 @!p0 $0xF  }
0x74: {  	[tilespmem:s21], [sflag:$0x6] =	stream.indirect.gather @!p2 [hbm4b:s1+s26], $0x10, s24, s26, $0xb8;
	[tilespmem:$0x9D30] =	vst v63  }
0x75: {  	_ =	swait.ge @!p0 [sflag:s23], $0x500  }
0x76: {  	s28 =	simm.s32 @!p2 $0x4B0;
	s25 =	simm.s32 @!p0 $0x10;
	[sflag:s23] =	ssyncset.done @!p0 $0x0  }
0x77: {  	s21 =	simm.s32 @!p2 $0x460;
	s24 =	simm.s32 @!p2 $0x6C20;
	[sflag:s23] =	ssyncadd.s32 @!p0 $0xFFFFFB00  }
0x78: {  	[tilespmem:s24], [sflag:$0x7] =	stream.indirect.gather @!p2 [hbm4b:s1+s26], $0x10, s21, s26, $0xb8;
	[tilespmem:$0x9D30] =	vst v63  }
0x79: {  	s29 =	simm.s32 @!p2 $0x7120;
	s23 =	simm.s32 $0xD;
	_ =	swait.ge @!p0 [sflag:s25], $0x500  }
0x7a: {  	s21 =	simm.s32 $0xA00;
	s24 =	simm.s32 $0x0;
	[sflag:s25] =	ssyncset.done @!p0 $0x0  }
.LBB2_2:
0x7b: {  	[sflag:s25] =	ssyncadd.s32 @!p0 $0xFFFFFB00  }
0x7c: {  	s24 =	sadd.s32 $0x1, s24;
	s25 =	smov.u32 s21;
	s21 =	sadd.s32 $0xA00, s21  }
0x7d: {  	[tilespmem:s29], [sflag:$0x8] =	stream.indirect.gather @!p2 [hbm4b:s1+s26], $0x10, s28, s26, $0xb8;
	[tilespmem:$0x9D30] =	vst v63  }
0x7e: {  	s26 =	sshra.s32 s25, $0x2;
	p1 =	sne.s32 s21, $0xA000;
	_ =	swait.ge [sflag:s30], $0x500  }
0x7f: {  	s28 =	sadd.s32 $0x2710, s26;
	[sflag:s30] =	ssyncset.done $0x0  }
0x80: {  	[sflag:s30] =	ssyncadd.s32 $0xFFFFFB00  }
0x81: {  	[spmem:s3] =	stream.indirect.scatter.add.f32 [tilespmem:s15], [sflag:$0x9], $0x10, s28, s14, $0xb8;
	[tilespmem:$0x9D30] =	vst v63  }
0x82: {  	_ =	swait.ge [sflag:s31], $0x500  }
0x83: {  	s28 =	sadd.s32 $0x2760, s26;
	[sflag:s31] =	ssyncset.done $0x0  }
0x84: {  	[sflag:s31] =	ssyncadd.s32 $0xFFFFFB00  }
0x85: {  	[spmem:s3] =	stream.indirect.scatter.add.f32 [tilespmem:s16], [sflag:$0xA], $0x10, s28, s14, $0xb8;
	[tilespmem:$0x9D30] =	vst v63  }
0x86: {  	_ =	swait.ge [sflag:s0], $0x500  }
0x87: {  	s28 =	sadd.s32 $0x27B0, s26;
	[sflag:s0] =	ssyncset.done $0x0  }
0x88: {  	[sflag:s0] =	ssyncadd.s32 $0xFFFFFB00  }
0x89: {  	[spmem:s3] =	stream.indirect.scatter.add.f32 [tilespmem:s18], [sflag:$0xB], $0x10, s28, s14, $0xb8;
	[tilespmem:$0x9D30] =	vst v63  }
0x8a: {  	_ =	swait.ge [sflag:s2], $0x500  }
0x8b: {  	s28 =	sadd.s32 $0x2800, s26;
	[sflag:s2] =	ssyncset.done $0x0  }
0x8c: {  	[sflag:s2] =	ssyncadd.s32 $0xFFFFFB00  }
0x8d: {  	[spmem:s3] =	stream.indirect.scatter.add.f32 [tilespmem:s20], [sflag:$0xC], $0x10, s28, s14, $0xb8;
	[tilespmem:$0x9D30] =	vst v63  }
0x8e: {  	_ =	swait.ge [sflag:s11], $0x500  }
0x8f: {  	p0 =	sgt.u32 s23, $0x7C;
	s26 =	sadd.s32 $0x2850, s26;
	[sflag:s11] =	ssyncset.done $0x0  }
0x90: {  	s29 =	sshra.s32 @!p0 s25, $0x2;
	s28 =	simm.s32 @!p0 $0x6;
	[sflag:s11] =	ssyncadd.s32 $0xFFFFFB00  }
0x91: {  	[spmem:s3] =	stream.indirect.scatter.add.f32 [tilespmem:s22], [sflag:$0xD], $0x10, s26, s14, $0xb8;
	[tilespmem:$0x9D30] =	vst v63  }
0x92: {  	s6 =	sadd.s32 @!p0 $0x28F0, s29;
	s26 =	sadd.s32 @!p0 $0x28A0, s29;
	_ =	swait.ge @!p0 [sflag:s28], $0x500  }
0x93: {  	s7 =	simm.s32 @!p0 $0x50;
	s8 =	simm.s32 @!p0 $0x6720;
	[sflag:s28] =	ssyncset.done @!p0 $0x0  }
0x94: {  	s29 =	sadd.s32 @!p0 $0x2940, s29;
	[sflag:s28] =	ssyncadd.s32 @!p0 $0xFFFFFB00;
	s28 =	simm.s32 @!p0 $0x7  }
0x95: {  	[spmem:s3] =	stream.indirect.scatter.add.f32 @!p0 [tilespmem:s8], [sflag:$0xE], $0x10, s26, s7, $0xb8;
	[tilespmem:$0x9D30] =	vst v63  }
0x96: {  	_ =	swait.ge @!p0 [sflag:s28], $0x500  }
0x97: {  	s8 =	simm.s32 @!p0 $0x6C20;
	[sflag:s28] =	ssyncset.done @!p0 $0x0  }
0x98: {  	s26 =	simm.s32 @!p0 $0x8;
	[sflag:s28] =	ssyncadd.s32 @!p0 $0xFFFFFB00  }
0x99: {  	[spmem:s3] =	stream.indirect.scatter.add.f32 @!p0 [tilespmem:s8], [sflag:$0xF], $0x10, s6, s7, $0xb8;
	[tilespmem:$0x9D30] =	vst v63  }
0x9a: {  	_ =	swait.ge @!p0 [sflag:s26], $0x500  }
0x9b: {  	s6 =	simm.s32 @!p0 $0x7120;
	[sflag:s26] =	ssyncset.done @!p0 $0x0  }
0x9c: {  	p2 =	sne.s32 s25, $0x9600;
	[sflag:s26] =	ssyncadd.s32 @!p0 $0xFFFFFB00  }
0x9d: {  	[spmem:s3] =	stream.indirect.scatter.add.f32 @!p0 [tilespmem:s6], [sflag:$0x10], $0x10, s29, s7, $0xb8;
	[tilespmem:$0x9D30] =	vst v63  }
0x9e: {  	s6 =	sshra.s32 @p2 s25, $0x2;
	s7 =	simm.s32 @p2 $0x4E20;
	_ =	swait.ge [sflag:s17], $0x500  }
0x9f: {  	s26 =	simm.s32 @p2 $0x50;
	s8 =	sadd.s32 @p2 $0x280, s6;
	[sflag:s17] =	ssyncset.done $0x0  }
0xa0: {  	s28 =	simm.s32 @p2 $0xA;
	s29 =	sadd.s32 @p2 $0x2D0, s6;
	[sflag:s17] =	ssyncadd.s32 $0xFFFFFB00  }
0xa1: {  	[tilespmem:s7], [sflag:$0x1] =	stream.indirect.gather @p2 [hbm4b:s1+s26], $0x10, s8, s26, $0xb8;
	[tilespmem:$0x9D30] =	vst v63  }
0xa2: {  	s7 =	sadd.s32 @p2 $0x320, s6;
	s8 =	sadd.s32 @p2 $0x370, s6;
	_ =	swait.ge @p2 [sflag:s28], $0x500  }
0xa3: {  	s9 =	simm.s32 @p2 $0x5320;
	s6 =	sadd.s32 @p2 $0x3C0, s6;
	[sflag:s28] =	ssyncset.done @p2 $0x0  }
0xa4: {  	[sflag:s28] =	ssyncadd.s32 @p2 $0xFFFFFB00;
	s28 =	simm.s32 @p2 $0xB  }
0xa5: {  	[tilespmem:s9], [sflag:$0x2] =	stream.indirect.gather @p2 [hbm4b:s1+s26], $0x10, s29, s26, $0xb8;
	[tilespmem:$0x9D30] =	vst v63  }
0xa6: {  	_ =	swait.ge @p2 [sflag:s28], $0x500  }
0xa7: {  	s9 =	simm.s32 @p2 $0x5820;
	[sflag:s28] =	ssyncset.done @p2 $0x0  }
0xa8: {  	[sflag:s28] =	ssyncadd.s32 @p2 $0xFFFFFB00;
	s28 =	simm.s32 @p2 $0xC  }
0xa9: {  	[tilespmem:s9], [sflag:$0x3] =	stream.indirect.gather @p2 [hbm4b:s1+s26], $0x10, s7, s26, $0xb8;
	[tilespmem:$0x9D30] =	vst v63  }
0xaa: {  	_ =	swait.ge @p2 [sflag:s28], $0x500  }
0xab: {  	s7 =	simm.s32 @p2 $0x5D20;
	[sflag:s28] =	ssyncset.done @p2 $0x0  }
0xac: {  	s9 =	simm.s32 @p2 $0xD;
	[sflag:s28] =	ssyncadd.s32 @p2 $0xFFFFFB00  }
0xad: {  	[tilespmem:s7], [sflag:$0x4] =	stream.indirect.gather @p2 [hbm4b:s1+s26], $0x10, s8, s26, $0xb8;
	[tilespmem:$0x9D30] =	vst v63  }
0xae: {  	_ =	swait.ge @p2 [sflag:s9], $0x500  }
0xaf: {  	s7 =	simm.s32 @p2 $0x6220;
	[sflag:s9] =	ssyncset.done @p2 $0x0  }
0xb0: {  	s8 =	simm.s32 @!p2 $0xA;
	[sflag:s9] =	ssyncadd.s32 @p2 $0xFFFFFB00  }
0xb1: {  	[tilespmem:s7], [sflag:$0x5] =	stream.indirect.gather @p2 [hbm4b:s1+s26], $0x10, s6, s26, $0xb8;
	[tilespmem:$0x9D30] =	vst v63  }
0xb2: {  	_ =	swait.ge @!p2 [sflag:s8], $0x500  }
0xb3: {  	s6 =	simm.s32 @!p2 $0xB;
	[sflag:s8] =	ssyncset.done @!p2 $0x0  }
0xb4: {  	[sflag:s8] =	ssyncadd.s32 @!p2 $0xFFFFFB00  }
0xb5: {  	_ =	swait.ge @!p2 [sflag:s6], $0x500  }
0xb6: {  	s7 =	simm.s32 @!p2 $0xC;
	[sflag:s6] =	ssyncset.done @!p2 $0x0  }
0xb7: {  	[sflag:s6] =	ssyncadd.s32 @!p2 $0xFFFFFB00  }
0xb8: {  	_ =	swait.ge @!p2 [sflag:s7], $0x500  }
0xb9: {  	s6 =	simm.s32 @!p2 $0xD;
	[sflag:s7] =	ssyncset.done @!p2 $0x0  }
0xba: {  	[sflag:s7] =	ssyncadd.s32 @!p2 $0xFFFFFB00  }
0xbb: {  	_ =	swait.ge @!p2 [sflag:s6], $0x500  }
0xbc: {  	s7 =	simm.s32 @!p0 $0xE;
	[sflag:s6] =	ssyncset.done @!p2 $0x0  }
0xbd: {  	[sflag:s6] =	ssyncadd.s32 @!p2 $0xFFFFFB00;
	p2 =	sgt.u32 s24, $0xD  }
0xbe: {  	_ =	swait.ge @!p0 [sflag:s7], $0x500;
	s6 =	sshra.s32 @!p2 s25, $0x2;
	s8 =	simm.s32 @!p2 $0x6720  }
0xbf: {  	s26 =	simm.s32 @!p2 $0x50;
	[sflag:s7] =	ssyncset.done @!p0 $0x0;
	s9 =	sadd.s32 @!p2 $0x410, s6  }
0xc0: {  	s29 =	sadd.s32 @!p2 $0x460, s6;
	[sflag:s7] =	ssyncadd.s32 @!p0 $0xFFFFFB00;
	s7 =	simm.s32 @!p0 $0xF  }
0xc1: {  	[tilespmem:s8], [sflag:$0x6] =	stream.indirect.gather @!p2 [hbm4b:s1+s26], $0x10, s9, s26, $0xb8;
	[tilespmem:$0x9D30] =	vst v63  }
0xc2: {  	s28 =	sadd.s32 @!p2 $0x4B0, s6;
	_ =	swait.ge @!p0 [sflag:s7], $0x500  }
.Ltmp0:
0xc3: {  	s6 =	simm.s32 @!p2 $0x6C20;
	[sflag:s7] =	ssyncset.done @!p0 $0x0;
	(pc) =	sbr.rel @p1 .LBB2_2-.Ltmp0, $4  }
0xc4: {  	s25 =	simm.s32 @!p0 $0x10;
	[sflag:s7] =	ssyncadd.s32 @!p0 $0xFFFFFB00  }
0xc5: {  	[tilespmem:s6], [sflag:$0x7] =	stream.indirect.gather @!p2 [hbm4b:s1+s26], $0x10, s29, s26, $0xb8;
	[tilespmem:$0x9D30] =	vst v63  }
0xc6: {  	_ =	swait.ge @!p0 [sflag:s25], $0x500  }
0xc7: {  	s23 =	sadd.s32 $0x8, s23;
	s29 =	simm.s32 @!p2 $0x7120;
	[sflag:s25] =	ssyncset.done @!p0 $0x0  }
0xc8: {  	[sflag:s25] =	ssyncadd.s32 @!p0 $0xFFFFFB00  }
0xc9: {  	[tilespmem:s29], [sflag:$0x8] =	stream.indirect.gather @!p2 [hbm4b:s1+s26], $0x10, s28, s26, $0xb8;
	[tilespmem:$0x9D30] =	vst v63  }
0xca: {  	[bflag:$0x0] =	sbarrier.arrive $0xFFFF  }
0xcb: {  	s6 =	rddreg [dreg:$0x8]  }
0xcc: {  	[hbm:s6], [sflag:s12] =	dma.local [spmem:s13], $0x4E2  }
0xcd: {  	_ =	swait.ge [sflag:s10], $0x4E2  }
0xce: {  	s19 =	sadd.s32 $0x1, s19;
	s29 =	rddreg [dreg:$0x9]  }
0xcf: {  	p0 =	sne.s32 s19, s29  }
.Ltmp1:
0xd0: {  	_ = 	snop;
	(pc) =	sbr.rel @p0 .LBB2_1-.Ltmp1, $3  }
0xd1: {  	_ =	sdelay $0x1  }
0xd2: {  	[sflag:s10] =	ssyncset.done $0x0  }
0xd3: {  	[sflag:s10] =	ssyncadd.s32 $0xFFFFFB1E  }
0xd4: {  	_ =	sfence.sel $0x180000  }
0xd5: {  	[bflag:$0x0] =	sbarrier.arrive $0xFFFF  }
0xd6: {  	_ =	strace $0x9000004D  }
0xd7: {  	s0 =	stileid.u32;
	[bflag:$0x2] =	sbarrier.arrive $0xFFFF  }
0xd8: {  	p0 =	sne.s32 s0, $0x0;
	s0 =	rddreg [dreg:$0x5]  }
0xd9: {  	s0 =	sadd.s32 @!p0 $0x100000, s0  }
0xda: {  	[sflag:s0] =	ssyncadd.tile.s32 @!p0 $0x1;
	_ =	shalt  }
.Lfunc_end2:
_tile_overlayer_lowered:
.L_overlay_start_2:
0xdb: {  	(tag) =	ssettag $0x2  }
0xdc: {  	s0 =	rddreg [dreg:$0x0];
	s2 =	stileid.u32  }
0xdd: {  	s1 =	rddreg [dreg:$0x1];
	p0 =	sne.s32 s2, $0x0  }
0xde: {  	s3 =	rddreg [dreg:$0x2];
	[bflag:$0x3] =	sbarrier.arrive $0xFFFF;
	s2 =	simm.s32 @!p0 $0x1C11  }
0xdf: {  	[timem:s3], [sflag:s2] =	dma.local @!p0 [hbm:s0], s1  }
0xe0: {  	s0 =	simm.s32 @!p0 $0x11  }
0xe1: {  	_ =	swait.ge @!p0 [sflag:s0], s1  }
0xe2: {  	s1 =	ssub.s32 @!p0 $0x0, s1;
	[sflag:s0] =	ssyncset.done @!p0 $0x0  }
0xe3: {  	[sflag:s0] =	ssyncadd.s32 @!p0 s1  }
0xe4: {  	[bflag:$0x3] =	sbarrier.arrive $0xFFFF  }
0xe5: {  	_ =	shalt  }

// kernel: _run.9.cloned.1.call-start
scs
__scs_entry_jumppad:
0x0: {  	(pc) =	sbr.rel $0x88, $3  }
0x1: {  	(tag) =	ssettag $0x0;
	lr =	simm.s32 $0x1  }
0x2: {  	[smem:$0x3F88] =	sst lr;
	_ =	strace $0xD0000000  }
0x3: {  	_ = 	snop  }
0x4: {  	_ = 	snop  }
0x5: {  	_ = 	snop  }
0x6: {  	_ = 	snop  }
0x7: {  	_ = 	snop  }
__scs_overlays_trampoline_lowered:
0x8: {  	[smem:$0x3F97] =	sst s0  }
0x9: {  	[smem:$0x3F98] =	sst s1  }
0xa: {  	[smem:$0x3F99] =	sst s2  }
0xb: {  	[smem:$0x3F9A] =	sst s3  }
0xc: {  	[smem:$0x3F9B] =	sst s4  }
0xd: {  	[smem:$0x3F9C] =	sst s5  }
0xe: {  	[smem:$0x3F9D] =	sst s6  }
0xf: {  	[smem:$0x3F9E] =	sst s7  }
0x10: {  	[smem:$0x3F9F] =	sst s8  }
0x11: {  	[smem:$0x3FA0] =	sst s9;
	s0 =	simm.s32 @!p0 $0x0  }
0x12: {  	s1 =	sld [smem:$0x3F86];
	s0 =	simm.s32 @p0 $0x1  }
0x13: {  	[smem:$0x3FA1] =	sst s0;
	s0 =	simm.s32 @!p1 $0x0  }
0x14: {  	s2 =	sld [smem:$0x3F85];
	s0 =	simm.s32 @p1 $0x1  }
0x15: {  	[smem:$0x3FA2] =	sst s0;
	s0 =	simm.s32 @!p2 $0x0  }
0x16: {  	s3 =	sld [smem:$0x3FDB];
	s0 =	simm.s32 @p2 $0x1  }
0x17: {  	s4 =	simm.s32 $0x1BF5;
	[smem:$0x3FA4] =	sst s0  }
0x18: {  	s0 =	sld [smem:$0x3F87];
	_ =	swait.ge [sflag:s4], $0x0  }
0x19: {  	s7 =	sld [smem:$0x3F88]  }
0x1a: {  	s8 =	sadd.s32 $0xFFFFE003, lr  }
0x1b: {  	s9 =	sadd.s32 $0xFFFFFEF7, lr;
	s5 =	simm.s32 $0xFFFFFFFF;
	p2 =	slt.u32 s8, $0xFFFFF086  }
0x1c: {  	p1 =	slt.u32 s9, $0xF7A;
	s5 =	simm.s32 @!p2 $0x0  }
0x1d: {  	s5 =	simm.s32 @p1 $0x1;
	p0 =	seq.s32 s7, s2  }
0x1e: {  	s7 =	smul.u32 @!p0 $0xF7A, s2;
	p2 =	seq.s32 @!p0 s5, $0x0  }
0x1f: {  	s9 =	smul.u32 $0xF7A, s1;
	s8 =	simm.s32 @!p0 $0x1BF5;
	p2 =	por !p2, p0  }
0x20: {  	[sflag:s8] =	ssyncset.s32 @!p0 $0xFFFFF086;
	s6 =	sadd.s32 @!p0 s3, s7;
	s7 =	simm.s32 @!p0 $0x108  }
0x21: {  	s3 =	sadd.s32 s3, s9;
	s6 =	sadd.s32 @!p0 $0x88, s6;
	s7 =	simm.s32 @p2 $0x1082  }
0x22: {  	[simem:s7], [sflag:s8] =	dma.local @!p0 [hbm:s6], $0xF7A  }
0x23: {  	s9 =	sor.u32 $0xD0000000, s2;
	s6 =	simm.s32 $0x108;
	_ =	swait.ge @!p0 [sflag:s8], $0x0  }
0x24: {  	s3 =	sadd.s32 $0x88, s3;
	s6 =	simm.s32 @!p1 $0x1082;
	[sflag:s4] =	ssyncset.s32 $0xFFFFF086  }
0x25: {  	[simem:s6], [sflag:s4] =	dma.local [hbm:s3], $0xF7A  }
0x26: {  	[smem:$0x3F88] =	sst s1;
	(tag) =	ssettag s2;
	_ =	strace s9  }
0x27: {  	s1 =	sld [smem:$0x3F98]  }
0x28: {  	s2 =	sld [smem:$0x3F99]  }
0x29: {  	s4 =	sld [smem:$0x3F9B]  }
0x2a: {  	p0 =	seq.s32 s5, $0x0;
	s5 =	sld [smem:$0x3F9C]  }
0x2b: {  	s6 =	sld [smem:$0x3F9D]  }
0x2c: {  	s7 =	sld [smem:$0x3F9E]  }
0x2d: {  	s3 =	simm.s32 $0x108;
	s8 =	sld [smem:$0x3F9F]  }
0x2e: {  	s3 =	simm.s32 @!p0 $0x1082;
	s9 =	sld [smem:$0x3FA0]  }
0x2f: {  	lr =	sadd.s32 s0, s3;
	s0 =	sld [smem:$0x3F97]  }
0x30: {  	s3 =	sld [smem:$0x3F9A]  }
0x31: {  	[smem:$0x3FA3] =	sst s10  }
0x32: {  	s10 =	sld [smem:$0x3FA1];
	_ =	sdelay $0x3  }
0x33: {  	p0 =	seq.s32 s10, $0x1;
	s10 =	sld [smem:$0x3FA3];
	_ =	sdelay $0x3  }
0x34: {  	[smem:$0x3FA3] =	sst s10  }
0x35: {  	s10 =	sld [smem:$0x3FA2];
	_ =	sdelay $0x3  }
0x36: {  	p1 =	seq.s32 s10, $0x1;
	s10 =	sld [smem:$0x3FA3];
	_ =	sdelay $0x3  }
0x37: {  	[smem:$0x3FA3] =	sst s10  }
0x38: {  	s10 =	sld [smem:$0x3FA4]  }
0x39: {  	_ = 	snop;
	(pc) =	sbr.ind lr, $3  }
0x3a: {  	_ = 	snop  }
0x3b: {  	_ = 	snop  }
0x3c: {  	p2 =	seq.s32 s10, $0x1;
	s10 =	sld [smem:$0x3FA3]  }
0x3d: {  	_ =	shalt  }
0x3e: {  	_ =	shalt  }
0x3f: {  	_ =	shalt  }
0x40: {  	_ =	shalt  }
0x41: {  	_ =	shalt  }
0x42: {  	_ =	shalt  }
0x43: {  	_ =	shalt  }
0x44: {  	_ =	shalt  }
0x45: {  	_ =	shalt  }
0x46: {  	_ =	shalt  }
0x47: {  	_ =	shalt  }
0x48: {  	_ =	shalt  }
0x49: {  	_ =	shalt  }
0x4a: {  	_ =	shalt  }
0x4b: {  	_ =	shalt  }
0x4c: {  	_ =	shalt  }
0x4d: {  	_ =	shalt  }
0x4e: {  	_ =	shalt  }
0x4f: {  	_ =	shalt  }
0x50: {  	_ =	shalt  }
0x51: {  	_ =	shalt  }
0x52: {  	_ =	shalt  }
0x53: {  	_ =	shalt  }
0x54: {  	_ =	shalt  }
0x55: {  	_ =	shalt  }
0x56: {  	_ =	shalt  }
0x57: {  	_ =	shalt  }
0x58: {  	_ =	shalt  }
0x59: {  	_ =	shalt  }
0x5a: {  	_ =	shalt  }
0x5b: {  	_ =	shalt  }
0x5c: {  	_ =	shalt  }
0x5d: {  	_ =	shalt  }
0x5e: {  	_ =	shalt  }
0x5f: {  	_ =	shalt  }
0x60: {  	_ =	shalt  }
0x61: {  	_ =	shalt  }
0x62: {  	_ =	shalt  }
0x63: {  	_ =	shalt  }
0x64: {  	_ =	shalt  }
0x65: {  	_ =	shalt  }
0x66: {  	_ =	shalt  }
0x67: {  	_ =	shalt  }
0x68: {  	_ =	shalt  }
0x69: {  	_ =	shalt  }
0x6a: {  	_ =	shalt  }
0x6b: {  	_ =	shalt  }
0x6c: {  	_ =	shalt  }
0x6d: {  	_ =	shalt  }
0x6e: {  	_ =	shalt  }
0x6f: {  	_ =	shalt  }
0x70: {  	_ =	shalt  }
0x71: {  	_ =	shalt  }
0x72: {  	_ =	shalt  }
0x73: {  	_ =	shalt  }
0x74: {  	_ =	shalt  }
0x75: {  	_ =	shalt  }
0x76: {  	_ =	shalt  }
0x77: {  	_ =	shalt  }
0x78: {  	_ =	shalt  }
0x79: {  	_ =	shalt  }
0x7a: {  	_ =	shalt  }
0x7b: {  	_ =	shalt  }
0x7c: {  	_ =	shalt  }
0x7d: {  	_ =	shalt  }
0x7e: {  	_ =	shalt  }
0x7f: {  	_ =	shalt  }
0x80: {  	_ =	shalt  }
0x81: {  	_ =	shalt  }
0x82: {  	_ =	shalt  }
0x83: {  	_ =	shalt  }
0x84: {  	_ =	shalt  }
0x85: {  	_ =	shalt  }
0x86: {  	_ =	shalt  }
0x87: {  	_ =	shalt  }
.Lfunc_end0:
.L_simem_size_0:
called_computation_lowered:
.L_overlay_start_0:
0x88: {  	s2 =	sld [smem:$0x3FD9]  }
0x89: {  	s3 =	sld [smem:$0x3FFE];
	_ =	sdelay $0x1  }
0x8a: {  	s1 =	srdreg.scid  }
0x8b: {  	s0 =	sand.u32 $0x1, s1  }
0x8c: {  	s15 =	sshll.u32 s0, $0xA;
	s2 =	sadd.s32 s3, s2  }
0x8d: {  	s2 =	sadd.s32 s2, s15  }
0x8e: {  	[smem:$0x3FAF] =	sst s2  }
0x8f: {  	_ = 	snop  }
0x90: {  	s2 =	sld [smem:$0x3FD0];
	_ =	sdelay $0x2  }
0x91: {  	s16 =	simm.s32 $0xA;
	s4 =	simm.s32 $0x10  }
0x92: {  	[smem:s4], [sflag:s16] =	dma.local [hbm:s2], $0x1  }
0x93: {  	_ =	swait.eq [sflag:s16], $0x1  }
0x94: {  	s17 =	sld [smem:$0x13]  }
0x95: {  	s18 =	sld [smem:$0x14];
	[sflag:s16] =	ssyncset.done $0x0  }
0x96: {  	s5 =	sld [smem:$0x15];
	[sflag:s16] =	ssyncadd.s32 $0xFFFFFFFF  }
0x97: {  	s19 =	sld [smem:$0x16];
	(tm) =	ssettm $0x1  }
0x98: {  	s6 =	sld [smem:$0x3FFB];
	_ =	sdelay $0x3  }
0x99: {  	_ =	strace s6  }
0x9a: {  	s6 =	sld [smem:$0x3FFC];
	_ =	sdelay $0x3  }
0x9b: {  	_ =	strace s6  }
0x9c: {  	s6 =	sld [smem:$0x3FFD];
	_ =	sdelay $0x3  }
0x9d: {  	_ =	strace s6  }
0x9e: {  	_ =	strace $0x8FFFFFFF  }
0x9f: {  	s20 =	sld [smem:$0x3FDB];
	_ =	sdelay $0x1  }
0xa0: {  	s7 =	simm.s32 $_scs_section_size  }
0xa1: {  	s8 =	simm.s32 $_size__tile_overlayer_lowered;
	s9 =	simm.s32 $_tile_overlayer_lowered  }
0xa2: {  	s23 =	simm.s32 $0x1BFF;
	s22 =	sshll.u32 s9, $0x1;
	s6 =	sadd.s32 s7, s20  }
0xa3: {  	s10 =	simm.s32 $0x0;
	s21 =	sshll.u32 s8, $0x1;
	s8 =	sadd.s32 s22, s6  }
0xa4: {  	[timem:s10], [sflag:s23] =	dma.local [hbm:s8], s21  }
0xa5: {  	_ =	swait.ge [sflag:s23], s21  }
0xa6: {  	s7 =	ssub.s32 $0x0, s21;
	[sflag:s23] =	ssyncset.done $0x0  }
0xa7: {  	[sflag:s23] =	ssyncadd.s32 s7;
	_ =	sdelay $0x1  }
0xa8: {  	s24 =	simm.s32 $0x1B8B  }
0xa9: {  	_ =	swait.ge [sflag:s24], $0x1  }
0xaa: {  	[sflag:s24] =	ssyncset.done $0x0  }
0xab: {  	s25 =	simm.s32 $0x1B8E;
	[sflag:s24] =	ssyncadd.s32 $0xFFFFFFFF  }
0xac: {  	s26 =	simm.s32 $execute0_lowered;
	[smem:$0x3FD2] =	sst s25  }
0xad: {  	s7 =	sshll.u32 s26, $0x1;
	_ =	strace $0x80000046;
	[dreg:$0x1] =	wrdreg $0xFFFFFFFF  }
0xae: {  	s28 =	simm.s32 $_size_execute0_lowered;
	s6 =	sadd.s32 s6, s7;
	[dreg:$0x0] =	wrdreg $0x0  }
0xaf: {  	s7 =	sshll.u32 s28, $0x1;
	[dreg:$0x2] =	wrdreg s6  }
0xb0: {  	[dreg:$0x3] =	wrdreg s7  }
0xb1: {  	[dreg:$0x4] =	wrdreg $0xC0  }
0xb2: {  	_ =	task [dreg:s10], $0x5FFFF  }
0xb3: {  	[dreg:$0x1] =	wrdreg $0xFFFFFFFF  }
0xb4: {  	[dreg:$0x0] =	wrdreg $0x60  }
0xb5: {  	[dreg:$0x2] =	wrdreg s17  }
0xb6: {  	[dreg:$0x3] =	wrdreg s19  }
0xb7: {  	[dreg:$0x4] =	wrdreg s18  }
0xb8: {  	[dreg:$0x5] =	wrdreg s5  }
0xb9: {  	[dreg:$0x6] =	wrdreg $0x29900  }
0xba: {  	[dreg:$0x7] =	wrdreg $0x9  }
0xbb: {  	_ =	task.clear_ibuf [dreg:s10], $0x8FFFF;
	_ =	strace $0x90000046  }
0xbc: {  	s29 =	simm.s32 $0x9;
	_ =	strace $0x80000048  }
0xbd: {  	_ =	swait.ge [sflag:s29], $0x1  }
0xbe: {  	[sflag:s29] =	ssyncadd.s32 $0xFFFFFFFF  }
0xbf: {  	_ =	strace $0x90000048  }
0xc0: {  	_ =	sfence  }
0xc1: {  	s30 =	sld [smem:$0x0];
	_ =	sdelay $0x2  }
0xc2: {  	s31 =	sshll.u32 s1, $0xD;
	s1 =	sshrl.u32 s1, $0x2  }
0xc3: {  	s3 =	sand.u32 $0x4000, s31;
	s1 =	sadd.s32 s1, s30  }
0xc4: {  	s0 =	sor.u32 s3, s0;
	s1 =	sshll.u32 s1, $0x11  }
0xc5: {  	s0 =	sor.u32 s1, s0  }
0xc6: {  	s0 =	sadd.s32 $0x8F2B, s0  }
0xc7: {  	[sflag:s0] =	ssyncadd.remote.s32 $0x1  }
0xc8: {  	_ =	sfence.sel $0xFFFF  }
0xc9: {  	[dreg:$0x0] =	wrdreg $0xFFFFFFFF;
	(pc) =	sbr.abs _section_cstart, $3  }
0xca: {  	[dreg:$0x1] =	wrdreg $0xFFFFFFFF  }
0xcb: {  	_ =	task.clear_ibuf [dreg:s10], $0x2FFFF;
	_ =	strace $0x9FFFFFFF  }
0xcc: {  	(tm) =	ssettm $0x7FFFFFFF  }
0xcd: {  	_ =	shalt  }
tec
execute0_lowered:
.L_overlay_start_1:
0x0: {  	(tag) =	ssettag $0x1  }
0x1: {  	s5 =	rddreg [dreg:$0x0]  }
0x2: {  	s1 =	rddreg [dreg:$0x1]  }
0x3: {  	s6 =	rddreg [dreg:$0x2]  }
0x4: {  	s2 =	srdreg.scid;
	s7 =	rddreg [dreg:$0x3]  }
0x5: {  	s0 =	stileid.u32;
	s3 =	rddreg [dreg:$0x4]  }
0x6: {  	s4 =	simm.s32 $0x0;
	s13 =	simm.s32 $0x50;
	s14 =	simm.s32 $0xA0  }
0x7: {  	s15 =	simm.s32 $0xF0;
	s16 =	simm.s32 $0x1;
	s17 =	simm.s32 $0x0  }
0x8: {  	s8 =	sand.u32 $0x1, s2;
	s28 =	sshll.u32 s0, $0x1;
	s2 =	rddreg [dreg:$0x5]  }
0x9: {  	[smem:$0x7FF] =	sst s4;
	s11 =	smul.u32 $0x1400, s0;
	s31 =	sshll.u32 s0, $0x6  }
0xa: {  	s9 =	sor.u32 s8, s28;
	s10 =	ssub.s32 $0x2, s8;
	s8 =	smul.u32 $0x14000, s8  }
0xb: {  	_ =	strace $0x80000047;
	s9 =	smul.u32 $0x2710, s9;
	s12 =	sshrl.u32 s10, $0x1  }
0xc: {  	s29 =	sshrl.u32 s11, $0x3;
	s30 =	sadd.s32 s11, s3;
	s10 =	ssub.s32 s10, s12  }
0xd: {  	s8 =	sadd.s32 s11, s8;
	s6 =	sadd.s32 s6, s29;
	s11 =	sor.u32 $0x1C02, s31  }
0xe: {  	s12 =	sshrl.u32 s30, $0x3;
	s9 =	sshrl.u32 s9, $0x3;
	s8 =	sshrl.u32 s8, $0x3  }
0xf: {  	s5 =	sadd.s32 s5, s9;
	s7 =	sadd.s32 s7, s8;
	s8 =	smax.u32 s10, $0x1  }
0x10: {  	s9 =	simm.s32 $0x2710;
	s10 =	simm.s32 $0x2;
	s5 =	sadd.s32 $0x9C40, s5  }
.LBB2_1:
0x11: {  	[tilespmem:s9], [sflag:$0x2] =	stream.linear.gather [hbm4b:s1+s4], $0x280, $0x38;
	[tilespmem:$0x3D90] =	vst v63  }
0x12: {  	_ =	swait.ge [sflag:s10], $0x280  }
0x13: {  	[sflag:s10] =	ssyncset.done $0x0  }
0x14: {  	[sflag:s10] =	ssyncadd.s32 $0xFFFFFD80  }
0x15: {  	[tilespmem:s4], [sflag:$0x2] =	stream.linear.gather [hbm4b:s5+s4], $0x2710, $0x38;
	[tilespmem:$0x3D90] =	vst v63  }
0x16: {  	_ =	swait.ge [sflag:s10], $0x2710  }
0x17: {  	[sflag:s10] =	ssyncset.done $0x0  }
0x18: {  	[sflag:s10] =	ssyncadd.s32 $0xFFFFD8F0  }
0x19: {  	[spmem:s12], [sflag:s11] =	dma.local [hbm:s6], $0x280  }
0x1a: {  	_ =	swait.ge [sflag:s10], $0x280  }
0x1b: {  	[sflag:s10] =	ssyncset.done $0x0  }
0x1c: {  	[sflag:s10] =	ssyncadd.s32 $0xFFFFFD80  }
0x1d: {  	[bflag:$0x0] =	sbarrier.arrive $0xFFFF  }
0x1e: {  	[spmem:s3] =	stream.indirect.scatter.add.f32 [tilespmem:s9], [sflag:$0x1], $0x8, s4, s13, $0xb8;
	[tilespmem:$0x3D90] =	vst v63  }
0x1f: {  	_ = 	snop  }
0x20: {  	[spmem:s3] =	stream.indirect.scatter.add.f32 [tilespmem:s9], [sflag:$0x1], $0x8, s13, s13, $0xb8;
	[tilespmem:$0x3D90] =	vst v63  }
0x21: {  	_ = 	snop  }
0x22: {  	[spmem:s3] =	stream.indirect.scatter.add.f32 [tilespmem:s9], [sflag:$0x1], $0x8, s14, s13, $0xb8;
	[tilespmem:$0x3D90] =	vst v63  }
0x23: {  	_ = 	snop  }
0x24: {  	[spmem:s3] =	stream.indirect.scatter.add.f32 [tilespmem:s9], [sflag:$0x1], $0x8, s15, s13, $0xb8;
	[tilespmem:$0x3D90] =	vst v63  }
0x25: {  	_ =	swait.ge [sflag:s16], $0x280  }
0x26: {  	[sflag:s16] =	ssyncset.done $0x0  }
0x27: {  	s18 =	simm.s32 $0x640;
	s19 =	simm.s32 $0x140;
	[sflag:s16] =	ssyncadd.s32 $0xFFFFFD80  }
.LBB2_2:
0x28: {  	[spmem:s3] =	stream.indirect.scatter.add.f32 [tilespmem:s9], [sflag:$0x1], $0x8, s19, s13, $0xb8;
	[tilespmem:$0x3D90] =	vst v63  }
0x29: {  	s19 =	smov.u32 s18;
	p0 =	sne.s32 s18, $0x9B00  }
.Ltmp0:
0x2a: {  	s18 =	sadd.s32 $0x140, s18;
	(pc) =	sbr.rel @p0 .LBB2_2-.Ltmp0, $4  }
0x2b: {  	_ = 	snop  }
0x2c: {  	_ =	swait.ge [sflag:s16], $0x280  }
0x2d: {  	[sflag:s16] =	ssyncset.done $0x0  }
0x2e: {  	s19 =	sshra.s32 s19, $0x2;
	[sflag:s16] =	ssyncadd.s32 $0xFFFFFD80  }
0x2f: {  	[spmem:s3] =	stream.indirect.scatter.add.f32 [tilespmem:s9], [sflag:$0x1], $0x8, s19, s13, $0xb8;
	[tilespmem:$0x3D90] =	vst v63  }
0x30: {  	_ =	swait.ge [sflag:s16], $0x280  }
0x31: {  	[sflag:s16] =	ssyncset.done $0x0  }
0x32: {  	[sflag:s16] =	ssyncadd.s32 $0xFFFFFD80  }
0x33: {  	_ =	swait.ge [sflag:s16], $0x280  }
0x34: {  	[sflag:s16] =	ssyncset.done $0x0  }
0x35: {  	[sflag:s16] =	ssyncadd.s32 $0xFFFFFD80  }
0x36: {  	_ =	swait.ge [sflag:s16], $0x280  }
0x37: {  	[sflag:s16] =	ssyncset.done $0x0  }
0x38: {  	[sflag:s16] =	ssyncadd.s32 $0xFFFFFD80  }
0x39: {  	_ =	swait.ge [sflag:s16], $0x280  }
0x3a: {  	s17 =	sadd.s32 $0x1, s17;
	[sflag:s16] =	ssyncset.done $0x0  }
0x3b: {  	p0 =	sne.s32 s17, s8;
	[sflag:s16] =	ssyncadd.s32 $0xFFFFFD80  }
.Ltmp1:
0x3c: {  	[bflag:$0x0] =	sbarrier.arrive $0xFFFF;
	(pc) =	sbr.rel @p0 .LBB2_1-.Ltmp1, $4  }
0x3d: {  	[hbm:s7], [sflag:s11] =	dma.local [spmem:s12], $0x280  }
0x3e: {  	_ =	swait.ge [sflag:s10], $0x280  }
0x3f: {  	[sflag:s10] =	ssyncset.done $0x0  }
0x40: {  	[sflag:s10] =	ssyncadd.s32 $0xFFFFFD80  }
0x41: {  	_ =	sfence.sel $0x180000  }
0x42: {  	[bflag:$0x0] =	sbarrier.arrive $0xFFFF  }
0x43: {  	p0 =	sne.s32 s0, $0x0;
	_ =	strace $0x90000047  }
0x44: {  	s0 =	sadd.s32 @!p0 $0x100000, s2;
	[bflag:$0x2] =	sbarrier.arrive $0xFFFF  }
0x45: {  	[sflag:s0] =	ssyncadd.tile.s32 @!p0 $0x1;
	_ =	shalt  }
.Lfunc_end2:
_tile_overlayer_lowered:
.L_overlay_start_2:
0x46: {  	(tag) =	ssettag $0x2  }
0x47: {  	s0 =	rddreg [dreg:$0x0];
	s2 =	stileid.u32  }
0x48: {  	s1 =	rddreg [dreg:$0x1];
	p0 =	sne.s32 s2, $0x0  }
0x49: {  	s3 =	rddreg [dreg:$0x2];
	[bflag:$0x3] =	sbarrier.arrive $0xFFFF;
	s2 =	simm.s32 @!p0 $0x1C02  }
0x4a: {  	[timem:s3], [sflag:s2] =	dma.local @!p0 [hbm:s0], s1  }
0x4b: {  	s0 =	simm.s32 @!p0 $0x2  }
0x4c: {  	_ =	swait.ge @!p0 [sflag:s0], s1  }
0x4d: {  	s1 =	ssub.s32 @!p0 $0x0, s1;
	[sflag:s0] =	ssyncset.done @!p0 $0x0  }
0x4e: {  	[sflag:s0] =	ssyncadd.s32 @!p0 s1  }
0x4f: {  	[bflag:$0x3] =	sbarrier.arrive $0xFFFF  }
0x50: {  	_ =	shalt  }

</sc_bundles>
